<compile_context>
chip_gen: v7x
topology: tpu7x:2x2x1
jax: 0.10.2.dev20260603
libtpu: 0.0.44.dev20260713+nightly
codegen_flags: <defaults>
</compile_context>

<pallas_src>
import functools

import jax
import jax.numpy as jnp
import numpy as np
from jax import lax
from jax.experimental import pallas as pl
from jax.experimental.pallas import tpu as pltpu
from jax.experimental.pallas import tpu_sc as plsc

N = 10000
D = 128
E = 320000
BATCH = 1024
FIELDS = 26

NC, NS = 2, 16
NP = 10240
EP = 327680
ER = EP // 128
ROWS_T = NP // NS

NCHK = EP // (NC * NS * 128)
HCHK = NCHK // 2
XF = BATCH * FIELDS
XR = XF // 128
CHKD = XR // (NC * NS)
XTR = XR - NC * NS * CHKD

_mesh = plsc.VectorSubcoreMesh(core_axis_name="c", subcore_axis_name="s")


def _deg_body(dst_hbm, out_hbm, idx_v, ones_v, zeros_v, accum_sh):
    c = lax.axis_index("c")
    s = lax.axis_index("s")
    w = c * NS + s

    def fz(i, _):
        zeros_v[pl.ds(i * 16, 16)] = jnp.zeros((16,), jnp.float32)
        return 0

    lax.fori_loop(0, ROWS_T // 16, fz, 0)

    def fo(i, _):
        ones_v[pl.ds(i * 16, 16)] = jnp.ones((16,), jnp.float32)
        return 0

    lax.fori_loop(0, 128 // 16, fo, 0)

    pltpu.sync_copy(zeros_v, accum_sh.at[pl.ds(s * ROWS_T, ROWS_T)])
    pltpu.sync_copy(dst_hbm.at[pl.ds(w * NCHK, NCHK)], idx_v)
    plsc.subcore_barrier()

    def body(j, _):
        pltpu.sync_copy(ones_v, accum_sh.at[idx_v.at[j]], add=True)
        return 0

    lax.fori_loop(0, NCHK, body, 0)
    plsc.subcore_barrier()
    pltpu.sync_copy(accum_sh.at[pl.ds(s * ROWS_T, ROWS_T)],
                    out_hbm.at[pl.ds(c * NP + s * ROWS_T, ROWS_T)])


_deg = functools.partial(
    pl.kernel,
    out_type=jax.ShapeDtypeStruct((NC * NP,), jnp.float32),
    mesh=_mesh,
    scratch_types=[
        pltpu.VMEM((NCHK, 128), jnp.int32),
        pltpu.VMEM((128,), jnp.float32),
        pltpu.VMEM((ROWS_T,), jnp.float32),
        pltpu.VMEM_SHARED((NP,), jnp.float32),
    ],
)(_deg_body)


RB = 1024
GB = NP // RB


def _tc_body(f_ref, w_ref, dh_ref, h2z_ref, dis_ref):
    i = pl.program_id(0)
    deg = 1.0 + dh_ref[0] + dh_ref[1]
    dis = lax.rsqrt(deg)
    dis_ref[...] = dis

    @pl.when(i < GB)
    def _():
        h = jnp.dot(f_ref[...], w_ref[...],
                    preferred_element_type=jnp.float32)
        h2z_ref[...] = h * dis

    @pl.when(i >= GB)
    def _():
        h2z_ref[...] = jnp.zeros((RB, D), jnp.float32)


def _tc(feat_p, W, dh3):
    return pl.pallas_call(
        _tc_body,
        grid=(2 * GB,),
        in_specs=[
            pl.BlockSpec((RB, D), lambda i: (i % GB, 0)),
            pl.BlockSpec((D, D), lambda i: (0, 0)),
            pl.BlockSpec((2, RB, 1), lambda i: (0, i % GB, 0)),
        ],
        out_specs=[
            pl.BlockSpec((RB, D), lambda i: (i, 0)),
            pl.BlockSpec((RB, 1), lambda i: (i % GB, 0)),
        ],
        out_shape=[
            jax.ShapeDtypeStruct((NC * NP, D), jnp.float32),
            jax.ShapeDtypeStruct((NP, 1), jnp.float32),
        ],
    )(feat_p, W, dh3)


def _agg_body(src_hbm, dst_hbm, h2z_hbm, dis_hbm, b_hbm,
              p_hbm,
              sidx, didx, buf_a, buf_b, dis_v, b_v, accum_sh,
              sem_a, sem_b):
    c = lax.axis_index("c")
    s = lax.axis_index("s")
    w = c * NS + s
    r0 = s * ROWS_T

    pltpu.sync_copy(h2z_hbm.at[pl.ds(c * NP + r0, ROWS_T)],
                    accum_sh.at[pl.ds(r0, ROWS_T)])
    plsc.subcore_barrier()

    def half(hf, _):
        base = w * NCHK + hf * HCHK
        pltpu.sync_copy(src_hbm.at[pl.ds(base, HCHK)], sidx)
        pltpu.sync_copy(dst_hbm.at[pl.ds(base, HCHK)], didx)
        pltpu.async_copy(h2z_hbm.at[sidx.at[0]], buf_a, sem_a)

        def body(jj, _):
            j0 = 2 * jj
            pltpu.async_copy(h2z_hbm.at[sidx.at[j0 + 1]], buf_b, sem_b)
            pltpu.make_async_copy(h2z_hbm.at[sidx.at[j0]],
                                  buf_a, sem_a).wait()
            pltpu.sync_copy(buf_a, accum_sh.at[didx.at[j0]], add=True)
            pltpu.async_copy(h2z_hbm.at[sidx.at[j0 + 2]], buf_a, sem_a)
            pltpu.make_async_copy(h2z_hbm.at[sidx.at[j0 + 1]],
                                  buf_b, sem_b).wait()
            pltpu.sync_copy(buf_b, accum_sh.at[didx.at[j0 + 1]], add=True)
            return 0

        lax.fori_loop(0, HCHK // 2 - 1, body, 0)
        pltpu.async_copy(h2z_hbm.at[sidx.at[HCHK - 1]], buf_b, sem_b)
        pltpu.make_async_copy(h2z_hbm.at[sidx.at[HCHK - 2]],
                              buf_a, sem_a).wait()
        pltpu.sync_copy(buf_a, accum_sh.at[didx.at[HCHK - 2]], add=True)
        pltpu.make_async_copy(h2z_hbm.at[sidx.at[HCHK - 1]],
                              buf_b, sem_b).wait()
        pltpu.sync_copy(buf_b, accum_sh.at[didx.at[HCHK - 1]], add=True)
        return 0

    lax.fori_loop(0, 2, half, 0)
    plsc.subcore_barrier()

    pltpu.sync_copy(b_hbm, b_v)
    bmask = jnp.where(c == 0, 1.0, 0.0).astype(jnp.float32)
    bk = [b_v[pl.ds(k * 16, 16)] * bmask for k in range(D // 16)]

    def fin_chunk(t, _):
        rbase = r0 + t * 128
        pltpu.sync_copy(accum_sh.at[pl.ds(rbase, 128)], buf_a)
        pltpu.sync_copy(dis_hbm.at[pl.ds(rbase, 128)], dis_v)

        def fin(g, _):
            dvec = dis_v[pl.ds(g * 16, 16)]
            for rl in range(16):
                r = g * 16 + rl
                dr = dvec[rl]
                for k in range(D // 16):
                    buf_a[r, pl.ds(k * 16, 16)] = (
                        buf_a[r, pl.ds(k * 16, 16)] * dr + bk[k])
            return 0

        lax.fori_loop(0, 128 // 16, fin, 0)
        pltpu.sync_copy(buf_a, p_hbm.at[pl.ds(c * NP + rbase, 128)])
        return 0

    lax.fori_loop(0, ROWS_T // 128, fin_chunk, 0)


_agg = functools.partial(
    pl.kernel,
    out_type=jax.ShapeDtypeStruct((NC * NP, D), jnp.float32),
    mesh=_mesh,
    scratch_types=[
        pltpu.VMEM((HCHK, 128), jnp.int32),
        pltpu.VMEM((HCHK, 128), jnp.int32),
        pltpu.VMEM((128, D), jnp.float32),
        pltpu.VMEM((128, D), jnp.float32),
        pltpu.VMEM((128,), jnp.float32),
        pltpu.VMEM((D,), jnp.float32),
        pltpu.VMEM_SHARED((NP, D), jnp.float32),
        pltpu.SemaphoreType.DMA,
        pltpu.SemaphoreType.DMA,
    ],
)(_agg_body)


def _gat_body(p_hbm, xlo_hbm, xhi_hbm, out_hbm,
              ilo_v, ihi_v, buf0, buf1, buf2, sem0, sem1):
    c = lax.axis_index("c")
    s = lax.axis_index("s")
    w = c * NS + s
    pltpu.sync_copy(xlo_hbm, ilo_v)
    pltpu.sync_copy(xhi_hbm, ihi_v)

    nrows = jnp.where(w < XTR, CHKD + 1, CHKD)
    start = jnp.where(w < XTR, w * (CHKD + 1),
                      XTR * (CHKD + 1) + (w - XTR) * CHKD)

    pltpu.async_copy(p_hbm.at[ilo_v.at[start]], buf0, sem0)
    pltpu.async_copy(p_hbm.at[ihi_v.at[start]], buf1, sem1)

    def body(j, _):
        jn = start + jnp.minimum(j + 1, nrows - 1)
        pltpu.make_async_copy(p_hbm.at[ilo_v.at[start + j]],
                              buf0, sem0).wait()
        pltpu.make_async_copy(p_hbm.at[ihi_v.at[start + j]],
                              buf1, sem1).wait()

        def add_row(r, _):
            for k in range(D // 16):
                buf2[r, pl.ds(k * 16, 16)] = (
                    buf0[r, pl.ds(k * 16, 16)] + buf1[r, pl.ds(k * 16, 16)])
            return 0

        lax.fori_loop(0, 128, add_row, 0)
        pltpu.async_copy(p_hbm.at[ilo_v.at[jn]], buf0, sem0)
        pltpu.async_copy(p_hbm.at[ihi_v.at[jn]], buf1, sem1)
        base = (start + j) * 128
        pltpu.sync_copy(buf2, out_hbm.at[pl.ds(base, 128)])
        return 0

    lax.fori_loop(0, nrows, body, 0)
    pltpu.make_async_copy(p_hbm.at[ilo_v.at[start]], buf0, sem0).wait()
    pltpu.make_async_copy(p_hbm.at[ihi_v.at[start]], buf1, sem1).wait()


_gat = functools.partial(
    pl.kernel,
    out_type=jax.ShapeDtypeStruct((XF, D), jnp.float32),
    mesh=_mesh,
    scratch_types=[
        pltpu.VMEM((XR, 128), jnp.int32),
        pltpu.VMEM((XR, 128), jnp.int32),
        pltpu.VMEM((128, D), jnp.float32),
        pltpu.VMEM((128, D), jnp.float32),
        pltpu.VMEM((128, D), jnp.float32),
        pltpu.SemaphoreType.DMA,
        pltpu.SemaphoreType.DMA,
    ],
)(_gat_body)


_PAD_EDGE = (10000 + (np.arange(EP - E) % (NP - N))).astype(np.int32)


def kernel(features, matrix, x, W, b):
    feat_p = jnp.zeros((NP, D), jnp.float32).at[:N].set(features)
    pad = jnp.asarray(_PAD_EDGE)
    src = jnp.concatenate([matrix[0], pad]).reshape(ER, 128)
    dst = jnp.concatenate([matrix[1], pad]).reshape(ER, 128)

    dh = _deg(dst)
    h2z, dis2 = _tc(feat_p, W, dh.reshape(NC, NP, 1))
    dis = dis2.reshape(NP)
    p = _agg(src, dst, h2z, dis, b)
    xlo = x.reshape(XR, 128)
    xhi = xlo + NP
    out = _gat(p, xlo, xhi)
    return out.reshape(BATCH, FIELDS, D)

# --- scband reference (transcript-rebuilt; emitter-appended) ---
"""Pipeline reference for scband-graph-model-16801912062662 (READ-ONLY COPY).

The authoritative reference and input builder live on the scoring server;
editing this copy changes nothing except your own understanding.
"""

import jax, jax.numpy as jnp
import numpy as np

N_NODES = 10000
N_EDGES = 320000
D_IN = 128
D_OUT = 128
BATCH = 1024
FIELDS = 26


def setup_inputs(seed: int = 0) -> dict:
    key = jax.random.key(seed)
    k1, k2, k3, k4 = jax.random.split(key, 4)
    features = jax.random.normal(k1, (N_NODES, D_IN), dtype=jnp.float32)
    matrix = jax.random.randint(k2, (2, N_EDGES), 0, N_NODES, dtype=jnp.int32)
    x = jax.random.randint(k3, (BATCH, FIELDS), 0, N_NODES, dtype=jnp.int32)
    # GCNConv learned parameters (glorot-ish init)
    W = jax.random.normal(k4, (D_IN, D_OUT), dtype=jnp.float32) * (1.0 / np.sqrt(D_IN))
    b = jnp.zeros((D_OUT,), dtype=jnp.float32)
    return {"features": features, "matrix": matrix, "x": x, "W": W, "b": b}


def reference(features, matrix, x, W, b):
    """GCNConv(features, edge_index)[x] with symmetric normalization and self-loops."""
    N = features.shape[0]
    loop = jnp.arange(N, dtype=matrix.dtype)
    src = jnp.concatenate([matrix[0], loop])
    dst = jnp.concatenate([matrix[1], loop])
    # Linear transform first (as in PyG GCNConv)
    h = features @ W
    # Degree computed on destination with unit edge weights (incl. self-loops)
    ones = jnp.ones(src.shape[0], dtype=h.dtype)
    deg = jnp.zeros((N,), dtype=h.dtype).at[dst].add(ones)
    deg_inv_sqrt = jnp.where(deg > 0, jax.lax.rsqrt(jnp.maximum(deg, 1e-12)), 0.0)
    norm = deg_inv_sqrt[src] * deg_inv_sqrt[dst]
    # Gather -> weight -> scatter-add
    msg = h[src] * norm[:, None]
    out = jnp.zeros((N, h.shape[1]), dtype=h.dtype).at[dst].add(msg)
    out = out + b
    # Final batched row gather: (batch, num_fields) -> (batch, num_fields, embed_dim)
    return out[x]

if __name__ == "__main__":
    import jax
    _d = setup_inputs()
    print(jax.jit(kernel)(*tuple(_d.values())))

</pallas_src>

<mosaic_0001>
#map = affine_map<(d0, d1) -> (0, 0)>
module attributes {stable_mosaic.version = 14 : i64} {
  func.func @_gat_body(%arg0: i32, %arg1: i32, %arg2: memref<20480x128xf32, #tpu.memory_space<hbm>>, %arg3: memref<208x128xi32, #tpu.memory_space<hbm>>, %arg4: memref<208x128xi32, #tpu.memory_space<hbm>>, %arg5: memref<26624x128xf32, #tpu.memory_space<hbm>>, %arg6: memref<208x128xi32, #tpu.memory_space<vmem>>, %arg7: memref<208x128xi32, #tpu.memory_space<vmem>>, %arg8: memref<128x128xf32, #tpu.memory_space<vmem>>, %arg9: memref<128x128xf32, #tpu.memory_space<vmem>>, %arg10: memref<128x128xf32, #tpu.memory_space<vmem>>, %arg11: memref<!tpu.dma_semaphore, #tpu.memory_space<semaphore_mem>>, %arg12: memref<!tpu.dma_semaphore, #tpu.memory_space<semaphore_mem>>) attributes {dimension_semantics = [#tpu.dimension_semantics<core_parallel>, #tpu.dimension_semantics<subcore_parallel>], iteration_bounds = array<i64: 2, 16>, scalar_prefetch = 0 : i64, scratch_operands = 7 : i64, tpu.core_type = #tpu.core_type<sc_vector_subcore>, window_params = [{transform_indices = #map}, {transform_indices = #map}, {transform_indices = #map}, {transform_indices = #map}]} {
    %mul3A = arith.constant 16 : i32
    %mul3A_0 = arith.muli %arg0, %mul3A : i32
    %add3A = arith.addi %mul3A_0, %arg1 : i32
    "tpu.region"() ({
      %run_scoped3A = tpu.sem_alloc : memref<!tpu.dma_semaphore, #tpu.memory_space<semaphore_mem>>
      tpu.enqueue_dma source(%arg3 : memref<208x128xi32, #tpu.memory_space<hbm>>) target(%arg6 : memref<208x128xi32, #tpu.memory_space<vmem>>) target_semaphore(%run_scoped3A : memref<!tpu.dma_semaphore, #tpu.memory_space<semaphore_mem>>)
      tpu.wait_dma2 semaphore(%run_scoped3A : memref<!tpu.dma_semaphore, #tpu.memory_space<semaphore_mem>>) src(%arg3 : memref<208x128xi32, #tpu.memory_space<hbm>>) dst(%arg6 : memref<208x128xi32, #tpu.memory_space<vmem>>)
      tpu.yield
    }) : () -> ()
    "tpu.region"() ({
      %run_scoped3A = tpu.sem_alloc : memref<!tpu.dma_semaphore, #tpu.memory_space<semaphore_mem>>
      tpu.enqueue_dma source(%arg4 : memref<208x128xi32, #tpu.memory_space<hbm>>) target(%arg7 : memref<208x128xi32, #tpu.memory_space<vmem>>) target_semaphore(%run_scoped3A : memref<!tpu.dma_semaphore, #tpu.memory_space<semaphore_mem>>)
      tpu.wait_dma2 semaphore(%run_scoped3A : memref<!tpu.dma_semaphore, #tpu.memory_space<semaphore_mem>>) src(%arg4 : memref<208x128xi32, #tpu.memory_space<hbm>>) dst(%arg7 : memref<208x128xi32, #tpu.memory_space<vmem>>)
      tpu.yield
    }) : () -> ()
    %lt3A = arith.constant 16 : i32
    %lt3A_1 = arith.cmpi slt, %add3A, %lt3A : i32
    %jit3A = arith.constant 7 : i32
    %jit3A_2 = arith.constant 6 : i32
    %select_n3A = arith.select %lt3A_1, %jit3A, %jit3A_2 : i32
    %lt3A_3 = arith.constant 16 : i32
    %lt3A_4 = arith.cmpi slt, %add3A, %lt3A_3 : i32
    %mul3A_5 = arith.constant 7 : i32
    %mul3A_6 = arith.muli %add3A, %mul3A_5 : i32
    %sub3A = arith.constant 16 : i32
    %sub3A_7 = arith.subi %add3A, %sub3A : i32
    %mul3A_8 = arith.constant 6 : i32
    %mul3A_9 = arith.muli %sub3A_7, %mul3A_8 : i32
    %add3A_10 = arith.constant 112 : i32
    %add3A_11 = arith.addi %add3A_10, %mul3A_9 : i32
    %select_n3A_12 = arith.select %lt3A_4, %mul3A_6, %add3A_11 : i32
    %dma_start3A = arith.constant 0 : i32
    %dma_start3A_13 = tpu.memref_slice %arg6[%select_n3A_12, %dma_start3A] : memref<208x128xi32, #tpu.memory_space<vmem>> -> memref<1x128xi32, #tpu.memory_space<vmem>>
    %dma_start3A_14 = tpu.memref_squeeze %dma_start3A_13 : memref<1x128xi32, #tpu.memory_space<vmem>> -> memref<128xi32, #tpu.memory_space<vmem>>
    %dma_start3A_15 = arith.constant 0 : i32
    %dma_start3A_16 = arith.constant 0 : i32
    %dma_start3A_17 = tpu.memref_slice %arg2[%dma_start3A_15, %dma_start3A_16] : memref<20480x128xf32, #tpu.memory_space<hbm>> -> memref<20480x128xf32, #tpu.memory_space<hbm>>
    tpu.enqueue_indirect_dma source(%dma_start3A_17 : memref<20480x128xf32, #tpu.memory_space<hbm>>) target(%arg8 : memref<128x128xf32, #tpu.memory_space<vmem>>) offsets(%dma_start3A_14 : memref<128xi32, #tpu.memory_space<vmem>>) semaphore(%arg11 : memref<!tpu.dma_semaphore, #tpu.memory_space<semaphore_mem>>)
    %dma_start3A_18 = arith.constant 0 : i32
    %dma_start3A_19 = tpu.memref_slice %arg7[%select_n3A_12, %dma_start3A_18] : memref<208x128xi32, #tpu.memory_space<vmem>> -> memref<1x128xi32, #tpu.memory_space<vmem>>
    %dma_start3A_20 = tpu.memref_squeeze %dma_start3A_19 : memref<1x128xi32, #tpu.memory_space<vmem>> -> memref<128xi32, #tpu.memory_space<vmem>>
    %dma_start3A_21 = arith.constant 0 : i32
    %dma_start3A_22 = arith.constant 0 : i32
    %dma_start3A_23 = tpu.memref_slice %arg2[%dma_start3A_21, %dma_start3A_22] : memref<20480x128xf32, #tpu.memory_space<hbm>> -> memref<20480x128xf32, #tpu.memory_space<hbm>>
    tpu.enqueue_indirect_dma source(%dma_start3A_23 : memref<20480x128xf32, #tpu.memory_space<hbm>>) target(%arg9 : memref<128x128xf32, #tpu.memory_space<vmem>>) offsets(%dma_start3A_20 : memref<128xi32, #tpu.memory_space<vmem>>) semaphore(%arg12 : memref<!tpu.dma_semaphore, #tpu.memory_space<semaphore_mem>>)
    %while3A = arith.constant 0 : i32
    %while3A_24 = arith.constant 0 : i32
    %while3A_25 = arith.subi %select_n3A, %while3A : i32
    %while3A_26 = arith.addi %while3A, %while3A_25 : i32
    %while3A_27 = arith.constant 1 : i32
    %while3A_28 = arith.divsi %while3A_25, %while3A_27 : i32
    %while3A_29 = arith.muli %while3A_28, %while3A_27 : i32
    %while3A_30 = arith.addi %while3A, %while3A_29 : i32
    %while3A_31 = arith.constant 1 : i32
    %while3A_32 = scf.for %while3A_46 = %while3A to %while3A_30 step %while3A_31 iter_args(%while3A_47 = %while3A_24) -> (i32)  : i32 {
      %add3A_48 = arith.constant 1 : i32
      %add3A_49 = arith.addi %while3A_46, %add3A_48 : i32
      %sub3A_50 = arith.constant 1 : i32
      %sub3A_51 = arith.subi %select_n3A, %sub3A_50 : i32
      %min3A = arith.minsi %add3A_49, %sub3A_51 : i32
      %add3A_52 = arith.addi %select_n3A_12, %min3A : i32
      %add3A_53 = arith.addi %select_n3A_12, %while3A_46 : i32
      %dma_wait3A_54 = arith.constant 0 : i32
      %dma_wait3A_55 = tpu.memref_slice %arg6[%add3A_53, %dma_wait3A_54] : memref<208x128xi32, #tpu.memory_space<vmem>> -> memref<1x128xi32, #tpu.memory_space<vmem>>
      %dma_wait3A_56 = tpu.memref_squeeze %dma_wait3A_55 : memref<1x128xi32, #tpu.memory_space<vmem>> -> memref<128xi32, #tpu.memory_space<vmem>>
      %dma_wait3A_57 = arith.constant 0 : i32
      %dma_wait3A_58 = arith.constant 0 : i32
      %dma_wait3A_59 = tpu.memref_slice %arg2[%dma_wait3A_57, %dma_wait3A_58] : memref<20480x128xf32, #tpu.memory_space<hbm>> -> memref<20480x128xf32, #tpu.memory_space<hbm>>
      tpu.wait_indirect_dma semaphore(%arg11 : memref<!tpu.dma_semaphore, #tpu.memory_space<semaphore_mem>>) src(%dma_wait3A_59 : memref<20480x128xf32, #tpu.memory_space<hbm>>) dst(%arg8 : memref<128x128xf32, #tpu.memory_space<vmem>>)
      %add3A_60 = arith.addi %select_n3A_12, %while3A_46 : i32
      %dma_wait3A_61 = arith.constant 0 : i32
      %dma_wait3A_62 = tpu.memref_slice %arg7[%add3A_60, %dma_wait3A_61] : memref<208x128xi32, #tpu.memory_space<vmem>> -> memref<1x128xi32, #tpu.memory_space<vmem>>
      %dma_wait3A_63 = tpu.memref_squeeze %dma_wait3A_62 : memref<1x128xi32, #tpu.memory_space<vmem>> -> memref<128xi32, #tpu.memory_space<vmem>>
      %dma_wait3A_64 = arith.constant 0 : i32
      %dma_wait3A_65 = arith.constant 0 : i32
      %dma_wait3A_66 = tpu.memref_slice %arg2[%dma_wait3A_64, %dma_wait3A_65] : memref<20480x128xf32, #tpu.memory_space<hbm>> -> memref<20480x128xf32, #tpu.memory_space<hbm>>
      tpu.wait_indirect_dma semaphore(%arg12 : memref<!tpu.dma_semaphore, #tpu.memory_space<semaphore_mem>>) src(%dma_wait3A_66 : memref<20480x128xf32, #tpu.memory_space<hbm>>) dst(%arg9 : memref<128x128xf32, #tpu.memory_space<vmem>>)
      %scan3A = arith.constant 0 : i32
      %scan3A_67 = arith.constant 0 : i32
      %scan3A_68 = arith.constant 128 : i32
      %scan3A_69 = arith.addi %scan3A_67, %scan3A_68 : i32
      %scan3A_70 = arith.constant 1 : i32
      %scan3A_71 = scf.for %scan3A_89 = %scan3A_67 to %scan3A_69 step %scan3A_70 iter_args(%scan3A_90 = %scan3A) -> (i32)  : i32 {
        %get3A = arith.index_cast %scan3A_89 : i32 to index
        %get3A_91 = arith.constant 0 : index
        %get3A_92 = tpu.vector_load %arg8[%get3A, %get3A_91] {strides = array<i32>} : memref<128x128xf32, #tpu.memory_space<vmem>>, vector<1x16xf32>,
        %get3A_93 = vector.shape_cast %get3A_92 : vector<1x16xf32> to vector<16xf32>
        %get3A_94 = arith.index_cast %scan3A_89 : i32 to index
        %get3A_95 = arith.constant 0 : index
        %get3A_96 = tpu.vector_load %arg9[%get3A_94, %get3A_95] {strides = array<i32>} : memref<128x128xf32, #tpu.memory_space<vmem>>, vector<1x16xf32>,
        %get3A_97 = vector.shape_cast %get3A_96 : vector<1x16xf32> to vector<16xf32>
        %add3A_98 = arith.addf %get3A_93, %get3A_97 : vector<16xf32>
        %swap3A = arith.index_cast %scan3A_89 : i32 to index
        %swap3A_99 = arith.constant 0 : index
        %swap3A_100 = tpu.vector_load %arg10[%swap3A, %swap3A_99] {strides = array<i32>} : memref<128x128xf32, #tpu.memory_space<vmem>>, vector<1x16xf32>,
        %swap3A_101 = vector.shape_cast %swap3A_100 : vector<1x16xf32> to vector<16xf32>
        %swap3A_102 = vector.shape_cast %add3A_98 : vector<16xf32> to vector<1x16xf32>
        tpu.vector_store %arg10[%swap3A, %swap3A_99], %swap3A_102 {strides = array<i32>} : memref<128x128xf32, #tpu.memory_space<vmem>>, vector<1x16xf32>,
        %get3A_103 = arith.index_cast %scan3A_89 : i32 to index
        %get3A_104 = arith.constant 16 : index
        %get3A_105 = tpu.vector_load %arg8[%get3A_103, %get3A_104] {strides = array<i32>} : memref<128x128xf32, #tpu.memory_space<vmem>>, vector<1x16xf32>,
        %get3A_106 = vector.shape_cast %get3A_105 : vector<1x16xf32> to vector<16xf32>
        %get3A_107 = arith.index_cast %scan3A_89 : i32 to index
        %get3A_108 = arith.constant 16 : index
        %get3A_109 = tpu.vector_load %arg9[%get3A_107, %get3A_108] {strides = array<i32>} : memref<128x128xf32, #tpu.memory_space<vmem>>, vector<1x16xf32>,
        %get3A_110 = vector.shape_cast %get3A_109 : vector<1x16xf32> to vector<16xf32>
        %add3A_111 = arith.addf %get3A_106, %get3A_110 : vector<16xf32>
        %swap3A_112 = arith.index_cast %scan3A_89 : i32 to index
        %swap3A_113 = arith.constant 16 : index
        %swap3A_114 = tpu.vector_load %arg10[%swap3A_112, %swap3A_113] {strides = array<i32>} : memref<128x128xf32, #tpu.memory_space<vmem>>, vector<1x16xf32>,
        %swap3A_115 = vector.shape_cast %swap3A_114 : vector<1x16xf32> to vector<16xf32>
        %swap3A_116 = vector.shape_cast %add3A_111 : vector<16xf32> to vector<1x16xf32>
        tpu.vector_store %arg10[%swap3A_112, %swap3A_113], %swap3A_116 {strides = array<i32>} : memref<128x128xf32, #tpu.memory_space<vmem>>, vector<1x16xf32>,
        %get3A_117 = arith.index_cast %scan3A_89 : i32 to index
        %get3A_118 = arith.constant 32 : index
        %get3A_119 = tpu.vector_load %arg8[%get3A_117, %get3A_118] {strides = array<i32>} : memref<128x128xf32, #tpu.memory_space<vmem>>, vector<1x16xf32>,
        %get3A_120 = vector.shape_cast %get3A_119 : vector<1x16xf32> to vector<16xf32>
        %get3A_121 = arith.index_cast %scan3A_89 : i32 to index
        %get3A_122 = arith.constant 32 : index
        %get3A_123 = tpu.vector_load %arg9[%get3A_121, %get3A_122] {strides = array<i32>} : memref<128x128xf32, #tpu.memory_space<vmem>>, vector<1x16xf32>,
        %get3A_124 = vector.shape_cast %get3A_123 : vector<1x16xf32> to vector<16xf32>
        %add3A_125 = arith.addf %get3A_120, %get3A_124 : vector<16xf32>
        %swap3A_126 = arith.index_cast %scan3A_89 : i32 to index
        %swap3A_127 = arith.constant 32 : index
        %swap3A_128 = tpu.vector_load %arg10[%swap3A_126, %swap3A_127] {strides = array<i32>} : memref<128x128xf32, #tpu.memory_space<vmem>>, vector<1x16xf32>,
        %swap3A_129 = vector.shape_cast %swap3A_128 : vector<1x16xf32> to vector<16xf32>
        %swap3A_130 = vector.shape_cast %add3A_125 : vector<16xf32> to vector<1x16xf32>
        tpu.vector_store %arg10[%swap3A_126, %swap3A_127], %swap3A_130 {strides = array<i32>} : memref<128x128xf32, #tpu.memory_space<vmem>>, vector<1x16xf32>,
        %get3A_131 = arith.index_cast %scan3A_89 : i32 to index
        %get3A_132 = arith.constant 48 : index
        %get3A_133 = tpu.vector_load %arg8[%get3A_131, %get3A_132] {strides = array<i32>} : memref<128x128xf32, #tpu.memory_space<vmem>>, vector<1x16xf32>,
        %get3A_134 = vector.shape_cast %get3A_133 : vector<1x16xf32> to vector<16xf32>
        %get3A_135 = arith.index_cast %scan3A_89 : i32 to index
        %get3A_136 = arith.constant 48 : index
        %get3A_137 = tpu.vector_load %arg9[%get3A_135, %get3A_136] {strides = array<i32>} : memref<128x128xf32, #tpu.memory_space<vmem>>, vector<1x16xf32>,
        %get3A_138 = vector.shape_cast %get3A_137 : vector<1x16xf32> to vector<16xf32>
        %add3A_139 = arith.addf %get3A_134, %get3A_138 : vector<16xf32>
        %swap3A_140 = arith.index_cast %scan3A_89 : i32 to index
        %swap3A_141 = arith.constant 48 : index
        %swap3A_142 = tpu.vector_load %arg10[%swap3A_140, %swap3A_141] {strides = array<i32>} : memref<128x128xf32, #tpu.memory_space<vmem>>, vector<1x16xf32>,
        %swap3A_143 = vector.shape_cast %swap3A_142 : vector<1x16xf32> to vector<16xf32>
        %swap3A_144 = vector.shape_cast %add3A_139 : vector<16xf32> to vector<1x16xf32>
        tpu.vector_store %arg10[%swap3A_140, %swap3A_141], %swap3A_144 {strides = array<i32>} : memref<128x128xf32, #tpu.memory_space<vmem>>, vector<1x16xf32>,
        %get3A_145 = arith.index_cast %scan3A_89 : i32 to index
        %get3A_146 = arith.constant 64 : index
        %get3A_147 = tpu.vector_load %arg8[%get3A_145, %get3A_146] {strides = array<i32>} : memref<128x128xf32, #tpu.memory_space<vmem>>, vector<1x16xf32>,
        %get3A_148 = vector.shape_cast %get3A_147 : vector<1x16xf32> to vector<16xf32>
        %get3A_149 = arith.index_cast %scan3A_89 : i32 to index
        %get3A_150 = arith.constant 64 : index
        %get3A_151 = tpu.vector_load %arg9[%get3A_149, %get3A_150] {strides = array<i32>} : memref<128x128xf32, #tpu.memory_space<vmem>>, vector<1x16xf32>,
        %get3A_152 = vector.shape_cast %get3A_151 : vector<1x16xf32> to vector<16xf32>
        %add3A_153 = arith.addf %get3A_148, %get3A_152 : vector<16xf32>
        %swap3A_154 = arith.index_cast %scan3A_89 : i32 to index
        %swap3A_155 = arith.constant 64 : index
        %swap3A_156 = tpu.vector_load %arg10[%swap3A_154, %swap3A_155] {strides = array<i32>} : memref<128x128xf32, #tpu.memory_space<vmem>>, vector<1x16xf32>,
        %swap3A_157 = vector.shape_cast %swap3A_156 : vector<1x16xf32> to vector<16xf32>
        %swap3A_158 = vector.shape_cast %add3A_153 : vector<16xf32> to vector<1x16xf32>
        tpu.vector_store %arg10[%swap3A_154, %swap3A_155], %swap3A_158 {strides = array<i32>} : memref<128x128xf32, #tpu.memory_space<vmem>>, vector<1x16xf32>,
        %get3A_159 = arith.index_cast %scan3A_89 : i32 to index
        %get3A_160 = arith.constant 80 : index
        %get3A_161 = tpu.vector_load %arg8[%get3A_159, %get3A_160] {strides = array<i32>} : memref<128x128xf32, #tpu.memory_space<vmem>>, vector<1x16xf32>,
        %get3A_162 = vector.shape_cast %get3A_161 : vector<1x16xf32> to vector<16xf32>
        %get3A_163 = arith.index_cast %scan3A_89 : i32 to index
        %get3A_164 = arith.constant 80 : index
        %get3A_165 = tpu.vector_load %arg9[%get3A_163, %get3A_164] {strides = array<i32>} : memref<128x128xf32, #tpu.memory_space<vmem>>, vector<1x16xf32>,
        %get3A_166 = vector.shape_cast %get3A_165 : vector<1x16xf32> to vector<16xf32>
        %add3A_167 = arith.addf %get3A_162, %get3A_166 : vector<16xf32>
        %swap3A_168 = arith.index_cast %scan3A_89 : i32 to index
        %swap3A_169 = arith.constant 80 : index
        %swap3A_170 = tpu.vector_load %arg10[%swap3A_168, %swap3A_169] {strides = array<i32>} : memref<128x128xf32, #tpu.memory_space<vmem>>, vector<1x16xf32>,
        %swap3A_171 = vector.shape_cast %swap3A_170 : vector<1x16xf32> to vector<16xf32>
        %swap3A_172 = vector.shape_cast %add3A_167 : vector<16xf32> to vector<1x16xf32>
        tpu.vector_store %arg10[%swap3A_168, %swap3A_169], %swap3A_172 {strides = array<i32>} : memref<128x128xf32, #tpu.memory_space<vmem>>, vector<1x16xf32>,
        %get3A_173 = arith.index_cast %scan3A_89 : i32 to index
        %get3A_174 = arith.constant 96 : index
        %get3A_175 = tpu.vector_load %arg8[%get3A_173, %get3A_174] {strides = array<i32>} : memref<128x128xf32, #tpu.memory_space<vmem>>, vector<1x16xf32>,
        %get3A_176 = vector.shape_cast %get3A_175 : vector<1x16xf32> to vector<16xf32>
        %get3A_177 = arith.index_cast %scan3A_89 : i32 to index
        %get3A_178 = arith.constant 96 : index
        %get3A_179 = tpu.vector_load %arg9[%get3A_177, %get3A_178] {strides = array<i32>} : memref<128x128xf32, #tpu.memory_space<vmem>>, vector<1x16xf32>,
        %get3A_180 = vector.shape_cast %get3A_179 : vector<1x16xf32> to vector<16xf32>
        %add3A_181 = arith.addf %get3A_176, %get3A_180 : vector<16xf32>
        %swap3A_182 = arith.index_cast %scan3A_89 : i32 to index
        %swap3A_183 = arith.constant 96 : index
        %swap3A_184 = tpu.vector_load %arg10[%swap3A_182, %swap3A_183] {strides = array<i32>} : memref<128x128xf32, #tpu.memory_space<vmem>>, vector<1x16xf32>,
        %swap3A_185 = vector.shape_cast %swap3A_184 : vector<1x16xf32> to vector<16xf32>
        %swap3A_186 = vector.shape_cast %add3A_181 : vector<16xf32> to vector<1x16xf32>
        tpu.vector_store %arg10[%swap3A_182, %swap3A_183], %swap3A_186 {strides = array<i32>} : memref<128x128xf32, #tpu.memory_space<vmem>>, vector<1x16xf32>,
        %get3A_187 = arith.index_cast %scan3A_89 : i32 to index
        %get3A_188 = arith.constant 112 : index
        %get3A_189 = tpu.vector_load %arg8[%get3A_187, %get3A_188] {strides = array<i32>} : memref<128x128xf32, #tpu.memory_space<vmem>>, vector<1x16xf32>,
        %get3A_190 = vector.shape_cast %get3A_189 : vector<1x16xf32> to vector<16xf32>
        %get3A_191 = arith.index_cast %scan3A_89 : i32 to index
        %get3A_192 = arith.constant 112 : index
        %get3A_193 = tpu.vector_load %arg9[%get3A_191, %get3A_192] {strides = array<i32>} : memref<128x128xf32, #tpu.memory_space<vmem>>, vector<1x16xf32>,
        %get3A_194 = vector.shape_cast %get3A_193 : vector<1x16xf32> to vector<16xf32>
        %add3A_195 = arith.addf %get3A_190, %get3A_194 : vector<16xf32>
        %swap3A_196 = arith.index_cast %scan3A_89 : i32 to index
        %swap3A_197 = arith.constant 112 : index
        %swap3A_198 = tpu.vector_load %arg10[%swap3A_196, %swap3A_197] {strides = array<i32>} : memref<128x128xf32, #tpu.memory_space<vmem>>, vector<1x16xf32>,
        %swap3A_199 = vector.shape_cast %swap3A_198 : vector<1x16xf32> to vector<16xf32>
        %swap3A_200 = vector.shape_cast %add3A_195 : vector<16xf32> to vector<1x16xf32>
        tpu.vector_store %arg10[%swap3A_196, %swap3A_197], %swap3A_200 {strides = array<i32>} : memref<128x128xf32, #tpu.memory_space<vmem>>, vector<1x16xf32>,
        %scan3A_201 = arith.constant 0 : i32
        scf.yield %scan3A_201 : i32
      }
      %scan3A_72 = arith.constant 128 : i32
      %dma_start3A_73 = arith.constant 0 : i32
      %dma_start3A_74 = tpu.memref_slice %arg6[%add3A_52, %dma_start3A_73] : memref<208x128xi32, #tpu.memory_space<vmem>> -> memref<1x128xi32, #tpu.memory_space<vmem>>
      %dma_start3A_75 = tpu.memref_squeeze %dma_start3A_74 : memref<1x128xi32, #tpu.memory_space<vmem>> -> memref<128xi32, #tpu.memory_space<vmem>>
      %dma_start3A_76 = arith.constant 0 : i32
      %dma_start3A_77 = arith.constant 0 : i32
      %dma_start3A_78 = tpu.memref_slice %arg2[%dma_start3A_76, %dma_start3A_77] : memref<20480x128xf32, #tpu.memory_space<hbm>> -> memref<20480x128xf32, #tpu.memory_space<hbm>>
      tpu.enqueue_indirect_dma source(%dma_start3A_78 : memref<20480x128xf32, #tpu.memory_space<hbm>>) target(%arg8 : memref<128x128xf32, #tpu.memory_space<vmem>>) offsets(%dma_start3A_75 : memref<128xi32, #tpu.memory_space<vmem>>) semaphore(%arg11 : memref<!tpu.dma_semaphore, #tpu.memory_space<semaphore_mem>>)
      %dma_start3A_79 = arith.constant 0 : i32
      %dma_start3A_80 = tpu.memref_slice %arg7[%add3A_52, %dma_start3A_79] : memref<208x128xi32, #tpu.memory_space<vmem>> -> memref<1x128xi32, #tpu.memory_space<vmem>>
      %dma_start3A_81 = tpu.memref_squeeze %dma_start3A_80 : memref<1x128xi32, #tpu.memory_space<vmem>> -> memref<128xi32, #tpu.memory_space<vmem>>
      %dma_start3A_82 = arith.constant 0 : i32
      %dma_start3A_83 = arith.constant 0 : i32
      %dma_start3A_84 = tpu.memref_slice %arg2[%dma_start3A_82, %dma_start3A_83] : memref<20480x128xf32, #tpu.memory_space<hbm>> -> memref<20480x128xf32, #tpu.memory_space<hbm>>
      tpu.enqueue_indirect_dma source(%dma_start3A_84 : memref<20480x128xf32, #tpu.memory_space<hbm>>) target(%arg9 : memref<128x128xf32, #tpu.memory_space<vmem>>) offsets(%dma_start3A_81 : memref<128xi32, #tpu.memory_space<vmem>>) semaphore(%arg12 : memref<!tpu.dma_semaphore, #tpu.memory_space<semaphore_mem>>)
      %add3A_85 = arith.addi %select_n3A_12, %while3A_46 : i32
      %mul3A_86 = arith.constant 128 : i32
      %mul3A_87 = arith.muli %add3A_85, %mul3A_86 : i32
      "tpu.region"() ({
        %run_scoped3A = tpu.sem_alloc : memref<!tpu.dma_semaphore, #tpu.memory_space<semaphore_mem>>
        %dma_start3A_89 = arith.constant 0 : i32
        %dma_start3A_90 = tpu.memref_slice %arg5[%mul3A_87, %dma_start3A_89] : memref<26624x128xf32, #tpu.memory_space<hbm>> -> memref<128x128xf32, #tpu.memory_space<hbm>>
        %dma_start3A_91 = arith.constant 0 : i32
        %dma_start3A_92 = tpu.memref_slice %arg5[%mul3A_87, %dma_start3A_91] : memref<26624x128xf32, #tpu.memory_space<hbm>> -> memref<128x128xf32, #tpu.memory_space<hbm>>
        tpu.enqueue_dma source(%arg10 : memref<128x128xf32, #tpu.memory_space<vmem>>) target(%dma_start3A_92 : memref<128x128xf32, #tpu.memory_space<hbm>>) target_semaphore(%run_scoped3A : memref<!tpu.dma_semaphore, #tpu.memory_space<semaphore_mem>>)
        %dma_wait3A_93 = arith.constant 0 : i32
        %dma_wait3A_94 = tpu.memref_slice %arg5[%mul3A_87, %dma_wait3A_93] : memref<26624x128xf32, #tpu.memory_space<hbm>> -> memref<128x128xf32, #tpu.memory_space<hbm>>
        %dma_wait3A_95 = arith.constant 0 : i32
        %dma_wait3A_96 = tpu.memref_slice %arg5[%mul3A_87, %dma_wait3A_95] : memref<26624x128xf32, #tpu.memory_space<hbm>> -> memref<128x128xf32, #tpu.memory_space<hbm>>
        tpu.wait_dma2 semaphore(%run_scoped3A : memref<!tpu.dma_semaphore, #tpu.memory_space<semaphore_mem>>) src(%arg10 : memref<128x128xf32, #tpu.memory_space<vmem>>) dst(%dma_wait3A_96 : memref<128x128xf32, #tpu.memory_space<hbm>>)
        tpu.yield
      }) : () -> ()
      %while3A_88 = arith.constant 0 : i32
      scf.yield %while3A_88 : i32
    }
    %while3A_33 = arith.constant 1 : i32
    %while3A_34 = scf.for %while3A_46 = %while3A_30 to %while3A_26 step %while3A_33 iter_args(%while3A_47 = %while3A_32) -> (i32)  : i32 {
      %add3A_48 = arith.constant 1 : i32
      %add3A_49 = arith.addi %while3A_46, %add3A_48 : i32
      %sub3A_50 = arith.constant 1 : i32
      %sub3A_51 = arith.subi %select_n3A, %sub3A_50 : i32
      %min3A = arith.minsi %add3A_49, %sub3A_51 : i32
      %add3A_52 = arith.addi %select_n3A_12, %min3A : i32
      %add3A_53 = arith.addi %select_n3A_12, %while3A_46 : i32
      %dma_wait3A_54 = arith.constant 0 : i32
      %dma_wait3A_55 = tpu.memref_slice %arg6[%add3A_53, %dma_wait3A_54] : memref<208x128xi32, #tpu.memory_space<vmem>> -> memref<1x128xi32, #tpu.memory_space<vmem>>
      %dma_wait3A_56 = tpu.memref_squeeze %dma_wait3A_55 : memref<1x128xi32, #tpu.memory_space<vmem>> -> memref<128xi32, #tpu.memory_space<vmem>>
      %dma_wait3A_57 = arith.constant 0 : i32
      %dma_wait3A_58 = arith.constant 0 : i32
      %dma_wait3A_59 = tpu.memref_slice %arg2[%dma_wait3A_57, %dma_wait3A_58] : memref<20480x128xf32, #tpu.memory_space<hbm>> -> memref<20480x128xf32, #tpu.memory_space<hbm>>
      tpu.wait_indirect_dma semaphore(%arg11 : memref<!tpu.dma_semaphore, #tpu.memory_space<semaphore_mem>>) src(%dma_wait3A_59 : memref<20480x128xf32, #tpu.memory_space<hbm>>) dst(%arg8 : memref<128x128xf32, #tpu.memory_space<vmem>>)
      %add3A_60 = arith.addi %select_n3A_12, %while3A_46 : i32
      %dma_wait3A_61 = arith.constant 0 : i32
      %dma_wait3A_62 = tpu.memref_slice %arg7[%add3A_60, %dma_wait3A_61] : memref<208x128xi32, #tpu.memory_space<vmem>> -> memref<1x128xi32, #tpu.memory_space<vmem>>
      %dma_wait3A_63 = tpu.memref_squeeze %dma_wait3A_62 : memref<1x128xi32, #tpu.memory_space<vmem>> -> memref<128xi32, #tpu.memory_space<vmem>>
      %dma_wait3A_64 = arith.constant 0 : i32
      %dma_wait3A_65 = arith.constant 0 : i32
      %dma_wait3A_66 = tpu.memref_slice %arg2[%dma_wait3A_64, %dma_wait3A_65] : memref<20480x128xf32, #tpu.memory_space<hbm>> -> memref<20480x128xf32, #tpu.memory_space<hbm>>
      tpu.wait_indirect_dma semaphore(%arg12 : memref<!tpu.dma_semaphore, #tpu.memory_space<semaphore_mem>>) src(%dma_wait3A_66 : memref<20480x128xf32, #tpu.memory_space<hbm>>) dst(%arg9 : memref<128x128xf32, #tpu.memory_space<vmem>>)
      %scan3A = arith.constant 0 : i32
      %scan3A_67 = arith.constant 0 : i32
      %scan3A_68 = arith.constant 128 : i32
      %scan3A_69 = arith.addi %scan3A_67, %scan3A_68 : i32
      %scan3A_70 = arith.constant 1 : i32
      %scan3A_71 = scf.for %scan3A_89 = %scan3A_67 to %scan3A_69 step %scan3A_70 iter_args(%scan3A_90 = %scan3A) -> (i32)  : i32 {
        %get3A = arith.index_cast %scan3A_89 : i32 to index
        %get3A_91 = arith.constant 0 : index
        %get3A_92 = tpu.vector_load %arg8[%get3A, %get3A_91] {strides = array<i32>} : memref<128x128xf32, #tpu.memory_space<vmem>>, vector<1x16xf32>,
        %get3A_93 = vector.shape_cast %get3A_92 : vector<1x16xf32> to vector<16xf32>
        %get3A_94 = arith.index_cast %scan3A_89 : i32 to index
        %get3A_95 = arith.constant 0 : index
        %get3A_96 = tpu.vector_load %arg9[%get3A_94, %get3A_95] {strides = array<i32>} : memref<128x128xf32, #tpu.memory_space<vmem>>, vector<1x16xf32>,
        %get3A_97 = vector.shape_cast %get3A_96 : vector<1x16xf32> to vector<16xf32>
        %add3A_98 = arith.addf %get3A_93, %get3A_97 : vector<16xf32>
        %swap3A = arith.index_cast %scan3A_89 : i32 to index
        %swap3A_99 = arith.constant 0 : index
        %swap3A_100 = tpu.vector_load %arg10[%swap3A, %swap3A_99] {strides = array<i32>} : memref<128x128xf32, #tpu.memory_space<vmem>>, vector<1x16xf32>,
        %swap3A_101 = vector.shape_cast %swap3A_100 : vector<1x16xf32> to vector<16xf32>
        %swap3A_102 = vector.shape_cast %add3A_98 : vector<16xf32> to vector<1x16xf32>
        tpu.vector_store %arg10[%swap3A, %swap3A_99], %swap3A_102 {strides = array<i32>} : memref<128x128xf32, #tpu.memory_space<vmem>>, vector<1x16xf32>,
        %get3A_103 = arith.index_cast %scan3A_89 : i32 to index
        %get3A_104 = arith.constant 16 : index
        %get3A_105 = tpu.vector_load %arg8[%get3A_103, %get3A_104] {strides = array<i32>} : memref<128x128xf32, #tpu.memory_space<vmem>>, vector<1x16xf32>,
        %get3A_106 = vector.shape_cast %get3A_105 : vector<1x16xf32> to vector<16xf32>
        %get3A_107 = arith.index_cast %scan3A_89 : i32 to index
        %get3A_108 = arith.constant 16 : index
        %get3A_109 = tpu.vector_load %arg9[%get3A_107, %get3A_108] {strides = array<i32>} : memref<128x128xf32, #tpu.memory_space<vmem>>, vector<1x16xf32>,
        %get3A_110 = vector.shape_cast %get3A_109 : vector<1x16xf32> to vector<16xf32>
        %add3A_111 = arith.addf %get3A_106, %get3A_110 : vector<16xf32>
        %swap3A_112 = arith.index_cast %scan3A_89 : i32 to index
        %swap3A_113 = arith.constant 16 : index
        %swap3A_114 = tpu.vector_load %arg10[%swap3A_112, %swap3A_113] {strides = array<i32>} : memref<128x128xf32, #tpu.memory_space<vmem>>, vector<1x16xf32>,
        %swap3A_115 = vector.shape_cast %swap3A_114 : vector<1x16xf32> to vector<16xf32>
        %swap3A_116 = vector.shape_cast %add3A_111 : vector<16xf32> to vector<1x16xf32>
        tpu.vector_store %arg10[%swap3A_112, %swap3A_113], %swap3A_116 {strides = array<i32>} : memref<128x128xf32, #tpu.memory_space<vmem>>, vector<1x16xf32>,
        %get3A_117 = arith.index_cast %scan3A_89 : i32 to index
        %get3A_118 = arith.constant 32 : index
        %get3A_119 = tpu.vector_load %arg8[%get3A_117, %get3A_118] {strides = array<i32>} : memref<128x128xf32, #tpu.memory_space<vmem>>, vector<1x16xf32>,
        %get3A_120 = vector.shape_cast %get3A_119 : vector<1x16xf32> to vector<16xf32>
        %get3A_121 = arith.index_cast %scan3A_89 : i32 to index
        %get3A_122 = arith.constant 32 : index
        %get3A_123 = tpu.vector_load %arg9[%get3A_121, %get3A_122] {strides = array<i32>} : memref<128x128xf32, #tpu.memory_space<vmem>>, vector<1x16xf32>,
        %get3A_124 = vector.shape_cast %get3A_123 : vector<1x16xf32> to vector<16xf32>
        %add3A_125 = arith.addf %get3A_120, %get3A_124 : vector<16xf32>
        %swap3A_126 = arith.index_cast %scan3A_89 : i32 to index
        %swap3A_127 = arith.constant 32 : index
        %swap3A_128 = tpu.vector_load %arg10[%swap3A_126, %swap3A_127] {strides = array<i32>} : memref<128x128xf32, #tpu.memory_space<vmem>>, vector<1x16xf32>,
        %swap3A_129 = vector.shape_cast %swap3A_128 : vector<1x16xf32> to vector<16xf32>
        %swap3A_130 = vector.shape_cast %add3A_125 : vector<16xf32> to vector<1x16xf32>
        tpu.vector_store %arg10[%swap3A_126, %swap3A_127], %swap3A_130 {strides = array<i32>} : memref<128x128xf32, #tpu.memory_space<vmem>>, vector<1x16xf32>,
        %get3A_131 = arith.index_cast %scan3A_89 : i32 to index
        %get3A_132 = arith.constant 48 : index
        %get3A_133 = tpu.vector_load %arg8[%get3A_131, %get3A_132] {strides = array<i32>} : memref<128x128xf32, #tpu.memory_space<vmem>>, vector<1x16xf32>,
        %get3A_134 = vector.shape_cast %get3A_133 : vector<1x16xf32> to vector<16xf32>
        %get3A_135 = arith.index_cast %scan3A_89 : i32 to index
        %get3A_136 = arith.constant 48 : index
        %get3A_137 = tpu.vector_load %arg9[%get3A_135, %get3A_136] {strides = array<i32>} : memref<128x128xf32, #tpu.memory_space<vmem>>, vector<1x16xf32>,
        %get3A_138 = vector.shape_cast %get3A_137 : vector<1x16xf32> to vector<16xf32>
        %add3A_139 = arith.addf %get3A_134, %get3A_138 : vector<16xf32>
        %swap3A_140 = arith.index_cast %scan3A_89 : i32 to index
        %swap3A_141 = arith.constant 48 : index
        %swap3A_142 = tpu.vector_load %arg10[%swap3A_140, %swap3A_141] {strides = array<i32>} : memref<128x128xf32, #tpu.memory_space<vmem>>, vector<1x16xf32>,
        %swap3A_143 = vector.shape_cast %swap3A_142 : vector<1x16xf32> to vector<16xf32>
        %swap3A_144 = vector.shape_cast %add3A_139 : vector<16xf32> to vector<1x16xf32>
        tpu.vector_store %arg10[%swap3A_140, %swap3A_141], %swap3A_144 {strides = array<i32>} : memref<128x128xf32, #tpu.memory_space<vmem>>, vector<1x16xf32>,
        %get3A_145 = arith.index_cast %scan3A_89 : i32 to index
        %get3A_146 = arith.constant 64 : index
        %get3A_147 = tpu.vector_load %arg8[%get3A_145, %get3A_146] {strides = array<i32>} : memref<128x128xf32, #tpu.memory_space<vmem>>, vector<1x16xf32>,
        %get3A_148 = vector.shape_cast %get3A_147 : vector<1x16xf32> to vector<16xf32>
        %get3A_149 = arith.index_cast %scan3A_89 : i32 to index
        %get3A_150 = arith.constant 64 : index
        %get3A_151 = tpu.vector_load %arg9[%get3A_149, %get3A_150] {strides = array<i32>} : memref<128x128xf32, #tpu.memory_space<vmem>>, vector<1x16xf32>,
        %get3A_152 = vector.shape_cast %get3A_151 : vector<1x16xf32> to vector<16xf32>
        %add3A_153 = arith.addf %get3A_148, %get3A_152 : vector<16xf32>
        %swap3A_154 = arith.index_cast %scan3A_89 : i32 to index
        %swap3A_155 = arith.constant 64 : index
        %swap3A_156 = tpu.vector_load %arg10[%swap3A_154, %swap3A_155] {strides = array<i32>} : memref<128x128xf32, #tpu.memory_space<vmem>>, vector<1x16xf32>,
        %swap3A_157 = vector.shape_cast %swap3A_156 : vector<1x16xf32> to vector<16xf32>
        %swap3A_158 = vector.shape_cast %add3A_153 : vector<16xf32> to vector<1x16xf32>
        tpu.vector_store %arg10[%swap3A_154, %swap3A_155], %swap3A_158 {strides = array<i32>} : memref<128x128xf32, #tpu.memory_space<vmem>>, vector<1x16xf32>,
        %get3A_159 = arith.index_cast %scan3A_89 : i32 to index
        %get3A_160 = arith.constant 80 : index
        %get3A_161 = tpu.vector_load %arg8[%get3A_159, %get3A_160] {strides = array<i32>} : memref<128x128xf32, #tpu.memory_space<vmem>>, vector<1x16xf32>,
        %get3A_162 = vector.shape_cast %get3A_161 : vector<1x16xf32> to vector<16xf32>
        %get3A_163 = arith.index_cast %scan3A_89 : i32 to index
        %get3A_164 = arith.constant 80 : index
        %get3A_165 = tpu.vector_load %arg9[%get3A_163, %get3A_164] {strides = array<i32>} : memref<128x128xf32, #tpu.memory_space<vmem>>, vector<1x16xf32>,
        %get3A_166 = vector.shape_cast %get3A_165 : vector<1x16xf32> to vector<16xf32>
        %add3A_167 = arith.addf %get3A_162, %get3A_166 : vector<16xf32>
        %swap3A_168 = arith.index_cast %scan3A_89 : i32 to index
        %swap3A_169 = arith.constant 80 : index
        %swap3A_170 = tpu.vector_load %arg10[%swap3A_168, %swap3A_169] {strides = array<i32>} : memref<128x128xf32, #tpu.memory_space<vmem>>, vector<1x16xf32>,
        %swap3A_171 = vector.shape_cast %swap3A_170 : vector<1x16xf32> to vector<16xf32>
        %swap3A_172 = vector.shape_cast %add3A_167 : vector<16xf32> to vector<1x16xf32>
        tpu.vector_store %arg10[%swap3A_168, %swap3A_169], %swap3A_172 {strides = array<i32>} : memref<128x128xf32, #tpu.memory_space<vmem>>, vector<1x16xf32>,
        %get3A_173 = arith.index_cast %scan3A_89 : i32 to index
        %get3A_174 = arith.constant 96 : index
        %get3A_175 = tpu.vector_load %arg8[%get3A_173, %get3A_174] {strides = array<i32>} : memref<128x128xf32, #tpu.memory_space<vmem>>, vector<1x16xf32>,
        %get3A_176 = vector.shape_cast %get3A_175 : vector<1x16xf32> to vector<16xf32>
        %get3A_177 = arith.index_cast %scan3A_89 : i32 to index
        %get3A_178 = arith.constant 96 : index
        %get3A_179 = tpu.vector_load %arg9[%get3A_177, %get3A_178] {strides = array<i32>} : memref<128x128xf32, #tpu.memory_space<vmem>>, vector<1x16xf32>,
        %get3A_180 = vector.shape_cast %get3A_179 : vector<1x16xf32> to vector<16xf32>
        %add3A_181 = arith.addf %get3A_176, %get3A_180 : vector<16xf32>
        %swap3A_182 = arith.index_cast %scan3A_89 : i32 to index
        %swap3A_183 = arith.constant 96 : index
        %swap3A_184 = tpu.vector_load %arg10[%swap3A_182, %swap3A_183] {strides = array<i32>} : memref<128x128xf32, #tpu.memory_space<vmem>>, vector<1x16xf32>,
        %swap3A_185 = vector.shape_cast %swap3A_184 : vector<1x16xf32> to vector<16xf32>
        %swap3A_186 = vector.shape_cast %add3A_181 : vector<16xf32> to vector<1x16xf32>
        tpu.vector_store %arg10[%swap3A_182, %swap3A_183], %swap3A_186 {strides = array<i32>} : memref<128x128xf32, #tpu.memory_space<vmem>>, vector<1x16xf32>,
        %get3A_187 = arith.index_cast %scan3A_89 : i32 to index
        %get3A_188 = arith.constant 112 : index
        %get3A_189 = tpu.vector_load %arg8[%get3A_187, %get3A_188] {strides = array<i32>} : memref<128x128xf32, #tpu.memory_space<vmem>>, vector<1x16xf32>,
        %get3A_190 = vector.shape_cast %get3A_189 : vector<1x16xf32> to vector<16xf32>
        %get3A_191 = arith.index_cast %scan3A_89 : i32 to index
        %get3A_192 = arith.constant 112 : index
        %get3A_193 = tpu.vector_load %arg9[%get3A_191, %get3A_192] {strides = array<i32>} : memref<128x128xf32, #tpu.memory_space<vmem>>, vector<1x16xf32>,
        %get3A_194 = vector.shape_cast %get3A_193 : vector<1x16xf32> to vector<16xf32>
        %add3A_195 = arith.addf %get3A_190, %get3A_194 : vector<16xf32>
        %swap3A_196 = arith.index_cast %scan3A_89 : i32 to index
        %swap3A_197 = arith.constant 112 : index
        %swap3A_198 = tpu.vector_load %arg10[%swap3A_196, %swap3A_197] {strides = array<i32>} : memref<128x128xf32, #tpu.memory_space<vmem>>, vector<1x16xf32>,
        %swap3A_199 = vector.shape_cast %swap3A_198 : vector<1x16xf32> to vector<16xf32>
        %swap3A_200 = vector.shape_cast %add3A_195 : vector<16xf32> to vector<1x16xf32>
        tpu.vector_store %arg10[%swap3A_196, %swap3A_197], %swap3A_200 {strides = array<i32>} : memref<128x128xf32, #tpu.memory_space<vmem>>, vector<1x16xf32>,
        %scan3A_201 = arith.constant 0 : i32
        scf.yield %scan3A_201 : i32
      }
      %scan3A_72 = arith.constant 128 : i32
      %dma_start3A_73 = arith.constant 0 : i32
      %dma_start3A_74 = tpu.memref_slice %arg6[%add3A_52, %dma_start3A_73] : memref<208x128xi32, #tpu.memory_space<vmem>> -> memref<1x128xi32, #tpu.memory_space<vmem>>
      %dma_start3A_75 = tpu.memref_squeeze %dma_start3A_74 : memref<1x128xi32, #tpu.memory_space<vmem>> -> memref<128xi32, #tpu.memory_space<vmem>>
      %dma_start3A_76 = arith.constant 0 : i32
      %dma_start3A_77 = arith.constant 0 : i32
      %dma_start3A_78 = tpu.memref_slice %arg2[%dma_start3A_76, %dma_start3A_77] : memref<20480x128xf32, #tpu.memory_space<hbm>> -> memref<20480x128xf32, #tpu.memory_space<hbm>>
      tpu.enqueue_indirect_dma source(%dma_start3A_78 : memref<20480x128xf32, #tpu.memory_space<hbm>>) target(%arg8 : memref<128x128xf32, #tpu.memory_space<vmem>>) offsets(%dma_start3A_75 : memref<128xi32, #tpu.memory_space<vmem>>) semaphore(%arg11 : memref<!tpu.dma_semaphore, #tpu.memory_space<semaphore_mem>>)
      %dma_start3A_79 = arith.constant 0 : i32
      %dma_start3A_80 = tpu.memref_slice %arg7[%add3A_52, %dma_start3A_79] : memref<208x128xi32, #tpu.memory_space<vmem>> -> memref<1x128xi32, #tpu.memory_space<vmem>>
      %dma_start3A_81 = tpu.memref_squeeze %dma_start3A_80 : memref<1x128xi32, #tpu.memory_space<vmem>> -> memref<128xi32, #tpu.memory_space<vmem>>
      %dma_start3A_82 = arith.constant 0 : i32
      %dma_start3A_83 = arith.constant 0 : i32
      %dma_start3A_84 = tpu.memref_slice %arg2[%dma_start3A_82, %dma_start3A_83] : memref<20480x128xf32, #tpu.memory_space<hbm>> -> memref<20480x128xf32, #tpu.memory_space<hbm>>
      tpu.enqueue_indirect_dma source(%dma_start3A_84 : memref<20480x128xf32, #tpu.memory_space<hbm>>) target(%arg9 : memref<128x128xf32, #tpu.memory_space<vmem>>) offsets(%dma_start3A_81 : memref<128xi32, #tpu.memory_space<vmem>>) semaphore(%arg12 : memref<!tpu.dma_semaphore, #tpu.memory_space<semaphore_mem>>)
      %add3A_85 = arith.addi %select_n3A_12, %while3A_46 : i32
      %mul3A_86 = arith.constant 128 : i32
      %mul3A_87 = arith.muli %add3A_85, %mul3A_86 : i32
      "tpu.region"() ({
        %run_scoped3A = tpu.sem_alloc : memref<!tpu.dma_semaphore, #tpu.memory_space<semaphore_mem>>
        %dma_start3A_89 = arith.constant 0 : i32
        %dma_start3A_90 = tpu.memref_slice %arg5[%mul3A_87, %dma_start3A_89] : memref<26624x128xf32, #tpu.memory_space<hbm>> -> memref<128x128xf32, #tpu.memory_space<hbm>>
        %dma_start3A_91 = arith.constant 0 : i32
        %dma_start3A_92 = tpu.memref_slice %arg5[%mul3A_87, %dma_start3A_91] : memref<26624x128xf32, #tpu.memory_space<hbm>> -> memref<128x128xf32, #tpu.memory_space<hbm>>
        tpu.enqueue_dma source(%arg10 : memref<128x128xf32, #tpu.memory_space<vmem>>) target(%dma_start3A_92 : memref<128x128xf32, #tpu.memory_space<hbm>>) target_semaphore(%run_scoped3A : memref<!tpu.dma_semaphore, #tpu.memory_space<semaphore_mem>>)
        %dma_wait3A_93 = arith.constant 0 : i32
        %dma_wait3A_94 = tpu.memref_slice %arg5[%mul3A_87, %dma_wait3A_93] : memref<26624x128xf32, #tpu.memory_space<hbm>> -> memref<128x128xf32, #tpu.memory_space<hbm>>
        %dma_wait3A_95 = arith.constant 0 : i32
        %dma_wait3A_96 = tpu.memref_slice %arg5[%mul3A_87, %dma_wait3A_95] : memref<26624x128xf32, #tpu.memory_space<hbm>> -> memref<128x128xf32, #tpu.memory_space<hbm>>
        tpu.wait_dma2 semaphore(%run_scoped3A : memref<!tpu.dma_semaphore, #tpu.memory_space<semaphore_mem>>) src(%arg10 : memref<128x128xf32, #tpu.memory_space<vmem>>) dst(%dma_wait3A_96 : memref<128x128xf32, #tpu.memory_space<hbm>>)
        tpu.yield
      }) : () -> ()
      %while3A_88 = arith.constant 0 : i32
      scf.yield %while3A_88 : i32
    }
    %dma_wait3A = arith.constant 0 : i32
    %dma_wait3A_35 = tpu.memref_slice %arg6[%select_n3A_12, %dma_wait3A] : memref<208x128xi32, #tpu.memory_space<vmem>> -> memref<1x128xi32, #tpu.memory_space<vmem>>
    %dma_wait3A_36 = tpu.memref_squeeze %dma_wait3A_35 : memref<1x128xi32, #tpu.memory_space<vmem>> -> memref<128xi32, #tpu.memory_space<vmem>>
    %dma_wait3A_37 = arith.constant 0 : i32
    %dma_wait3A_38 = arith.constant 0 : i32
    %dma_wait3A_39 = tpu.memref_slice %arg2[%dma_wait3A_37, %dma_wait3A_38] : memref<20480x128xf32, #tpu.memory_space<hbm>> -> memref<20480x128xf32, #tpu.memory_space<hbm>>
    tpu.wait_indirect_dma semaphore(%arg11 : memref<!tpu.dma_semaphore, #tpu.memory_space<semaphore_mem>>) src(%dma_wait3A_39 : memref<20480x128xf32, #tpu.memory_space<hbm>>) dst(%arg8 : memref<128x128xf32, #tpu.memory_space<vmem>>)
    %dma_wait3A_40 = arith.constant 0 : i32
    %dma_wait3A_41 = tpu.memref_slice %arg7[%select_n3A_12, %dma_wait3A_40] : memref<208x128xi32, #tpu.memory_space<vmem>> -> memref<1x128xi32, #tpu.memory_space<vmem>>
    %dma_wait3A_42 = tpu.memref_squeeze %dma_wait3A_41 : memref<1x128xi32, #tpu.memory_space<vmem>> -> memref<128xi32, #tpu.memory_space<vmem>>
    %dma_wait3A_43 = arith.constant 0 : i32
    %dma_wait3A_44 = arith.constant 0 : i32
    %dma_wait3A_45 = tpu.memref_slice %arg2[%dma_wait3A_43, %dma_wait3A_44] : memref<20480x128xf32, #tpu.memory_space<hbm>> -> memref<20480x128xf32, #tpu.memory_space<hbm>>
    tpu.wait_indirect_dma semaphore(%arg12 : memref<!tpu.dma_semaphore, #tpu.memory_space<semaphore_mem>>) src(%dma_wait3A_45 : memref<20480x128xf32, #tpu.memory_space<hbm>>) dst(%arg9 : memref<128x128xf32, #tpu.memory_space<vmem>>)
    return
  }
}

#map = affine_map<(d0, d1) -> (0, 0)>
#map1 = affine_map<(d0, d1) -> (0)>
module attributes {stable_mosaic.version = 14 : i64} {
  func.func @_deg_body(%arg0: i32, %arg1: i32, %arg2: memref<2560x128xi32, #tpu.memory_space<hbm>>, %arg3: memref<20480xf32, #tpu.memory_space<hbm>>, %arg4: memref<80x128xi32, #tpu.memory_space<vmem>>, %arg5: memref<128xf32, #tpu.memory_space<vmem>>, %arg6: memref<640xf32, #tpu.memory_space<vmem>>, %arg7: memref<10240xf32, #tpu.memory_space<vmem_shared>>) attributes {dimension_semantics = [#tpu.dimension_semantics<core_parallel>, #tpu.dimension_semantics<subcore_parallel>], iteration_bounds = array<i64: 2, 16>, scalar_prefetch = 0 : i64, scratch_operands = 4 : i64, tpu.core_type = #tpu.core_type<sc_vector_subcore>, window_params = [{transform_indices = #map}, {transform_indices = #map1}]} {
    %mul3A = arith.constant 16 : i32
    %mul3A_0 = arith.muli %arg0, %mul3A : i32
    %add3A = arith.addi %mul3A_0, %arg1 : i32
    %scan3A = arith.constant 0 : i32
    %scan3A_1 = arith.constant 0 : i32
    %scan3A_2 = arith.constant 40 : i32
    %scan3A_3 = arith.addi %scan3A_1, %scan3A_2 : i32
    %scan3A_4 = arith.constant 1 : i32
    %scan3A_5 = scf.for %scan3A_33 = %scan3A_1 to %scan3A_3 step %scan3A_4 iter_args(%scan3A_34 = %scan3A) -> (i32)  : i32 {
      %broadcast_in_dim3A = arith.constant 0.000000e+00 : f32
      %broadcast_in_dim3A_35 = vector.broadcast %broadcast_in_dim3A : f32 to vector<16xf32>
      %mul3A_36 = arith.constant 16 : i32
      %mul3A_37 = arith.muli %scan3A_33, %mul3A_36 : i32
      %swap3A = arith.index_cast %mul3A_37 : i32 to index
      %swap3A_38 = tpu.vector_load %arg6[%swap3A] {strides = array<i32>} : memref<640xf32, #tpu.memory_space<vmem>>, vector<16xf32>,
      %swap3A_39 = vector.shape_cast %swap3A_38 : vector<16xf32> to vector<16xf32>
      %swap3A_40 = vector.shape_cast %broadcast_in_dim3A_35 : vector<16xf32> to vector<16xf32>
      tpu.vector_store %arg6[%swap3A], %swap3A_40 {strides = array<i32>} : memref<640xf32, #tpu.memory_space<vmem>>, vector<16xf32>,
      %scan3A_41 = arith.constant 0 : i32
      scf.yield %scan3A_41 : i32
    }
    %scan3A_6 = arith.constant 40 : i32
    %scan3A_7 = arith.constant 0 : i32
    %scan3A_8 = arith.constant 0 : i32
    %scan3A_9 = arith.constant 8 : i32
    %scan3A_10 = arith.addi %scan3A_8, %scan3A_9 : i32
    %scan3A_11 = arith.constant 1 : i32
    %scan3A_12 = scf.for %scan3A_33 = %scan3A_8 to %scan3A_10 step %scan3A_11 iter_args(%scan3A_34 = %scan3A_7) -> (i32)  : i32 {
      %broadcast_in_dim3A = arith.constant 1.000000e+00 : f32
      %broadcast_in_dim3A_35 = vector.broadcast %broadcast_in_dim3A : f32 to vector<16xf32>
      %mul3A_36 = arith.constant 16 : i32
      %mul3A_37 = arith.muli %scan3A_33, %mul3A_36 : i32
      %swap3A = arith.index_cast %mul3A_37 : i32 to index
      %swap3A_38 = tpu.vector_load %arg5[%swap3A] {strides = array<i32>} : memref<128xf32, #tpu.memory_space<vmem>>, vector<16xf32>,
      %swap3A_39 = vector.shape_cast %swap3A_38 : vector<16xf32> to vector<16xf32>
      %swap3A_40 = vector.shape_cast %broadcast_in_dim3A_35 : vector<16xf32> to vector<16xf32>
      tpu.vector_store %arg5[%swap3A], %swap3A_40 {strides = array<i32>} : memref<128xf32, #tpu.memory_space<vmem>>, vector<16xf32>,
      %scan3A_41 = arith.constant 0 : i32
      scf.yield %scan3A_41 : i32
    }
    %scan3A_13 = arith.constant 8 : i32
    %mul3A_14 = arith.constant 640 : i32
    %mul3A_15 = arith.muli %arg1, %mul3A_14 : i32
    "tpu.region"() ({
      %run_scoped3A = tpu.sem_alloc : memref<!tpu.dma_semaphore, #tpu.memory_space<semaphore_mem>>
      %dma_start3A = tpu.memref_slice %arg7[%mul3A_15] : memref<10240xf32, #tpu.memory_space<vmem_shared>> -> memref<640xf32, #tpu.memory_space<vmem_shared>>
      %dma_start3A_33 = tpu.memref_slice %arg7[%mul3A_15] : memref<10240xf32, #tpu.memory_space<vmem_shared>> -> memref<640xf32, #tpu.memory_space<vmem_shared>>
      tpu.enqueue_dma source(%arg6 : memref<640xf32, #tpu.memory_space<vmem>>) target(%dma_start3A_33 : memref<640xf32, #tpu.memory_space<vmem_shared>>) target_semaphore(%run_scoped3A : memref<!tpu.dma_semaphore, #tpu.memory_space<semaphore_mem>>)
      %dma_wait3A = tpu.memref_slice %arg7[%mul3A_15] : memref<10240xf32, #tpu.memory_space<vmem_shared>> -> memref<640xf32, #tpu.memory_space<vmem_shared>>
      %dma_wait3A_34 = tpu.memref_slice %arg7[%mul3A_15] : memref<10240xf32, #tpu.memory_space<vmem_shared>> -> memref<640xf32, #tpu.memory_space<vmem_shared>>
      tpu.wait_dma2 semaphore(%run_scoped3A : memref<!tpu.dma_semaphore, #tpu.memory_space<semaphore_mem>>) src(%arg6 : memref<640xf32, #tpu.memory_space<vmem>>) dst(%dma_wait3A_34 : memref<640xf32, #tpu.memory_space<vmem_shared>>)
      tpu.yield
    }) : () -> ()
    %mul3A_16 = arith.constant 80 : i32
    %mul3A_17 = arith.muli %add3A, %mul3A_16 : i32
    "tpu.region"() ({
      %run_scoped3A = tpu.sem_alloc : memref<!tpu.dma_semaphore, #tpu.memory_space<semaphore_mem>>
      %dma_start3A = arith.constant 0 : i32
      %dma_start3A_33 = tpu.memref_slice %arg2[%mul3A_17, %dma_start3A] : memref<2560x128xi32, #tpu.memory_space<hbm>> -> memref<80x128xi32, #tpu.memory_space<hbm>>
      %dma_start3A_34 = arith.constant 0 : i32
      %dma_start3A_35 = tpu.memref_slice %arg2[%mul3A_17, %dma_start3A_34] : memref<2560x128xi32, #tpu.memory_space<hbm>> -> memref<80x128xi32, #tpu.memory_space<hbm>>
      tpu.enqueue_dma source(%dma_start3A_35 : memref<80x128xi32, #tpu.memory_space<hbm>>) target(%arg4 : memref<80x128xi32, #tpu.memory_space<vmem>>) target_semaphore(%run_scoped3A : memref<!tpu.dma_semaphore, #tpu.memory_space<semaphore_mem>>)
      %dma_wait3A = arith.constant 0 : i32
      %dma_wait3A_36 = tpu.memref_slice %arg2[%mul3A_17, %dma_wait3A] : memref<2560x128xi32, #tpu.memory_space<hbm>> -> memref<80x128xi32, #tpu.memory_space<hbm>>
      %dma_wait3A_37 = arith.constant 0 : i32
      %dma_wait3A_38 = tpu.memref_slice %arg2[%mul3A_17, %dma_wait3A_37] : memref<2560x128xi32, #tpu.memory_space<hbm>> -> memref<80x128xi32, #tpu.memory_space<hbm>>
      tpu.wait_dma2 semaphore(%run_scoped3A : memref<!tpu.dma_semaphore, #tpu.memory_space<semaphore_mem>>) src(%dma_wait3A_38 : memref<80x128xi32, #tpu.memory_space<hbm>>) dst(%arg4 : memref<80x128xi32, #tpu.memory_space<vmem>>)
      tpu.yield
    }) : () -> ()
    %barrier3A = arith.constant 0 : index
    tpu.barrier barrier_id(%barrier3A)
    %scan3A_18 = arith.constant 0 : i32
    %scan3A_19 = arith.constant 0 : i32
    %scan3A_20 = arith.constant 80 : i32
    %scan3A_21 = arith.addi %scan3A_19, %scan3A_20 : i32
    %scan3A_22 = arith.constant 1 : i32
    %scan3A_23 = scf.for %scan3A_33 = %scan3A_19 to %scan3A_21 step %scan3A_22 iter_args(%scan3A_34 = %scan3A_18) -> (i32)  : i32 {
      "tpu.region"() ({
        %run_scoped3A = tpu.sem_alloc : memref<!tpu.dma_semaphore, #tpu.memory_space<semaphore_mem>>
        %dma_start3A = arith.constant 0 : i32
        %dma_start3A_36 = tpu.memref_slice %arg4[%scan3A_33, %dma_start3A] : memref<80x128xi32, #tpu.memory_space<vmem>> -> memref<1x128xi32, #tpu.memory_space<vmem>>
        %dma_start3A_37 = tpu.memref_squeeze %dma_start3A_36 : memref<1x128xi32, #tpu.memory_space<vmem>> -> memref<128xi32, #tpu.memory_space<vmem>>
        %dma_start3A_38 = arith.constant 0 : i32
        %dma_start3A_39 = tpu.memref_slice %arg7[%dma_start3A_38] : memref<10240xf32, #tpu.memory_space<vmem_shared>> -> memref<10240xf32, #tpu.memory_space<vmem_shared>>
        tpu.enqueue_indirect_dma source(%arg5 : memref<128xf32, #tpu.memory_space<vmem>>) target(%dma_start3A_39 : memref<10240xf32, #tpu.memory_space<vmem_shared>>) offsets(%dma_start3A_37 : memref<128xi32, #tpu.memory_space<vmem>>) semaphore(%run_scoped3A : memref<!tpu.dma_semaphore, #tpu.memory_space<semaphore_mem>>) {add = true}
        %dma_wait3A = arith.constant 0 : i32
        %dma_wait3A_40 = tpu.memref_slice %arg4[%scan3A_33, %dma_wait3A] : memref<80x128xi32, #tpu.memory_space<vmem>> -> memref<1x128xi32, #tpu.memory_space<vmem>>
        %dma_wait3A_41 = tpu.memref_squeeze %dma_wait3A_40 : memref<1x128xi32, #tpu.memory_space<vmem>> -> memref<128xi32, #tpu.memory_space<vmem>>
        %dma_wait3A_42 = arith.constant 0 : i32
        %dma_wait3A_43 = tpu.memref_slice %arg7[%dma_wait3A_42] : memref<10240xf32, #tpu.memory_space<vmem_shared>> -> memref<10240xf32, #tpu.memory_space<vmem_shared>>
        tpu.wait_indirect_dma semaphore(%run_scoped3A : memref<!tpu.dma_semaphore, #tpu.memory_space<semaphore_mem>>) src(%arg5 : memref<128xf32, #tpu.memory_space<vmem>>) dst(%dma_wait3A_43 : memref<10240xf32, #tpu.memory_space<vmem_shared>>)
        tpu.yield
      }) : () -> ()
      %scan3A_35 = arith.constant 0 : i32
      scf.yield %scan3A_35 : i32
    }
    %scan3A_24 = arith.constant 80 : i32
    %barrier3A_25 = arith.constant 0 : index
    tpu.barrier barrier_id(%barrier3A_25)
    %mul3A_26 = arith.constant 640 : i32
    %mul3A_27 = arith.muli %arg1, %mul3A_26 : i32
    %mul3A_28 = arith.constant 10240 : i32
    %mul3A_29 = arith.muli %arg0, %mul3A_28 : i32
    %mul3A_30 = arith.constant 640 : i32
    %mul3A_31 = arith.muli %arg1, %mul3A_30 : i32
    %add3A_32 = arith.addi %mul3A_29, %mul3A_31 : i32
    "tpu.region"() ({
      %run_scoped3A = tpu.sem_alloc : memref<!tpu.dma_semaphore, #tpu.memory_space<semaphore_mem>>
      %dma_start3A = tpu.memref_slice %arg3[%add3A_32] : memref<20480xf32, #tpu.memory_space<hbm>> -> memref<640xf32, #tpu.memory_space<hbm>>
      %dma_start3A_33 = tpu.memref_slice %arg7[%mul3A_27] : memref<10240xf32, #tpu.memory_space<vmem_shared>> -> memref<640xf32, #tpu.memory_space<vmem_shared>>
      tpu.enqueue_dma source(%dma_start3A_33 : memref<640xf32, #tpu.memory_space<vmem_shared>>) target(%dma_start3A : memref<640xf32, #tpu.memory_space<hbm>>) target_semaphore(%run_scoped3A : memref<!tpu.dma_semaphore, #tpu.memory_space<semaphore_mem>>)
      %dma_wait3A = tpu.memref_slice %arg3[%add3A_32] : memref<20480xf32, #tpu.memory_space<hbm>> -> memref<640xf32, #tpu.memory_space<hbm>>
      %dma_wait3A_34 = tpu.memref_slice %arg7[%mul3A_27] : memref<10240xf32, #tpu.memory_space<vmem_shared>> -> memref<640xf32, #tpu.memory_space<vmem_shared>>
      tpu.wait_dma2 semaphore(%run_scoped3A : memref<!tpu.dma_semaphore, #tpu.memory_space<semaphore_mem>>) src(%dma_wait3A_34 : memref<640xf32, #tpu.memory_space<vmem_shared>>) dst(%dma_wait3A : memref<640xf32, #tpu.memory_space<hbm>>)
      tpu.yield
    }) : () -> ()
    return
  }
}

#map = affine_map<(d0, d1) -> (0, 0)>
#map1 = affine_map<(d0, d1) -> (0)>
module attributes {stable_mosaic.version = 14 : i64} {
  func.func @_agg_body(%arg0: i32, %arg1: i32, %arg2: memref<2560x128xi32, #tpu.memory_space<hbm>>, %arg3: memref<2560x128xi32, #tpu.memory_space<hbm>>, %arg4: memref<20480x128xf32, #tpu.memory_space<hbm>>, %arg5: memref<10240xf32, #tpu.memory_space<hbm>>, %arg6: memref<128xf32, #tpu.memory_space<hbm>>, %arg7: memref<20480x128xf32, #tpu.memory_space<hbm>>, %arg8: memref<40x128xi32, #tpu.memory_space<vmem>>, %arg9: memref<40x128xi32, #tpu.memory_space<vmem>>, %arg10: memref<128x128xf32, #tpu.memory_space<vmem>>, %arg11: memref<128x128xf32, #tpu.memory_space<vmem>>, %arg12: memref<128xf32, #tpu.memory_space<vmem>>, %arg13: memref<128xf32, #tpu.memory_space<vmem>>, %arg14: memref<10240x128xf32, #tpu.memory_space<vmem_shared>>, %arg15: memref<!tpu.dma_semaphore, #tpu.memory_space<semaphore_mem>>, %arg16: memref<!tpu.dma_semaphore, #tpu.memory_space<semaphore_mem>>) attributes {dimension_semantics = [#tpu.dimension_semantics<core_parallel>, #tpu.dimension_semantics<subcore_parallel>], iteration_bounds = array<i64: 2, 16>, scalar_prefetch = 0 : i64, scratch_operands = 9 : i64, tpu.core_type = #tpu.core_type<sc_vector_subcore>, window_params = [{transform_indices = #map}, {transform_indices = #map}, {transform_indices = #map}, {transform_indices = #map1}, {transform_indices = #map1}, {transform_indices = #map}]} {
    %mul3A = arith.constant 16 : i32
    %mul3A_0 = arith.muli %arg0, %mul3A : i32
    %add3A = arith.addi %mul3A_0, %arg1 : i32
    %mul3A_1 = arith.constant 640 : i32
    %mul3A_2 = arith.muli %arg1, %mul3A_1 : i32
    %mul3A_3 = arith.constant 10240 : i32
    %mul3A_4 = arith.muli %arg0, %mul3A_3 : i32
    %add3A_5 = arith.addi %mul3A_4, %mul3A_2 : i32
    "tpu.region"() ({
      %run_scoped3A = tpu.sem_alloc : memref<!tpu.dma_semaphore, #tpu.memory_space<semaphore_mem>>
      %dma_start3A = arith.constant 0 : i32
      %dma_start3A_61 = tpu.memref_slice %arg14[%mul3A_2, %dma_start3A] : memref<10240x128xf32, #tpu.memory_space<vmem_shared>> -> memref<640x128xf32, #tpu.memory_space<vmem_shared>>
      %dma_start3A_62 = arith.constant 0 : i32
      %dma_start3A_63 = tpu.memref_slice %arg4[%add3A_5, %dma_start3A_62] : memref<20480x128xf32, #tpu.memory_space<hbm>> -> memref<640x128xf32, #tpu.memory_space<hbm>>
      tpu.enqueue_dma source(%dma_start3A_63 : memref<640x128xf32, #tpu.memory_space<hbm>>) target(%dma_start3A_61 : memref<640x128xf32, #tpu.memory_space<vmem_shared>>) target_semaphore(%run_scoped3A : memref<!tpu.dma_semaphore, #tpu.memory_space<semaphore_mem>>)
      %dma_wait3A = arith.constant 0 : i32
      %dma_wait3A_64 = tpu.memref_slice %arg14[%mul3A_2, %dma_wait3A] : memref<10240x128xf32, #tpu.memory_space<vmem_shared>> -> memref<640x128xf32, #tpu.memory_space<vmem_shared>>
      %dma_wait3A_65 = arith.constant 0 : i32
      %dma_wait3A_66 = tpu.memref_slice %arg4[%add3A_5, %dma_wait3A_65] : memref<20480x128xf32, #tpu.memory_space<hbm>> -> memref<640x128xf32, #tpu.memory_space<hbm>>
      tpu.wait_dma2 semaphore(%run_scoped3A : memref<!tpu.dma_semaphore, #tpu.memory_space<semaphore_mem>>) src(%dma_wait3A_66 : memref<640x128xf32, #tpu.memory_space<hbm>>) dst(%dma_wait3A_64 : memref<640x128xf32, #tpu.memory_space<vmem_shared>>)
      tpu.yield
    }) : () -> ()
    %barrier3A = arith.constant 0 : index
    tpu.barrier barrier_id(%barrier3A)
    %scan3A = arith.constant 0 : i32
    %scan3A_6 = arith.constant 0 : i32
    %scan3A_7 = arith.constant 2 : i32
    %scan3A_8 = arith.addi %scan3A_6, %scan3A_7 : i32
    %scan3A_9 = arith.constant 1 : i32
    %scan3A_10 = scf.for %scan3A_61 = %scan3A_6 to %scan3A_8 step %scan3A_9 iter_args(%scan3A_62 = %scan3A) -> (i32)  : i32 {
      %mul3A_63 = arith.constant 80 : i32
      %mul3A_64 = arith.muli %add3A, %mul3A_63 : i32
      %mul3A_65 = arith.constant 40 : i32
      %mul3A_66 = arith.muli %scan3A_61, %mul3A_65 : i32
      %add3A_67 = arith.addi %mul3A_64, %mul3A_66 : i32
      "tpu.region"() ({
        %run_scoped3A_103 = tpu.sem_alloc : memref<!tpu.dma_semaphore, #tpu.memory_space<semaphore_mem>>
        %dma_start3A_104 = arith.constant 0 : i32
        %dma_start3A_105 = tpu.memref_slice %arg2[%add3A_67, %dma_start3A_104] : memref<2560x128xi32, #tpu.memory_space<hbm>> -> memref<40x128xi32, #tpu.memory_space<hbm>>
        %dma_start3A_106 = arith.constant 0 : i32
        %dma_start3A_107 = tpu.memref_slice %arg2[%add3A_67, %dma_start3A_106] : memref<2560x128xi32, #tpu.memory_space<hbm>> -> memref<40x128xi32, #tpu.memory_space<hbm>>
        tpu.enqueue_dma source(%dma_start3A_107 : memref<40x128xi32, #tpu.memory_space<hbm>>) target(%arg8 : memref<40x128xi32, #tpu.memory_space<vmem>>) target_semaphore(%run_scoped3A_103 : memref<!tpu.dma_semaphore, #tpu.memory_space<semaphore_mem>>)
        %dma_wait3A_108 = arith.constant 0 : i32
        %dma_wait3A_109 = tpu.memref_slice %arg2[%add3A_67, %dma_wait3A_108] : memref<2560x128xi32, #tpu.memory_space<hbm>> -> memref<40x128xi32, #tpu.memory_space<hbm>>
        %dma_wait3A_110 = arith.constant 0 : i32
        %dma_wait3A_111 = tpu.memref_slice %arg2[%add3A_67, %dma_wait3A_110] : memref<2560x128xi32, #tpu.memory_space<hbm>> -> memref<40x128xi32, #tpu.memory_space<hbm>>
        tpu.wait_dma2 semaphore(%run_scoped3A_103 : memref<!tpu.dma_semaphore, #tpu.memory_space<semaphore_mem>>) src(%dma_wait3A_111 : memref<40x128xi32, #tpu.memory_space<hbm>>) dst(%arg8 : memref<40x128xi32, #tpu.memory_space<vmem>>)
        tpu.yield
      }) : () -> ()
      "tpu.region"() ({
        %run_scoped3A_103 = tpu.sem_alloc : memref<!tpu.dma_semaphore, #tpu.memory_space<semaphore_mem>>
        %dma_start3A_104 = arith.constant 0 : i32
        %dma_start3A_105 = tpu.memref_slice %arg3[%add3A_67, %dma_start3A_104] : memref<2560x128xi32, #tpu.memory_space<hbm>> -> memref<40x128xi32, #tpu.memory_space<hbm>>
        %dma_start3A_106 = arith.constant 0 : i32
        %dma_start3A_107 = tpu.memref_slice %arg3[%add3A_67, %dma_start3A_106] : memref<2560x128xi32, #tpu.memory_space<hbm>> -> memref<40x128xi32, #tpu.memory_space<hbm>>
        tpu.enqueue_dma source(%dma_start3A_107 : memref<40x128xi32, #tpu.memory_space<hbm>>) target(%arg9 : memref<40x128xi32, #tpu.memory_space<vmem>>) target_semaphore(%run_scoped3A_103 : memref<!tpu.dma_semaphore, #tpu.memory_space<semaphore_mem>>)
        %dma_wait3A_108 = arith.constant 0 : i32
        %dma_wait3A_109 = tpu.memref_slice %arg3[%add3A_67, %dma_wait3A_108] : memref<2560x128xi32, #tpu.memory_space<hbm>> -> memref<40x128xi32, #tpu.memory_space<hbm>>
        %dma_wait3A_110 = arith.constant 0 : i32
        %dma_wait3A_111 = tpu.memref_slice %arg3[%add3A_67, %dma_wait3A_110] : memref<2560x128xi32, #tpu.memory_space<hbm>> -> memref<40x128xi32, #tpu.memory_space<hbm>>
        tpu.wait_dma2 semaphore(%run_scoped3A_103 : memref<!tpu.dma_semaphore, #tpu.memory_space<semaphore_mem>>) src(%dma_wait3A_111 : memref<40x128xi32, #tpu.memory_space<hbm>>) dst(%arg9 : memref<40x128xi32, #tpu.memory_space<vmem>>)
        tpu.yield
      }) : () -> ()
      %dma_start3A = arith.constant 0 : i32
      %dma_start3A_68 = arith.constant 0 : i32
      %dma_start3A_69 = tpu.memref_slice %arg8[%dma_start3A, %dma_start3A_68] : memref<40x128xi32, #tpu.memory_space<vmem>> -> memref<1x128xi32, #tpu.memory_space<vmem>>
      %dma_start3A_70 = tpu.memref_squeeze %dma_start3A_69 : memref<1x128xi32, #tpu.memory_space<vmem>> -> memref<128xi32, #tpu.memory_space<vmem>>
      %dma_start3A_71 = arith.constant 0 : i32
      %dma_start3A_72 = arith.constant 0 : i32
      %dma_start3A_73 = tpu.memref_slice %arg4[%dma_start3A_71, %dma_start3A_72] : memref<20480x128xf32, #tpu.memory_space<hbm>> -> memref<20480x128xf32, #tpu.memory_space<hbm>>
      tpu.enqueue_indirect_dma source(%dma_start3A_73 : memref<20480x128xf32, #tpu.memory_space<hbm>>) target(%arg10 : memref<128x128xf32, #tpu.memory_space<vmem>>) offsets(%dma_start3A_70 : memref<128xi32, #tpu.memory_space<vmem>>) semaphore(%arg15 : memref<!tpu.dma_semaphore, #tpu.memory_space<semaphore_mem>>)
      %scan3A_74 = arith.constant 0 : i32
      %scan3A_75 = arith.constant 0 : i32
      %scan3A_76 = arith.constant 19 : i32
      %scan3A_77 = arith.addi %scan3A_75, %scan3A_76 : i32
      %scan3A_78 = arith.constant 1 : i32
      %scan3A_79 = scf.for %scan3A_103 = %scan3A_75 to %scan3A_77 step %scan3A_78 iter_args(%scan3A_104 = %scan3A_74) -> (i32)  : i32 {
        %mul3A_105 = arith.constant 2 : i32
        %mul3A_106 = arith.muli %mul3A_105, %scan3A_103 : i32
        %add3A_107 = arith.constant 1 : i32
        %add3A_108 = arith.addi %mul3A_106, %add3A_107 : i32
        %dma_start3A_109 = arith.constant 0 : i32
        %dma_start3A_110 = tpu.memref_slice %arg8[%add3A_108, %dma_start3A_109] : memref<40x128xi32, #tpu.memory_space<vmem>> -> memref<1x128xi32, #tpu.memory_space<vmem>>
        %dma_start3A_111 = tpu.memref_squeeze %dma_start3A_110 : memref<1x128xi32, #tpu.memory_space<vmem>> -> memref<128xi32, #tpu.memory_space<vmem>>
        %dma_start3A_112 = arith.constant 0 : i32
        %dma_start3A_113 = arith.constant 0 : i32
        %dma_start3A_114 = tpu.memref_slice %arg4[%dma_start3A_112, %dma_start3A_113] : memref<20480x128xf32, #tpu.memory_space<hbm>> -> memref<20480x128xf32, #tpu.memory_space<hbm>>
        tpu.enqueue_indirect_dma source(%dma_start3A_114 : memref<20480x128xf32, #tpu.memory_space<hbm>>) target(%arg11 : memref<128x128xf32, #tpu.memory_space<vmem>>) offsets(%dma_start3A_111 : memref<128xi32, #tpu.memory_space<vmem>>) semaphore(%arg16 : memref<!tpu.dma_semaphore, #tpu.memory_space<semaphore_mem>>)
        %dma_wait3A_115 = arith.constant 0 : i32
        %dma_wait3A_116 = tpu.memref_slice %arg8[%mul3A_106, %dma_wait3A_115] : memref<40x128xi32, #tpu.memory_space<vmem>> -> memref<1x128xi32, #tpu.memory_space<vmem>>
        %dma_wait3A_117 = tpu.memref_squeeze %dma_wait3A_116 : memref<1x128xi32, #tpu.memory_space<vmem>> -> memref<128xi32, #tpu.memory_space<vmem>>
        %dma_wait3A_118 = arith.constant 0 : i32
        %dma_wait3A_119 = arith.constant 0 : i32
        %dma_wait3A_120 = tpu.memref_slice %arg4[%dma_wait3A_118, %dma_wait3A_119] : memref<20480x128xf32, #tpu.memory_space<hbm>> -> memref<20480x128xf32, #tpu.memory_space<hbm>>
        tpu.wait_indirect_dma semaphore(%arg15 : memref<!tpu.dma_semaphore, #tpu.memory_space<semaphore_mem>>) src(%dma_wait3A_120 : memref<20480x128xf32, #tpu.memory_space<hbm>>) dst(%arg10 : memref<128x128xf32, #tpu.memory_space<vmem>>)
        "tpu.region"() ({
          %run_scoped3A_140 = tpu.sem_alloc : memref<!tpu.dma_semaphore, #tpu.memory_space<semaphore_mem>>
          %dma_start3A_141 = arith.constant 0 : i32
          %dma_start3A_142 = tpu.memref_slice %arg9[%mul3A_106, %dma_start3A_141] : memref<40x128xi32, #tpu.memory_space<vmem>> -> memref<1x128xi32, #tpu.memory_space<vmem>>
          %dma_start3A_143 = tpu.memref_squeeze %dma_start3A_142 : memref<1x128xi32, #tpu.memory_space<vmem>> -> memref<128xi32, #tpu.memory_space<vmem>>
          %dma_start3A_144 = arith.constant 0 : i32
          %dma_start3A_145 = arith.constant 0 : i32
          %dma_start3A_146 = tpu.memref_slice %arg14[%dma_start3A_144, %dma_start3A_145] : memref<10240x128xf32, #tpu.memory_space<vmem_shared>> -> memref<10240x128xf32, #tpu.memory_space<vmem_shared>>
          tpu.enqueue_indirect_dma source(%arg10 : memref<128x128xf32, #tpu.memory_space<vmem>>) target(%dma_start3A_146 : memref<10240x128xf32, #tpu.memory_space<vmem_shared>>) offsets(%dma_start3A_143 : memref<128xi32, #tpu.memory_space<vmem>>) semaphore(%run_scoped3A_140 : memref<!tpu.dma_semaphore, #tpu.memory_space<semaphore_mem>>) {add = true}
          %dma_wait3A_147 = arith.constant 0 : i32
          %dma_wait3A_148 = tpu.memref_slice %arg9[%mul3A_106, %dma_wait3A_147] : memref<40x128xi32, #tpu.memory_space<vmem>> -> memref<1x128xi32, #tpu.memory_space<vmem>>
          %dma_wait3A_149 = tpu.memref_squeeze %dma_wait3A_148 : memref<1x128xi32, #tpu.memory_space<vmem>> -> memref<128xi32, #tpu.memory_space<vmem>>
          %dma_wait3A_150 = arith.constant 0 : i32
          %dma_wait3A_151 = arith.constant 0 : i32
          %dma_wait3A_152 = tpu.memref_slice %arg14[%dma_wait3A_150, %dma_wait3A_151] : memref<10240x128xf32, #tpu.memory_space<vmem_shared>> -> memref<10240x128xf32, #tpu.memory_space<vmem_shared>>
          tpu.wait_indirect_dma semaphore(%run_scoped3A_140 : memref<!tpu.dma_semaphore, #tpu.memory_space<semaphore_mem>>) src(%arg10 : memref<128x128xf32, #tpu.memory_space<vmem>>) dst(%dma_wait3A_152 : memref<10240x128xf32, #tpu.memory_space<vmem_shared>>)
          tpu.yield
        }) : () -> ()
        %add3A_121 = arith.constant 2 : i32
        %add3A_122 = arith.addi %mul3A_106, %add3A_121 : i32
        %dma_start3A_123 = arith.constant 0 : i32
        %dma_start3A_124 = tpu.memref_slice %arg8[%add3A_122, %dma_start3A_123] : memref<40x128xi32, #tpu.memory_space<vmem>> -> memref<1x128xi32, #tpu.memory_space<vmem>>
        %dma_start3A_125 = tpu.memref_squeeze %dma_start3A_124 : memref<1x128xi32, #tpu.memory_space<vmem>> -> memref<128xi32, #tpu.memory_space<vmem>>
        %dma_start3A_126 = arith.constant 0 : i32
        %dma_start3A_127 = arith.constant 0 : i32
        %dma_start3A_128 = tpu.memref_slice %arg4[%dma_start3A_126, %dma_start3A_127] : memref<20480x128xf32, #tpu.memory_space<hbm>> -> memref<20480x128xf32, #tpu.memory_space<hbm>>
        tpu.enqueue_indirect_dma source(%dma_start3A_128 : memref<20480x128xf32, #tpu.memory_space<hbm>>) target(%arg10 : memref<128x128xf32, #tpu.memory_space<vmem>>) offsets(%dma_start3A_125 : memref<128xi32, #tpu.memory_space<vmem>>) semaphore(%arg15 : memref<!tpu.dma_semaphore, #tpu.memory_space<semaphore_mem>>)
        %add3A_129 = arith.constant 1 : i32
        %add3A_130 = arith.addi %mul3A_106, %add3A_129 : i32
        %dma_wait3A_131 = arith.constant 0 : i32
        %dma_wait3A_132 = tpu.memref_slice %arg8[%add3A_130, %dma_wait3A_131] : memref<40x128xi32, #tpu.memory_space<vmem>> -> memref<1x128xi32, #tpu.memory_space<vmem>>
        %dma_wait3A_133 = tpu.memref_squeeze %dma_wait3A_132 : memref<1x128xi32, #tpu.memory_space<vmem>> -> memref<128xi32, #tpu.memory_space<vmem>>
        %dma_wait3A_134 = arith.constant 0 : i32
        %dma_wait3A_135 = arith.constant 0 : i32
        %dma_wait3A_136 = tpu.memref_slice %arg4[%dma_wait3A_134, %dma_wait3A_135] : memref<20480x128xf32, #tpu.memory_space<hbm>> -> memref<20480x128xf32, #tpu.memory_space<hbm>>
        tpu.wait_indirect_dma semaphore(%arg16 : memref<!tpu.dma_semaphore, #tpu.memory_space<semaphore_mem>>) src(%dma_wait3A_136 : memref<20480x128xf32, #tpu.memory_space<hbm>>) dst(%arg11 : memref<128x128xf32, #tpu.memory_space<vmem>>)
        %add3A_137 = arith.constant 1 : i32
        %add3A_138 = arith.addi %mul3A_106, %add3A_137 : i32
        "tpu.region"() ({
          %run_scoped3A_140 = tpu.sem_alloc : memref<!tpu.dma_semaphore, #tpu.memory_space<semaphore_mem>>
          %dma_start3A_141 = arith.constant 0 : i32
          %dma_start3A_142 = tpu.memref_slice %arg9[%add3A_138, %dma_start3A_141] : memref<40x128xi32, #tpu.memory_space<vmem>> -> memref<1x128xi32, #tpu.memory_space<vmem>>
          %dma_start3A_143 = tpu.memref_squeeze %dma_start3A_142 : memref<1x128xi32, #tpu.memory_space<vmem>> -> memref<128xi32, #tpu.memory_space<vmem>>
          %dma_start3A_144 = arith.constant 0 : i32
          %dma_start3A_145 = arith.constant 0 : i32
          %dma_start3A_146 = tpu.memref_slice %arg14[%dma_start3A_144, %dma_start3A_145] : memref<10240x128xf32, #tpu.memory_space<vmem_shared>> -> memref<10240x128xf32, #tpu.memory_space<vmem_shared>>
          tpu.enqueue_indirect_dma source(%arg11 : memref<128x128xf32, #tpu.memory_space<vmem>>) target(%dma_start3A_146 : memref<10240x128xf32, #tpu.memory_space<vmem_shared>>) offsets(%dma_start3A_143 : memref<128xi32, #tpu.memory_space<vmem>>) semaphore(%run_scoped3A_140 : memref<!tpu.dma_semaphore, #tpu.memory_space<semaphore_mem>>) {add = true}
          %dma_wait3A_147 = arith.constant 0 : i32
          %dma_wait3A_148 = tpu.memref_slice %arg9[%add3A_138, %dma_wait3A_147] : memref<40x128xi32, #tpu.memory_space<vmem>> -> memref<1x128xi32, #tpu.memory_space<vmem>>
          %dma_wait3A_149 = tpu.memref_squeeze %dma_wait3A_148 : memref<1x128xi32, #tpu.memory_space<vmem>> -> memref<128xi32, #tpu.memory_space<vmem>>
          %dma_wait3A_150 = arith.constant 0 : i32
          %dma_wait3A_151 = arith.constant 0 : i32
          %dma_wait3A_152 = tpu.memref_slice %arg14[%dma_wait3A_150, %dma_wait3A_151] : memref<10240x128xf32, #tpu.memory_space<vmem_shared>> -> memref<10240x128xf32, #tpu.memory_space<vmem_shared>>
          tpu.wait_indirect_dma semaphore(%run_scoped3A_140 : memref<!tpu.dma_semaphore, #tpu.memory_space<semaphore_mem>>) src(%arg11 : memref<128x128xf32, #tpu.memory_space<vmem>>) dst(%dma_wait3A_152 : memref<10240x128xf32, #tpu.memory_space<vmem_shared>>)
          tpu.yield
        }) : () -> ()
        %scan3A_139 = arith.constant 0 : i32
        scf.yield %scan3A_139 : i32
      }
      %scan3A_80 = arith.constant 19 : i32
      %dma_start3A_81 = arith.constant 39 : i32
      %dma_start3A_82 = arith.constant 0 : i32
      %dma_start3A_83 = tpu.memref_slice %arg8[%dma_start3A_81, %dma_start3A_82] : memref<40x128xi32, #tpu.memory_space<vmem>> -> memref<1x128xi32, #tpu.memory_space<vmem>>
      %dma_start3A_84 = tpu.memref_squeeze %dma_start3A_83 : memref<1x128xi32, #tpu.memory_space<vmem>> -> memref<128xi32, #tpu.memory_space<vmem>>
      %dma_start3A_85 = arith.constant 0 : i32
      %dma_start3A_86 = arith.constant 0 : i32
      %dma_start3A_87 = tpu.memref_slice %arg4[%dma_start3A_85, %dma_start3A_86] : memref<20480x128xf32, #tpu.memory_space<hbm>> -> memref<20480x128xf32, #tpu.memory_space<hbm>>
      tpu.enqueue_indirect_dma source(%dma_start3A_87 : memref<20480x128xf32, #tpu.memory_space<hbm>>) target(%arg11 : memref<128x128xf32, #tpu.memory_space<vmem>>) offsets(%dma_start3A_84 : memref<128xi32, #tpu.memory_space<vmem>>) semaphore(%arg16 : memref<!tpu.dma_semaphore, #tpu.memory_space<semaphore_mem>>)
      %dma_wait3A = arith.constant 38 : i32
      %dma_wait3A_88 = arith.constant 0 : i32
      %dma_wait3A_89 = tpu.memref_slice %arg8[%dma_wait3A, %dma_wait3A_88] : memref<40x128xi32, #tpu.memory_space<vmem>> -> memref<1x128xi32, #tpu.memory_space<vmem>>
      %dma_wait3A_90 = tpu.memref_squeeze %dma_wait3A_89 : memref<1x128xi32, #tpu.memory_space<vmem>> -> memref<128xi32, #tpu.memory_space<vmem>>
      %dma_wait3A_91 = arith.constant 0 : i32
      %dma_wait3A_92 = arith.constant 0 : i32
      %dma_wait3A_93 = tpu.memref_slice %arg4[%dma_wait3A_91, %dma_wait3A_92] : memref<20480x128xf32, #tpu.memory_space<hbm>> -> memref<20480x128xf32, #tpu.memory_space<hbm>>
      tpu.wait_indirect_dma semaphore(%arg15 : memref<!tpu.dma_semaphore, #tpu.memory_space<semaphore_mem>>) src(%dma_wait3A_93 : memref<20480x128xf32, #tpu.memory_space<hbm>>) dst(%arg10 : memref<128x128xf32, #tpu.memory_space<vmem>>)
      %run_scoped3A = arith.constant 38 : i32
      "tpu.region"() ({
        %run_scoped3A_103 = tpu.sem_alloc : memref<!tpu.dma_semaphore, #tpu.memory_space<semaphore_mem>>
        %dma_start3A_104 = arith.constant 0 : i32
        %dma_start3A_105 = tpu.memref_slice %arg9[%run_scoped3A, %dma_start3A_104] : memref<40x128xi32, #tpu.memory_space<vmem>> -> memref<1x128xi32, #tpu.memory_space<vmem>>
        %dma_start3A_106 = tpu.memref_squeeze %dma_start3A_105 : memref<1x128xi32, #tpu.memory_space<vmem>> -> memref<128xi32, #tpu.memory_space<vmem>>
        %dma_start3A_107 = arith.constant 0 : i32
        %dma_start3A_108 = arith.constant 0 : i32
        %dma_start3A_109 = tpu.memref_slice %arg14[%dma_start3A_107, %dma_start3A_108] : memref<10240x128xf32, #tpu.memory_space<vmem_shared>> -> memref<10240x128xf32, #tpu.memory_space<vmem_shared>>
        tpu.enqueue_indirect_dma source(%arg10 : memref<128x128xf32, #tpu.memory_space<vmem>>) target(%dma_start3A_109 : memref<10240x128xf32, #tpu.memory_space<vmem_shared>>) offsets(%dma_start3A_106 : memref<128xi32, #tpu.memory_space<vmem>>) semaphore(%run_scoped3A_103 : memref<!tpu.dma_semaphore, #tpu.memory_space<semaphore_mem>>) {add = true}
        %dma_wait3A_110 = arith.constant 0 : i32
        %dma_wait3A_111 = tpu.memref_slice %arg9[%run_scoped3A, %dma_wait3A_110] : memref<40x128xi32, #tpu.memory_space<vmem>> -> memref<1x128xi32, #tpu.memory_space<vmem>>
        %dma_wait3A_112 = tpu.memref_squeeze %dma_wait3A_111 : memref<1x128xi32, #tpu.memory_space<vmem>> -> memref<128xi32, #tpu.memory_space<vmem>>
        %dma_wait3A_113 = arith.constant 0 : i32
        %dma_wait3A_114 = arith.constant 0 : i32
        %dma_wait3A_115 = tpu.memref_slice %arg14[%dma_wait3A_113, %dma_wait3A_114] : memref<10240x128xf32, #tpu.memory_space<vmem_shared>> -> memref<10240x128xf32, #tpu.memory_space<vmem_shared>>
        tpu.wait_indirect_dma semaphore(%run_scoped3A_103 : memref<!tpu.dma_semaphore, #tpu.memory_space<semaphore_mem>>) src(%arg10 : memref<128x128xf32, #tpu.memory_space<vmem>>) dst(%dma_wait3A_115 : memref<10240x128xf32, #tpu.memory_space<vmem_shared>>)
        tpu.yield
      }) : () -> ()
      %dma_wait3A_94 = arith.constant 39 : i32
      %dma_wait3A_95 = arith.constant 0 : i32
      %dma_wait3A_96 = tpu.memref_slice %arg8[%dma_wait3A_94, %dma_wait3A_95] : memref<40x128xi32, #tpu.memory_space<vmem>> -> memref<1x128xi32, #tpu.memory_space<vmem>>
      %dma_wait3A_97 = tpu.memref_squeeze %dma_wait3A_96 : memref<1x128xi32, #tpu.memory_space<vmem>> -> memref<128xi32, #tpu.memory_space<vmem>>
      %dma_wait3A_98 = arith.constant 0 : i32
      %dma_wait3A_99 = arith.constant 0 : i32
      %dma_wait3A_100 = tpu.memref_slice %arg4[%dma_wait3A_98, %dma_wait3A_99] : memref<20480x128xf32, #tpu.memory_space<hbm>> -> memref<20480x128xf32, #tpu.memory_space<hbm>>
      tpu.wait_indirect_dma semaphore(%arg16 : memref<!tpu.dma_semaphore, #tpu.memory_space<semaphore_mem>>) src(%dma_wait3A_100 : memref<20480x128xf32, #tpu.memory_space<hbm>>) dst(%arg11 : memref<128x128xf32, #tpu.memory_space<vmem>>)
      %run_scoped3A_101 = arith.constant 39 : i32
      "tpu.region"() ({
        %run_scoped3A_103 = tpu.sem_alloc : memref<!tpu.dma_semaphore, #tpu.memory_space<semaphore_mem>>
        %dma_start3A_104 = arith.constant 0 : i32
        %dma_start3A_105 = tpu.memref_slice %arg9[%run_scoped3A_101, %dma_start3A_104] : memref<40x128xi32, #tpu.memory_space<vmem>> -> memref<1x128xi32, #tpu.memory_space<vmem>>
        %dma_start3A_106 = tpu.memref_squeeze %dma_start3A_105 : memref<1x128xi32, #tpu.memory_space<vmem>> -> memref<128xi32, #tpu.memory_space<vmem>>
        %dma_start3A_107 = arith.constant 0 : i32
        %dma_start3A_108 = arith.constant 0 : i32
        %dma_start3A_109 = tpu.memref_slice %arg14[%dma_start3A_107, %dma_start3A_108] : memref<10240x128xf32, #tpu.memory_space<vmem_shared>> -> memref<10240x128xf32, #tpu.memory_space<vmem_shared>>
        tpu.enqueue_indirect_dma source(%arg11 : memref<128x128xf32, #tpu.memory_space<vmem>>) target(%dma_start3A_109 : memref<10240x128xf32, #tpu.memory_space<vmem_shared>>) offsets(%dma_start3A_106 : memref<128xi32, #tpu.memory_space<vmem>>) semaphore(%run_scoped3A_103 : memref<!tpu.dma_semaphore, #tpu.memory_space<semaphore_mem>>) {add = true}
        %dma_wait3A_110 = arith.constant 0 : i32
        %dma_wait3A_111 = tpu.memref_slice %arg9[%run_scoped3A_101, %dma_wait3A_110] : memref<40x128xi32, #tpu.memory_space<vmem>> -> memref<1x128xi32, #tpu.memory_space<vmem>>
        %dma_wait3A_112 = tpu.memref_squeeze %dma_wait3A_111 : memref<1x128xi32, #tpu.memory_space<vmem>> -> memref<128xi32, #tpu.memory_space<vmem>>
        %dma_wait3A_113 = arith.constant 0 : i32
        %dma_wait3A_114 = arith.constant 0 : i32
        %dma_wait3A_115 = tpu.memref_slice %arg14[%dma_wait3A_113, %dma_wait3A_114] : memref<10240x128xf32, #tpu.memory_space<vmem_shared>> -> memref<10240x128xf32, #tpu.memory_space<vmem_shared>>
        tpu.wait_indirect_dma semaphore(%run_scoped3A_103 : memref<!tpu.dma_semaphore, #tpu.memory_space<semaphore_mem>>) src(%arg11 : memref<128x128xf32, #tpu.memory_space<vmem>>) dst(%dma_wait3A_115 : memref<10240x128xf32, #tpu.memory_space<vmem_shared>>)
        tpu.yield
      }) : () -> ()
      %scan3A_102 = arith.constant 0 : i32
      scf.yield %scan3A_102 : i32
    }
    %scan3A_11 = arith.constant 2 : i32
    %barrier3A_12 = arith.constant 0 : index
    tpu.barrier barrier_id(%barrier3A_12)
    "tpu.region"() ({
      %run_scoped3A = tpu.sem_alloc : memref<!tpu.dma_semaphore, #tpu.memory_space<semaphore_mem>>
      tpu.enqueue_dma source(%arg6 : memref<128xf32, #tpu.memory_space<hbm>>) target(%arg13 : memref<128xf32, #tpu.memory_space<vmem>>) target_semaphore(%run_scoped3A : memref<!tpu.dma_semaphore, #tpu.memory_space<semaphore_mem>>)
      tpu.wait_dma2 semaphore(%run_scoped3A : memref<!tpu.dma_semaphore, #tpu.memory_space<semaphore_mem>>) src(%arg6 : memref<128xf32, #tpu.memory_space<hbm>>) dst(%arg13 : memref<128xf32, #tpu.memory_space<vmem>>)
      tpu.yield
    }) : () -> ()
    %eq3A = arith.constant 0 : i32
    %eq3A_13 = arith.cmpi eq, %arg0, %eq3A : i32
    %jit3A = arith.constant 1.000000e+00 : f32
    %jit3A_14 = arith.constant 0.000000e+00 : f32
    %select_n3A = arith.select %eq3A_13, %jit3A, %jit3A_14 : f32
    %get3A = arith.constant 0 : index
    %get3A_15 = tpu.vector_load %arg13[%get3A] {strides = array<i32>} : memref<128xf32, #tpu.memory_space<vmem>>, vector<16xf32>,
    %get3A_16 = vector.shape_cast %get3A_15 : vector<16xf32> to vector<16xf32>
    %mul3A_17 = vector.broadcast %select_n3A : f32 to vector<16xf32>
    %mul3A_18 = arith.mulf %get3A_16, %mul3A_17 : vector<16xf32>
    %get3A_19 = arith.constant 16 : index
    %get3A_20 = tpu.vector_load %arg13[%get3A_19] {strides = array<i32>} : memref<128xf32, #tpu.memory_space<vmem>>, vector<16xf32>,
    %get3A_21 = vector.shape_cast %get3A_20 : vector<16xf32> to vector<16xf32>
    %mul3A_22 = vector.broadcast %select_n3A : f32 to vector<16xf32>
    %mul3A_23 = arith.mulf %get3A_21, %mul3A_22 : vector<16xf32>
    %get3A_24 = arith.constant 32 : index
    %get3A_25 = tpu.vector_load %arg13[%get3A_24] {strides = array<i32>} : memref<128xf32, #tpu.memory_space<vmem>>, vector<16xf32>,
    %get3A_26 = vector.shape_cast %get3A_25 : vector<16xf32> to vector<16xf32>
    %mul3A_27 = vector.broadcast %select_n3A : f32 to vector<16xf32>
    %mul3A_28 = arith.mulf %get3A_26, %mul3A_27 : vector<16xf32>
    %get3A_29 = arith.constant 48 : index
    %get3A_30 = tpu.vector_load %arg13[%get3A_29] {strides = array<i32>} : memref<128xf32, #tpu.memory_space<vmem>>, vector<16xf32>,
    %get3A_31 = vector.shape_cast %get3A_30 : vector<16xf32> to vector<16xf32>
    %mul3A_32 = vector.broadcast %select_n3A : f32 to vector<16xf32>
    %mul3A_33 = arith.mulf %get3A_31, %mul3A_32 : vector<16xf32>
    %get3A_34 = arith.constant 64 : index
    %get3A_35 = tpu.vector_load %arg13[%get3A_34] {strides = array<i32>} : memref<128xf32, #tpu.memory_space<vmem>>, vector<16xf32>,
    %get3A_36 = vector.shape_cast %get3A_35 : vector<16xf32> to vector<16xf32>
    %mul3A_37 = vector.broadcast %select_n3A : f32 to vector<16xf32>
    %mul3A_38 = arith.mulf %get3A_36, %mul3A_37 : vector<16xf32>
    %get3A_39 = arith.constant 80 : index
    %get3A_40 = tpu.vector_load %arg13[%get3A_39] {strides = array<i32>} : memref<128xf32, #tpu.memory_space<vmem>>, vector<16xf32>,
    %get3A_41 = vector.shape_cast %get3A_40 : vector<16xf32> to vector<16xf32>
    %mul3A_42 = vector.broadcast %select_n3A : f32 to vector<16xf32>
    %mul3A_43 = arith.mulf %get3A_41, %mul3A_42 : vector<16xf32>
    %get3A_44 = arith.constant 96 : index
    %get3A_45 = tpu.vector_load %arg13[%get3A_44] {strides = array<i32>} : memref<128xf32, #tpu.memory_space<vmem>>, vector<16xf32>,
    %get3A_46 = vector.shape_cast %get3A_45 : vector<16xf32> to vector<16xf32>
    %mul3A_47 = vector.broadcast %select_n3A : f32 to vector<16xf32>
    %mul3A_48 = arith.mulf %get3A_46, %mul3A_47 : vector<16xf32>
    %get3A_49 = arith.constant 112 : index
    %get3A_50 = tpu.vector_load %arg13[%get3A_49] {strides = array<i32>} : memref<128xf32, #tpu.memory_space<vmem>>, vector<16xf32>,
    %get3A_51 = vector.shape_cast %get3A_50 : vector<16xf32> to vector<16xf32>
    %mul3A_52 = vector.broadcast %select_n3A : f32 to vector<16xf32>
    %mul3A_53 = arith.mulf %get3A_51, %mul3A_52 : vector<16xf32>
    %scan3A_54 = arith.constant 0 : i32
    %scan3A_55 = arith.constant 0 : i32
    %scan3A_56 = arith.constant 5 : i32
    %scan3A_57 = arith.addi %scan3A_55, %scan3A_56 : i32
    %scan3A_58 = arith.constant 1 : i32
    %scan3A_59 = scf.for %scan3A_61 = %scan3A_55 to %scan3A_57 step %scan3A_58 iter_args(%scan3A_62 = %scan3A_54) -> (i32)  : i32 {
      %mul3A_63 = arith.constant 128 : i32
      %mul3A_64 = arith.muli %scan3A_61, %mul3A_63 : i32
      %add3A_65 = arith.addi %mul3A_2, %mul3A_64 : i32
      "tpu.region"() ({
        %run_scoped3A = tpu.sem_alloc : memref<!tpu.dma_semaphore, #tpu.memory_space<semaphore_mem>>
        %dma_start3A = arith.constant 0 : i32
        %dma_start3A_77 = tpu.memref_slice %arg14[%add3A_65, %dma_start3A] : memref<10240x128xf32, #tpu.memory_space<vmem_shared>> -> memref<128x128xf32, #tpu.memory_space<vmem_shared>>
        %dma_start3A_78 = arith.constant 0 : i32
        %dma_start3A_79 = tpu.memref_slice %arg14[%add3A_65, %dma_start3A_78] : memref<10240x128xf32, #tpu.memory_space<vmem_shared>> -> memref<128x128xf32, #tpu.memory_space<vmem_shared>>
        tpu.enqueue_dma source(%dma_start3A_79 : memref<128x128xf32, #tpu.memory_space<vmem_shared>>) target(%arg10 : memref<128x128xf32, #tpu.memory_space<vmem>>) target_semaphore(%run_scoped3A : memref<!tpu.dma_semaphore, #tpu.memory_space<semaphore_mem>>)
        %dma_wait3A = arith.constant 0 : i32
        %dma_wait3A_80 = tpu.memref_slice %arg14[%add3A_65, %dma_wait3A] : memref<10240x128xf32, #tpu.memory_space<vmem_shared>> -> memref<128x128xf32, #tpu.memory_space<vmem_shared>>
        %dma_wait3A_81 = arith.constant 0 : i32
        %dma_wait3A_82 = tpu.memref_slice %arg14[%add3A_65, %dma_wait3A_81] : memref<10240x128xf32, #tpu.memory_space<vmem_shared>> -> memref<128x128xf32, #tpu.memory_space<vmem_shared>>
        tpu.wait_dma2 semaphore(%run_scoped3A : memref<!tpu.dma_semaphore, #tpu.memory_space<semaphore_mem>>) src(%dma_wait3A_82 : memref<128x128xf32, #tpu.memory_space<vmem_shared>>) dst(%arg10 : memref<128x128xf32, #tpu.memory_space<vmem>>)
        tpu.yield
      }) : () -> ()
      "tpu.region"() ({
        %run_scoped3A = tpu.sem_alloc : memref<!tpu.dma_semaphore, #tpu.memory_space<semaphore_mem>>
        %dma_start3A = tpu.memref_slice %arg5[%add3A_65] : memref<10240xf32, #tpu.memory_space<hbm>> -> memref<128xf32, #tpu.memory_space<hbm>>
        %dma_start3A_77 = tpu.memref_slice %arg5[%add3A_65] : memref<10240xf32, #tpu.memory_space<hbm>> -> memref<128xf32, #tpu.memory_space<hbm>>
        tpu.enqueue_dma source(%dma_start3A_77 : memref<128xf32, #tpu.memory_space<hbm>>) target(%arg12 : memref<128xf32, #tpu.memory_space<vmem>>) target_semaphore(%run_scoped3A : memref<!tpu.dma_semaphore, #tpu.memory_space<semaphore_mem>>)
        %dma_wait3A = tpu.memref_slice %arg5[%add3A_65] : memref<10240xf32, #tpu.memory_space<hbm>> -> memref<128xf32, #tpu.memory_space<hbm>>
        %dma_wait3A_78 = tpu.memref_slice %arg5[%add3A_65] : memref<10240xf32, #tpu.memory_space<hbm>> -> memref<128xf32, #tpu.memory_space<hbm>>
        tpu.wait_dma2 semaphore(%run_scoped3A : memref<!tpu.dma_semaphore, #tpu.memory_space<semaphore_mem>>) src(%dma_wait3A_78 : memref<128xf32, #tpu.memory_space<hbm>>) dst(%arg12 : memref<128xf32, #tpu.memory_space<vmem>>)
        tpu.yield
      }) : () -> ()
      %scan3A_66 = arith.constant 0 : i32
      %scan3A_67 = arith.constant 0 : i32
      %scan3A_68 = arith.constant 8 : i32
      %scan3A_69 = arith.addi %scan3A_67, %scan3A_68 : i32
      %scan3A_70 = arith.constant 1 : i32
      %scan3A_71 = scf.for %scan3A_77 = %scan3A_67 to %scan3A_69 step %scan3A_70 iter_args(%scan3A_78 = %scan3A_66) -> (i32)  : i32 {
        %mul3A_79 = arith.constant 16 : i32
        %mul3A_80 = arith.muli %scan3A_77, %mul3A_79 : i32
        %get3A_81 = arith.index_cast %mul3A_80 : i32 to index
        %get3A_82 = tpu.vector_load %arg12[%get3A_81] {strides = array<i32>} : memref<128xf32, #tpu.memory_space<vmem>>, vector<16xf32>,
        %get3A_83 = vector.shape_cast %get3A_82 : vector<16xf32> to vector<16xf32>
        %mul3A_84 = arith.constant 16 : i32
        %mul3A_85 = arith.muli %scan3A_77, %mul3A_84 : i32
        %add3A_86 = arith.constant 0 : i32
        %add3A_87 = arith.addi %mul3A_85, %add3A_86 : i32
        %slice3A = vector.extract_strided_slice %get3A_83 {offsets = [0], sizes = [1], strides = [1]} : vector<16xf32> to vector<1xf32>
        %squeeze3A = vector.extract %slice3A[0] : f32 from vector<1xf32>
        %get3A_88 = arith.index_cast %add3A_87 : i32 to index
        %get3A_89 = arith.constant 0 : index
        %get3A_90 = tpu.vector_load %arg10[%get3A_88, %get3A_89] {strides = array<i32>} : memref<128x128xf32, #tpu.memory_space<vmem>>, vector<1x16xf32>,
        %get3A_91 = vector.shape_cast %get3A_90 : vector<1x16xf32> to vector<16xf32>
        %mul3A_92 = vector.broadcast %squeeze3A : f32 to vector<16xf32>
        %mul3A_93 = arith.mulf %get3A_91, %mul3A_92 : vector<16xf32>
        %add3A_94 = arith.addf %mul3A_93, %mul3A_18 : vector<16xf32>
        %swap3A = arith.index_cast %add3A_87 : i32 to index
        %swap3A_95 = arith.constant 0 : index
        %swap3A_96 = tpu.vector_load %arg10[%swap3A, %swap3A_95] {strides = array<i32>} : memref<128x128xf32, #tpu.memory_space<vmem>>, vector<1x16xf32>,
        %swap3A_97 = vector.shape_cast %swap3A_96 : vector<1x16xf32> to vector<16xf32>
        %swap3A_98 = vector.shape_cast %add3A_94 : vector<16xf32> to vector<1x16xf32>
        tpu.vector_store %arg10[%swap3A, %swap3A_95], %swap3A_98 {strides = array<i32>} : memref<128x128xf32, #tpu.memory_space<vmem>>, vector<1x16xf32>,
        %get3A_99 = arith.index_cast %add3A_87 : i32 to index
        %get3A_100 = arith.constant 16 : index
        %get3A_101 = tpu.vector_load %arg10[%get3A_99, %get3A_100] {strides = array<i32>} : memref<128x128xf32, #tpu.memory_space<vmem>>, vector<1x16xf32>,
        %get3A_102 = vector.shape_cast %get3A_101 : vector<1x16xf32> to vector<16xf32>
        %mul3A_103 = vector.broadcast %squeeze3A : f32 to vector<16xf32>
        %mul3A_104 = arith.mulf %get3A_102, %mul3A_103 : vector<16xf32>
        %add3A_105 = arith.addf %mul3A_104, %mul3A_23 : vector<16xf32>
        %swap3A_106 = arith.index_cast %add3A_87 : i32 to index
        %swap3A_107 = arith.constant 16 : index
        %swap3A_108 = tpu.vector_load %arg10[%swap3A_106, %swap3A_107] {strides = array<i32>} : memref<128x128xf32, #tpu.memory_space<vmem>>, vector<1x16xf32>,
        %swap3A_109 = vector.shape_cast %swap3A_108 : vector<1x16xf32> to vector<16xf32>
        %swap3A_110 = vector.shape_cast %add3A_105 : vector<16xf32> to vector<1x16xf32>
        tpu.vector_store %arg10[%swap3A_106, %swap3A_107], %swap3A_110 {strides = array<i32>} : memref<128x128xf32, #tpu.memory_space<vmem>>, vector<1x16xf32>,
        %get3A_111 = arith.index_cast %add3A_87 : i32 to index
        %get3A_112 = arith.constant 32 : index
        %get3A_113 = tpu.vector_load %arg10[%get3A_111, %get3A_112] {strides = array<i32>} : memref<128x128xf32, #tpu.memory_space<vmem>>, vector<1x16xf32>,
        %get3A_114 = vector.shape_cast %get3A_113 : vector<1x16xf32> to vector<16xf32>
        %mul3A_115 = vector.broadcast %squeeze3A : f32 to vector<16xf32>
        %mul3A_116 = arith.mulf %get3A_114, %mul3A_115 : vector<16xf32>
        %add3A_117 = arith.addf %mul3A_116, %mul3A_28 : vector<16xf32>
        %swap3A_118 = arith.index_cast %add3A_87 : i32 to index
        %swap3A_119 = arith.constant 32 : index
        %swap3A_120 = tpu.vector_load %arg10[%swap3A_118, %swap3A_119] {strides = array<i32>} : memref<128x128xf32, #tpu.memory_space<vmem>>, vector<1x16xf32>,
        %swap3A_121 = vector.shape_cast %swap3A_120 : vector<1x16xf32> to vector<16xf32>
        %swap3A_122 = vector.shape_cast %add3A_117 : vector<16xf32> to vector<1x16xf32>
        tpu.vector_store %arg10[%swap3A_118, %swap3A_119], %swap3A_122 {strides = array<i32>} : memref<128x128xf32, #tpu.memory_space<vmem>>, vector<1x16xf32>,
        %get3A_123 = arith.index_cast %add3A_87 : i32 to index
        %get3A_124 = arith.constant 48 : index
        %get3A_125 = tpu.vector_load %arg10[%get3A_123, %get3A_124] {strides = array<i32>} : memref<128x128xf32, #tpu.memory_space<vmem>>, vector<1x16xf32>,
        %get3A_126 = vector.shape_cast %get3A_125 : vector<1x16xf32> to vector<16xf32>
        %mul3A_127 = vector.broadcast %squeeze3A : f32 to vector<16xf32>
        %mul3A_128 = arith.mulf %get3A_126, %mul3A_127 : vector<16xf32>
        %add3A_129 = arith.addf %mul3A_128, %mul3A_33 : vector<16xf32>
        %swap3A_130 = arith.index_cast %add3A_87 : i32 to index
        %swap3A_131 = arith.constant 48 : index
        %swap3A_132 = tpu.vector_load %arg10[%swap3A_130, %swap3A_131] {strides = array<i32>} : memref<128x128xf32, #tpu.memory_space<vmem>>, vector<1x16xf32>,
        %swap3A_133 = vector.shape_cast %swap3A_132 : vector<1x16xf32> to vector<16xf32>
        %swap3A_134 = vector.shape_cast %add3A_129 : vector<16xf32> to vector<1x16xf32>
        tpu.vector_store %arg10[%swap3A_130, %swap3A_131], %swap3A_134 {strides = array<i32>} : memref<128x128xf32, #tpu.memory_space<vmem>>, vector<1x16xf32>,
        %get3A_135 = arith.index_cast %add3A_87 : i32 to index
        %get3A_136 = arith.constant 64 : index
        %get3A_137 = tpu.vector_load %arg10[%get3A_135, %get3A_136] {strides = array<i32>} : memref<128x128xf32, #tpu.memory_space<vmem>>, vector<1x16xf32>,
        %get3A_138 = vector.shape_cast %get3A_137 : vector<1x16xf32> to vector<16xf32>
        %mul3A_139 = vector.broadcast %squeeze3A : f32 to vector<16xf32>
        %mul3A_140 = arith.mulf %get3A_138, %mul3A_139 : vector<16xf32>
        %add3A_141 = arith.addf %mul3A_140, %mul3A_38 : vector<16xf32>
        %swap3A_142 = arith.index_cast %add3A_87 : i32 to index
        %swap3A_143 = arith.constant 64 : index
        %swap3A_144 = tpu.vector_load %arg10[%swap3A_142, %swap3A_143] {strides = array<i32>} : memref<128x128xf32, #tpu.memory_space<vmem>>, vector<1x16xf32>,
        %swap3A_145 = vector.shape_cast %swap3A_144 : vector<1x16xf32> to vector<16xf32>
        %swap3A_146 = vector.shape_cast %add3A_141 : vector<16xf32> to vector<1x16xf32>
        tpu.vector_store %arg10[%swap3A_142, %swap3A_143], %swap3A_146 {strides = array<i32>} : memref<128x128xf32, #tpu.memory_space<vmem>>, vector<1x16xf32>,
        %get3A_147 = arith.index_cast %add3A_87 : i32 to index
        %get3A_148 = arith.constant 80 : index
        %get3A_149 = tpu.vector_load %arg10[%get3A_147, %get3A_148] {strides = array<i32>} : memref<128x128xf32, #tpu.memory_space<vmem>>, vector<1x16xf32>,
        %get3A_150 = vector.shape_cast %get3A_149 : vector<1x16xf32> to vector<16xf32>
        %mul3A_151 = vector.broadcast %squeeze3A : f32 to vector<16xf32>
        %mul3A_152 = arith.mulf %get3A_150, %mul3A_151 : vector<16xf32>
        %add3A_153 = arith.addf %mul3A_152, %mul3A_43 : vector<16xf32>
        %swap3A_154 = arith.index_cast %add3A_87 : i32 to index
        %swap3A_155 = arith.constant 80 : index
        %swap3A_156 = tpu.vector_load %arg10[%swap3A_154, %swap3A_155] {strides = array<i32>} : memref<128x128xf32, #tpu.memory_space<vmem>>, vector<1x16xf32>,
        %swap3A_157 = vector.shape_cast %swap3A_156 : vector<1x16xf32> to vector<16xf32>
        %swap3A_158 = vector.shape_cast %add3A_153 : vector<16xf32> to vector<1x16xf32>
        tpu.vector_store %arg10[%swap3A_154, %swap3A_155], %swap3A_158 {strides = array<i32>} : memref<128x128xf32, #tpu.memory_space<vmem>>, vector<1x16xf32>,
        %get3A_159 = arith.index_cast %add3A_87 : i32 to index
        %get3A_160 = arith.constant 96 : index
        %get3A_161 = tpu.vector_load %arg10[%get3A_159, %get3A_160] {strides = array<i32>} : memref<128x128xf32, #tpu.memory_space<vmem>>, vector<1x16xf32>,
        %get3A_162 = vector.shape_cast %get3A_161 : vector<1x16xf32> to vector<16xf32>
        %mul3A_163 = vector.broadcast %squeeze3A : f32 to vector<16xf32>
        %mul3A_164 = arith.mulf %get3A_162, %mul3A_163 : vector<16xf32>
        %add3A_165 = arith.addf %mul3A_164, %mul3A_48 : vector<16xf32>
        %swap3A_166 = arith.index_cast %add3A_87 : i32 to index
        %swap3A_167 = arith.constant 96 : index
        %swap3A_168 = tpu.vector_load %arg10[%swap3A_166, %swap3A_167] {strides = array<i32>} : memref<128x128xf32, #tpu.memory_space<vmem>>, vector<1x16xf32>,
        %swap3A_169 = vector.shape_cast %swap3A_168 : vector<1x16xf32> to vector<16xf32>
        %swap3A_170 = vector.shape_cast %add3A_165 : vector<16xf32> to vector<1x16xf32>
        tpu.vector_store %arg10[%swap3A_166, %swap3A_167], %swap3A_170 {strides = array<i32>} : memref<128x128xf32, #tpu.memory_space<vmem>>, vector<1x16xf32>,
        %get3A_171 = arith.index_cast %add3A_87 : i32 to index
        %get3A_172 = arith.constant 112 : index
        %get3A_173 = tpu.vector_load %arg10[%get3A_171, %get3A_172] {strides = array<i32>} : memref<128x128xf32, #tpu.memory_space<vmem>>, vector<1x16xf32>,
        %get3A_174 = vector.shape_cast %get3A_173 : vector<1x16xf32> to vector<16xf32>
        %mul3A_175 = vector.broadcast %squeeze3A : f32 to vector<16xf32>
        %mul3A_176 = arith.mulf %get3A_174, %mul3A_175 : vector<16xf32>
        %add3A_177 = arith.addf %mul3A_176, %mul3A_53 : vector<16xf32>
        %swap3A_178 = arith.index_cast %add3A_87 : i32 to index
        %swap3A_179 = arith.constant 112 : index
        %swap3A_180 = tpu.vector_load %arg10[%swap3A_178, %swap3A_179] {strides = array<i32>} : memref<128x128xf32, #tpu.memory_space<vmem>>, vector<1x16xf32>,
        %swap3A_181 = vector.shape_cast %swap3A_180 : vector<1x16xf32> to vector<16xf32>
        %swap3A_182 = vector.shape_cast %add3A_177 : vector<16xf32> to vector<1x16xf32>
        tpu.vector_store %arg10[%swap3A_178, %swap3A_179], %swap3A_182 {strides = array<i32>} : memref<128x128xf32, #tpu.memory_space<vmem>>, vector<1x16xf32>,
        %mul3A_183 = arith.constant 16 : i32
        %mul3A_184 = arith.muli %scan3A_77, %mul3A_183 : i32
        %add3A_185 = arith.constant 1 : i32
        %add3A_186 = arith.addi %mul3A_184, %add3A_185 : i32
        %slice3A_187 = vector.extract_strided_slice %get3A_83 {offsets = [1], sizes = [1], strides = [1]} : vector<16xf32> to vector<1xf32>
        %squeeze3A_188 = vector.extract %slice3A_187[0] : f32 from vector<1xf32>
        %get3A_189 = arith.index_cast %add3A_186 : i32 to index
        %get3A_190 = arith.constant 0 : index
        %get3A_191 = tpu.vector_load %arg10[%get3A_189, %get3A_190] {strides = array<i32>} : memref<128x128xf32, #tpu.memory_space<vmem>>, vector<1x16xf32>,
        %get3A_192 = vector.shape_cast %get3A_191 : vector<1x16xf32> to vector<16xf32>
        %mul3A_193 = vector.broadcast %squeeze3A_188 : f32 to vector<16xf32>
        %mul3A_194 = arith.mulf %get3A_192, %mul3A_193 : vector<16xf32>
        %add3A_195 = arith.addf %mul3A_194, %mul3A_18 : vector<16xf32>
        %swap3A_196 = arith.index_cast %add3A_186 : i32 to index
        %swap3A_197 = arith.constant 0 : index
        %swap3A_198 = tpu.vector_load %arg10[%swap3A_196, %swap3A_197] {strides = array<i32>} : memref<128x128xf32, #tpu.memory_space<vmem>>, vector<1x16xf32>,
        %swap3A_199 = vector.shape_cast %swap3A_198 : vector<1x16xf32> to vector<16xf32>
        %swap3A_200 = vector.shape_cast %add3A_195 : vector<16xf32> to vector<1x16xf32>
        tpu.vector_store %arg10[%swap3A_196, %swap3A_197], %swap3A_200 {strides = array<i32>} : memref<128x128xf32, #tpu.memory_space<vmem>>, vector<1x16xf32>,
        %get3A_201 = arith.index_cast %add3A_186 : i32 to index
        %get3A_202 = arith.constant 16 : index
        %get3A_203 = tpu.vector_load %arg10[%get3A_201, %get3A_202] {strides = array<i32>} : memref<128x128xf32, #tpu.memory_space<vmem>>, vector<1x16xf32>,
        %get3A_204 = vector.shape_cast %get3A_203 : vector<1x16xf32> to vector<16xf32>
        %mul3A_205 = vector.broadcast %squeeze3A_188 : f32 to vector<16xf32>
        %mul3A_206 = arith.mulf %get3A_204, %mul3A_205 : vector<16xf32>
        %add3A_207 = arith.addf %mul3A_206, %mul3A_23 : vector<16xf32>
        %swap3A_208 = arith.index_cast %add3A_186 : i32 to index
        %swap3A_209 = arith.constant 16 : index
        %swap3A_210 = tpu.vector_load %arg10[%swap3A_208, %swap3A_209] {strides = array<i32>} : memref<128x128xf32, #tpu.memory_space<vmem>>, vector<1x16xf32>,
        %swap3A_211 = vector.shape_cast %swap3A_210 : vector<1x16xf32> to vector<16xf32>
        %swap3A_212 = vector.shape_cast %add3A_207 : vector<16xf32> to vector<1x16xf32>
        tpu.vector_store %arg10[%swap3A_208, %swap3A_209], %swap3A_212 {strides = array<i32>} : memref<128x128xf32, #tpu.memory_space<vmem>>, vector<1x16xf32>,
        %get3A_213 = arith.index_cast %add3A_186 : i32 to index
        %get3A_214 = arith.constant 32 : index
        %get3A_215 = tpu.vector_load %arg10[%get3A_213, %get3A_214] {strides = array<i32>} : memref<128x128xf32, #tpu.memory_space<vmem>>, vector<1x16xf32>,
        %get3A_216 = vector.shape_cast %get3A_215 : vector<1x16xf32> to vector<16xf32>
        %mul3A_217 = vector.broadcast %squeeze3A_188 : f32 to vector<16xf32>
        %mul3A_218 = arith.mulf %get3A_216, %mul3A_217 : vector<16xf32>
        %add3A_219 = arith.addf %mul3A_218, %mul3A_28 : vector<16xf32>
        %swap3A_220 = arith.index_cast %add3A_186 : i32 to index
        %swap3A_221 = arith.constant 32 : index
        %swap3A_222 = tpu.vector_load %arg10[%swap3A_220, %swap3A_221] {strides = array<i32>} : memref<128x128xf32, #tpu.memory_space<vmem>>, vector<1x16xf32>,
        %swap3A_223 = vector.shape_cast %swap3A_222 : vector<1x16xf32> to vector<16xf32>
        %swap3A_224 = vector.shape_cast %add3A_219 : vector<16xf32> to vector<1x16xf32>
        tpu.vector_store %arg10[%swap3A_220, %swap3A_221], %swap3A_224 {strides = array<i32>} : memref<128x128xf32, #tpu.memory_space<vmem>>, vector<1x16xf32>,
        %get3A_225 = arith.index_cast %add3A_186 : i32 to index
        %get3A_226 = arith.constant 48 : index
        %get3A_227 = tpu.vector_load %arg10[%get3A_225, %get3A_226] {strides = array<i32>} : memref<128x128xf32, #tpu.memory_space<vmem>>, vector<1x16xf32>,
        %get3A_228 = vector.shape_cast %get3A_227 : vector<1x16xf32> to vector<16xf32>
        %mul3A_229 = vector.broadcast %squeeze3A_188 : f32 to vector<16xf32>
        %mul3A_230 = arith.mulf %get3A_228, %mul3A_229 : vector<16xf32>
        %add3A_231 = arith.addf %mul3A_230, %mul3A_33 : vector<16xf32>
        %swap3A_232 = arith.index_cast %add3A_186 : i32 to index
        %swap3A_233 = arith.constant 48 : index
        %swap3A_234 = tpu.vector_load %arg10[%swap3A_232, %swap3A_233] {strides = array<i32>} : memref<128x128xf32, #tpu.memory_space<vmem>>, vector<1x16xf32>,
        %swap3A_235 = vector.shape_cast %swap3A_234 : vector<1x16xf32> to vector<16xf32>
        %swap3A_236 = vector.shape_cast %add3A_231 : vector<16xf32> to vector<1x16xf32>
        tpu.vector_store %arg10[%swap3A_232, %swap3A_233], %swap3A_236 {strides = array<i32>} : memref<128x128xf32, #tpu.memory_space<vmem>>, vector<1x16xf32>,
        %get3A_237 = arith.index_cast %add3A_186 : i32 to index
        %get3A_238 = arith.constant 64 : index
        %get3A_239 = tpu.vector_load %arg10[%get3A_237, %get3A_238] {strides = array<i32>} : memref<128x128xf32, #tpu.memory_space<vmem>>, vector<1x16xf32>,
        %get3A_240 = vector.shape_cast %get3A_239 : vector<1x16xf32> to vector<16xf32>
        %mul3A_241 = vector.broadcast %squeeze3A_188 : f32 to vector<16xf32>
        %mul3A_242 = arith.mulf %get3A_240, %mul3A_241 : vector<16xf32>
        %add3A_243 = arith.addf %mul3A_242, %mul3A_38 : vector<16xf32>
        %swap3A_244 = arith.index_cast %add3A_186 : i32 to index
        %swap3A_245 = arith.constant 64 : index
        %swap3A_246 = tpu.vector_load %arg10[%swap3A_244, %swap3A_245] {strides = array<i32>} : memref<128x128xf32, #tpu.memory_space<vmem>>, vector<1x16xf32>,
        %swap3A_247 = vector.shape_cast %swap3A_246 : vector<1x16xf32> to vector<16xf32>
        %swap3A_248 = vector.shape_cast %add3A_243 : vector<16xf32> to vector<1x16xf32>
        tpu.vector_store %arg10[%swap3A_244, %swap3A_245], %swap3A_248 {strides = array<i32>} : memref<128x128xf32, #tpu.memory_space<vmem>>, vector<1x16xf32>,
        %get3A_249 = arith.index_cast %add3A_186 : i32 to index
        %get3A_250 = arith.constant 80 : index
        %get3A_251 = tpu.vector_load %arg10[%get3A_249, %get3A_250] {strides = array<i32>} : memref<128x128xf32, #tpu.memory_space<vmem>>, vector<1x16xf32>,
        %get3A_252 = vector.shape_cast %get3A_251 : vector<1x16xf32> to vector<16xf32>
        %mul3A_253 = vector.broadcast %squeeze3A_188 : f32 to vector<16xf32>
        %mul3A_254 = arith.mulf %get3A_252, %mul3A_253 : vector<16xf32>
        %add3A_255 = arith.addf %mul3A_254, %mul3A_43 : vector<16xf32>
        %swap3A_256 = arith.index_cast %add3A_186 : i32 to index
        %swap3A_257 = arith.constant 80 : index
        %swap3A_258 = tpu.vector_load %arg10[%swap3A_256, %swap3A_257] {strides = array<i32>} : memref<128x128xf32, #tpu.memory_space<vmem>>, vector<1x16xf32>,
        %swap3A_259 = vector.shape_cast %swap3A_258 : vector<1x16xf32> to vector<16xf32>
        %swap3A_260 = vector.shape_cast %add3A_255 : vector<16xf32> to vector<1x16xf32>
        tpu.vector_store %arg10[%swap3A_256, %swap3A_257], %swap3A_260 {strides = array<i32>} : memref<128x128xf32, #tpu.memory_space<vmem>>, vector<1x16xf32>,
        %get3A_261 = arith.index_cast %add3A_186 : i32 to index
        %get3A_262 = arith.constant 96 : index
        %get3A_263 = tpu.vector_load %arg10[%get3A_261, %get3A_262] {strides = array<i32>} : memref<128x128xf32, #tpu.memory_space<vmem>>, vector<1x16xf32>,
        %get3A_264 = vector.shape_cast %get3A_263 : vector<1x16xf32> to vector<16xf32>
        %mul3A_265 = vector.broadcast %squeeze3A_188 : f32 to vector<16xf32>
        %mul3A_266 = arith.mulf %get3A_264, %mul3A_265 : vector<16xf32>
        %add3A_267 = arith.addf %mul3A_266, %mul3A_48 : vector<16xf32>
        %swap3A_268 = arith.index_cast %add3A_186 : i32 to index
        %swap3A_269 = arith.constant 96 : index
        %swap3A_270 = tpu.vector_load %arg10[%swap3A_268, %swap3A_269] {strides = array<i32>} : memref<128x128xf32, #tpu.memory_space<vmem>>, vector<1x16xf32>,
        %swap3A_271 = vector.shape_cast %swap3A_270 : vector<1x16xf32> to vector<16xf32>
        %swap3A_272 = vector.shape_cast %add3A_267 : vector<16xf32> to vector<1x16xf32>
        tpu.vector_store %arg10[%swap3A_268, %swap3A_269], %swap3A_272 {strides = array<i32>} : memref<128x128xf32, #tpu.memory_space<vmem>>, vector<1x16xf32>,
        %get3A_273 = arith.index_cast %add3A_186 : i32 to index
        %get3A_274 = arith.constant 112 : index
        %get3A_275 = tpu.vector_load %arg10[%get3A_273, %get3A_274] {strides = array<i32>} : memref<128x128xf32, #tpu.memory_space<vmem>>, vector<1x16xf32>,
        %get3A_276 = vector.shape_cast %get3A_275 : vector<1x16xf32> to vector<16xf32>
        %mul3A_277 = vector.broadcast %squeeze3A_188 : f32 to vector<16xf32>
        %mul3A_278 = arith.mulf %get3A_276, %mul3A_277 : vector<16xf32>
        %add3A_279 = arith.addf %mul3A_278, %mul3A_53 : vector<16xf32>
        %swap3A_280 = arith.index_cast %add3A_186 : i32 to index
        %swap3A_281 = arith.constant 112 : index
        %swap3A_282 = tpu.vector_load %arg10[%swap3A_280, %swap3A_281] {strides = array<i32>} : memref<128x128xf32, #tpu.memory_space<vmem>>, vector<1x16xf32>,
        %swap3A_283 = vector.shape_cast %swap3A_282 : vector<1x16xf32> to vector<16xf32>
        %swap3A_284 = vector.shape_cast %add3A_279 : vector<16xf32> to vector<1x16xf32>
        tpu.vector_store %arg10[%swap3A_280, %swap3A_281], %swap3A_284 {strides = array<i32>} : memref<128x128xf32, #tpu.memory_space<vmem>>, vector<1x16xf32>,
        %mul3A_285 = arith.constant 16 : i32
        %mul3A_286 = arith.muli %scan3A_77, %mul3A_285 : i32
        %add3A_287 = arith.constant 2 : i32
        %add3A_288 = arith.addi %mul3A_286, %add3A_287 : i32
        %slice3A_289 = vector.extract_strided_slice %get3A_83 {offsets = [2], sizes = [1], strides = [1]} : vector<16xf32> to vector<1xf32>
        %squeeze3A_290 = vector.extract %slice3A_289[0] : f32 from vector<1xf32>
        %get3A_291 = arith.index_cast %add3A_288 : i32 to index
        %get3A_292 = arith.constant 0 : index
        %get3A_293 = tpu.vector_load %arg10[%get3A_291, %get3A_292] {strides = array<i32>} : memref<128x128xf32, #tpu.memory_space<vmem>>, vector<1x16xf32>,
        %get3A_294 = vector.shape_cast %get3A_293 : vector<1x16xf32> to vector<16xf32>
        %mul3A_295 = vector.broadcast %squeeze3A_290 : f32 to vector<16xf32>
        %mul3A_296 = arith.mulf %get3A_294, %mul3A_295 : vector<16xf32>
        %add3A_297 = arith.addf %mul3A_296, %mul3A_18 : vector<16xf32>
        %swap3A_298 = arith.index_cast %add3A_288 : i32 to index
        %swap3A_299 = arith.constant 0 : index
        %swap3A_300 = tpu.vector_load %arg10[%swap3A_298, %swap3A_299] {strides = array<i32>} : memref<128x128xf32, #tpu.memory_space<vmem>>, vector<1x16xf32>,
        %swap3A_301 = vector.shape_cast %swap3A_300 : vector<1x16xf32> to vector<16xf32>
        %swap3A_302 = vector.shape_cast %add3A_297 : vector<16xf32> to vector<1x16xf32>
        tpu.vector_store %arg10[%swap3A_298, %swap3A_299], %swap3A_302 {strides = array<i32>} : memref<128x128xf32, #tpu.memory_space<vmem>>, vector<1x16xf32>,
        %get3A_303 = arith.index_cast %add3A_288 : i32 to index
        %get3A_304 = arith.constant 16 : index
        %get3A_305 = tpu.vector_load %arg10[%get3A_303, %get3A_304] {strides = array<i32>} : memref<128x128xf32, #tpu.memory_space<vmem>>, vector<1x16xf32>,
        %get3A_306 = vector.shape_cast %get3A_305 : vector<1x16xf32> to vector<16xf32>
        %mul3A_307 = vector.broadcast %squeeze3A_290 : f32 to vector<16xf32>
        %mul3A_308 = arith.mulf %get3A_306, %mul3A_307 : vector<16xf32>
        %add3A_309 = arith.addf %mul3A_308, %mul3A_23 : vector<16xf32>
        %swap3A_310 = arith.index_cast %add3A_288 : i32 to index
        %swap3A_311 = arith.constant 16 : index
        %swap3A_312 = tpu.vector_load %arg10[%swap3A_310, %swap3A_311] {strides = array<i32>} : memref<128x128xf32, #tpu.memory_space<vmem>>, vector<1x16xf32>,
        %swap3A_313 = vector.shape_cast %swap3A_312 : vector<1x16xf32> to vector<16xf32>
        %swap3A_314 = vector.shape_cast %add3A_309 : vector<16xf32> to vector<1x16xf32>
        tpu.vector_store %arg10[%swap3A_310, %swap3A_311], %swap3A_314 {strides = array<i32>} : memref<128x128xf32, #tpu.memory_space<vmem>>, vector<1x16xf32>,
        %get3A_315 = arith.index_cast %add3A_288 : i32 to index
        %get3A_316 = arith.constant 32 : index
        %get3A_317 = tpu.vector_load %arg10[%get3A_315, %get3A_316] {strides = array<i32>} : memref<128x128xf32, #tpu.memory_space<vmem>>, vector<1x16xf32>,
        %get3A_318 = vector.shape_cast %get3A_317 : vector<1x16xf32> to vector<16xf32>
        %mul3A_319 = vector.broadcast %squeeze3A_290 : f32 to vector<16xf32>
        %mul3A_320 = arith.mulf %get3A_318, %mul3A_319 : vector<16xf32>
        %add3A_321 = arith.addf %mul3A_320, %mul3A_28 : vector<16xf32>
        %swap3A_322 = arith.index_cast %add3A_288 : i32 to index
        %swap3A_323 = arith.constant 32 : index
        %swap3A_324 = tpu.vector_load %arg10[%swap3A_322, %swap3A_323] {strides = array<i32>} : memref<128x128xf32, #tpu.memory_space<vmem>>, vector<1x16xf32>,
        %swap3A_325 = vector.shape_cast %swap3A_324 : vector<1x16xf32> to vector<16xf32>
        %swap3A_326 = vector.shape_cast %add3A_321 : vector<16xf32> to vector<1x16xf32>
        tpu.vector_store %arg10[%swap3A_322, %swap3A_323], %swap3A_326 {strides = array<i32>} : memref<128x128xf32, #tpu.memory_space<vmem>>, vector<1x16xf32>,
        %get3A_327 = arith.index_cast %add3A_288 : i32 to index
        %get3A_328 = arith.constant 48 : index
        %get3A_329 = tpu.vector_load %arg10[%get3A_327, %get3A_328] {strides = array<i32>} : memref<128x128xf32, #tpu.memory_space<vmem>>, vector<1x16xf32>,
        %get3A_330 = vector.shape_cast %get3A_329 : vector<1x16xf32> to vector<16xf32>
        %mul3A_331 = vector.broadcast %squeeze3A_290 : f32 to vector<16xf32>
        %mul3A_332 = arith.mulf %get3A_330, %mul3A_331 : vector<16xf32>
        %add3A_333 = arith.addf %mul3A_332, %mul3A_33 : vector<16xf32>
        %swap3A_334 = arith.index_cast %add3A_288 : i32 to index
        %swap3A_335 = arith.constant 48 : index
        %swap3A_336 = tpu.vector_load %arg10[%swap3A_334, %swap3A_335] {strides = array<i32>} : memref<128x128xf32, #tpu.memory_space<vmem>>, vector<1x16xf32>,
        %swap3A_337 = vector.shape_cast %swap3A_336 : vector<1x16xf32> to vector<16xf32>
        %swap3A_338 = vector.shape_cast %add3A_333 : vector<16xf32> to vector<1x16xf32>
        tpu.vector_store %arg10[%swap3A_334, %swap3A_335], %swap3A_338 {strides = array<i32>} : memref<128x128xf32, #tpu.memory_space<vmem>>, vector<1x16xf32>,
        %get3A_339 = arith.index_cast %add3A_288 : i32 to index
        %get3A_340 = arith.constant 64 : index
        %get3A_341 = tpu.vector_load %arg10[%get3A_339, %get3A_340] {strides = array<i32>} : memref<128x128xf32, #tpu.memory_space<vmem>>, vector<1x16xf32>,
        %get3A_342 = vector.shape_cast %get3A_341 : vector<1x16xf32> to vector<16xf32>
        %mul3A_343 = vector.broadcast %squeeze3A_290 : f32 to vector<16xf32>
        %mul3A_344 = arith.mulf %get3A_342, %mul3A_343 : vector<16xf32>
        %add3A_345 = arith.addf %mul3A_344, %mul3A_38 : vector<16xf32>
        %swap3A_346 = arith.index_cast %add3A_288 : i32 to index
        %swap3A_347 = arith.constant 64 : index
        %swap3A_348 = tpu.vector_load %arg10[%swap3A_346, %swap3A_347] {strides = array<i32>} : memref<128x128xf32, #tpu.memory_space<vmem>>, vector<1x16xf32>,
        %swap3A_349 = vector.shape_cast %swap3A_348 : vector<1x16xf32> to vector<16xf32>
        %swap3A_350 = vector.shape_cast %add3A_345 : vector<16xf32> to vector<1x16xf32>
        tpu.vector_store %arg10[%swap3A_346, %swap3A_347], %swap3A_350 {strides = array<i32>} : memref<128x128xf32, #tpu.memory_space<vmem>>, vector<1x16xf32>,
        %get3A_351 = arith.index_cast %add3A_288 : i32 to index
        %get3A_352 = arith.constant 80 : index
        %get3A_353 = tpu.vector_load %arg10[%get3A_351, %get3A_352] {strides = array<i32>} : memref<128x128xf32, #tpu.memory_space<vmem>>, vector<1x16xf32>,
        %get3A_354 = vector.shape_cast %get3A_353 : vector<1x16xf32> to vector<16xf32>
        %mul3A_355 = vector.broadcast %squeeze3A_290 : f32 to vector<16xf32>
        %mul3A_356 = arith.mulf %get3A_354, %mul3A_355 : vector<16xf32>
        %add3A_357 = arith.addf %mul3A_356, %mul3A_43 : vector<16xf32>
        %swap3A_358 = arith.index_cast %add3A_288 : i32 to index
        %swap3A_359 = arith.constant 80 : index
        %swap3A_360 = tpu.vector_load %arg10[%swap3A_358, %swap3A_359] {strides = array<i32>} : memref<128x128xf32, #tpu.memory_space<vmem>>, vector<1x16xf32>,
        %swap3A_361 = vector.shape_cast %swap3A_360 : vector<1x16xf32> to vector<16xf32>
        %swap3A_362 = vector.shape_cast %add3A_357 : vector<16xf32> to vector<1x16xf32>
        tpu.vector_store %arg10[%swap3A_358, %swap3A_359], %swap3A_362 {strides = array<i32>} : memref<128x128xf32, #tpu.memory_space<vmem>>, vector<1x16xf32>,
        %get3A_363 = arith.index_cast %add3A_288 : i32 to index
        %get3A_364 = arith.constant 96 : index
        %get3A_365 = tpu.vector_load %arg10[%get3A_363, %get3A_364] {strides = array<i32>} : memref<128x128xf32, #tpu.memory_space<vmem>>, vector<1x16xf32>,
        %get3A_366 = vector.shape_cast %get3A_365 : vector<1x16xf32> to vector<16xf32>
        %mul3A_367 = vector.broadcast %squeeze3A_290 : f32 to vector<16xf32>
        %mul3A_368 = arith.mulf %get3A_366, %mul3A_367 : vector<16xf32>
        %add3A_369 = arith.addf %mul3A_368, %mul3A_48 : vector<16xf32>
        %swap3A_370 = arith.index_cast %add3A_288 : i32 to index
        %swap3A_371 = arith.constant 96 : index
        %swap3A_372 = tpu.vector_load %arg10[%swap3A_370, %swap3A_371] {strides = array<i32>} : memref<128x128xf32, #tpu.memory_space<vmem>>, vector<1x16xf32>,
        %swap3A_373 = vector.shape_cast %swap3A_372 : vector<1x16xf32> to vector<16xf32>
        %swap3A_374 = vector.shape_cast %add3A_369 : vector<16xf32> to vector<1x16xf32>
        tpu.vector_store %arg10[%swap3A_370, %swap3A_371], %swap3A_374 {strides = array<i32>} : memref<128x128xf32, #tpu.memory_space<vmem>>, vector<1x16xf32>,
        %get3A_375 = arith.index_cast %add3A_288 : i32 to index
        %get3A_376 = arith.constant 112 : index
        %get3A_377 = tpu.vector_load %arg10[%get3A_375, %get3A_376] {strides = array<i32>} : memref<128x128xf32, #tpu.memory_space<vmem>>, vector<1x16xf32>,
        %get3A_378 = vector.shape_cast %get3A_377 : vector<1x16xf32> to vector<16xf32>
        %mul3A_379 = vector.broadcast %squeeze3A_290 : f32 to vector<16xf32>
        %mul3A_380 = arith.mulf %get3A_378, %mul3A_379 : vector<16xf32>
        %add3A_381 = arith.addf %mul3A_380, %mul3A_53 : vector<16xf32>
        %swap3A_382 = arith.index_cast %add3A_288 : i32 to index
        %swap3A_383 = arith.constant 112 : index
        %swap3A_384 = tpu.vector_load %arg10[%swap3A_382, %swap3A_383] {strides = array<i32>} : memref<128x128xf32, #tpu.memory_space<vmem>>, vector<1x16xf32>,
        %swap3A_385 = vector.shape_cast %swap3A_384 : vector<1x16xf32> to vector<16xf32>
        %swap3A_386 = vector.shape_cast %add3A_381 : vector<16xf32> to vector<1x16xf32>
        tpu.vector_store %arg10[%swap3A_382, %swap3A_383], %swap3A_386 {strides = array<i32>} : memref<128x128xf32, #tpu.memory_space<vmem>>, vector<1x16xf32>,
        %mul3A_387 = arith.constant 16 : i32
        %mul3A_388 = arith.muli %scan3A_77, %mul3A_387 : i32
        %add3A_389 = arith.constant 3 : i32
        %add3A_390 = arith.addi %mul3A_388, %add3A_389 : i32
        %slice3A_391 = vector.extract_strided_slice %get3A_83 {offsets = [3], sizes = [1], strides = [1]} : vector<16xf32> to vector<1xf32>
        %squeeze3A_392 = vector.extract %slice3A_391[0] : f32 from vector<1xf32>
        %get3A_393 = arith.index_cast %add3A_390 : i32 to index
        %get3A_394 = arith.constant 0 : index
        %get3A_395 = tpu.vector_load %arg10[%get3A_393, %get3A_394] {strides = array<i32>} : memref<128x128xf32, #tpu.memory_space<vmem>>, vector<1x16xf32>,
        %get3A_396 = vector.shape_cast %get3A_395 : vector<1x16xf32> to vector<16xf32>
        %mul3A_397 = vector.broadcast %squeeze3A_392 : f32 to vector<16xf32>
        %mul3A_398 = arith.mulf %get3A_396, %mul3A_397 : vector<16xf32>
        %add3A_399 = arith.addf %mul3A_398, %mul3A_18 : vector<16xf32>
        %swap3A_400 = arith.index_cast %add3A_390 : i32 to index
        %swap3A_401 = arith.constant 0 : index
        %swap3A_402 = tpu.vector_load %arg10[%swap3A_400, %swap3A_401] {strides = array<i32>} : memref<128x128xf32, #tpu.memory_space<vmem>>, vector<1x16xf32>,
        %swap3A_403 = vector.shape_cast %swap3A_402 : vector<1x16xf32> to vector<16xf32>
        %swap3A_404 = vector.shape_cast %add3A_399 : vector<16xf32> to vector<1x16xf32>
        tpu.vector_store %arg10[%swap3A_400, %swap3A_401], %swap3A_404 {strides = array<i32>} : memref<128x128xf32, #tpu.memory_space<vmem>>, vector<1x16xf32>,
        %get3A_405 = arith.index_cast %add3A_390 : i32 to index
        %get3A_406 = arith.constant 16 : index
        %get3A_407 = tpu.vector_load %arg10[%get3A_405, %get3A_406] {strides = array<i32>} : memref<128x128xf32, #tpu.memory_space<vmem>>, vector<1x16xf32>,
        %get3A_408 = vector.shape_cast %get3A_407 : vector<1x16xf32> to vector<16xf32>
        %mul3A_409 = vector.broadcast %squeeze3A_392 : f32 to vector<16xf32>
        %mul3A_410 = arith.mulf %get3A_408, %mul3A_409 : vector<16xf32>
        %add3A_411 = arith.addf %mul3A_410, %mul3A_23 : vector<16xf32>
        %swap3A_412 = arith.index_cast %add3A_390 : i32 to index
        %swap3A_413 = arith.constant 16 : index
        %swap3A_414 = tpu.vector_load %arg10[%swap3A_412, %swap3A_413] {strides = array<i32>} : memref<128x128xf32, #tpu.memory_space<vmem>>, vector<1x16xf32>,
        %swap3A_415 = vector.shape_cast %swap3A_414 : vector<1x16xf32> to vector<16xf32>
        %swap3A_416 = vector.shape_cast %add3A_411 : vector<16xf32> to vector<1x16xf32>
        tpu.vector_store %arg10[%swap3A_412, %swap3A_413], %swap3A_416 {strides = array<i32>} : memref<128x128xf32, #tpu.memory_space<vmem>>, vector<1x16xf32>,
        %get3A_417 = arith.index_cast %add3A_390 : i32 to index
        %get3A_418 = arith.constant 32 : index
        %get3A_419 = tpu.vector_load %arg10[%get3A_417, %get3A_418] {strides = array<i32>} : memref<128x128xf32, #tpu.memory_space<vmem>>, vector<1x16xf32>,
        %get3A_420 = vector.shape_cast %get3A_419 : vector<1x16xf32> to vector<16xf32>
        %mul3A_421 = vector.broadcast %squeeze3A_392 : f32 to vector<16xf32>
        %mul3A_422 = arith.mulf %get3A_420, %mul3A_421 : vector<16xf32>
        %add3A_423 = arith.addf %mul3A_422, %mul3A_28 : vector<16xf32>
        %swap3A_424 = arith.index_cast %add3A_390 : i32 to index
        %swap3A_425 = arith.constant 32 : index
        %swap3A_426 = tpu.vector_load %arg10[%swap3A_424, %swap3A_425] {strides = array<i32>} : memref<128x128xf32, #tpu.memory_space<vmem>>, vector<1x16xf32>,
        %swap3A_427 = vector.shape_cast %swap3A_426 : vector<1x16xf32> to vector<16xf32>
        %swap3A_428 = vector.shape_cast %add3A_423 : vector<16xf32> to vector<1x16xf32>
        tpu.vector_store %arg10[%swap3A_424, %swap3A_425], %swap3A_428 {strides = array<i32>} : memref<128x128xf32, #tpu.memory_space<vmem>>, vector<1x16xf32>,
        %get3A_429 = arith.index_cast %add3A_390 : i32 to index
        %get3A_430 = arith.constant 48 : index
        %get3A_431 = tpu.vector_load %arg10[%get3A_429, %get3A_430] {strides = array<i32>} : memref<128x128xf32, #tpu.memory_space<vmem>>, vector<1x16xf32>,
        %get3A_432 = vector.shape_cast %get3A_431 : vector<1x16xf32> to vector<16xf32>
        %mul3A_433 = vector.broadcast %squeeze3A_392 : f32 to vector<16xf32>
        %mul3A_434 = arith.mulf %get3A_432, %mul3A_433 : vector<16xf32>
        %add3A_435 = arith.addf %mul3A_434, %mul3A_33 : vector<16xf32>
        %swap3A_436 = arith.index_cast %add3A_390 : i32 to index
        %swap3A_437 = arith.constant 48 : index
        %swap3A_438 = tpu.vector_load %arg10[%swap3A_436, %swap3A_437] {strides = array<i32>} : memref<128x128xf32, #tpu.memory_space<vmem>>, vector<1x16xf32>,
        %swap3A_439 = vector.shape_cast %swap3A_438 : vector<1x16xf32> to vector<16xf32>
        %swap3A_440 = vector.shape_cast %add3A_435 : vector<16xf32> to vector<1x16xf32>
        tpu.vector_store %arg10[%swap3A_436, %swap3A_437], %swap3A_440 {strides = array<i32>} : memref<128x128xf32, #tpu.memory_space<vmem>>, vector<1x16xf32>,
        %get3A_441 = arith.index_cast %add3A_390 : i32 to index
        %get3A_442 = arith.constant 64 : index
        %get3A_443 = tpu.vector_load %arg10[%get3A_441, %get3A_442] {strides = array<i32>} : memref<128x128xf32, #tpu.memory_space<vmem>>, vector<1x16xf32>,
        %get3A_444 = vector.shape_cast %get3A_443 : vector<1x16xf32> to vector<16xf32>
        %mul3A_445 = vector.broadcast %squeeze3A_392 : f32 to vector<16xf32>
        %mul3A_446 = arith.mulf %get3A_444, %mul3A_445 : vector<16xf32>
        %add3A_447 = arith.addf %mul3A_446, %mul3A_38 : vector<16xf32>
        %swap3A_448 = arith.index_cast %add3A_390 : i32 to index
        %swap3A_449 = arith.constant 64 : index
        %swap3A_450 = tpu.vector_load %arg10[%swap3A_448, %swap3A_449] {strides = array<i32>} : memref<128x128xf32, #tpu.memory_space<vmem>>, vector<1x16xf32>,
        %swap3A_451 = vector.shape_cast %swap3A_450 : vector<1x16xf32> to vector<16xf32>
        %swap3A_452 = vector.shape_cast %add3A_447 : vector<16xf32> to vector<1x16xf32>
        tpu.vector_store %arg10[%swap3A_448, %swap3A_449], %swap3A_452 {strides = array<i32>} : memref<128x128xf32, #tpu.memory_space<vmem>>, vector<1x16xf32>,
        %get3A_453 = arith.index_cast %add3A_390 : i32 to index
        %get3A_454 = arith.constant 80 : index
        %get3A_455 = tpu.vector_load %arg10[%get3A_453, %get3A_454] {strides = array<i32>} : memref<128x128xf32, #tpu.memory_space<vmem>>, vector<1x16xf32>,
        %get3A_456 = vector.shape_cast %get3A_455 : vector<1x16xf32> to vector<16xf32>
        %mul3A_457 = vector.broadcast %squeeze3A_392 : f32 to vector<16xf32>
        %mul3A_458 = arith.mulf %get3A_456, %mul3A_457 : vector<16xf32>
        %add3A_459 = arith.addf %mul3A_458, %mul3A_43 : vector<16xf32>
        %swap3A_460 = arith.index_cast %add3A_390 : i32 to index
        %swap3A_461 = arith.constant 80 : index
        %swap3A_462 = tpu.vector_load %arg10[%swap3A_460, %swap3A_461] {strides = array<i32>} : memref<128x128xf32, #tpu.memory_space<vmem>>, vector<1x16xf32>,
        %swap3A_463 = vector.shape_cast %swap3A_462 : vector<1x16xf32> to vector<16xf32>
        %swap3A_464 = vector.shape_cast %add3A_459 : vector<16xf32> to vector<1x16xf32>
        tpu.vector_store %arg10[%swap3A_460, %swap3A_461], %swap3A_464 {strides = array<i32>} : memref<128x128xf32, #tpu.memory_space<vmem>>, vector<1x16xf32>,
        %get3A_465 = arith.index_cast %add3A_390 : i32 to index
        %get3A_466 = arith.constant 96 : index
        %get3A_467 = tpu.vector_load %arg10[%get3A_465, %get3A_466] {strides = array<i32>} : memref<128x128xf32, #tpu.memory_space<vmem>>, vector<1x16xf32>,
        %get3A_468 = vector.shape_cast %get3A_467 : vector<1x16xf32> to vector<16xf32>
        %mul3A_469 = vector.broadcast %squeeze3A_392 : f32 to vector<16xf32>
        %mul3A_470 = arith.mulf %get3A_468, %mul3A_469 : vector<16xf32>
        %add3A_471 = arith.addf %mul3A_470, %mul3A_48 : vector<16xf32>
        %swap3A_472 = arith.index_cast %add3A_390 : i32 to index
        %swap3A_473 = arith.constant 96 : index
        %swap3A_474 = tpu.vector_load %arg10[%swap3A_472, %swap3A_473] {strides = array<i32>} : memref<128x128xf32, #tpu.memory_space<vmem>>, vector<1x16xf32>,
        %swap3A_475 = vector.shape_cast %swap3A_474 : vector<1x16xf32> to vector<16xf32>
        %swap3A_476 = vector.shape_cast %add3A_471 : vector<16xf32> to vector<1x16xf32>
        tpu.vector_store %arg10[%swap3A_472, %swap3A_473], %swap3A_476 {strides = array<i32>} : memref<128x128xf32, #tpu.memory_space<vmem>>, vector<1x16xf32>,
        %get3A_477 = arith.index_cast %add3A_390 : i32 to index
        %get3A_478 = arith.constant 112 : index
        %get3A_479 = tpu.vector_load %arg10[%get3A_477, %get3A_478] {strides = array<i32>} : memref<128x128xf32, #tpu.memory_space<vmem>>, vector<1x16xf32>,
        %get3A_480 = vector.shape_cast %get3A_479 : vector<1x16xf32> to vector<16xf32>
        %mul3A_481 = vector.broadcast %squeeze3A_392 : f32 to vector<16xf32>
        %mul3A_482 = arith.mulf %get3A_480, %mul3A_481 : vector<16xf32>
        %add3A_483 = arith.addf %mul3A_482, %mul3A_53 : vector<16xf32>
        %swap3A_484 = arith.index_cast %add3A_390 : i32 to index
        %swap3A_485 = arith.constant 112 : index
        %swap3A_486 = tpu.vector_load %arg10[%swap3A_484, %swap3A_485] {strides = array<i32>} : memref<128x128xf32, #tpu.memory_space<vmem>>, vector<1x16xf32>,
        %swap3A_487 = vector.shape_cast %swap3A_486 : vector<1x16xf32> to vector<16xf32>
        %swap3A_488 = vector.shape_cast %add3A_483 : vector<16xf32> to vector<1x16xf32>
        tpu.vector_store %arg10[%swap3A_484, %swap3A_485], %swap3A_488 {strides = array<i32>} : memref<128x128xf32, #tpu.memory_space<vmem>>, vector<1x16xf32>,
        %mul3A_489 = arith.constant 16 : i32
        %mul3A_490 = arith.muli %scan3A_77, %mul3A_489 : i32
        %add3A_491 = arith.constant 4 : i32
        %add3A_492 = arith.addi %mul3A_490, %add3A_491 : i32
        %slice3A_493 = vector.extract_strided_slice %get3A_83 {offsets = [4], sizes = [1], strides = [1]} : vector<16xf32> to vector<1xf32>
        %squeeze3A_494 = vector.extract %slice3A_493[0] : f32 from vector<1xf32>
        %get3A_495 = arith.index_cast %add3A_492 : i32 to index
        %get3A_496 = arith.constant 0 : index
        %get3A_497 = tpu.vector_load %arg10[%get3A_495, %get3A_496] {strides = array<i32>} : memref<128x128xf32, #tpu.memory_space<vmem>>, vector<1x16xf32>,
        %get3A_498 = vector.shape_cast %get3A_497 : vector<1x16xf32> to vector<16xf32>
        %mul3A_499 = vector.broadcast %squeeze3A_494 : f32 to vector<16xf32>
        %mul3A_500 = arith.mulf %get3A_498, %mul3A_499 : vector<16xf32>
        %add3A_501 = arith.addf %mul3A_500, %mul3A_18 : vector<16xf32>
        %swap3A_502 = arith.index_cast %add3A_492 : i32 to index
        %swap3A_503 = arith.constant 0 : index
        %swap3A_504 = tpu.vector_load %arg10[%swap3A_502, %swap3A_503] {strides = array<i32>} : memref<128x128xf32, #tpu.memory_space<vmem>>, vector<1x16xf32>,
        %swap3A_505 = vector.shape_cast %swap3A_504 : vector<1x16xf32> to vector<16xf32>
        %swap3A_506 = vector.shape_cast %add3A_501 : vector<16xf32> to vector<1x16xf32>
        tpu.vector_store %arg10[%swap3A_502, %swap3A_503], %swap3A_506 {strides = array<i32>} : memref<128x128xf32, #tpu.memory_space<vmem>>, vector<1x16xf32>,
        %get3A_507 = arith.index_cast %add3A_492 : i32 to index
        %get3A_508 = arith.constant 16 : index
        %get3A_509 = tpu.vector_load %arg10[%get3A_507, %get3A_508] {strides = array<i32>} : memref<128x128xf32, #tpu.memory_space<vmem>>, vector<1x16xf32>,
        %get3A_510 = vector.shape_cast %get3A_509 : vector<1x16xf32> to vector<16xf32>
        %mul3A_511 = vector.broadcast %squeeze3A_494 : f32 to vector<16xf32>
        %mul3A_512 = arith.mulf %get3A_510, %mul3A_511 : vector<16xf32>
        %add3A_513 = arith.addf %mul3A_512, %mul3A_23 : vector<16xf32>
        %swap3A_514 = arith.index_cast %add3A_492 : i32 to index
        %swap3A_515 = arith.constant 16 : index
        %swap3A_516 = tpu.vector_load %arg10[%swap3A_514, %swap3A_515] {strides = array<i32>} : memref<128x128xf32, #tpu.memory_space<vmem>>, vector<1x16xf32>,
        %swap3A_517 = vector.shape_cast %swap3A_516 : vector<1x16xf32> to vector<16xf32>
        %swap3A_518 = vector.shape_cast %add3A_513 : vector<16xf32> to vector<1x16xf32>
        tpu.vector_store %arg10[%swap3A_514, %swap3A_515], %swap3A_518 {strides = array<i32>} : memref<128x128xf32, #tpu.memory_space<vmem>>, vector<1x16xf32>,
        %get3A_519 = arith.index_cast %add3A_492 : i32 to index
        %get3A_520 = arith.constant 32 : index
        %get3A_521 = tpu.vector_load %arg10[%get3A_519, %get3A_520] {strides = array<i32>} : memref<128x128xf32, #tpu.memory_space<vmem>>, vector<1x16xf32>,
        %get3A_522 = vector.shape_cast %get3A_521 : vector<1x16xf32> to vector<16xf32>
        %mul3A_523 = vector.broadcast %squeeze3A_494 : f32 to vector<16xf32>
        %mul3A_524 = arith.mulf %get3A_522, %mul3A_523 : vector<16xf32>
        %add3A_525 = arith.addf %mul3A_524, %mul3A_28 : vector<16xf32>
        %swap3A_526 = arith.index_cast %add3A_492 : i32 to index
        %swap3A_527 = arith.constant 32 : index
        %swap3A_528 = tpu.vector_load %arg10[%swap3A_526, %swap3A_527] {strides = array<i32>} : memref<128x128xf32, #tpu.memory_space<vmem>>, vector<1x16xf32>,
        %swap3A_529 = vector.shape_cast %swap3A_528 : vector<1x16xf32> to vector<16xf32>
        %swap3A_530 = vector.shape_cast %add3A_525 : vector<16xf32> to vector<1x16xf32>
        tpu.vector_store %arg10[%swap3A_526, %swap3A_527], %swap3A_530 {strides = array<i32>} : memref<128x128xf32, #tpu.memory_space<vmem>>, vector<1x16xf32>,
        %get3A_531 = arith.index_cast %add3A_492 : i32 to index
        %get3A_532 = arith.constant 48 : index
        %get3A_533 = tpu.vector_load %arg10[%get3A_531, %get3A_532] {strides = array<i32>} : memref<128x128xf32, #tpu.memory_space<vmem>>, vector<1x16xf32>,
        %get3A_534 = vector.shape_cast %get3A_533 : vector<1x16xf32> to vector<16xf32>
        %mul3A_535 = vector.broadcast %squeeze3A_494 : f32 to vector<16xf32>
        %mul3A_536 = arith.mulf %get3A_534, %mul3A_535 : vector<16xf32>
        %add3A_537 = arith.addf %mul3A_536, %mul3A_33 : vector<16xf32>
        %swap3A_538 = arith.index_cast %add3A_492 : i32 to index
        %swap3A_539 = arith.constant 48 : index
        %swap3A_540 = tpu.vector_load %arg10[%swap3A_538, %swap3A_539] {strides = array<i32>} : memref<128x128xf32, #tpu.memory_space<vmem>>, vector<1x16xf32>,
        %swap3A_541 = vector.shape_cast %swap3A_540 : vector<1x16xf32> to vector<16xf32>
        %swap3A_542 = vector.shape_cast %add3A_537 : vector<16xf32> to vector<1x16xf32>
        tpu.vector_store %arg10[%swap3A_538, %swap3A_539], %swap3A_542 {strides = array<i32>} : memref<128x128xf32, #tpu.memory_space<vmem>>, vector<1x16xf32>,
        %get3A_543 = arith.index_cast %add3A_492 : i32 to index
        %get3A_544 = arith.constant 64 : index
        %get3A_545 = tpu.vector_load %arg10[%get3A_543, %get3A_544] {strides = array<i32>} : memref<128x128xf32, #tpu.memory_space<vmem>>, vector<1x16xf32>,
        %get3A_546 = vector.shape_cast %get3A_545 : vector<1x16xf32> to vector<16xf32>
        %mul3A_547 = vector.broadcast %squeeze3A_494 : f32 to vector<16xf32>
        %mul3A_548 = arith.mulf %get3A_546, %mul3A_547 : vector<16xf32>
        %add3A_549 = arith.addf %mul3A_548, %mul3A_38 : vector<16xf32>
        %swap3A_550 = arith.index_cast %add3A_492 : i32 to index
        %swap3A_551 = arith.constant 64 : index
        %swap3A_552 = tpu.vector_load %arg10[%swap3A_550, %swap3A_551] {strides = array<i32>} : memref<128x128xf32, #tpu.memory_space<vmem>>, vector<1x16xf32>,
        %swap3A_553 = vector.shape_cast %swap3A_552 : vector<1x16xf32> to vector<16xf32>
        %swap3A_554 = vector.shape_cast %add3A_549 : vector<16xf32> to vector<1x16xf32>
        tpu.vector_store %arg10[%swap3A_550, %swap3A_551], %swap3A_554 {strides = array<i32>} : memref<128x128xf32, #tpu.memory_space<vmem>>, vector<1x16xf32>,
        %get3A_555 = arith.index_cast %add3A_492 : i32 to index
        %get3A_556 = arith.constant 80 : index
        %get3A_557 = tpu.vector_load %arg10[%get3A_555, %get3A_556] {strides = array<i32>} : memref<128x128xf32, #tpu.memory_space<vmem>>, vector<1x16xf32>,
        %get3A_558 = vector.shape_cast %get3A_557 : vector<1x16xf32> to vector<16xf32>
        %mul3A_559 = vector.broadcast %squeeze3A_494 : f32 to vector<16xf32>
        %mul3A_560 = arith.mulf %get3A_558, %mul3A_559 : vector<16xf32>
        %add3A_561 = arith.addf %mul3A_560, %mul3A_43 : vector<16xf32>
        %swap3A_562 = arith.index_cast %add3A_492 : i32 to index
        %swap3A_563 = arith.constant 80 : index
        %swap3A_564 = tpu.vector_load %arg10[%swap3A_562, %swap3A_563] {strides = array<i32>} : memref<128x128xf32, #tpu.memory_space<vmem>>, vector<1x16xf32>,
        %swap3A_565 = vector.shape_cast %swap3A_564 : vector<1x16xf32> to vector<16xf32>
        %swap3A_566 = vector.shape_cast %add3A_561 : vector<16xf32> to vector<1x16xf32>
        tpu.vector_store %arg10[%swap3A_562, %swap3A_563], %swap3A_566 {strides = array<i32>} : memref<128x128xf32, #tpu.memory_space<vmem>>, vector<1x16xf32>,
        %get3A_567 = arith.index_cast %add3A_492 : i32 to index
        %get3A_568 = arith.constant 96 : index
        %get3A_569 = tpu.vector_load %arg10[%get3A_567, %get3A_568] {strides = array<i32>} : memref<128x128xf32, #tpu.memory_space<vmem>>, vector<1x16xf32>,
        %get3A_570 = vector.shape_cast %get3A_569 : vector<1x16xf32> to vector<16xf32>
        %mul3A_571 = vector.broadcast %squeeze3A_494 : f32 to vector<16xf32>
        %mul3A_572 = arith.mulf %get3A_570, %mul3A_571 : vector<16xf32>
        %add3A_573 = arith.addf %mul3A_572, %mul3A_48 : vector<16xf32>
        %swap3A_574 = arith.index_cast %add3A_492 : i32 to index
        %swap3A_575 = arith.constant 96 : index
        %swap3A_576 = tpu.vector_load %arg10[%swap3A_574, %swap3A_575] {strides = array<i32>} : memref<128x128xf32, #tpu.memory_space<vmem>>, vector<1x16xf32>,
        %swap3A_577 = vector.shape_cast %swap3A_576 : vector<1x16xf32> to vector<16xf32>
        %swap3A_578 = vector.shape_cast %add3A_573 : vector<16xf32> to vector<1x16xf32>
        tpu.vector_store %arg10[%swap3A_574, %swap3A_575], %swap3A_578 {strides = array<i32>} : memref<128x128xf32, #tpu.memory_space<vmem>>, vector<1x16xf32>,
        %get3A_579 = arith.index_cast %add3A_492 : i32 to index
        %get3A_580 = arith.constant 112 : index
        %get3A_581 = tpu.vector_load %arg10[%get3A_579, %get3A_580] {strides = array<i32>} : memref<128x128xf32, #tpu.memory_space<vmem>>, vector<1x16xf32>,
        %get3A_582 = vector.shape_cast %get3A_581 : vector<1x16xf32> to vector<16xf32>
        %mul3A_583 = vector.broadcast %squeeze3A_494 : f32 to vector<16xf32>
        %mul3A_584 = arith.mulf %get3A_582, %mul3A_583 : vector<16xf32>
        %add3A_585 = arith.addf %mul3A_584, %mul3A_53 : vector<16xf32>
        %swap3A_586 = arith.index_cast %add3A_492 : i32 to index
        %swap3A_587 = arith.constant 112 : index
        %swap3A_588 = tpu.vector_load %arg10[%swap3A_586, %swap3A_587] {strides = array<i32>} : memref<128x128xf32, #tpu.memory_space<vmem>>, vector<1x16xf32>,
        %swap3A_589 = vector.shape_cast %swap3A_588 : vector<1x16xf32> to vector<16xf32>
        %swap3A_590 = vector.shape_cast %add3A_585 : vector<16xf32> to vector<1x16xf32>
        tpu.vector_store %arg10[%swap3A_586, %swap3A_587], %swap3A_590 {strides = array<i32>} : memref<128x128xf32, #tpu.memory_space<vmem>>, vector<1x16xf32>,
        %mul3A_591 = arith.constant 16 : i32
        %mul3A_592 = arith.muli %scan3A_77, %mul3A_591 : i32
        %add3A_593 = arith.constant 5 : i32
        %add3A_594 = arith.addi %mul3A_592, %add3A_593 : i32
        %slice3A_595 = vector.extract_strided_slice %get3A_83 {offsets = [5], sizes = [1], strides = [1]} : vector<16xf32> to vector<1xf32>
        %squeeze3A_596 = vector.extract %slice3A_595[0] : f32 from vector<1xf32>
        %get3A_597 = arith.index_cast %add3A_594 : i32 to index
        %get3A_598 = arith.constant 0 : index
        %get3A_599 = tpu.vector_load %arg10[%get3A_597, %get3A_598] {strides = array<i32>} : memref<128x128xf32, #tpu.memory_space<vmem>>, vector<1x16xf32>,
        %get3A_600 = vector.shape_cast %get3A_599 : vector<1x16xf32> to vector<16xf32>
        %mul3A_601 = vector.broadcast %squeeze3A_596 : f32 to vector<16xf32>
        %mul3A_602 = arith.mulf %get3A_600, %mul3A_601 : vector<16xf32>
        %add3A_603 = arith.addf %mul3A_602, %mul3A_18 : vector<16xf32>
        %swap3A_604 = arith.index_cast %add3A_594 : i32 to index
        %swap3A_605 = arith.constant 0 : index
        %swap3A_606 = tpu.vector_load %arg10[%swap3A_604, %swap3A_605] {strides = array<i32>} : memref<128x128xf32, #tpu.memory_space<vmem>>, vector<1x16xf32>,
        %swap3A_607 = vector.shape_cast %swap3A_606 : vector<1x16xf32> to vector<16xf32>
        %swap3A_608 = vector.shape_cast %add3A_603 : vector<16xf32> to vector<1x16xf32>
        tpu.vector_store %arg10[%swap3A_604, %swap3A_605], %swap3A_608 {strides = array<i32>} : memref<128x128xf32, #tpu.memory_space<vmem>>, vector<1x16xf32>,
        %get3A_609 = arith.index_cast %add3A_594 : i32 to index
        %get3A_610 = arith.constant 16 : index
        %get3A_611 = tpu.vector_load %arg10[%get3A_609, %get3A_610] {strides = array<i32>} : memref<128x128xf32, #tpu.memory_space<vmem>>, vector<1x16xf32>,
        %get3A_612 = vector.shape_cast %get3A_611 : vector<1x16xf32> to vector<16xf32>
        %mul3A_613 = vector.broadcast %squeeze3A_596 : f32 to vector<16xf32>
        %mul3A_614 = arith.mulf %get3A_612, %mul3A_613 : vector<16xf32>
        %add3A_615 = arith.addf %mul3A_614, %mul3A_23 : vector<16xf32>
        %swap3A_616 = arith.index_cast %add3A_594 : i32 to index
        %swap3A_617 = arith.constant 16 : index
        %swap3A_618 = tpu.vector_load %arg10[%swap3A_616, %swap3A_617] {strides = array<i32>} : memref<128x128xf32, #tpu.memory_space<vmem>>, vector<1x16xf32>,
        %swap3A_619 = vector.shape_cast %swap3A_618 : vector<1x16xf32> to vector<16xf32>
        %swap3A_620 = vector.shape_cast %add3A_615 : vector<16xf32> to vector<1x16xf32>
        tpu.vector_store %arg10[%swap3A_616, %swap3A_617], %swap3A_620 {strides = array<i32>} : memref<128x128xf32, #tpu.memory_space<vmem>>, vector<1x16xf32>,
        %get3A_621 = arith.index_cast %add3A_594 : i32 to index
        %get3A_622 = arith.constant 32 : index
        %get3A_623 = tpu.vector_load %arg10[%get3A_621, %get3A_622] {strides = array<i32>} : memref<128x128xf32, #tpu.memory_space<vmem>>, vector<1x16xf32>,
        %get3A_624 = vector.shape_cast %get3A_623 : vector<1x16xf32> to vector<16xf32>
        %mul3A_625 = vector.broadcast %squeeze3A_596 : f32 to vector<16xf32>
        %mul3A_626 = arith.mulf %get3A_624, %mul3A_625 : vector<16xf32>
        %add3A_627 = arith.addf %mul3A_626, %mul3A_28 : vector<16xf32>
        %swap3A_628 = arith.index_cast %add3A_594 : i32 to index
        %swap3A_629 = arith.constant 32 : index
        %swap3A_630 = tpu.vector_load %arg10[%swap3A_628, %swap3A_629] {strides = array<i32>} : memref<128x128xf32, #tpu.memory_space<vmem>>, vector<1x16xf32>,
        %swap3A_631 = vector.shape_cast %swap3A_630 : vector<1x16xf32> to vector<16xf32>
        %swap3A_632 = vector.shape_cast %add3A_627 : vector<16xf32> to vector<1x16xf32>
        tpu.vector_store %arg10[%swap3A_628, %swap3A_629], %swap3A_632 {strides = array<i32>} : memref<128x128xf32, #tpu.memory_space<vmem>>, vector<1x16xf32>,
        %get3A_633 = arith.index_cast %add3A_594 : i32 to index
        %get3A_634 = arith.constant 48 : index
        %get3A_635 = tpu.vector_load %arg10[%get3A_633, %get3A_634] {strides = array<i32>} : memref<128x128xf32, #tpu.memory_space<vmem>>, vector<1x16xf32>,
        %get3A_636 = vector.shape_cast %get3A_635 : vector<1x16xf32> to vector<16xf32>
        %mul3A_637 = vector.broadcast %squeeze3A_596 : f32 to vector<16xf32>
        %mul3A_638 = arith.mulf %get3A_636, %mul3A_637 : vector<16xf32>
        %add3A_639 = arith.addf %mul3A_638, %mul3A_33 : vector<16xf32>
        %swap3A_640 = arith.index_cast %add3A_594 : i32 to index
        %swap3A_641 = arith.constant 48 : index
        %swap3A_642 = tpu.vector_load %arg10[%swap3A_640, %swap3A_641] {strides = array<i32>} : memref<128x128xf32, #tpu.memory_space<vmem>>, vector<1x16xf32>,
        %swap3A_643 = vector.shape_cast %swap3A_642 : vector<1x16xf32> to vector<16xf32>
        %swap3A_644 = vector.shape_cast %add3A_639 : vector<16xf32> to vector<1x16xf32>
        tpu.vector_store %arg10[%swap3A_640, %swap3A_641], %swap3A_644 {strides = array<i32>} : memref<128x128xf32, #tpu.memory_space<vmem>>, vector<1x16xf32>,
        %get3A_645 = arith.index_cast %add3A_594 : i32 to index
        %get3A_646 = arith.constant 64 : index
        %get3A_647 = tpu.vector_load %arg10[%get3A_645, %get3A_646] {strides = array<i32>} : memref<128x128xf32, #tpu.memory_space<vmem>>, vector<1x16xf32>,
        %get3A_648 = vector.shape_cast %get3A_647 : vector<1x16xf32> to vector<16xf32>
        %mul3A_649 = vector.broadcast %squeeze3A_596 : f32 to vector<16xf32>
        %mul3A_650 = arith.mulf %get3A_648, %mul3A_649 : vector<16xf32>
        %add3A_651 = arith.addf %mul3A_650, %mul3A_38 : vector<16xf32>
        %swap3A_652 = arith.index_cast %add3A_594 : i32 to index
        %swap3A_653 = arith.constant 64 : index
        %swap3A_654 = tpu.vector_load %arg10[%swap3A_652, %swap3A_653] {strides = array<i32>} : memref<128x128xf32, #tpu.memory_space<vmem>>, vector<1x16xf32>,
        %swap3A_655 = vector.shape_cast %swap3A_654 : vector<1x16xf32> to vector<16xf32>
        %swap3A_656 = vector.shape_cast %add3A_651 : vector<16xf32> to vector<1x16xf32>
        tpu.vector_store %arg10[%swap3A_652, %swap3A_653], %swap3A_656 {strides = array<i32>} : memref<128x128xf32, #tpu.memory_space<vmem>>, vector<1x16xf32>,
        %get3A_657 = arith.index_cast %add3A_594 : i32 to index
        %get3A_658 = arith.constant 80 : index
        %get3A_659 = tpu.vector_load %arg10[%get3A_657, %get3A_658] {strides = array<i32>} : memref<128x128xf32, #tpu.memory_space<vmem>>, vector<1x16xf32>,
        %get3A_660 = vector.shape_cast %get3A_659 : vector<1x16xf32> to vector<16xf32>
        %mul3A_661 = vector.broadcast %squeeze3A_596 : f32 to vector<16xf32>
        %mul3A_662 = arith.mulf %get3A_660, %mul3A_661 : vector<16xf32>
        %add3A_663 = arith.addf %mul3A_662, %mul3A_43 : vector<16xf32>
        %swap3A_664 = arith.index_cast %add3A_594 : i32 to index
        %swap3A_665 = arith.constant 80 : index
        %swap3A_666 = tpu.vector_load %arg10[%swap3A_664, %swap3A_665] {strides = array<i32>} : memref<128x128xf32, #tpu.memory_space<vmem>>, vector<1x16xf32>,
        %swap3A_667 = vector.shape_cast %swap3A_666 : vector<1x16xf32> to vector<16xf32>
        %swap3A_668 = vector.shape_cast %add3A_663 : vector<16xf32> to vector<1x16xf32>
        tpu.vector_store %arg10[%swap3A_664, %swap3A_665], %swap3A_668 {strides = array<i32>} : memref<128x128xf32, #tpu.memory_space<vmem>>, vector<1x16xf32>,
        %get3A_669 = arith.index_cast %add3A_594 : i32 to index
        %get3A_670 = arith.constant 96 : index
        %get3A_671 = tpu.vector_load %arg10[%get3A_669, %get3A_670] {strides = array<i32>} : memref<128x128xf32, #tpu.memory_space<vmem>>, vector<1x16xf32>,
        %get3A_672 = vector.shape_cast %get3A_671 : vector<1x16xf32> to vector<16xf32>
        %mul3A_673 = vector.broadcast %squeeze3A_596 : f32 to vector<16xf32>
        %mul3A_674 = arith.mulf %get3A_672, %mul3A_673 : vector<16xf32>
        %add3A_675 = arith.addf %mul3A_674, %mul3A_48 : vector<16xf32>
        %swap3A_676 = arith.index_cast %add3A_594 : i32 to index
        %swap3A_677 = arith.constant 96 : index
        %swap3A_678 = tpu.vector_load %arg10[%swap3A_676, %swap3A_677] {strides = array<i32>} : memref<128x128xf32, #tpu.memory_space<vmem>>, vector<1x16xf32>,
        %swap3A_679 = vector.shape_cast %swap3A_678 : vector<1x16xf32> to vector<16xf32>
        %swap3A_680 = vector.shape_cast %add3A_675 : vector<16xf32> to vector<1x16xf32>
        tpu.vector_store %arg10[%swap3A_676, %swap3A_677], %swap3A_680 {strides = array<i32>} : memref<128x128xf32, #tpu.memory_space<vmem>>, vector<1x16xf32>,
        %get3A_681 = arith.index_cast %add3A_594 : i32 to index
        %get3A_682 = arith.constant 112 : index
        %get3A_683 = tpu.vector_load %arg10[%get3A_681, %get3A_682] {strides = array<i32>} : memref<128x128xf32, #tpu.memory_space<vmem>>, vector<1x16xf32>,
        %get3A_684 = vector.shape_cast %get3A_683 : vector<1x16xf32> to vector<16xf32>
        %mul3A_685 = vector.broadcast %squeeze3A_596 : f32 to vector<16xf32>
        %mul3A_686 = arith.mulf %get3A_684, %mul3A_685 : vector<16xf32>
        %add3A_687 = arith.addf %mul3A_686, %mul3A_53 : vector<16xf32>
        %swap3A_688 = arith.index_cast %add3A_594 : i32 to index
        %swap3A_689 = arith.constant 112 : index
        %swap3A_690 = tpu.vector_load %arg10[%swap3A_688, %swap3A_689] {strides = array<i32>} : memref<128x128xf32, #tpu.memory_space<vmem>>, vector<1x16xf32>,
        %swap3A_691 = vector.shape_cast %swap3A_690 : vector<1x16xf32> to vector<16xf32>
        %swap3A_692 = vector.shape_cast %add3A_687 : vector<16xf32> to vector<1x16xf32>
        tpu.vector_store %arg10[%swap3A_688, %swap3A_689], %swap3A_692 {strides = array<i32>} : memref<128x128xf32, #tpu.memory_space<vmem>>, vector<1x16xf32>,
        %mul3A_693 = arith.constant 16 : i32
        %mul3A_694 = arith.muli %scan3A_77, %mul3A_693 : i32
        %add3A_695 = arith.constant 6 : i32
        %add3A_696 = arith.addi %mul3A_694, %add3A_695 : i32
        %slice3A_697 = vector.extract_strided_slice %get3A_83 {offsets = [6], sizes = [1], strides = [1]} : vector<16xf32> to vector<1xf32>
        %squeeze3A_698 = vector.extract %slice3A_697[0] : f32 from vector<1xf32>
        %get3A_699 = arith.index_cast %add3A_696 : i32 to index
        %get3A_700 = arith.constant 0 : index
        %get3A_701 = tpu.vector_load %arg10[%get3A_699, %get3A_700] {strides = array<i32>} : memref<128x128xf32, #tpu.memory_space<vmem>>, vector<1x16xf32>,
        %get3A_702 = vector.shape_cast %get3A_701 : vector<1x16xf32> to vector<16xf32>
        %mul3A_703 = vector.broadcast %squeeze3A_698 : f32 to vector<16xf32>
        %mul3A_704 = arith.mulf %get3A_702, %mul3A_703 : vector<16xf32>
        %add3A_705 = arith.addf %mul3A_704, %mul3A_18 : vector<16xf32>
        %swap3A_706 = arith.index_cast %add3A_696 : i32 to index
        %swap3A_707 = arith.constant 0 : index
        %swap3A_708 = tpu.vector_load %arg10[%swap3A_706, %swap3A_707] {strides = array<i32>} : memref<128x128xf32, #tpu.memory_space<vmem>>, vector<1x16xf32>,
        %swap3A_709 = vector.shape_cast %swap3A_708 : vector<1x16xf32> to vector<16xf32>
        %swap3A_710 = vector.shape_cast %add3A_705 : vector<16xf32> to vector<1x16xf32>
        tpu.vector_store %arg10[%swap3A_706, %swap3A_707], %swap3A_710 {strides = array<i32>} : memref<128x128xf32, #tpu.memory_space<vmem>>, vector<1x16xf32>,
        %get3A_711 = arith.index_cast %add3A_696 : i32 to index
        %get3A_712 = arith.constant 16 : index
        %get3A_713 = tpu.vector_load %arg10[%get3A_711, %get3A_712] {strides = array<i32>} : memref<128x128xf32, #tpu.memory_space<vmem>>, vector<1x16xf32>,
        %get3A_714 = vector.shape_cast %get3A_713 : vector<1x16xf32> to vector<16xf32>
        %mul3A_715 = vector.broadcast %squeeze3A_698 : f32 to vector<16xf32>
        %mul3A_716 = arith.mulf %get3A_714, %mul3A_715 : vector<16xf32>
        %add3A_717 = arith.addf %mul3A_716, %mul3A_23 : vector<16xf32>
        %swap3A_718 = arith.index_cast %add3A_696 : i32 to index
        %swap3A_719 = arith.constant 16 : index
        %swap3A_720 = tpu.vector_load %arg10[%swap3A_718, %swap3A_719] {strides = array<i32>} : memref<128x128xf32, #tpu.memory_space<vmem>>, vector<1x16xf32>,
        %swap3A_721 = vector.shape_cast %swap3A_720 : vector<1x16xf32> to vector<16xf32>
        %swap3A_722 = vector.shape_cast %add3A_717 : vector<16xf32> to vector<1x16xf32>
        tpu.vector_store %arg10[%swap3A_718, %swap3A_719], %swap3A_722 {strides = array<i32>} : memref<128x128xf32, #tpu.memory_space<vmem>>, vector<1x16xf32>,
        %get3A_723 = arith.index_cast %add3A_696 : i32 to index
        %get3A_724 = arith.constant 32 : index
        %get3A_725 = tpu.vector_load %arg10[%get3A_723, %get3A_724] {strides = array<i32>} : memref<128x128xf32, #tpu.memory_space<vmem>>, vector<1x16xf32>,
        %get3A_726 = vector.shape_cast %get3A_725 : vector<1x16xf32> to vector<16xf32>
        %mul3A_727 = vector.broadcast %squeeze3A_698 : f32 to vector<16xf32>
        %mul3A_728 = arith.mulf %get3A_726, %mul3A_727 : vector<16xf32>
        %add3A_729 = arith.addf %mul3A_728, %mul3A_28 : vector<16xf32>
        %swap3A_730 = arith.index_cast %add3A_696 : i32 to index
        %swap3A_731 = arith.constant 32 : index
        %swap3A_732 = tpu.vector_load %arg10[%swap3A_730, %swap3A_731] {strides = array<i32>} : memref<128x128xf32, #tpu.memory_space<vmem>>, vector<1x16xf32>,
        %swap3A_733 = vector.shape_cast %swap3A_732 : vector<1x16xf32> to vector<16xf32>
        %swap3A_734 = vector.shape_cast %add3A_729 : vector<16xf32> to vector<1x16xf32>
        tpu.vector_store %arg10[%swap3A_730, %swap3A_731], %swap3A_734 {strides = array<i32>} : memref<128x128xf32, #tpu.memory_space<vmem>>, vector<1x16xf32>,
        %get3A_735 = arith.index_cast %add3A_696 : i32 to index
        %get3A_736 = arith.constant 48 : index
        %get3A_737 = tpu.vector_load %arg10[%get3A_735, %get3A_736] {strides = array<i32>} : memref<128x128xf32, #tpu.memory_space<vmem>>, vector<1x16xf32>,
        %get3A_738 = vector.shape_cast %get3A_737 : vector<1x16xf32> to vector<16xf32>
        %mul3A_739 = vector.broadcast %squeeze3A_698 : f32 to vector<16xf32>
        %mul3A_740 = arith.mulf %get3A_738, %mul3A_739 : vector<16xf32>
        %add3A_741 = arith.addf %mul3A_740, %mul3A_33 : vector<16xf32>
        %swap3A_742 = arith.index_cast %add3A_696 : i32 to index
        %swap3A_743 = arith.constant 48 : index
        %swap3A_744 = tpu.vector_load %arg10[%swap3A_742, %swap3A_743] {strides = array<i32>} : memref<128x128xf32, #tpu.memory_space<vmem>>, vector<1x16xf32>,
        %swap3A_745 = vector.shape_cast %swap3A_744 : vector<1x16xf32> to vector<16xf32>
        %swap3A_746 = vector.shape_cast %add3A_741 : vector<16xf32> to vector<1x16xf32>
        tpu.vector_store %arg10[%swap3A_742, %swap3A_743], %swap3A_746 {strides = array<i32>} : memref<128x128xf32, #tpu.memory_space<vmem>>, vector<1x16xf32>,
        %get3A_747 = arith.index_cast %add3A_696 : i32 to index
        %get3A_748 = arith.constant 64 : index
        %get3A_749 = tpu.vector_load %arg10[%get3A_747, %get3A_748] {strides = array<i32>} : memref<128x128xf32, #tpu.memory_space<vmem>>, vector<1x16xf32>,
        %get3A_750 = vector.shape_cast %get3A_749 : vector<1x16xf32> to vector<16xf32>
        %mul3A_751 = vector.broadcast %squeeze3A_698 : f32 to vector<16xf32>
        %mul3A_752 = arith.mulf %get3A_750, %mul3A_751 : vector<16xf32>
        %add3A_753 = arith.addf %mul3A_752, %mul3A_38 : vector<16xf32>
        %swap3A_754 = arith.index_cast %add3A_696 : i32 to index
        %swap3A_755 = arith.constant 64 : index
        %swap3A_756 = tpu.vector_load %arg10[%swap3A_754, %swap3A_755] {strides = array<i32>} : memref<128x128xf32, #tpu.memory_space<vmem>>, vector<1x16xf32>,
        %swap3A_757 = vector.shape_cast %swap3A_756 : vector<1x16xf32> to vector<16xf32>
        %swap3A_758 = vector.shape_cast %add3A_753 : vector<16xf32> to vector<1x16xf32>
        tpu.vector_store %arg10[%swap3A_754, %swap3A_755], %swap3A_758 {strides = array<i32>} : memref<128x128xf32, #tpu.memory_space<vmem>>, vector<1x16xf32>,
        %get3A_759 = arith.index_cast %add3A_696 : i32 to index
        %get3A_760 = arith.constant 80 : index
        %get3A_761 = tpu.vector_load %arg10[%get3A_759, %get3A_760] {strides = array<i32>} : memref<128x128xf32, #tpu.memory_space<vmem>>, vector<1x16xf32>,
        %get3A_762 = vector.shape_cast %get3A_761 : vector<1x16xf32> to vector<16xf32>
        %mul3A_763 = vector.broadcast %squeeze3A_698 : f32 to vector<16xf32>
        %mul3A_764 = arith.mulf %get3A_762, %mul3A_763 : vector<16xf32>
        %add3A_765 = arith.addf %mul3A_764, %mul3A_43 : vector<16xf32>
        %swap3A_766 = arith.index_cast %add3A_696 : i32 to index
        %swap3A_767 = arith.constant 80 : index
        %swap3A_768 = tpu.vector_load %arg10[%swap3A_766, %swap3A_767] {strides = array<i32>} : memref<128x128xf32, #tpu.memory_space<vmem>>, vector<1x16xf32>,
        %swap3A_769 = vector.shape_cast %swap3A_768 : vector<1x16xf32> to vector<16xf32>
        %swap3A_770 = vector.shape_cast %add3A_765 : vector<16xf32> to vector<1x16xf32>
        tpu.vector_store %arg10[%swap3A_766, %swap3A_767], %swap3A_770 {strides = array<i32>} : memref<128x128xf32, #tpu.memory_space<vmem>>, vector<1x16xf32>,
        %get3A_771 = arith.index_cast %add3A_696 : i32 to index
        %get3A_772 = arith.constant 96 : index
        %get3A_773 = tpu.vector_load %arg10[%get3A_771, %get3A_772] {strides = array<i32>} : memref<128x128xf32, #tpu.memory_space<vmem>>, vector<1x16xf32>,
        %get3A_774 = vector.shape_cast %get3A_773 : vector<1x16xf32> to vector<16xf32>
        %mul3A_775 = vector.broadcast %squeeze3A_698 : f32 to vector<16xf32>
        %mul3A_776 = arith.mulf %get3A_774, %mul3A_775 : vector<16xf32>
        %add3A_777 = arith.addf %mul3A_776, %mul3A_48 : vector<16xf32>
        %swap3A_778 = arith.index_cast %add3A_696 : i32 to index
        %swap3A_779 = arith.constant 96 : index
        %swap3A_780 = tpu.vector_load %arg10[%swap3A_778, %swap3A_779] {strides = array<i32>} : memref<128x128xf32, #tpu.memory_space<vmem>>, vector<1x16xf32>,
        %swap3A_781 = vector.shape_cast %swap3A_780 : vector<1x16xf32> to vector<16xf32>
        %swap3A_782 = vector.shape_cast %add3A_777 : vector<16xf32> to vector<1x16xf32>
        tpu.vector_store %arg10[%swap3A_778, %swap3A_779], %swap3A_782 {strides = array<i32>} : memref<128x128xf32, #tpu.memory_space<vmem>>, vector<1x16xf32>,
        %get3A_783 = arith.index_cast %add3A_696 : i32 to index
        %get3A_784 = arith.constant 112 : index
        %get3A_785 = tpu.vector_load %arg10[%get3A_783, %get3A_784] {strides = array<i32>} : memref<128x128xf32, #tpu.memory_space<vmem>>, vector<1x16xf32>,
        %get3A_786 = vector.shape_cast %get3A_785 : vector<1x16xf32> to vector<16xf32>
        %mul3A_787 = vector.broadcast %squeeze3A_698 : f32 to vector<16xf32>
        %mul3A_788 = arith.mulf %get3A_786, %mul3A_787 : vector<16xf32>
        %add3A_789 = arith.addf %mul3A_788, %mul3A_53 : vector<16xf32>
        %swap3A_790 = arith.index_cast %add3A_696 : i32 to index
        %swap3A_791 = arith.constant 112 : index
        %swap3A_792 = tpu.vector_load %arg10[%swap3A_790, %swap3A_791] {strides = array<i32>} : memref<128x128xf32, #tpu.memory_space<vmem>>, vector<1x16xf32>,
        %swap3A_793 = vector.shape_cast %swap3A_792 : vector<1x16xf32> to vector<16xf32>
        %swap3A_794 = vector.shape_cast %add3A_789 : vector<16xf32> to vector<1x16xf32>
        tpu.vector_store %arg10[%swap3A_790, %swap3A_791], %swap3A_794 {strides = array<i32>} : memref<128x128xf32, #tpu.memory_space<vmem>>, vector<1x16xf32>,
        %mul3A_795 = arith.constant 16 : i32
        %mul3A_796 = arith.muli %scan3A_77, %mul3A_795 : i32
        %add3A_797 = arith.constant 7 : i32
        %add3A_798 = arith.addi %mul3A_796, %add3A_797 : i32
        %slice3A_799 = vector.extract_strided_slice %get3A_83 {offsets = [7], sizes = [1], strides = [1]} : vector<16xf32> to vector<1xf32>
        %squeeze3A_800 = vector.extract %slice3A_799[0] : f32 from vector<1xf32>
        %get3A_801 = arith.index_cast %add3A_798 : i32 to index
        %get3A_802 = arith.constant 0 : index
        %get3A_803 = tpu.vector_load %arg10[%get3A_801, %get3A_802] {strides = array<i32>} : memref<128x128xf32, #tpu.memory_space<vmem>>, vector<1x16xf32>,
        %get3A_804 = vector.shape_cast %get3A_803 : vector<1x16xf32> to vector<16xf32>
        %mul3A_805 = vector.broadcast %squeeze3A_800 : f32 to vector<16xf32>
        %mul3A_806 = arith.mulf %get3A_804, %mul3A_805 : vector<16xf32>
        %add3A_807 = arith.addf %mul3A_806, %mul3A_18 : vector<16xf32>
        %swap3A_808 = arith.index_cast %add3A_798 : i32 to index
        %swap3A_809 = arith.constant 0 : index
        %swap3A_810 = tpu.vector_load %arg10[%swap3A_808, %swap3A_809] {strides = array<i32>} : memref<128x128xf32, #tpu.memory_space<vmem>>, vector<1x16xf32>,
        %swap3A_811 = vector.shape_cast %swap3A_810 : vector<1x16xf32> to vector<16xf32>
        %swap3A_812 = vector.shape_cast %add3A_807 : vector<16xf32> to vector<1x16xf32>
        tpu.vector_store %arg10[%swap3A_808, %swap3A_809], %swap3A_812 {strides = array<i32>} : memref<128x128xf32, #tpu.memory_space<vmem>>, vector<1x16xf32>,
        %get3A_813 = arith.index_cast %add3A_798 : i32 to index
        %get3A_814 = arith.constant 16 : index
        %get3A_815 = tpu.vector_load %arg10[%get3A_813, %get3A_814] {strides = array<i32>} : memref<128x128xf32, #tpu.memory_space<vmem>>, vector<1x16xf32>,
        %get3A_816 = vector.shape_cast %get3A_815 : vector<1x16xf32> to vector<16xf32>
        %mul3A_817 = vector.broadcast %squeeze3A_800 : f32 to vector<16xf32>
        %mul3A_818 = arith.mulf %get3A_816, %mul3A_817 : vector<16xf32>
        %add3A_819 = arith.addf %mul3A_818, %mul3A_23 : vector<16xf32>
        %swap3A_820 = arith.index_cast %add3A_798 : i32 to index
        %swap3A_821 = arith.constant 16 : index
        %swap3A_822 = tpu.vector_load %arg10[%swap3A_820, %swap3A_821] {strides = array<i32>} : memref<128x128xf32, #tpu.memory_space<vmem>>, vector<1x16xf32>,
        %swap3A_823 = vector.shape_cast %swap3A_822 : vector<1x16xf32> to vector<16xf32>
        %swap3A_824 = vector.shape_cast %add3A_819 : vector<16xf32> to vector<1x16xf32>
        tpu.vector_store %arg10[%swap3A_820, %swap3A_821], %swap3A_824 {strides = array<i32>} : memref<128x128xf32, #tpu.memory_space<vmem>>, vector<1x16xf32>,
        %get3A_825 = arith.index_cast %add3A_798 : i32 to index
        %get3A_826 = arith.constant 32 : index
        %get3A_827 = tpu.vector_load %arg10[%get3A_825, %get3A_826] {strides = array<i32>} : memref<128x128xf32, #tpu.memory_space<vmem>>, vector<1x16xf32>,
        %get3A_828 = vector.shape_cast %get3A_827 : vector<1x16xf32> to vector<16xf32>
        %mul3A_829 = vector.broadcast %squeeze3A_800 : f32 to vector<16xf32>
        %mul3A_830 = arith.mulf %get3A_828, %mul3A_829 : vector<16xf32>
        %add3A_831 = arith.addf %mul3A_830, %mul3A_28 : vector<16xf32>
        %swap3A_832 = arith.index_cast %add3A_798 : i32 to index
        %swap3A_833 = arith.constant 32 : index
        %swap3A_834 = tpu.vector_load %arg10[%swap3A_832, %swap3A_833] {strides = array<i32>} : memref<128x128xf32, #tpu.memory_space<vmem>>, vector<1x16xf32>,
        %swap3A_835 = vector.shape_cast %swap3A_834 : vector<1x16xf32> to vector<16xf32>
        %swap3A_836 = vector.shape_cast %add3A_831 : vector<16xf32> to vector<1x16xf32>
        tpu.vector_store %arg10[%swap3A_832, %swap3A_833], %swap3A_836 {strides = array<i32>} : memref<128x128xf32, #tpu.memory_space<vmem>>, vector<1x16xf32>,
        %get3A_837 = arith.index_cast %add3A_798 : i32 to index
        %get3A_838 = arith.constant 48 : index
        %get3A_839 = tpu.vector_load %arg10[%get3A_837, %get3A_838] {strides = array<i32>} : memref<128x128xf32, #tpu.memory_space<vmem>>, vector<1x16xf32>,
        %get3A_840 = vector.shape_cast %get3A_839 : vector<1x16xf32> to vector<16xf32>
        %mul3A_841 = vector.broadcast %squeeze3A_800 : f32 to vector<16xf32>
        %mul3A_842 = arith.mulf %get3A_840, %mul3A_841 : vector<16xf32>
        %add3A_843 = arith.addf %mul3A_842, %mul3A_33 : vector<16xf32>
        %swap3A_844 = arith.index_cast %add3A_798 : i32 to index
        %swap3A_845 = arith.constant 48 : index
        %swap3A_846 = tpu.vector_load %arg10[%swap3A_844, %swap3A_845] {strides = array<i32>} : memref<128x128xf32, #tpu.memory_space<vmem>>, vector<1x16xf32>,
        %swap3A_847 = vector.shape_cast %swap3A_846 : vector<1x16xf32> to vector<16xf32>
        %swap3A_848 = vector.shape_cast %add3A_843 : vector<16xf32> to vector<1x16xf32>
        tpu.vector_store %arg10[%swap3A_844, %swap3A_845], %swap3A_848 {strides = array<i32>} : memref<128x128xf32, #tpu.memory_space<vmem>>, vector<1x16xf32>,
        %get3A_849 = arith.index_cast %add3A_798 : i32 to index
        %get3A_850 = arith.constant 64 : index
        %get3A_851 = tpu.vector_load %arg10[%get3A_849, %get3A_850] {strides = array<i32>} : memref<128x128xf32, #tpu.memory_space<vmem>>, vector<1x16xf32>,
        %get3A_852 = vector.shape_cast %get3A_851 : vector<1x16xf32> to vector<16xf32>
        %mul3A_853 = vector.broadcast %squeeze3A_800 : f32 to vector<16xf32>
        %mul3A_854 = arith.mulf %get3A_852, %mul3A_853 : vector<16xf32>
        %add3A_855 = arith.addf %mul3A_854, %mul3A_38 : vector<16xf32>
        %swap3A_856 = arith.index_cast %add3A_798 : i32 to index
        %swap3A_857 = arith.constant 64 : index
        %swap3A_858 = tpu.vector_load %arg10[%swap3A_856, %swap3A_857] {strides = array<i32>} : memref<128x128xf32, #tpu.memory_space<vmem>>, vector<1x16xf32>,
        %swap3A_859 = vector.shape_cast %swap3A_858 : vector<1x16xf32> to vector<16xf32>
        %swap3A_860 = vector.shape_cast %add3A_855 : vector<16xf32> to vector<1x16xf32>
        tpu.vector_store %arg10[%swap3A_856, %swap3A_857], %swap3A_860 {strides = array<i32>} : memref<128x128xf32, #tpu.memory_space<vmem>>, vector<1x16xf32>,
        %get3A_861 = arith.index_cast %add3A_798 : i32 to index
        %get3A_862 = arith.constant 80 : index
        %get3A_863 = tpu.vector_load %arg10[%get3A_861, %get3A_862] {strides = array<i32>} : memref<128x128xf32, #tpu.memory_space<vmem>>, vector<1x16xf32>,
        %get3A_864 = vector.shape_cast %get3A_863 : vector<1x16xf32> to vector<16xf32>
        %mul3A_865 = vector.broadcast %squeeze3A_800 : f32 to vector<16xf32>
        %mul3A_866 = arith.mulf %get3A_864, %mul3A_865 : vector<16xf32>
        %add3A_867 = arith.addf %mul3A_866, %mul3A_43 : vector<16xf32>
        %swap3A_868 = arith.index_cast %add3A_798 : i32 to index
        %swap3A_869 = arith.constant 80 : index
        %swap3A_870 = tpu.vector_load %arg10[%swap3A_868, %swap3A_869] {strides = array<i32>} : memref<128x128xf32, #tpu.memory_space<vmem>>, vector<1x16xf32>,
        %swap3A_871 = vector.shape_cast %swap3A_870 : vector<1x16xf32> to vector<16xf32>
        %swap3A_872 = vector.shape_cast %add3A_867 : vector<16xf32> to vector<1x16xf32>
        tpu.vector_store %arg10[%swap3A_868, %swap3A_869], %swap3A_872 {strides = array<i32>} : memref<128x128xf32, #tpu.memory_space<vmem>>, vector<1x16xf32>,
        %get3A_873 = arith.index_cast %add3A_798 : i32 to index
        %get3A_874 = arith.constant 96 : index
        %get3A_875 = tpu.vector_load %arg10[%get3A_873, %get3A_874] {strides = array<i32>} : memref<128x128xf32, #tpu.memory_space<vmem>>, vector<1x16xf32>,
        %get3A_876 = vector.shape_cast %get3A_875 : vector<1x16xf32> to vector<16xf32>
        %mul3A_877 = vector.broadcast %squeeze3A_800 : f32 to vector<16xf32>
        %mul3A_878 = arith.mulf %get3A_876, %mul3A_877 : vector<16xf32>
        %add3A_879 = arith.addf %mul3A_878, %mul3A_48 : vector<16xf32>
        %swap3A_880 = arith.index_cast %add3A_798 : i32 to index
        %swap3A_881 = arith.constant 96 : index
        %swap3A_882 = tpu.vector_load %arg10[%swap3A_880, %swap3A_881] {strides = array<i32>} : memref<128x128xf32, #tpu.memory_space<vmem>>, vector<1x16xf32>,
        %swap3A_883 = vector.shape_cast %swap3A_882 : vector<1x16xf32> to vector<16xf32>
        %swap3A_884 = vector.shape_cast %add3A_879 : vector<16xf32> to vector<1x16xf32>
        tpu.vector_store %arg10[%swap3A_880, %swap3A_881], %swap3A_884 {strides = array<i32>} : memref<128x128xf32, #tpu.memory_space<vmem>>, vector<1x16xf32>,
        %get3A_885 = arith.index_cast %add3A_798 : i32 to index
        %get3A_886 = arith.constant 112 : index
        %get3A_887 = tpu.vector_load %arg10[%get3A_885, %get3A_886] {strides = array<i32>} : memref<128x128xf32, #tpu.memory_space<vmem>>, vector<1x16xf32>,
        %get3A_888 = vector.shape_cast %get3A_887 : vector<1x16xf32> to vector<16xf32>
        %mul3A_889 = vector.broadcast %squeeze3A_800 : f32 to vector<16xf32>
        %mul3A_890 = arith.mulf %get3A_888, %mul3A_889 : vector<16xf32>
        %add3A_891 = arith.addf %mul3A_890, %mul3A_53 : vector<16xf32>
        %swap3A_892 = arith.index_cast %add3A_798 : i32 to index
        %swap3A_893 = arith.constant 112 : index
        %swap3A_894 = tpu.vector_load %arg10[%swap3A_892, %swap3A_893] {strides = array<i32>} : memref<128x128xf32, #tpu.memory_space<vmem>>, vector<1x16xf32>,
        %swap3A_895 = vector.shape_cast %swap3A_894 : vector<1x16xf32> to vector<16xf32>
        %swap3A_896 = vector.shape_cast %add3A_891 : vector<16xf32> to vector<1x16xf32>
        tpu.vector_store %arg10[%swap3A_892, %swap3A_893], %swap3A_896 {strides = array<i32>} : memref<128x128xf32, #tpu.memory_space<vmem>>, vector<1x16xf32>,
        %mul3A_897 = arith.constant 16 : i32
        %mul3A_898 = arith.muli %scan3A_77, %mul3A_897 : i32
        %add3A_899 = arith.constant 8 : i32
        %add3A_900 = arith.addi %mul3A_898, %add3A_899 : i32
        %slice3A_901 = vector.extract_strided_slice %get3A_83 {offsets = [8], sizes = [1], strides = [1]} : vector<16xf32> to vector<1xf32>
        %squeeze3A_902 = vector.extract %slice3A_901[0] : f32 from vector<1xf32>
        %get3A_903 = arith.index_cast %add3A_900 : i32 to index
        %get3A_904 = arith.constant 0 : index
        %get3A_905 = tpu.vector_load %arg10[%get3A_903, %get3A_904] {strides = array<i32>} : memref<128x128xf32, #tpu.memory_space<vmem>>, vector<1x16xf32>,
        %get3A_906 = vector.shape_cast %get3A_905 : vector<1x16xf32> to vector<16xf32>
        %mul3A_907 = vector.broadcast %squeeze3A_902 : f32 to vector<16xf32>
        %mul3A_908 = arith.mulf %get3A_906, %mul3A_907 : vector<16xf32>
        %add3A_909 = arith.addf %mul3A_908, %mul3A_18 : vector<16xf32>
        %swap3A_910 = arith.index_cast %add3A_900 : i32 to index
        %swap3A_911 = arith.constant 0 : index
        %swap3A_912 = tpu.vector_load %arg10[%swap3A_910, %swap3A_911] {strides = array<i32>} : memref<128x128xf32, #tpu.memory_space<vmem>>, vector<1x16xf32>,
        %swap3A_913 = vector.shape_cast %swap3A_912 : vector<1x16xf32> to vector<16xf32>
        %swap3A_914 = vector.shape_cast %add3A_909 : vector<16xf32> to vector<1x16xf32>
        tpu.vector_store %arg10[%swap3A_910, %swap3A_911], %swap3A_914 {strides = array<i32>} : memref<128x128xf32, #tpu.memory_space<vmem>>, vector<1x16xf32>,
        %get3A_915 = arith.index_cast %add3A_900 : i32 to index
        %get3A_916 = arith.constant 16 : index
        %get3A_917 = tpu.vector_load %arg10[%get3A_915, %get3A_916] {strides = array<i32>} : memref<128x128xf32, #tpu.memory_space<vmem>>, vector<1x16xf32>,
        %get3A_918 = vector.shape_cast %get3A_917 : vector<1x16xf32> to vector<16xf32>
        %mul3A_919 = vector.broadcast %squeeze3A_902 : f32 to vector<16xf32>
        %mul3A_920 = arith.mulf %get3A_918, %mul3A_919 : vector<16xf32>
        %add3A_921 = arith.addf %mul3A_920, %mul3A_23 : vector<16xf32>
        %swap3A_922 = arith.index_cast %add3A_900 : i32 to index
        %swap3A_923 = arith.constant 16 : index
        %swap3A_924 = tpu.vector_load %arg10[%swap3A_922, %swap3A_923] {strides = array<i32>} : memref<128x128xf32, #tpu.memory_space<vmem>>, vector<1x16xf32>,
        %swap3A_925 = vector.shape_cast %swap3A_924 : vector<1x16xf32> to vector<16xf32>
        %swap3A_926 = vector.shape_cast %add3A_921 : vector<16xf32> to vector<1x16xf32>
        tpu.vector_store %arg10[%swap3A_922, %swap3A_923], %swap3A_926 {strides = array<i32>} : memref<128x128xf32, #tpu.memory_space<vmem>>, vector<1x16xf32>,
        %get3A_927 = arith.index_cast %add3A_900 : i32 to index
        %get3A_928 = arith.constant 32 : index
        %get3A_929 = tpu.vector_load %arg10[%get3A_927, %get3A_928] {strides = array<i32>} : memref<128x128xf32, #tpu.memory_space<vmem>>, vector<1x16xf32>,
        %get3A_930 = vector.shape_cast %get3A_929 : vector<1x16xf32> to vector<16xf32>
        %mul3A_931 = vector.broadcast %squeeze3A_902 : f32 to vector<16xf32>
        %mul3A_932 = arith.mulf %get3A_930, %mul3A_931 : vector<16xf32>
        %add3A_933 = arith.addf %mul3A_932, %mul3A_28 : vector<16xf32>
        %swap3A_934 = arith.index_cast %add3A_900 : i32 to index
        %swap3A_935 = arith.constant 32 : index
        %swap3A_936 = tpu.vector_load %arg10[%swap3A_934, %swap3A_935] {strides = array<i32>} : memref<128x128xf32, #tpu.memory_space<vmem>>, vector<1x16xf32>,
        %swap3A_937 = vector.shape_cast %swap3A_936 : vector<1x16xf32> to vector<16xf32>
        %swap3A_938 = vector.shape_cast %add3A_933 : vector<16xf32> to vector<1x16xf32>
        tpu.vector_store %arg10[%swap3A_934, %swap3A_935], %swap3A_938 {strides = array<i32>} : memref<128x128xf32, #tpu.memory_space<vmem>>, vector<1x16xf32>,
        %get3A_939 = arith.index_cast %add3A_900 : i32 to index
        %get3A_940 = arith.constant 48 : index
        %get3A_941 = tpu.vector_load %arg10[%get3A_939, %get3A_940] {strides = array<i32>} : memref<128x128xf32, #tpu.memory_space<vmem>>, vector<1x16xf32>,
        %get3A_942 = vector.shape_cast %get3A_941 : vector<1x16xf32> to vector<16xf32>
        %mul3A_943 = vector.broadcast %squeeze3A_902 : f32 to vector<16xf32>
        %mul3A_944 = arith.mulf %get3A_942, %mul3A_943 : vector<16xf32>
        %add3A_945 = arith.addf %mul3A_944, %mul3A_33 : vector<16xf32>
        %swap3A_946 = arith.index_cast %add3A_900 : i32 to index
        %swap3A_947 = arith.constant 48 : index
        %swap3A_948 = tpu.vector_load %arg10[%swap3A_946, %swap3A_947] {strides = array<i32>} : memref<128x128xf32, #tpu.memory_space<vmem>>, vector<1x16xf32>,
        %swap3A_949 = vector.shape_cast %swap3A_948 : vector<1x16xf32> to vector<16xf32>
        %swap3A_950 = vector.shape_cast %add3A_945 : vector<16xf32> to vector<1x16xf32>
        tpu.vector_store %arg10[%swap3A_946, %swap3A_947], %swap3A_950 {strides = array<i32>} : memref<128x128xf32, #tpu.memory_space<vmem>>, vector<1x16xf32>,
        %get3A_951 = arith.index_cast %add3A_900 : i32 to index
        %get3A_952 = arith.constant 64 : index
        %get3A_953 = tpu.vector_load %arg10[%get3A_951, %get3A_952] {strides = array<i32>} : memref<128x128xf32, #tpu.memory_space<vmem>>, vector<1x16xf32>,
        %get3A_954 = vector.shape_cast %get3A_953 : vector<1x16xf32> to vector<16xf32>
        %mul3A_955 = vector.broadcast %squeeze3A_902 : f32 to vector<16xf32>
        %mul3A_956 = arith.mulf %get3A_954, %mul3A_955 : vector<16xf32>
        %add3A_957 = arith.addf %mul3A_956, %mul3A_38 : vector<16xf32>
        %swap3A_958 = arith.index_cast %add3A_900 : i32 to index
        %swap3A_959 = arith.constant 64 : index
        %swap3A_960 = tpu.vector_load %arg10[%swap3A_958, %swap3A_959] {strides = array<i32>} : memref<128x128xf32, #tpu.memory_space<vmem>>, vector<1x16xf32>,
        %swap3A_961 = vector.shape_cast %swap3A_960 : vector<1x16xf32> to vector<16xf32>
        %swap3A_962 = vector.shape_cast %add3A_957 : vector<16xf32> to vector<1x16xf32>
        tpu.vector_store %arg10[%swap3A_958, %swap3A_959], %swap3A_962 {strides = array<i32>} : memref<128x128xf32, #tpu.memory_space<vmem>>, vector<1x16xf32>,
        %get3A_963 = arith.index_cast %add3A_900 : i32 to index
        %get3A_964 = arith.constant 80 : index
        %get3A_965 = tpu.vector_load %arg10[%get3A_963, %get3A_964] {strides = array<i32>} : memref<128x128xf32, #tpu.memory_space<vmem>>, vector<1x16xf32>,
        %get3A_966 = vector.shape_cast %get3A_965 : vector<1x16xf32> to vector<16xf32>
        %mul3A_967 = vector.broadcast %squeeze3A_902 : f32 to vector<16xf32>
        %mul3A_968 = arith.mulf %get3A_966, %mul3A_967 : vector<16xf32>
        %add3A_969 = arith.addf %mul3A_968, %mul3A_43 : vector<16xf32>
        %swap3A_970 = arith.index_cast %add3A_900 : i32 to index
        %swap3A_971 = arith.constant 80 : index
        %swap3A_972 = tpu.vector_load %arg10[%swap3A_970, %swap3A_971] {strides = array<i32>} : memref<128x128xf32, #tpu.memory_space<vmem>>, vector<1x16xf32>,
        %swap3A_973 = vector.shape_cast %swap3A_972 : vector<1x16xf32> to vector<16xf32>
        %swap3A_974 = vector.shape_cast %add3A_969 : vector<16xf32> to vector<1x16xf32>
        tpu.vector_store %arg10[%swap3A_970, %swap3A_971], %swap3A_974 {strides = array<i32>} : memref<128x128xf32, #tpu.memory_space<vmem>>, vector<1x16xf32>,
        %get3A_975 = arith.index_cast %add3A_900 : i32 to index
        %get3A_976 = arith.constant 96 : index
        %get3A_977 = tpu.vector_load %arg10[%get3A_975, %get3A_976] {strides = array<i32>} : memref<128x128xf32, #tpu.memory_space<vmem>>, vector<1x16xf32>,
        %get3A_978 = vector.shape_cast %get3A_977 : vector<1x16xf32> to vector<16xf32>
        %mul3A_979 = vector.broadcast %squeeze3A_902 : f32 to vector<16xf32>
        %mul3A_980 = arith.mulf %get3A_978, %mul3A_979 : vector<16xf32>
        %add3A_981 = arith.addf %mul3A_980, %mul3A_48 : vector<16xf32>
        %swap3A_982 = arith.index_cast %add3A_900 : i32 to index
        %swap3A_983 = arith.constant 96 : index
        %swap3A_984 = tpu.vector_load %arg10[%swap3A_982, %swap3A_983] {strides = array<i32>} : memref<128x128xf32, #tpu.memory_space<vmem>>, vector<1x16xf32>,
        %swap3A_985 = vector.shape_cast %swap3A_984 : vector<1x16xf32> to vector<16xf32>
        %swap3A_986 = vector.shape_cast %add3A_981 : vector<16xf32> to vector<1x16xf32>
        tpu.vector_store %arg10[%swap3A_982, %swap3A_983], %swap3A_986 {strides = array<i32>} : memref<128x128xf32, #tpu.memory_space<vmem>>, vector<1x16xf32>,
        %get3A_987 = arith.index_cast %add3A_900 : i32 to index
        %get3A_988 = arith.constant 112 : index
        %get3A_989 = tpu.vector_load %arg10[%get3A_987, %get3A_988] {strides = array<i32>} : memref<128x128xf32, #tpu.memory_space<vmem>>, vector<1x16xf32>,
        %get3A_990 = vector.shape_cast %get3A_989 : vector<1x16xf32> to vector<16xf32>
        %mul3A_991 = vector.broadcast %squeeze3A_902 : f32 to vector<16xf32>
        %mul3A_992 = arith.mulf %get3A_990, %mul3A_991 : vector<16xf32>
        %add3A_993 = arith.addf %mul3A_992, %mul3A_53 : vector<16xf32>
        %swap3A_994 = arith.index_cast %add3A_900 : i32 to index
        %swap3A_995 = arith.constant 112 : index
        %swap3A_996 = tpu.vector_load %arg10[%swap3A_994, %swap3A_995] {strides = array<i32>} : memref<128x128xf32, #tpu.memory_space<vmem>>, vector<1x16xf32>,
        %swap3A_997 = vector.shape_cast %swap3A_996 : vector<1x16xf32> to vector<16xf32>
        %swap3A_998 = vector.shape_cast %add3A_993 : vector<16xf32> to vector<1x16xf32>
        tpu.vector_store %arg10[%swap3A_994, %swap3A_995], %swap3A_998 {strides = array<i32>} : memref<128x128xf32, #tpu.memory_space<vmem>>, vector<1x16xf32>,
        %mul3A_999 = arith.constant 16 : i32
        %mul3A_1000 = arith.muli %scan3A_77, %mul3A_999 : i32
        %add3A_1001 = arith.constant 9 : i32
        %add3A_1002 = arith.addi %mul3A_1000, %add3A_1001 : i32
        %slice3A_1003 = vector.extract_strided_slice %get3A_83 {offsets = [9], sizes = [1], strides = [1]} : vector<16xf32> to vector<1xf32>
        %squeeze3A_1004 = vector.extract %slice3A_1003[0] : f32 from vector<1xf32>
        %get3A_1005 = arith.index_cast %add3A_1002 : i32 to index
        %get3A_1006 = arith.constant 0 : index
        %get3A_1007 = tpu.vector_load %arg10[%get3A_1005, %get3A_1006] {strides = array<i32>} : memref<128x128xf32, #tpu.memory_space<vmem>>, vector<1x16xf32>,
        %get3A_1008 = vector.shape_cast %get3A_1007 : vector<1x16xf32> to vector<16xf32>
        %mul3A_1009 = vector.broadcast %squeeze3A_1004 : f32 to vector<16xf32>
        %mul3A_1010 = arith.mulf %get3A_1008, %mul3A_1009 : vector<16xf32>
        %add3A_1011 = arith.addf %mul3A_1010, %mul3A_18 : vector<16xf32>
        %swap3A_1012 = arith.index_cast %add3A_1002 : i32 to index
        %swap3A_1013 = arith.constant 0 : index
        %swap3A_1014 = tpu.vector_load %arg10[%swap3A_1012, %swap3A_1013] {strides = array<i32>} : memref<128x128xf32, #tpu.memory_space<vmem>>, vector<1x16xf32>,
        %swap3A_1015 = vector.shape_cast %swap3A_1014 : vector<1x16xf32> to vector<16xf32>
        %swap3A_1016 = vector.shape_cast %add3A_1011 : vector<16xf32> to vector<1x16xf32>
        tpu.vector_store %arg10[%swap3A_1012, %swap3A_1013], %swap3A_1016 {strides = array<i32>} : memref<128x128xf32, #tpu.memory_space<vmem>>, vector<1x16xf32>,
        %get3A_1017 = arith.index_cast %add3A_1002 : i32 to index
        %get3A_1018 = arith.constant 16 : index
        %get3A_1019 = tpu.vector_load %arg10[%get3A_1017, %get3A_1018] {strides = array<i32>} : memref<128x128xf32, #tpu.memory_space<vmem>>, vector<1x16xf32>,
        %get3A_1020 = vector.shape_cast %get3A_1019 : vector<1x16xf32> to vector<16xf32>
        %mul3A_1021 = vector.broadcast %squeeze3A_1004 : f32 to vector<16xf32>
        %mul3A_1022 = arith.mulf %get3A_1020, %mul3A_1021 : vector<16xf32>
        %add3A_1023 = arith.addf %mul3A_1022, %mul3A_23 : vector<16xf32>
        %swap3A_1024 = arith.index_cast %add3A_1002 : i32 to index
        %swap3A_1025 = arith.constant 16 : index
        %swap3A_1026 = tpu.vector_load %arg10[%swap3A_1024, %swap3A_1025] {strides = array<i32>} : memref<128x128xf32, #tpu.memory_space<vmem>>, vector<1x16xf32>,
        %swap3A_1027 = vector.shape_cast %swap3A_1026 : vector<1x16xf32> to vector<16xf32>
        %swap3A_1028 = vector.shape_cast %add3A_1023 : vector<16xf32> to vector<1x16xf32>
        tpu.vector_store %arg10[%swap3A_1024, %swap3A_1025], %swap3A_1028 {strides = array<i32>} : memref<128x128xf32, #tpu.memory_space<vmem>>, vector<1x16xf32>,
        %get3A_1029 = arith.index_cast %add3A_1002 : i32 to index
        %get3A_1030 = arith.constant 32 : index
        %get3A_1031 = tpu.vector_load %arg10[%get3A_1029, %get3A_1030] {strides = array<i32>} : memref<128x128xf32, #tpu.memory_space<vmem>>, vector<1x16xf32>,
        %get3A_1032 = vector.shape_cast %get3A_1031 : vector<1x16xf32> to vector<16xf32>
        %mul3A_1033 = vector.broadcast %squeeze3A_1004 : f32 to vector<16xf32>
        %mul3A_1034 = arith.mulf %get3A_1032, %mul3A_1033 : vector<16xf32>
        %add3A_1035 = arith.addf %mul3A_1034, %mul3A_28 : vector<16xf32>
        %swap3A_1036 = arith.index_cast %add3A_1002 : i32 to index
        %swap3A_1037 = arith.constant 32 : index
        %swap3A_1038 = tpu.vector_load %arg10[%swap3A_1036, %swap3A_1037] {strides = array<i32>} : memref<128x128xf32, #tpu.memory_space<vmem>>, vector<1x16xf32>,
        %swap3A_1039 = vector.shape_cast %swap3A_1038 : vector<1x16xf32> to vector<16xf32>
        %swap3A_1040 = vector.shape_cast %add3A_1035 : vector<16xf32> to vector<1x16xf32>
        tpu.vector_store %arg10[%swap3A_1036, %swap3A_1037], %swap3A_1040 {strides = array<i32>} : memref<128x128xf32, #tpu.memory_space<vmem>>, vector<1x16xf32>,
        %get3A_1041 = arith.index_cast %add3A_1002 : i32 to index
        %get3A_1042 = arith.constant 48 : index
        %get3A_1043 = tpu.vector_load %arg10[%get3A_1041, %get3A_1042] {strides = array<i32>} : memref<128x128xf32, #tpu.memory_space<vmem>>, vector<1x16xf32>,
        %get3A_1044 = vector.shape_cast %get3A_1043 : vector<1x16xf32> to vector<16xf32>
        %mul3A_1045 = vector.broadcast %squeeze3A_1004 : f32 to vector<16xf32>
        %mul3A_1046 = arith.mulf %get3A_1044, %mul3A_1045 : vector<16xf32>
        %add3A_1047 = arith.addf %mul3A_1046, %mul3A_33 : vector<16xf32>
        %swap3A_1048 = arith.index_cast %add3A_1002 : i32 to index
        %swap3A_1049 = arith.constant 48 : index
        %swap3A_1050 = tpu.vector_load %arg10[%swap3A_1048, %swap3A_1049] {strides = array<i32>} : memref<128x128xf32, #tpu.memory_space<vmem>>, vector<1x16xf32>,
        %swap3A_1051 = vector.shape_cast %swap3A_1050 : vector<1x16xf32> to vector<16xf32>
        %swap3A_1052 = vector.shape_cast %add3A_1047 : vector<16xf32> to vector<1x16xf32>
        tpu.vector_store %arg10[%swap3A_1048, %swap3A_1049], %swap3A_1052 {strides = array<i32>} : memref<128x128xf32, #tpu.memory_space<vmem>>, vector<1x16xf32>,
        %get3A_1053 = arith.index_cast %add3A_1002 : i32 to index
        %get3A_1054 = arith.constant 64 : index
        %get3A_1055 = tpu.vector_load %arg10[%get3A_1053, %get3A_1054] {strides = array<i32>} : memref<128x128xf32, #tpu.memory_space<vmem>>, vector<1x16xf32>,
        %get3A_1056 = vector.shape_cast %get3A_1055 : vector<1x16xf32> to vector<16xf32>
        %mul3A_1057 = vector.broadcast %squeeze3A_1004 : f32 to vector<16xf32>
        %mul3A_1058 = arith.mulf %get3A_1056, %mul3A_1057 : vector<16xf32>
        %add3A_1059 = arith.addf %mul3A_1058, %mul3A_38 : vector<16xf32>
        %swap3A_1060 = arith.index_cast %add3A_1002 : i32 to index
        %swap3A_1061 = arith.constant 64 : index
        %swap3A_1062 = tpu.vector_load %arg10[%swap3A_1060, %swap3A_1061] {strides = array<i32>} : memref<128x128xf32, #tpu.memory_space<vmem>>, vector<1x16xf32>,
        %swap3A_1063 = vector.shape_cast %swap3A_1062 : vector<1x16xf32> to vector<16xf32>
        %swap3A_1064 = vector.shape_cast %add3A_1059 : vector<16xf32> to vector<1x16xf32>
        tpu.vector_store %arg10[%swap3A_1060, %swap3A_1061], %swap3A_1064 {strides = array<i32>} : memref<128x128xf32, #tpu.memory_space<vmem>>, vector<1x16xf32>,
        %get3A_1065 = arith.index_cast %add3A_1002 : i32 to index
        %get3A_1066 = arith.constant 80 : index
        %get3A_1067 = tpu.vector_load %arg10[%get3A_1065, %get3A_1066] {strides = array<i32>} : memref<128x128xf32, #tpu.memory_space<vmem>>, vector<1x16xf32>,
        %get3A_1068 = vector.shape_cast %get3A_1067 : vector<1x16xf32> to vector<16xf32>
        %mul3A_1069 = vector.broadcast %squeeze3A_1004 : f32 to vector<16xf32>
        %mul3A_1070 = arith.mulf %get3A_1068, %mul3A_1069 : vector<16xf32>
        %add3A_1071 = arith.addf %mul3A_1070, %mul3A_43 : vector<16xf32>
        %swap3A_1072 = arith.index_cast %add3A_1002 : i32 to index
        %swap3A_1073 = arith.constant 80 : index
        %swap3A_1074 = tpu.vector_load %arg10[%swap3A_1072, %swap3A_1073] {strides = array<i32>} : memref<128x128xf32, #tpu.memory_space<vmem>>, vector<1x16xf32>,
        %swap3A_1075 = vector.shape_cast %swap3A_1074 : vector<1x16xf32> to vector<16xf32>
        %swap3A_1076 = vector.shape_cast %add3A_1071 : vector<16xf32> to vector<1x16xf32>
        tpu.vector_store %arg10[%swap3A_1072, %swap3A_1073], %swap3A_1076 {strides = array<i32>} : memref<128x128xf32, #tpu.memory_space<vmem>>, vector<1x16xf32>,
        %get3A_1077 = arith.index_cast %add3A_1002 : i32 to index
        %get3A_1078 = arith.constant 96 : index
        %get3A_1079 = tpu.vector_load %arg10[%get3A_1077, %get3A_1078] {strides = array<i32>} : memref<128x128xf32, #tpu.memory_space<vmem>>, vector<1x16xf32>,
        %get3A_1080 = vector.shape_cast %get3A_1079 : vector<1x16xf32> to vector<16xf32>
        %mul3A_1081 = vector.broadcast %squeeze3A_1004 : f32 to vector<16xf32>
        %mul3A_1082 = arith.mulf %get3A_1080, %mul3A_1081 : vector<16xf32>
        %add3A_1083 = arith.addf %mul3A_1082, %mul3A_48 : vector<16xf32>
        %swap3A_1084 = arith.index_cast %add3A_1002 : i32 to index
        %swap3A_1085 = arith.constant 96 : index
        %swap3A_1086 = tpu.vector_load %arg10[%swap3A_1084, %swap3A_1085] {strides = array<i32>} : memref<128x128xf32, #tpu.memory_space<vmem>>, vector<1x16xf32>,
        %swap3A_1087 = vector.shape_cast %swap3A_1086 : vector<1x16xf32> to vector<16xf32>
        %swap3A_1088 = vector.shape_cast %add3A_1083 : vector<16xf32> to vector<1x16xf32>
        tpu.vector_store %arg10[%swap3A_1084, %swap3A_1085], %swap3A_1088 {strides = array<i32>} : memref<128x128xf32, #tpu.memory_space<vmem>>, vector<1x16xf32>,
        %get3A_1089 = arith.index_cast %add3A_1002 : i32 to index
        %get3A_1090 = arith.constant 112 : index
        %get3A_1091 = tpu.vector_load %arg10[%get3A_1089, %get3A_1090] {strides = array<i32>} : memref<128x128xf32, #tpu.memory_space<vmem>>, vector<1x16xf32>,
        %get3A_1092 = vector.shape_cast %get3A_1091 : vector<1x16xf32> to vector<16xf32>
        %mul3A_1093 = vector.broadcast %squeeze3A_1004 : f32 to vector<16xf32>
        %mul3A_1094 = arith.mulf %get3A_1092, %mul3A_1093 : vector<16xf32>
        %add3A_1095 = arith.addf %mul3A_1094, %mul3A_53 : vector<16xf32>
        %swap3A_1096 = arith.index_cast %add3A_1002 : i32 to index
        %swap3A_1097 = arith.constant 112 : index
        %swap3A_1098 = tpu.vector_load %arg10[%swap3A_1096, %swap3A_1097] {strides = array<i32>} : memref<128x128xf32, #tpu.memory_space<vmem>>, vector<1x16xf32>,
        %swap3A_1099 = vector.shape_cast %swap3A_1098 : vector<1x16xf32> to vector<16xf32>
        %swap3A_1100 = vector.shape_cast %add3A_1095 : vector<16xf32> to vector<1x16xf32>
        tpu.vector_store %arg10[%swap3A_1096, %swap3A_1097], %swap3A_1100 {strides = array<i32>} : memref<128x128xf32, #tpu.memory_space<vmem>>, vector<1x16xf32>,
        %mul3A_1101 = arith.constant 16 : i32
        %mul3A_1102 = arith.muli %scan3A_77, %mul3A_1101 : i32
        %add3A_1103 = arith.constant 10 : i32
        %add3A_1104 = arith.addi %mul3A_1102, %add3A_1103 : i32
        %slice3A_1105 = vector.extract_strided_slice %get3A_83 {offsets = [10], sizes = [1], strides = [1]} : vector<16xf32> to vector<1xf32>
        %squeeze3A_1106 = vector.extract %slice3A_1105[0] : f32 from vector<1xf32>
        %get3A_1107 = arith.index_cast %add3A_1104 : i32 to index
        %get3A_1108 = arith.constant 0 : index
        %get3A_1109 = tpu.vector_load %arg10[%get3A_1107, %get3A_1108] {strides = array<i32>} : memref<128x128xf32, #tpu.memory_space<vmem>>, vector<1x16xf32>,
        %get3A_1110 = vector.shape_cast %get3A_1109 : vector<1x16xf32> to vector<16xf32>
        %mul3A_1111 = vector.broadcast %squeeze3A_1106 : f32 to vector<16xf32>
        %mul3A_1112 = arith.mulf %get3A_1110, %mul3A_1111 : vector<16xf32>
        %add3A_1113 = arith.addf %mul3A_1112, %mul3A_18 : vector<16xf32>
        %swap3A_1114 = arith.index_cast %add3A_1104 : i32 to index
        %swap3A_1115 = arith.constant 0 : index
        %swap3A_1116 = tpu.vector_load %arg10[%swap3A_1114, %swap3A_1115] {strides = array<i32>} : memref<128x128xf32, #tpu.memory_space<vmem>>, vector<1x16xf32>,
        %swap3A_1117 = vector.shape_cast %swap3A_1116 : vector<1x16xf32> to vector<16xf32>
        %swap3A_1118 = vector.shape_cast %add3A_1113 : vector<16xf32> to vector<1x16xf32>
        tpu.vector_store %arg10[%swap3A_1114, %swap3A_1115], %swap3A_1118 {strides = array<i32>} : memref<128x128xf32, #tpu.memory_space<vmem>>, vector<1x16xf32>,
        %get3A_1119 = arith.index_cast %add3A_1104 : i32 to index
        %get3A_1120 = arith.constant 16 : index
        %get3A_1121 = tpu.vector_load %arg10[%get3A_1119, %get3A_1120] {strides = array<i32>} : memref<128x128xf32, #tpu.memory_space<vmem>>, vector<1x16xf32>,
        %get3A_1122 = vector.shape_cast %get3A_1121 : vector<1x16xf32> to vector<16xf32>
        %mul3A_1123 = vector.broadcast %squeeze3A_1106 : f32 to vector<16xf32>
        %mul3A_1124 = arith.mulf %get3A_1122, %mul3A_1123 : vector<16xf32>
        %add3A_1125 = arith.addf %mul3A_1124, %mul3A_23 : vector<16xf32>
        %swap3A_1126 = arith.index_cast %add3A_1104 : i32 to index
        %swap3A_1127 = arith.constant 16 : index
        %swap3A_1128 = tpu.vector_load %arg10[%swap3A_1126, %swap3A_1127] {strides = array<i32>} : memref<128x128xf32, #tpu.memory_space<vmem>>, vector<1x16xf32>,
        %swap3A_1129 = vector.shape_cast %swap3A_1128 : vector<1x16xf32> to vector<16xf32>
        %swap3A_1130 = vector.shape_cast %add3A_1125 : vector<16xf32> to vector<1x16xf32>
        tpu.vector_store %arg10[%swap3A_1126, %swap3A_1127], %swap3A_1130 {strides = array<i32>} : memref<128x128xf32, #tpu.memory_space<vmem>>, vector<1x16xf32>,
        %get3A_1131 = arith.index_cast %add3A_1104 : i32 to index
        %get3A_1132 = arith.constant 32 : index
        %get3A_1133 = tpu.vector_load %arg10[%get3A_1131, %get3A_1132] {strides = array<i32>} : memref<128x128xf32, #tpu.memory_space<vmem>>, vector<1x16xf32>,
        %get3A_1134 = vector.shape_cast %get3A_1133 : vector<1x16xf32> to vector<16xf32>
        %mul3A_1135 = vector.broadcast %squeeze3A_1106 : f32 to vector<16xf32>
        %mul3A_1136 = arith.mulf %get3A_1134, %mul3A_1135 : vector<16xf32>
        %add3A_1137 = arith.addf %mul3A_1136, %mul3A_28 : vector<16xf32>
        %swap3A_1138 = arith.index_cast %add3A_1104 : i32 to index
        %swap3A_1139 = arith.constant 32 : index
        %swap3A_1140 = tpu.vector_load %arg10[%swap3A_1138, %swap3A_1139] {strides = array<i32>} : memref<128x128xf32, #tpu.memory_space<vmem>>, vector<1x16xf32>,
        %swap3A_1141 = vector.shape_cast %swap3A_1140 : vector<1x16xf32> to vector<16xf32>
        %swap3A_1142 = vector.shape_cast %add3A_1137 : vector<16xf32> to vector<1x16xf32>
        tpu.vector_store %arg10[%swap3A_1138, %swap3A_1139], %swap3A_1142 {strides = array<i32>} : memref<128x128xf32, #tpu.memory_space<vmem>>, vector<1x16xf32>,
        %get3A_1143 = arith.index_cast %add3A_1104 : i32 to index
        %get3A_1144 = arith.constant 48 : index
        %get3A_1145 = tpu.vector_load %arg10[%get3A_1143, %get3A_1144] {strides = array<i32>} : memref<128x128xf32, #tpu.memory_space<vmem>>, vector<1x16xf32>,
        %get3A_1146 = vector.shape_cast %get3A_1145 : vector<1x16xf32> to vector<16xf32>
        %mul3A_1147 = vector.broadcast %squeeze3A_1106 : f32 to vector<16xf32>
        %mul3A_1148 = arith.mulf %get3A_1146, %mul3A_1147 : vector<16xf32>
        %add3A_1149 = arith.addf %mul3A_1148, %mul3A_33 : vector<16xf32>
        %swap3A_1150 = arith.index_cast %add3A_1104 : i32 to index
        %swap3A_1151 = arith.constant 48 : index
        %swap3A_1152 = tpu.vector_load %arg10[%swap3A_1150, %swap3A_1151] {strides = array<i32>} : memref<128x128xf32, #tpu.memory_space<vmem>>, vector<1x16xf32>,
        %swap3A_1153 = vector.shape_cast %swap3A_1152 : vector<1x16xf32> to vector<16xf32>
        %swap3A_1154 = vector.shape_cast %add3A_1149 : vector<16xf32> to vector<1x16xf32>
        tpu.vector_store %arg10[%swap3A_1150, %swap3A_1151], %swap3A_1154 {strides = array<i32>} : memref<128x128xf32, #tpu.memory_space<vmem>>, vector<1x16xf32>,
        %get3A_1155 = arith.index_cast %add3A_1104 : i32 to index
        %get3A_1156 = arith.constant 64 : index
        %get3A_1157 = tpu.vector_load %arg10[%get3A_1155, %get3A_1156] {strides = array<i32>} : memref<128x128xf32, #tpu.memory_space<vmem>>, vector<1x16xf32>,
        %get3A_1158 = vector.shape_cast %get3A_1157 : vector<1x16xf32> to vector<16xf32>
        %mul3A_1159 = vector.broadcast %squeeze3A_1106 : f32 to vector<16xf32>
        %mul3A_1160 = arith.mulf %get3A_1158, %mul3A_1159 : vector<16xf32>
        %add3A_1161 = arith.addf %mul3A_1160, %mul3A_38 : vector<16xf32>
        %swap3A_1162 = arith.index_cast %add3A_1104 : i32 to index
        %swap3A_1163 = arith.constant 64 : index
        %swap3A_1164 = tpu.vector_load %arg10[%swap3A_1162, %swap3A_1163] {strides = array<i32>} : memref<128x128xf32, #tpu.memory_space<vmem>>, vector<1x16xf32>,
        %swap3A_1165 = vector.shape_cast %swap3A_1164 : vector<1x16xf32> to vector<16xf32>
        %swap3A_1166 = vector.shape_cast %add3A_1161 : vector<16xf32> to vector<1x16xf32>
        tpu.vector_store %arg10[%swap3A_1162, %swap3A_1163], %swap3A_1166 {strides = array<i32>} : memref<128x128xf32, #tpu.memory_space<vmem>>, vector<1x16xf32>,
        %get3A_1167 = arith.index_cast %add3A_1104 : i32 to index
        %get3A_1168 = arith.constant 80 : index
        %get3A_1169 = tpu.vector_load %arg10[%get3A_1167, %get3A_1168] {strides = array<i32>} : memref<128x128xf32, #tpu.memory_space<vmem>>, vector<1x16xf32>,
        %get3A_1170 = vector.shape_cast %get3A_1169 : vector<1x16xf32> to vector<16xf32>
        %mul3A_1171 = vector.broadcast %squeeze3A_1106 : f32 to vector<16xf32>
        %mul3A_1172 = arith.mulf %get3A_1170, %mul3A_1171 : vector<16xf32>
        %add3A_1173 = arith.addf %mul3A_1172, %mul3A_43 : vector<16xf32>
        %swap3A_1174 = arith.index_cast %add3A_1104 : i32 to index
        %swap3A_1175 = arith.constant 80 : index
        %swap3A_1176 = tpu.vector_load %arg10[%swap3A_1174, %swap3A_1175] {strides = array<i32>} : memref<128x128xf32, #tpu.memory_space<vmem>>, vector<1x16xf32>,
        %swap3A_1177 = vector.shape_cast %swap3A_1176 : vector<1x16xf32> to vector<16xf32>
        %swap3A_1178 = vector.shape_cast %add3A_1173 : vector<16xf32> to vector<1x16xf32>
        tpu.vector_store %arg10[%swap3A_1174, %swap3A_1175], %swap3A_1178 {strides = array<i32>} : memref<128x128xf32, #tpu.memory_space<vmem>>, vector<1x16xf32>,
        %get3A_1179 = arith.index_cast %add3A_1104 : i32 to index
        %get3A_1180 = arith.constant 96 : index
        %get3A_1181 = tpu.vector_load %arg10[%get3A_1179, %get3A_1180] {strides = array<i32>} : memref<128x128xf32, #tpu.memory_space<vmem>>, vector<1x16xf32>,
        %get3A_1182 = vector.shape_cast %get3A_1181 : vector<1x16xf32> to vector<16xf32>
        %mul3A_1183 = vector.broadcast %squeeze3A_1106 : f32 to vector<16xf32>
        %mul3A_1184 = arith.mulf %get3A_1182, %mul3A_1183 : vector<16xf32>
        %add3A_1185 = arith.addf %mul3A_1184, %mul3A_48 : vector<16xf32>
        %swap3A_1186 = arith.index_cast %add3A_1104 : i32 to index
        %swap3A_1187 = arith.constant 96 : index
        %swap3A_1188 = tpu.vector_load %arg10[%swap3A_1186, %swap3A_1187] {strides = array<i32>} : memref<128x128xf32, #tpu.memory_space<vmem>>, vector<1x16xf32>,
        %swap3A_1189 = vector.shape_cast %swap3A_1188 : vector<1x16xf32> to vector<16xf32>
        %swap3A_1190 = vector.shape_cast %add3A_1185 : vector<16xf32> to vector<1x16xf32>
        tpu.vector_store %arg10[%swap3A_1186, %swap3A_1187], %swap3A_1190 {strides = array<i32>} : memref<128x128xf32, #tpu.memory_space<vmem>>, vector<1x16xf32>,
        %get3A_1191 = arith.index_cast %add3A_1104 : i32 to index
        %get3A_1192 = arith.constant 112 : index
        %get3A_1193 = tpu.vector_load %arg10[%get3A_1191, %get3A_1192] {strides = array<i32>} : memref<128x128xf32, #tpu.memory_space<vmem>>, vector<1x16xf32>,
        %get3A_1194 = vector.shape_cast %get3A_1193 : vector<1x16xf32> to vector<16xf32>
        %mul3A_1195 = vector.broadcast %squeeze3A_1106 : f32 to vector<16xf32>
        %mul3A_1196 = arith.mulf %get3A_1194, %mul3A_1195 : vector<16xf32>
        %add3A_1197 = arith.addf %mul3A_1196, %mul3A_53 : vector<16xf32>
        %swap3A_1198 = arith.index_cast %add3A_1104 : i32 to index
        %swap3A_1199 = arith.constant 112 : index
        %swap3A_1200 = tpu.vector_load %arg10[%swap3A_1198, %swap3A_1199] {strides = array<i32>} : memref<128x128xf32, #tpu.memory_space<vmem>>, vector<1x16xf32>,
        %swap3A_1201 = vector.shape_cast %swap3A_1200 : vector<1x16xf32> to vector<16xf32>
        %swap3A_1202 = vector.shape_cast %add3A_1197 : vector<16xf32> to vector<1x16xf32>
        tpu.vector_store %arg10[%swap3A_1198, %swap3A_1199], %swap3A_1202 {strides = array<i32>} : memref<128x128xf32, #tpu.memory_space<vmem>>, vector<1x16xf32>,
        %mul3A_1203 = arith.constant 16 : i32
        %mul3A_1204 = arith.muli %scan3A_77, %mul3A_1203 : i32
        %add3A_1205 = arith.constant 11 : i32
        %add3A_1206 = arith.addi %mul3A_1204, %add3A_1205 : i32
        %slice3A_1207 = vector.extract_strided_slice %get3A_83 {offsets = [11], sizes = [1], strides = [1]} : vector<16xf32> to vector<1xf32>
        %squeeze3A_1208 = vector.extract %slice3A_1207[0] : f32 from vector<1xf32>
        %get3A_1209 = arith.index_cast %add3A_1206 : i32 to index
        %get3A_1210 = arith.constant 0 : index
        %get3A_1211 = tpu.vector_load %arg10[%get3A_1209, %get3A_1210] {strides = array<i32>} : memref<128x128xf32, #tpu.memory_space<vmem>>, vector<1x16xf32>,
        %get3A_1212 = vector.shape_cast %get3A_1211 : vector<1x16xf32> to vector<16xf32>
        %mul3A_1213 = vector.broadcast %squeeze3A_1208 : f32 to vector<16xf32>
        %mul3A_1214 = arith.mulf %get3A_1212, %mul3A_1213 : vector<16xf32>
        %add3A_1215 = arith.addf %mul3A_1214, %mul3A_18 : vector<16xf32>
        %swap3A_1216 = arith.index_cast %add3A_1206 : i32 to index
        %swap3A_1217 = arith.constant 0 : index
        %swap3A_1218 = tpu.vector_load %arg10[%swap3A_1216, %swap3A_1217] {strides = array<i32>} : memref<128x128xf32, #tpu.memory_space<vmem>>, vector<1x16xf32>,
        %swap3A_1219 = vector.shape_cast %swap3A_1218 : vector<1x16xf32> to vector<16xf32>
        %swap3A_1220 = vector.shape_cast %add3A_1215 : vector<16xf32> to vector<1x16xf32>
        tpu.vector_store %arg10[%swap3A_1216, %swap3A_1217], %swap3A_1220 {strides = array<i32>} : memref<128x128xf32, #tpu.memory_space<vmem>>, vector<1x16xf32>,
        %get3A_1221 = arith.index_cast %add3A_1206 : i32 to index
        %get3A_1222 = arith.constant 16 : index
        %get3A_1223 = tpu.vector_load %arg10[%get3A_1221, %get3A_1222] {strides = array<i32>} : memref<128x128xf32, #tpu.memory_space<vmem>>, vector<1x16xf32>,
        %get3A_1224 = vector.shape_cast %get3A_1223 : vector<1x16xf32> to vector<16xf32>
        %mul3A_1225 = vector.broadcast %squeeze3A_1208 : f32 to vector<16xf32>
        %mul3A_1226 = arith.mulf %get3A_1224, %mul3A_1225 : vector<16xf32>
        %add3A_1227 = arith.addf %mul3A_1226, %mul3A_23 : vector<16xf32>
        %swap3A_1228 = arith.index_cast %add3A_1206 : i32 to index
        %swap3A_1229 = arith.constant 16 : index
        %swap3A_1230 = tpu.vector_load %arg10[%swap3A_1228, %swap3A_1229] {strides = array<i32>} : memref<128x128xf32, #tpu.memory_space<vmem>>, vector<1x16xf32>,
        %swap3A_1231 = vector.shape_cast %swap3A_1230 : vector<1x16xf32> to vector<16xf32>
        %swap3A_1232 = vector.shape_cast %add3A_1227 : vector<16xf32> to vector<1x16xf32>
        tpu.vector_store %arg10[%swap3A_1228, %swap3A_1229], %swap3A_1232 {strides = array<i32>} : memref<128x128xf32, #tpu.memory_space<vmem>>, vector<1x16xf32>,
        %get3A_1233 = arith.index_cast %add3A_1206 : i32 to index
        %get3A_1234 = arith.constant 32 : index
        %get3A_1235 = tpu.vector_load %arg10[%get3A_1233, %get3A_1234] {strides = array<i32>} : memref<128x128xf32, #tpu.memory_space<vmem>>, vector<1x16xf32>,
        %get3A_1236 = vector.shape_cast %get3A_1235 : vector<1x16xf32> to vector<16xf32>
        %mul3A_1237 = vector.broadcast %squeeze3A_1208 : f32 to vector<16xf32>
        %mul3A_1238 = arith.mulf %get3A_1236, %mul3A_1237 : vector<16xf32>
        %add3A_1239 = arith.addf %mul3A_1238, %mul3A_28 : vector<16xf32>
        %swap3A_1240 = arith.index_cast %add3A_1206 : i32 to index
        %swap3A_1241 = arith.constant 32 : index
        %swap3A_1242 = tpu.vector_load %arg10[%swap3A_1240, %swap3A_1241] {strides = array<i32>} : memref<128x128xf32, #tpu.memory_space<vmem>>, vector<1x16xf32>,
        %swap3A_1243 = vector.shape_cast %swap3A_1242 : vector<1x16xf32> to vector<16xf32>
        %swap3A_1244 = vector.shape_cast %add3A_1239 : vector<16xf32> to vector<1x16xf32>
        tpu.vector_store %arg10[%swap3A_1240, %swap3A_1241], %swap3A_1244 {strides = array<i32>} : memref<128x128xf32, #tpu.memory_space<vmem>>, vector<1x16xf32>,
        %get3A_1245 = arith.index_cast %add3A_1206 : i32 to index
        %get3A_1246 = arith.constant 48 : index
        %get3A_1247 = tpu.vector_load %arg10[%get3A_1245, %get3A_1246] {strides = array<i32>} : memref<128x128xf32, #tpu.memory_space<vmem>>, vector<1x16xf32>,
        %get3A_1248 = vector.shape_cast %get3A_1247 : vector<1x16xf32> to vector<16xf32>
        %mul3A_1249 = vector.broadcast %squeeze3A_1208 : f32 to vector<16xf32>
        %mul3A_1250 = arith.mulf %get3A_1248, %mul3A_1249 : vector<16xf32>
        %add3A_1251 = arith.addf %mul3A_1250, %mul3A_33 : vector<16xf32>
        %swap3A_1252 = arith.index_cast %add3A_1206 : i32 to index
        %swap3A_1253 = arith.constant 48 : index
        %swap3A_1254 = tpu.vector_load %arg10[%swap3A_1252, %swap3A_1253] {strides = array<i32>} : memref<128x128xf32, #tpu.memory_space<vmem>>, vector<1x16xf32>,
        %swap3A_1255 = vector.shape_cast %swap3A_1254 : vector<1x16xf32> to vector<16xf32>
        %swap3A_1256 = vector.shape_cast %add3A_1251 : vector<16xf32> to vector<1x16xf32>
        tpu.vector_store %arg10[%swap3A_1252, %swap3A_1253], %swap3A_1256 {strides = array<i32>} : memref<128x128xf32, #tpu.memory_space<vmem>>, vector<1x16xf32>,
        %get3A_1257 = arith.index_cast %add3A_1206 : i32 to index
        %get3A_1258 = arith.constant 64 : index
        %get3A_1259 = tpu.vector_load %arg10[%get3A_1257, %get3A_1258] {strides = array<i32>} : memref<128x128xf32, #tpu.memory_space<vmem>>, vector<1x16xf32>,
        %get3A_1260 = vector.shape_cast %get3A_1259 : vector<1x16xf32> to vector<16xf32>
        %mul3A_1261 = vector.broadcast %squeeze3A_1208 : f32 to vector<16xf32>
        %mul3A_1262 = arith.mulf %get3A_1260, %mul3A_1261 : vector<16xf32>
        %add3A_1263 = arith.addf %mul3A_1262, %mul3A_38 : vector<16xf32>
        %swap3A_1264 = arith.index_cast %add3A_1206 : i32 to index
        %swap3A_1265 = arith.constant 64 : index
        %swap3A_1266 = tpu.vector_load %arg10[%swap3A_1264, %swap3A_1265] {strides = array<i32>} : memref<128x128xf32, #tpu.memory_space<vmem>>, vector<1x16xf32>,
        %swap3A_1267 = vector.shape_cast %swap3A_1266 : vector<1x16xf32> to vector<16xf32>
        %swap3A_1268 = vector.shape_cast %add3A_1263 : vector<16xf32> to vector<1x16xf32>
        tpu.vector_store %arg10[%swap3A_1264, %swap3A_1265], %swap3A_1268 {strides = array<i32>} : memref<128x128xf32, #tpu.memory_space<vmem>>, vector<1x16xf32>,
        %get3A_1269 = arith.index_cast %add3A_1206 : i32 to index
        %get3A_1270 = arith.constant 80 : index
        %get3A_1271 = tpu.vector_load %arg10[%get3A_1269, %get3A_1270] {strides = array<i32>} : memref<128x128xf32, #tpu.memory_space<vmem>>, vector<1x16xf32>,
        %get3A_1272 = vector.shape_cast %get3A_1271 : vector<1x16xf32> to vector<16xf32>
        %mul3A_1273 = vector.broadcast %squeeze3A_1208 : f32 to vector<16xf32>
        %mul3A_1274 = arith.mulf %get3A_1272, %mul3A_1273 : vector<16xf32>
        %add3A_1275 = arith.addf %mul3A_1274, %mul3A_43 : vector<16xf32>
        %swap3A_1276 = arith.index_cast %add3A_1206 : i32 to index
        %swap3A_1277 = arith.constant 80 : index
        %swap3A_1278 = tpu.vector_load %arg10[%swap3A_1276, %swap3A_1277] {strides = array<i32>} : memref<128x128xf32, #tpu.memory_space<vmem>>, vector<1x16xf32>,
        %swap3A_1279 = vector.shape_cast %swap3A_1278 : vector<1x16xf32> to vector<16xf32>
        %swap3A_1280 = vector.shape_cast %add3A_1275 : vector<16xf32> to vector<1x16xf32>
        tpu.vector_store %arg10[%swap3A_1276, %swap3A_1277], %swap3A_1280 {strides = array<i32>} : memref<128x128xf32, #tpu.memory_space<vmem>>, vector<1x16xf32>,
        %get3A_1281 = arith.index_cast %add3A_1206 : i32 to index
        %get3A_1282 = arith.constant 96 : index
        %get3A_1283 = tpu.vector_load %arg10[%get3A_1281, %get3A_1282] {strides = array<i32>} : memref<128x128xf32, #tpu.memory_space<vmem>>, vector<1x16xf32>,
        %get3A_1284 = vector.shape_cast %get3A_1283 : vector<1x16xf32> to vector<16xf32>
        %mul3A_1285 = vector.broadcast %squeeze3A_1208 : f32 to vector<16xf32>
        %mul3A_1286 = arith.mulf %get3A_1284, %mul3A_1285 : vector<16xf32>
        %add3A_1287 = arith.addf %mul3A_1286, %mul3A_48 : vector<16xf32>
        %swap3A_1288 = arith.index_cast %add3A_1206 : i32 to index
        %swap3A_1289 = arith.constant 96 : index
        %swap3A_1290 = tpu.vector_load %arg10[%swap3A_1288, %swap3A_1289] {strides = array<i32>} : memref<128x128xf32, #tpu.memory_space<vmem>>, vector<1x16xf32>,
        %swap3A_1291 = vector.shape_cast %swap3A_1290 : vector<1x16xf32> to vector<16xf32>
        %swap3A_1292 = vector.shape_cast %add3A_1287 : vector<16xf32> to vector<1x16xf32>
        tpu.vector_store %arg10[%swap3A_1288, %swap3A_1289], %swap3A_1292 {strides = array<i32>} : memref<128x128xf32, #tpu.memory_space<vmem>>, vector<1x16xf32>,
        %get3A_1293 = arith.index_cast %add3A_1206 : i32 to index
        %get3A_1294 = arith.constant 112 : index
        %get3A_1295 = tpu.vector_load %arg10[%get3A_1293, %get3A_1294] {strides = array<i32>} : memref<128x128xf32, #tpu.memory_space<vmem>>, vector<1x16xf32>,
        %get3A_1296 = vector.shape_cast %get3A_1295 : vector<1x16xf32> to vector<16xf32>
        %mul3A_1297 = vector.broadcast %squeeze3A_1208 : f32 to vector<16xf32>
        %mul3A_1298 = arith.mulf %get3A_1296, %mul3A_1297 : vector<16xf32>
        %add3A_1299 = arith.addf %mul3A_1298, %mul3A_53 : vector<16xf32>
        %swap3A_1300 = arith.index_cast %add3A_1206 : i32 to index
        %swap3A_1301 = arith.constant 112 : index
        %swap3A_1302 = tpu.vector_load %arg10[%swap3A_1300, %swap3A_1301] {strides = array<i32>} : memref<128x128xf32, #tpu.memory_space<vmem>>, vector<1x16xf32>,
        %swap3A_1303 = vector.shape_cast %swap3A_1302 : vector<1x16xf32> to vector<16xf32>
        %swap3A_1304 = vector.shape_cast %add3A_1299 : vector<16xf32> to vector<1x16xf32>
        tpu.vector_store %arg10[%swap3A_1300, %swap3A_1301], %swap3A_1304 {strides = array<i32>} : memref<128x128xf32, #tpu.memory_space<vmem>>, vector<1x16xf32>,
        %mul3A_1305 = arith.constant 16 : i32
        %mul3A_1306 = arith.muli %scan3A_77, %mul3A_1305 : i32
        %add3A_1307 = arith.constant 12 : i32
        %add3A_1308 = arith.addi %mul3A_1306, %add3A_1307 : i32
        %slice3A_1309 = vector.extract_strided_slice %get3A_83 {offsets = [12], sizes = [1], strides = [1]} : vector<16xf32> to vector<1xf32>
        %squeeze3A_1310 = vector.extract %slice3A_1309[0] : f32 from vector<1xf32>
        %get3A_1311 = arith.index_cast %add3A_1308 : i32 to index
        %get3A_1312 = arith.constant 0 : index
        %get3A_1313 = tpu.vector_load %arg10[%get3A_1311, %get3A_1312] {strides = array<i32>} : memref<128x128xf32, #tpu.memory_space<vmem>>, vector<1x16xf32>,
        %get3A_1314 = vector.shape_cast %get3A_1313 : vector<1x16xf32> to vector<16xf32>
        %mul3A_1315 = vector.broadcast %squeeze3A_1310 : f32 to vector<16xf32>
        %mul3A_1316 = arith.mulf %get3A_1314, %mul3A_1315 : vector<16xf32>
        %add3A_1317 = arith.addf %mul3A_1316, %mul3A_18 : vector<16xf32>
        %swap3A_1318 = arith.index_cast %add3A_1308 : i32 to index
        %swap3A_1319 = arith.constant 0 : index
        %swap3A_1320 = tpu.vector_load %arg10[%swap3A_1318, %swap3A_1319] {strides = array<i32>} : memref<128x128xf32, #tpu.memory_space<vmem>>, vector<1x16xf32>,
        %swap3A_1321 = vector.shape_cast %swap3A_1320 : vector<1x16xf32> to vector<16xf32>
        %swap3A_1322 = vector.shape_cast %add3A_1317 : vector<16xf32> to vector<1x16xf32>
        tpu.vector_store %arg10[%swap3A_1318, %swap3A_1319], %swap3A_1322 {strides = array<i32>} : memref<128x128xf32, #tpu.memory_space<vmem>>, vector<1x16xf32>,
        %get3A_1323 = arith.index_cast %add3A_1308 : i32 to index
        %get3A_1324 = arith.constant 16 : index
        %get3A_1325 = tpu.vector_load %arg10[%get3A_1323, %get3A_1324] {strides = array<i32>} : memref<128x128xf32, #tpu.memory_space<vmem>>, vector<1x16xf32>,
        %get3A_1326 = vector.shape_cast %get3A_1325 : vector<1x16xf32> to vector<16xf32>
        %mul3A_1327 = vector.broadcast %squeeze3A_1310 : f32 to vector<16xf32>
        %mul3A_1328 = arith.mulf %get3A_1326, %mul3A_1327 : vector<16xf32>
        %add3A_1329 = arith.addf %mul3A_1328, %mul3A_23 : vector<16xf32>
        %swap3A_1330 = arith.index_cast %add3A_1308 : i32 to index
        %swap3A_1331 = arith.constant 16 : index
        %swap3A_1332 = tpu.vector_load %arg10[%swap3A_1330, %swap3A_1331] {strides = array<i32>} : memref<128x128xf32, #tpu.memory_space<vmem>>, vector<1x16xf32>,
        %swap3A_1333 = vector.shape_cast %swap3A_1332 : vector<1x16xf32> to vector<16xf32>
        %swap3A_1334 = vector.shape_cast %add3A_1329 : vector<16xf32> to vector<1x16xf32>
        tpu.vector_store %arg10[%swap3A_1330, %swap3A_1331], %swap3A_1334 {strides = array<i32>} : memref<128x128xf32, #tpu.memory_space<vmem>>, vector<1x16xf32>,
        %get3A_1335 = arith.index_cast %add3A_1308 : i32 to index
        %get3A_1336 = arith.constant 32 : index
        %get3A_1337 = tpu.vector_load %arg10[%get3A_1335, %get3A_1336] {strides = array<i32>} : memref<128x128xf32, #tpu.memory_space<vmem>>, vector<1x16xf32>,
        %get3A_1338 = vector.shape_cast %get3A_1337 : vector<1x16xf32> to vector<16xf32>
        %mul3A_1339 = vector.broadcast %squeeze3A_1310 : f32 to vector<16xf32>
        %mul3A_1340 = arith.mulf %get3A_1338, %mul3A_1339 : vector<16xf32>
        %add3A_1341 = arith.addf %mul3A_1340, %mul3A_28 : vector<16xf32>
        %swap3A_1342 = arith.index_cast %add3A_1308 : i32 to index
        %swap3A_1343 = arith.constant 32 : index
        %swap3A_1344 = tpu.vector_load %arg10[%swap3A_1342, %swap3A_1343] {strides = array<i32>} : memref<128x128xf32, #tpu.memory_space<vmem>>, vector<1x16xf32>,
        %swap3A_1345 = vector.shape_cast %swap3A_1344 : vector<1x16xf32> to vector<16xf32>
        %swap3A_1346 = vector.shape_cast %add3A_1341 : vector<16xf32> to vector<1x16xf32>
        tpu.vector_store %arg10[%swap3A_1342, %swap3A_1343], %swap3A_1346 {strides = array<i32>} : memref<128x128xf32, #tpu.memory_space<vmem>>, vector<1x16xf32>,
        %get3A_1347 = arith.index_cast %add3A_1308 : i32 to index
        %get3A_1348 = arith.constant 48 : index
        %get3A_1349 = tpu.vector_load %arg10[%get3A_1347, %get3A_1348] {strides = array<i32>} : memref<128x128xf32, #tpu.memory_space<vmem>>, vector<1x16xf32>,
        %get3A_1350 = vector.shape_cast %get3A_1349 : vector<1x16xf32> to vector<16xf32>
        %mul3A_1351 = vector.broadcast %squeeze3A_1310 : f32 to vector<16xf32>
        %mul3A_1352 = arith.mulf %get3A_1350, %mul3A_1351 : vector<16xf32>
        %add3A_1353 = arith.addf %mul3A_1352, %mul3A_33 : vector<16xf32>
        %swap3A_1354 = arith.index_cast %add3A_1308 : i32 to index
        %swap3A_1355 = arith.constant 48 : index
        %swap3A_1356 = tpu.vector_load %arg10[%swap3A_1354, %swap3A_1355] {strides = array<i32>} : memref<128x128xf32, #tpu.memory_space<vmem>>, vector<1x16xf32>,
        %swap3A_1357 = vector.shape_cast %swap3A_1356 : vector<1x16xf32> to vector<16xf32>
        %swap3A_1358 = vector.shape_cast %add3A_1353 : vector<16xf32> to vector<1x16xf32>
        tpu.vector_store %arg10[%swap3A_1354, %swap3A_1355], %swap3A_1358 {strides = array<i32>} : memref<128x128xf32, #tpu.memory_space<vmem>>, vector<1x16xf32>,
        %get3A_1359 = arith.index_cast %add3A_1308 : i32 to index
        %get3A_1360 = arith.constant 64 : index
        %get3A_1361 = tpu.vector_load %arg10[%get3A_1359, %get3A_1360] {strides = array<i32>} : memref<128x128xf32, #tpu.memory_space<vmem>>, vector<1x16xf32>,
        %get3A_1362 = vector.shape_cast %get3A_1361 : vector<1x16xf32> to vector<16xf32>
        %mul3A_1363 = vector.broadcast %squeeze3A_1310 : f32 to vector<16xf32>
        %mul3A_1364 = arith.mulf %get3A_1362, %mul3A_1363 : vector<16xf32>
        %add3A_1365 = arith.addf %mul3A_1364, %mul3A_38 : vector<16xf32>
        %swap3A_1366 = arith.index_cast %add3A_1308 : i32 to index
        %swap3A_1367 = arith.constant 64 : index
        %swap3A_1368 = tpu.vector_load %arg10[%swap3A_1366, %swap3A_1367] {strides = array<i32>} : memref<128x128xf32, #tpu.memory_space<vmem>>, vector<1x16xf32>,
        %swap3A_1369 = vector.shape_cast %swap3A_1368 : vector<1x16xf32> to vector<16xf32>
        %swap3A_1370 = vector.shape_cast %add3A_1365 : vector<16xf32> to vector<1x16xf32>
        tpu.vector_store %arg10[%swap3A_1366, %swap3A_1367], %swap3A_1370 {strides = array<i32>} : memref<128x128xf32, #tpu.memory_space<vmem>>, vector<1x16xf32>,
        %get3A_1371 = arith.index_cast %add3A_1308 : i32 to index
        %get3A_1372 = arith.constant 80 : index
        %get3A_1373 = tpu.vector_load %arg10[%get3A_1371, %get3A_1372] {strides = array<i32>} : memref<128x128xf32, #tpu.memory_space<vmem>>, vector<1x16xf32>,
        %get3A_1374 = vector.shape_cast %get3A_1373 : vector<1x16xf32> to vector<16xf32>
        %mul3A_1375 = vector.broadcast %squeeze3A_1310 : f32 to vector<16xf32>
        %mul3A_1376 = arith.mulf %get3A_1374, %mul3A_1375 : vector<16xf32>
        %add3A_1377 = arith.addf %mul3A_1376, %mul3A_43 : vector<16xf32>
        %swap3A_1378 = arith.index_cast %add3A_1308 : i32 to index
        %swap3A_1379 = arith.constant 80 : index
        %swap3A_1380 = tpu.vector_load %arg10[%swap3A_1378, %swap3A_1379] {strides = array<i32>} : memref<128x128xf32, #tpu.memory_space<vmem>>, vector<1x16xf32>,
        %swap3A_1381 = vector.shape_cast %swap3A_1380 : vector<1x16xf32> to vector<16xf32>
        %swap3A_1382 = vector.shape_cast %add3A_1377 : vector<16xf32> to vector<1x16xf32>
        tpu.vector_store %arg10[%swap3A_1378, %swap3A_1379], %swap3A_1382 {strides = array<i32>} : memref<128x128xf32, #tpu.memory_space<vmem>>, vector<1x16xf32>,
        %get3A_1383 = arith.index_cast %add3A_1308 : i32 to index
        %get3A_1384 = arith.constant 96 : index
        %get3A_1385 = tpu.vector_load %arg10[%get3A_1383, %get3A_1384] {strides = array<i32>} : memref<128x128xf32, #tpu.memory_space<vmem>>, vector<1x16xf32>,
        %get3A_1386 = vector.shape_cast %get3A_1385 : vector<1x16xf32> to vector<16xf32>
        %mul3A_1387 = vector.broadcast %squeeze3A_1310 : f32 to vector<16xf32>
        %mul3A_1388 = arith.mulf %get3A_1386, %mul3A_1387 : vector<16xf32>
        %add3A_1389 = arith.addf %mul3A_1388, %mul3A_48 : vector<16xf32>
        %swap3A_1390 = arith.index_cast %add3A_1308 : i32 to index
        %swap3A_1391 = arith.constant 96 : index
        %swap3A_1392 = tpu.vector_load %arg10[%swap3A_1390, %swap3A_1391] {strides = array<i32>} : memref<128x128xf32, #tpu.memory_space<vmem>>, vector<1x16xf32>,
        %swap3A_1393 = vector.shape_cast %swap3A_1392 : vector<1x16xf32> to vector<16xf32>
        %swap3A_1394 = vector.shape_cast %add3A_1389 : vector<16xf32> to vector<1x16xf32>
        tpu.vector_store %arg10[%swap3A_1390, %swap3A_1391], %swap3A_1394 {strides = array<i32>} : memref<128x128xf32, #tpu.memory_space<vmem>>, vector<1x16xf32>,
        %get3A_1395 = arith.index_cast %add3A_1308 : i32 to index
        %get3A_1396 = arith.constant 112 : index
        %get3A_1397 = tpu.vector_load %arg10[%get3A_1395, %get3A_1396] {strides = array<i32>} : memref<128x128xf32, #tpu.memory_space<vmem>>, vector<1x16xf32>,
        %get3A_1398 = vector.shape_cast %get3A_1397 : vector<1x16xf32> to vector<16xf32>
        %mul3A_1399 = vector.broadcast %squeeze3A_1310 : f32 to vector<16xf32>
        %mul3A_1400 = arith.mulf %get3A_1398, %mul3A_1399 : vector<16xf32>
        %add3A_1401 = arith.addf %mul3A_1400, %mul3A_53 : vector<16xf32>
        %swap3A_1402 = arith.index_cast %add3A_1308 : i32 to index
        %swap3A_1403 = arith.constant 112 : index
        %swap3A_1404 = tpu.vector_load %arg10[%swap3A_1402, %swap3A_1403] {strides = array<i32>} : memref<128x128xf32, #tpu.memory_space<vmem>>, vector<1x16xf32>,
        %swap3A_1405 = vector.shape_cast %swap3A_1404 : vector<1x16xf32> to vector<16xf32>
        %swap3A_1406 = vector.shape_cast %add3A_1401 : vector<16xf32> to vector<1x16xf32>
        tpu.vector_store %arg10[%swap3A_1402, %swap3A_1403], %swap3A_1406 {strides = array<i32>} : memref<128x128xf32, #tpu.memory_space<vmem>>, vector<1x16xf32>,
        %mul3A_1407 = arith.constant 16 : i32
        %mul3A_1408 = arith.muli %scan3A_77, %mul3A_1407 : i32
        %add3A_1409 = arith.constant 13 : i32
        %add3A_1410 = arith.addi %mul3A_1408, %add3A_1409 : i32
        %slice3A_1411 = vector.extract_strided_slice %get3A_83 {offsets = [13], sizes = [1], strides = [1]} : vector<16xf32> to vector<1xf32>
        %squeeze3A_1412 = vector.extract %slice3A_1411[0] : f32 from vector<1xf32>
        %get3A_1413 = arith.index_cast %add3A_1410 : i32 to index
        %get3A_1414 = arith.constant 0 : index
        %get3A_1415 = tpu.vector_load %arg10[%get3A_1413, %get3A_1414] {strides = array<i32>} : memref<128x128xf32, #tpu.memory_space<vmem>>, vector<1x16xf32>,
        %get3A_1416 = vector.shape_cast %get3A_1415 : vector<1x16xf32> to vector<16xf32>
        %mul3A_1417 = vector.broadcast %squeeze3A_1412 : f32 to vector<16xf32>
        %mul3A_1418 = arith.mulf %get3A_1416, %mul3A_1417 : vector<16xf32>
        %add3A_1419 = arith.addf %mul3A_1418, %mul3A_18 : vector<16xf32>
        %swap3A_1420 = arith.index_cast %add3A_1410 : i32 to index
        %swap3A_1421 = arith.constant 0 : index
        %swap3A_1422 = tpu.vector_load %arg10[%swap3A_1420, %swap3A_1421] {strides = array<i32>} : memref<128x128xf32, #tpu.memory_space<vmem>>, vector<1x16xf32>,
        %swap3A_1423 = vector.shape_cast %swap3A_1422 : vector<1x16xf32> to vector<16xf32>
        %swap3A_1424 = vector.shape_cast %add3A_1419 : vector<16xf32> to vector<1x16xf32>
        tpu.vector_store %arg10[%swap3A_1420, %swap3A_1421], %swap3A_1424 {strides = array<i32>} : memref<128x128xf32, #tpu.memory_space<vmem>>, vector<1x16xf32>,
        %get3A_1425 = arith.index_cast %add3A_1410 : i32 to index
        %get3A_1426 = arith.constant 16 : index
        %get3A_1427 = tpu.vector_load %arg10[%get3A_1425, %get3A_1426] {strides = array<i32>} : memref<128x128xf32, #tpu.memory_space<vmem>>, vector<1x16xf32>,
        %get3A_1428 = vector.shape_cast %get3A_1427 : vector<1x16xf32> to vector<16xf32>
        %mul3A_1429 = vector.broadcast %squeeze3A_1412 : f32 to vector<16xf32>
        %mul3A_1430 = arith.mulf %get3A_1428, %mul3A_1429 : vector<16xf32>
        %add3A_1431 = arith.addf %mul3A_1430, %mul3A_23 : vector<16xf32>
        %swap3A_1432 = arith.index_cast %add3A_1410 : i32 to index
        %swap3A_1433 = arith.constant 16 : index
        %swap3A_1434 = tpu.vector_load %arg10[%swap3A_1432, %swap3A_1433] {strides = array<i32>} : memref<128x128xf32, #tpu.memory_space<vmem>>, vector<1x16xf32>,
        %swap3A_1435 = vector.shape_cast %swap3A_1434 : vector<1x16xf32> to vector<16xf32>
        %swap3A_1436 = vector.shape_cast %add3A_1431 : vector<16xf32> to vector<1x16xf32>
        tpu.vector_store %arg10[%swap3A_1432, %swap3A_1433], %swap3A_1436 {strides = array<i32>} : memref<128x128xf32, #tpu.memory_space<vmem>>, vector<1x16xf32>,
        %get3A_1437 = arith.index_cast %add3A_1410 : i32 to index
        %get3A_1438 = arith.constant 32 : index
        %get3A_1439 = tpu.vector_load %arg10[%get3A_1437, %get3A_1438] {strides = array<i32>} : memref<128x128xf32, #tpu.memory_space<vmem>>, vector<1x16xf32>,
        %get3A_1440 = vector.shape_cast %get3A_1439 : vector<1x16xf32> to vector<16xf32>
        %mul3A_1441 = vector.broadcast %squeeze3A_1412 : f32 to vector<16xf32>
        %mul3A_1442 = arith.mulf %get3A_1440, %mul3A_1441 : vector<16xf32>
        %add3A_1443 = arith.addf %mul3A_1442, %mul3A_28 : vector<16xf32>
        %swap3A_1444 = arith.index_cast %add3A_1410 : i32 to index
        %swap3A_1445 = arith.constant 32 : index
        %swap3A_1446 = tpu.vector_load %arg10[%swap3A_1444, %swap3A_1445] {strides = array<i32>} : memref<128x128xf32, #tpu.memory_space<vmem>>, vector<1x16xf32>,
        %swap3A_1447 = vector.shape_cast %swap3A_1446 : vector<1x16xf32> to vector<16xf32>
        %swap3A_1448 = vector.shape_cast %add3A_1443 : vector<16xf32> to vector<1x16xf32>
        tpu.vector_store %arg10[%swap3A_1444, %swap3A_1445], %swap3A_1448 {strides = array<i32>} : memref<128x128xf32, #tpu.memory_space<vmem>>, vector<1x16xf32>,
        %get3A_1449 = arith.index_cast %add3A_1410 : i32 to index
        %get3A_1450 = arith.constant 48 : index
        %get3A_1451 = tpu.vector_load %arg10[%get3A_1449, %get3A_1450] {strides = array<i32>} : memref<128x128xf32, #tpu.memory_space<vmem>>, vector<1x16xf32>,
        %get3A_1452 = vector.shape_cast %get3A_1451 : vector<1x16xf32> to vector<16xf32>
        %mul3A_1453 = vector.broadcast %squeeze3A_1412 : f32 to vector<16xf32>
        %mul3A_1454 = arith.mulf %get3A_1452, %mul3A_1453 : vector<16xf32>
        %add3A_1455 = arith.addf %mul3A_1454, %mul3A_33 : vector<16xf32>
        %swap3A_1456 = arith.index_cast %add3A_1410 : i32 to index
        %swap3A_1457 = arith.constant 48 : index
        %swap3A_1458 = tpu.vector_load %arg10[%swap3A_1456, %swap3A_1457] {strides = array<i32>} : memref<128x128xf32, #tpu.memory_space<vmem>>, vector<1x16xf32>,
        %swap3A_1459 = vector.shape_cast %swap3A_1458 : vector<1x16xf32> to vector<16xf32>
        %swap3A_1460 = vector.shape_cast %add3A_1455 : vector<16xf32> to vector<1x16xf32>
        tpu.vector_store %arg10[%swap3A_1456, %swap3A_1457], %swap3A_1460 {strides = array<i32>} : memref<128x128xf32, #tpu.memory_space<vmem>>, vector<1x16xf32>,
        %get3A_1461 = arith.index_cast %add3A_1410 : i32 to index
        %get3A_1462 = arith.constant 64 : index
        %get3A_1463 = tpu.vector_load %arg10[%get3A_1461, %get3A_1462] {strides = array<i32>} : memref<128x128xf32, #tpu.memory_space<vmem>>, vector<1x16xf32>,
        %get3A_1464 = vector.shape_cast %get3A_1463 : vector<1x16xf32> to vector<16xf32>
        %mul3A_1465 = vector.broadcast %squeeze3A_1412 : f32 to vector<16xf32>
        %mul3A_1466 = arith.mulf %get3A_1464, %mul3A_1465 : vector<16xf32>
        %add3A_1467 = arith.addf %mul3A_1466, %mul3A_38 : vector<16xf32>
        %swap3A_1468 = arith.index_cast %add3A_1410 : i32 to index
        %swap3A_1469 = arith.constant 64 : index
        %swap3A_1470 = tpu.vector_load %arg10[%swap3A_1468, %swap3A_1469] {strides = array<i32>} : memref<128x128xf32, #tpu.memory_space<vmem>>, vector<1x16xf32>,
        %swap3A_1471 = vector.shape_cast %swap3A_1470 : vector<1x16xf32> to vector<16xf32>
        %swap3A_1472 = vector.shape_cast %add3A_1467 : vector<16xf32> to vector<1x16xf32>
        tpu.vector_store %arg10[%swap3A_1468, %swap3A_1469], %swap3A_1472 {strides = array<i32>} : memref<128x128xf32, #tpu.memory_space<vmem>>, vector<1x16xf32>,
        %get3A_1473 = arith.index_cast %add3A_1410 : i32 to index
        %get3A_1474 = arith.constant 80 : index
        %get3A_1475 = tpu.vector_load %arg10[%get3A_1473, %get3A_1474] {strides = array<i32>} : memref<128x128xf32, #tpu.memory_space<vmem>>, vector<1x16xf32>,
        %get3A_1476 = vector.shape_cast %get3A_1475 : vector<1x16xf32> to vector<16xf32>
        %mul3A_1477 = vector.broadcast %squeeze3A_1412 : f32 to vector<16xf32>
        %mul3A_1478 = arith.mulf %get3A_1476, %mul3A_1477 : vector<16xf32>
        %add3A_1479 = arith.addf %mul3A_1478, %mul3A_43 : vector<16xf32>
        %swap3A_1480 = arith.index_cast %add3A_1410 : i32 to index
        %swap3A_1481 = arith.constant 80 : index
        %swap3A_1482 = tpu.vector_load %arg10[%swap3A_1480, %swap3A_1481] {strides = array<i32>} : memref<128x128xf32, #tpu.memory_space<vmem>>, vector<1x16xf32>,
        %swap3A_1483 = vector.shape_cast %swap3A_1482 : vector<1x16xf32> to vector<16xf32>
        %swap3A_1484 = vector.shape_cast %add3A_1479 : vector<16xf32> to vector<1x16xf32>
        tpu.vector_store %arg10[%swap3A_1480, %swap3A_1481], %swap3A_1484 {strides = array<i32>} : memref<128x128xf32, #tpu.memory_space<vmem>>, vector<1x16xf32>,
        %get3A_1485 = arith.index_cast %add3A_1410 : i32 to index
        %get3A_1486 = arith.constant 96 : index
        %get3A_1487 = tpu.vector_load %arg10[%get3A_1485, %get3A_1486] {strides = array<i32>} : memref<128x128xf32, #tpu.memory_space<vmem>>, vector<1x16xf32>,
        %get3A_1488 = vector.shape_cast %get3A_1487 : vector<1x16xf32> to vector<16xf32>
        %mul3A_1489 = vector.broadcast %squeeze3A_1412 : f32 to vector<16xf32>
        %mul3A_1490 = arith.mulf %get3A_1488, %mul3A_1489 : vector<16xf32>
        %add3A_1491 = arith.addf %mul3A_1490, %mul3A_48 : vector<16xf32>
        %swap3A_1492 = arith.index_cast %add3A_1410 : i32 to index
        %swap3A_1493 = arith.constant 96 : index
        %swap3A_1494 = tpu.vector_load %arg10[%swap3A_1492, %swap3A_1493] {strides = array<i32>} : memref<128x128xf32, #tpu.memory_space<vmem>>, vector<1x16xf32>,
        %swap3A_1495 = vector.shape_cast %swap3A_1494 : vector<1x16xf32> to vector<16xf32>
        %swap3A_1496 = vector.shape_cast %add3A_1491 : vector<16xf32> to vector<1x16xf32>
        tpu.vector_store %arg10[%swap3A_1492, %swap3A_1493], %swap3A_1496 {strides = array<i32>} : memref<128x128xf32, #tpu.memory_space<vmem>>, vector<1x16xf32>,
        %get3A_1497 = arith.index_cast %add3A_1410 : i32 to index
        %get3A_1498 = arith.constant 112 : index
        %get3A_1499 = tpu.vector_load %arg10[%get3A_1497, %get3A_1498] {strides = array<i32>} : memref<128x128xf32, #tpu.memory_space<vmem>>, vector<1x16xf32>,
        %get3A_1500 = vector.shape_cast %get3A_1499 : vector<1x16xf32> to vector<16xf32>
        %mul3A_1501 = vector.broadcast %squeeze3A_1412 : f32 to vector<16xf32>
        %mul3A_1502 = arith.mulf %get3A_1500, %mul3A_1501 : vector<16xf32>
        %add3A_1503 = arith.addf %mul3A_1502, %mul3A_53 : vector<16xf32>
        %swap3A_1504 = arith.index_cast %add3A_1410 : i32 to index
        %swap3A_1505 = arith.constant 112 : index
        %swap3A_1506 = tpu.vector_load %arg10[%swap3A_1504, %swap3A_1505] {strides = array<i32>} : memref<128x128xf32, #tpu.memory_space<vmem>>, vector<1x16xf32>,
        %swap3A_1507 = vector.shape_cast %swap3A_1506 : vector<1x16xf32> to vector<16xf32>
        %swap3A_1508 = vector.shape_cast %add3A_1503 : vector<16xf32> to vector<1x16xf32>
        tpu.vector_store %arg10[%swap3A_1504, %swap3A_1505], %swap3A_1508 {strides = array<i32>} : memref<128x128xf32, #tpu.memory_space<vmem>>, vector<1x16xf32>,
        %mul3A_1509 = arith.constant 16 : i32
        %mul3A_1510 = arith.muli %scan3A_77, %mul3A_1509 : i32
        %add3A_1511 = arith.constant 14 : i32
        %add3A_1512 = arith.addi %mul3A_1510, %add3A_1511 : i32
        %slice3A_1513 = vector.extract_strided_slice %get3A_83 {offsets = [14], sizes = [1], strides = [1]} : vector<16xf32> to vector<1xf32>
        %squeeze3A_1514 = vector.extract %slice3A_1513[0] : f32 from vector<1xf32>
        %get3A_1515 = arith.index_cast %add3A_1512 : i32 to index
        %get3A_1516 = arith.constant 0 : index
        %get3A_1517 = tpu.vector_load %arg10[%get3A_1515, %get3A_1516] {strides = array<i32>} : memref<128x128xf32, #tpu.memory_space<vmem>>, vector<1x16xf32>,
        %get3A_1518 = vector.shape_cast %get3A_1517 : vector<1x16xf32> to vector<16xf32>
        %mul3A_1519 = vector.broadcast %squeeze3A_1514 : f32 to vector<16xf32>
        %mul3A_1520 = arith.mulf %get3A_1518, %mul3A_1519 : vector<16xf32>
        %add3A_1521 = arith.addf %mul3A_1520, %mul3A_18 : vector<16xf32>
        %swap3A_1522 = arith.index_cast %add3A_1512 : i32 to index
        %swap3A_1523 = arith.constant 0 : index
        %swap3A_1524 = tpu.vector_load %arg10[%swap3A_1522, %swap3A_1523] {strides = array<i32>} : memref<128x128xf32, #tpu.memory_space<vmem>>, vector<1x16xf32>,
        %swap3A_1525 = vector.shape_cast %swap3A_1524 : vector<1x16xf32> to vector<16xf32>
        %swap3A_1526 = vector.shape_cast %add3A_1521 : vector<16xf32> to vector<1x16xf32>
        tpu.vector_store %arg10[%swap3A_1522, %swap3A_1523], %swap3A_1526 {strides = array<i32>} : memref<128x128xf32, #tpu.memory_space<vmem>>, vector<1x16xf32>,
        %get3A_1527 = arith.index_cast %add3A_1512 : i32 to index
        %get3A_1528 = arith.constant 16 : index
        %get3A_1529 = tpu.vector_load %arg10[%get3A_1527, %get3A_1528] {strides = array<i32>} : memref<128x128xf32, #tpu.memory_space<vmem>>, vector<1x16xf32>,
        %get3A_1530 = vector.shape_cast %get3A_1529 : vector<1x16xf32> to vector<16xf32>
        %mul3A_1531 = vector.broadcast %squeeze3A_1514 : f32 to vector<16xf32>
        %mul3A_1532 = arith.mulf %get3A_1530, %mul3A_1531 : vector<16xf32>
        %add3A_1533 = arith.addf %mul3A_1532, %mul3A_23 : vector<16xf32>
        %swap3A_1534 = arith.index_cast %add3A_1512 : i32 to index
        %swap3A_1535 = arith.constant 16 : index
        %swap3A_1536 = tpu.vector_load %arg10[%swap3A_1534, %swap3A_1535] {strides = array<i32>} : memref<128x128xf32, #tpu.memory_space<vmem>>, vector<1x16xf32>,
        %swap3A_1537 = vector.shape_cast %swap3A_1536 : vector<1x16xf32> to vector<16xf32>
        %swap3A_1538 = vector.shape_cast %add3A_1533 : vector<16xf32> to vector<1x16xf32>
        tpu.vector_store %arg10[%swap3A_1534, %swap3A_1535], %swap3A_1538 {strides = array<i32>} : memref<128x128xf32, #tpu.memory_space<vmem>>, vector<1x16xf32>,
        %get3A_1539 = arith.index_cast %add3A_1512 : i32 to index
        %get3A_1540 = arith.constant 32 : index
        %get3A_1541 = tpu.vector_load %arg10[%get3A_1539, %get3A_1540] {strides = array<i32>} : memref<128x128xf32, #tpu.memory_space<vmem>>, vector<1x16xf32>,
        %get3A_1542 = vector.shape_cast %get3A_1541 : vector<1x16xf32> to vector<16xf32>
        %mul3A_1543 = vector.broadcast %squeeze3A_1514 : f32 to vector<16xf32>
        %mul3A_1544 = arith.mulf %get3A_1542, %mul3A_1543 : vector<16xf32>
        %add3A_1545 = arith.addf %mul3A_1544, %mul3A_28 : vector<16xf32>
        %swap3A_1546 = arith.index_cast %add3A_1512 : i32 to index
        %swap3A_1547 = arith.constant 32 : index
        %swap3A_1548 = tpu.vector_load %arg10[%swap3A_1546, %swap3A_1547] {strides = array<i32>} : memref<128x128xf32, #tpu.memory_space<vmem>>, vector<1x16xf32>,
        %swap3A_1549 = vector.shape_cast %swap3A_1548 : vector<1x16xf32> to vector<16xf32>
        %swap3A_1550 = vector.shape_cast %add3A_1545 : vector<16xf32> to vector<1x16xf32>
        tpu.vector_store %arg10[%swap3A_1546, %swap3A_1547], %swap3A_1550 {strides = array<i32>} : memref<128x128xf32, #tpu.memory_space<vmem>>, vector<1x16xf32>,
        %get3A_1551 = arith.index_cast %add3A_1512 : i32 to index
        %get3A_1552 = arith.constant 48 : index
        %get3A_1553 = tpu.vector_load %arg10[%get3A_1551, %get3A_1552] {strides = array<i32>} : memref<128x128xf32, #tpu.memory_space<vmem>>, vector<1x16xf32>,
        %get3A_1554 = vector.shape_cast %get3A_1553 : vector<1x16xf32> to vector<16xf32>
        %mul3A_1555 = vector.broadcast %squeeze3A_1514 : f32 to vector<16xf32>
        %mul3A_1556 = arith.mulf %get3A_1554, %mul3A_1555 : vector<16xf32>
        %add3A_1557 = arith.addf %mul3A_1556, %mul3A_33 : vector<16xf32>
        %swap3A_1558 = arith.index_cast %add3A_1512 : i32 to index
        %swap3A_1559 = arith.constant 48 : index
        %swap3A_1560 = tpu.vector_load %arg10[%swap3A_1558, %swap3A_1559] {strides = array<i32>} : memref<128x128xf32, #tpu.memory_space<vmem>>, vector<1x16xf32>,
        %swap3A_1561 = vector.shape_cast %swap3A_1560 : vector<1x16xf32> to vector<16xf32>
        %swap3A_1562 = vector.shape_cast %add3A_1557 : vector<16xf32> to vector<1x16xf32>
        tpu.vector_store %arg10[%swap3A_1558, %swap3A_1559], %swap3A_1562 {strides = array<i32>} : memref<128x128xf32, #tpu.memory_space<vmem>>, vector<1x16xf32>,
        %get3A_1563 = arith.index_cast %add3A_1512 : i32 to index
        %get3A_1564 = arith.constant 64 : index
        %get3A_1565 = tpu.vector_load %arg10[%get3A_1563, %get3A_1564] {strides = array<i32>} : memref<128x128xf32, #tpu.memory_space<vmem>>, vector<1x16xf32>,
        %get3A_1566 = vector.shape_cast %get3A_1565 : vector<1x16xf32> to vector<16xf32>
        %mul3A_1567 = vector.broadcast %squeeze3A_1514 : f32 to vector<16xf32>
        %mul3A_1568 = arith.mulf %get3A_1566, %mul3A_1567 : vector<16xf32>
        %add3A_1569 = arith.addf %mul3A_1568, %mul3A_38 : vector<16xf32>
        %swap3A_1570 = arith.index_cast %add3A_1512 : i32 to index
        %swap3A_1571 = arith.constant 64 : index
        %swap3A_1572 = tpu.vector_load %arg10[%swap3A_1570, %swap3A_1571] {strides = array<i32>} : memref<128x128xf32, #tpu.memory_space<vmem>>, vector<1x16xf32>,
        %swap3A_1573 = vector.shape_cast %swap3A_1572 : vector<1x16xf32> to vector<16xf32>
        %swap3A_1574 = vector.shape_cast %add3A_1569 : vector<16xf32> to vector<1x16xf32>
        tpu.vector_store %arg10[%swap3A_1570, %swap3A_1571], %swap3A_1574 {strides = array<i32>} : memref<128x128xf32, #tpu.memory_space<vmem>>, vector<1x16xf32>,
        %get3A_1575 = arith.index_cast %add3A_1512 : i32 to index
        %get3A_1576 = arith.constant 80 : index
        %get3A_1577 = tpu.vector_load %arg10[%get3A_1575, %get3A_1576] {strides = array<i32>} : memref<128x128xf32, #tpu.memory_space<vmem>>, vector<1x16xf32>,
        %get3A_1578 = vector.shape_cast %get3A_1577 : vector<1x16xf32> to vector<16xf32>
        %mul3A_1579 = vector.broadcast %squeeze3A_1514 : f32 to vector<16xf32>
        %mul3A_1580 = arith.mulf %get3A_1578, %mul3A_1579 : vector<16xf32>
        %add3A_1581 = arith.addf %mul3A_1580, %mul3A_43 : vector<16xf32>
        %swap3A_1582 = arith.index_cast %add3A_1512 : i32 to index
        %swap3A_1583 = arith.constant 80 : index
        %swap3A_1584 = tpu.vector_load %arg10[%swap3A_1582, %swap3A_1583] {strides = array<i32>} : memref<128x128xf32, #tpu.memory_space<vmem>>, vector<1x16xf32>,
        %swap3A_1585 = vector.shape_cast %swap3A_1584 : vector<1x16xf32> to vector<16xf32>
        %swap3A_1586 = vector.shape_cast %add3A_1581 : vector<16xf32> to vector<1x16xf32>
        tpu.vector_store %arg10[%swap3A_1582, %swap3A_1583], %swap3A_1586 {strides = array<i32>} : memref<128x128xf32, #tpu.memory_space<vmem>>, vector<1x16xf32>,
        %get3A_1587 = arith.index_cast %add3A_1512 : i32 to index
        %get3A_1588 = arith.constant 96 : index
        %get3A_1589 = tpu.vector_load %arg10[%get3A_1587, %get3A_1588] {strides = array<i32>} : memref<128x128xf32, #tpu.memory_space<vmem>>, vector<1x16xf32>,
        %get3A_1590 = vector.shape_cast %get3A_1589 : vector<1x16xf32> to vector<16xf32>
        %mul3A_1591 = vector.broadcast %squeeze3A_1514 : f32 to vector<16xf32>
        %mul3A_1592 = arith.mulf %get3A_1590, %mul3A_1591 : vector<16xf32>
        %add3A_1593 = arith.addf %mul3A_1592, %mul3A_48 : vector<16xf32>
        %swap3A_1594 = arith.index_cast %add3A_1512 : i32 to index
        %swap3A_1595 = arith.constant 96 : index
        %swap3A_1596 = tpu.vector_load %arg10[%swap3A_1594, %swap3A_1595] {strides = array<i32>} : memref<128x128xf32, #tpu.memory_space<vmem>>, vector<1x16xf32>,
        %swap3A_1597 = vector.shape_cast %swap3A_1596 : vector<1x16xf32> to vector<16xf32>
        %swap3A_1598 = vector.shape_cast %add3A_1593 : vector<16xf32> to vector<1x16xf32>
        tpu.vector_store %arg10[%swap3A_1594, %swap3A_1595], %swap3A_1598 {strides = array<i32>} : memref<128x128xf32, #tpu.memory_space<vmem>>, vector<1x16xf32>,
        %get3A_1599 = arith.index_cast %add3A_1512 : i32 to index
        %get3A_1600 = arith.constant 112 : index
        %get3A_1601 = tpu.vector_load %arg10[%get3A_1599, %get3A_1600] {strides = array<i32>} : memref<128x128xf32, #tpu.memory_space<vmem>>, vector<1x16xf32>,
        %get3A_1602 = vector.shape_cast %get3A_1601 : vector<1x16xf32> to vector<16xf32>
        %mul3A_1603 = vector.broadcast %squeeze3A_1514 : f32 to vector<16xf32>
        %mul3A_1604 = arith.mulf %get3A_1602, %mul3A_1603 : vector<16xf32>
        %add3A_1605 = arith.addf %mul3A_1604, %mul3A_53 : vector<16xf32>
        %swap3A_1606 = arith.index_cast %add3A_1512 : i32 to index
        %swap3A_1607 = arith.constant 112 : index
        %swap3A_1608 = tpu.vector_load %arg10[%swap3A_1606, %swap3A_1607] {strides = array<i32>} : memref<128x128xf32, #tpu.memory_space<vmem>>, vector<1x16xf32>,
        %swap3A_1609 = vector.shape_cast %swap3A_1608 : vector<1x16xf32> to vector<16xf32>
        %swap3A_1610 = vector.shape_cast %add3A_1605 : vector<16xf32> to vector<1x16xf32>
        tpu.vector_store %arg10[%swap3A_1606, %swap3A_1607], %swap3A_1610 {strides = array<i32>} : memref<128x128xf32, #tpu.memory_space<vmem>>, vector<1x16xf32>,
        %mul3A_1611 = arith.constant 16 : i32
        %mul3A_1612 = arith.muli %scan3A_77, %mul3A_1611 : i32
        %add3A_1613 = arith.constant 15 : i32
        %add3A_1614 = arith.addi %mul3A_1612, %add3A_1613 : i32
        %slice3A_1615 = vector.extract_strided_slice %get3A_83 {offsets = [15], sizes = [1], strides = [1]} : vector<16xf32> to vector<1xf32>
        %squeeze3A_1616 = vector.extract %slice3A_1615[0] : f32 from vector<1xf32>
        %get3A_1617 = arith.index_cast %add3A_1614 : i32 to index
        %get3A_1618 = arith.constant 0 : index
        %get3A_1619 = tpu.vector_load %arg10[%get3A_1617, %get3A_1618] {strides = array<i32>} : memref<128x128xf32, #tpu.memory_space<vmem>>, vector<1x16xf32>,
        %get3A_1620 = vector.shape_cast %get3A_1619 : vector<1x16xf32> to vector<16xf32>
        %mul3A_1621 = vector.broadcast %squeeze3A_1616 : f32 to vector<16xf32>
        %mul3A_1622 = arith.mulf %get3A_1620, %mul3A_1621 : vector<16xf32>
        %add3A_1623 = arith.addf %mul3A_1622, %mul3A_18 : vector<16xf32>
        %swap3A_1624 = arith.index_cast %add3A_1614 : i32 to index
        %swap3A_1625 = arith.constant 0 : index
        %swap3A_1626 = tpu.vector_load %arg10[%swap3A_1624, %swap3A_1625] {strides = array<i32>} : memref<128x128xf32, #tpu.memory_space<vmem>>, vector<1x16xf32>,
        %swap3A_1627 = vector.shape_cast %swap3A_1626 : vector<1x16xf32> to vector<16xf32>
        %swap3A_1628 = vector.shape_cast %add3A_1623 : vector<16xf32> to vector<1x16xf32>
        tpu.vector_store %arg10[%swap3A_1624, %swap3A_1625], %swap3A_1628 {strides = array<i32>} : memref<128x128xf32, #tpu.memory_space<vmem>>, vector<1x16xf32>,
        %get3A_1629 = arith.index_cast %add3A_1614 : i32 to index
        %get3A_1630 = arith.constant 16 : index
        %get3A_1631 = tpu.vector_load %arg10[%get3A_1629, %get3A_1630] {strides = array<i32>} : memref<128x128xf32, #tpu.memory_space<vmem>>, vector<1x16xf32>,
        %get3A_1632 = vector.shape_cast %get3A_1631 : vector<1x16xf32> to vector<16xf32>
        %mul3A_1633 = vector.broadcast %squeeze3A_1616 : f32 to vector<16xf32>
        %mul3A_1634 = arith.mulf %get3A_1632, %mul3A_1633 : vector<16xf32>
        %add3A_1635 = arith.addf %mul3A_1634, %mul3A_23 : vector<16xf32>
        %swap3A_1636 = arith.index_cast %add3A_1614 : i32 to index
        %swap3A_1637 = arith.constant 16 : index
        %swap3A_1638 = tpu.vector_load %arg10[%swap3A_1636, %swap3A_1637] {strides = array<i32>} : memref<128x128xf32, #tpu.memory_space<vmem>>, vector<1x16xf32>,
        %swap3A_1639 = vector.shape_cast %swap3A_1638 : vector<1x16xf32> to vector<16xf32>
        %swap3A_1640 = vector.shape_cast %add3A_1635 : vector<16xf32> to vector<1x16xf32>
        tpu.vector_store %arg10[%swap3A_1636, %swap3A_1637], %swap3A_1640 {strides = array<i32>} : memref<128x128xf32, #tpu.memory_space<vmem>>, vector<1x16xf32>,
        %get3A_1641 = arith.index_cast %add3A_1614 : i32 to index
        %get3A_1642 = arith.constant 32 : index
        %get3A_1643 = tpu.vector_load %arg10[%get3A_1641, %get3A_1642] {strides = array<i32>} : memref<128x128xf32, #tpu.memory_space<vmem>>, vector<1x16xf32>,
        %get3A_1644 = vector.shape_cast %get3A_1643 : vector<1x16xf32> to vector<16xf32>
        %mul3A_1645 = vector.broadcast %squeeze3A_1616 : f32 to vector<16xf32>
        %mul3A_1646 = arith.mulf %get3A_1644, %mul3A_1645 : vector<16xf32>
        %add3A_1647 = arith.addf %mul3A_1646, %mul3A_28 : vector<16xf32>
        %swap3A_1648 = arith.index_cast %add3A_1614 : i32 to index
        %swap3A_1649 = arith.constant 32 : index
        %swap3A_1650 = tpu.vector_load %arg10[%swap3A_1648, %swap3A_1649] {strides = array<i32>} : memref<128x128xf32, #tpu.memory_space<vmem>>, vector<1x16xf32>,
        %swap3A_1651 = vector.shape_cast %swap3A_1650 : vector<1x16xf32> to vector<16xf32>
        %swap3A_1652 = vector.shape_cast %add3A_1647 : vector<16xf32> to vector<1x16xf32>
        tpu.vector_store %arg10[%swap3A_1648, %swap3A_1649], %swap3A_1652 {strides = array<i32>} : memref<128x128xf32, #tpu.memory_space<vmem>>, vector<1x16xf32>,
        %get3A_1653 = arith.index_cast %add3A_1614 : i32 to index
        %get3A_1654 = arith.constant 48 : index
        %get3A_1655 = tpu.vector_load %arg10[%get3A_1653, %get3A_1654] {strides = array<i32>} : memref<128x128xf32, #tpu.memory_space<vmem>>, vector<1x16xf32>,
        %get3A_1656 = vector.shape_cast %get3A_1655 : vector<1x16xf32> to vector<16xf32>
        %mul3A_1657 = vector.broadcast %squeeze3A_1616 : f32 to vector<16xf32>
        %mul3A_1658 = arith.mulf %get3A_1656, %mul3A_1657 : vector<16xf32>
        %add3A_1659 = arith.addf %mul3A_1658, %mul3A_33 : vector<16xf32>
        %swap3A_1660 = arith.index_cast %add3A_1614 : i32 to index
        %swap3A_1661 = arith.constant 48 : index
        %swap3A_1662 = tpu.vector_load %arg10[%swap3A_1660, %swap3A_1661] {strides = array<i32>} : memref<128x128xf32, #tpu.memory_space<vmem>>, vector<1x16xf32>,
        %swap3A_1663 = vector.shape_cast %swap3A_1662 : vector<1x16xf32> to vector<16xf32>
        %swap3A_1664 = vector.shape_cast %add3A_1659 : vector<16xf32> to vector<1x16xf32>
        tpu.vector_store %arg10[%swap3A_1660, %swap3A_1661], %swap3A_1664 {strides = array<i32>} : memref<128x128xf32, #tpu.memory_space<vmem>>, vector<1x16xf32>,
        %get3A_1665 = arith.index_cast %add3A_1614 : i32 to index
        %get3A_1666 = arith.constant 64 : index
        %get3A_1667 = tpu.vector_load %arg10[%get3A_1665, %get3A_1666] {strides = array<i32>} : memref<128x128xf32, #tpu.memory_space<vmem>>, vector<1x16xf32>,
        %get3A_1668 = vector.shape_cast %get3A_1667 : vector<1x16xf32> to vector<16xf32>
        %mul3A_1669 = vector.broadcast %squeeze3A_1616 : f32 to vector<16xf32>
        %mul3A_1670 = arith.mulf %get3A_1668, %mul3A_1669 : vector<16xf32>
        %add3A_1671 = arith.addf %mul3A_1670, %mul3A_38 : vector<16xf32>
        %swap3A_1672 = arith.index_cast %add3A_1614 : i32 to index
        %swap3A_1673 = arith.constant 64 : index
        %swap3A_1674 = tpu.vector_load %arg10[%swap3A_1672, %swap3A_1673] {strides = array<i32>} : memref<128x128xf32, #tpu.memory_space<vmem>>, vector<1x16xf32>,
        %swap3A_1675 = vector.shape_cast %swap3A_1674 : vector<1x16xf32> to vector<16xf32>
        %swap3A_1676 = vector.shape_cast %add3A_1671 : vector<16xf32> to vector<1x16xf32>
        tpu.vector_store %arg10[%swap3A_1672, %swap3A_1673], %swap3A_1676 {strides = array<i32>} : memref<128x128xf32, #tpu.memory_space<vmem>>, vector<1x16xf32>,
        %get3A_1677 = arith.index_cast %add3A_1614 : i32 to index
        %get3A_1678 = arith.constant 80 : index
        %get3A_1679 = tpu.vector_load %arg10[%get3A_1677, %get3A_1678] {strides = array<i32>} : memref<128x128xf32, #tpu.memory_space<vmem>>, vector<1x16xf32>,
        %get3A_1680 = vector.shape_cast %get3A_1679 : vector<1x16xf32> to vector<16xf32>
        %mul3A_1681 = vector.broadcast %squeeze3A_1616 : f32 to vector<16xf32>
        %mul3A_1682 = arith.mulf %get3A_1680, %mul3A_1681 : vector<16xf32>
        %add3A_1683 = arith.addf %mul3A_1682, %mul3A_43 : vector<16xf32>
        %swap3A_1684 = arith.index_cast %add3A_1614 : i32 to index
        %swap3A_1685 = arith.constant 80 : index
        %swap3A_1686 = tpu.vector_load %arg10[%swap3A_1684, %swap3A_1685] {strides = array<i32>} : memref<128x128xf32, #tpu.memory_space<vmem>>, vector<1x16xf32>,
        %swap3A_1687 = vector.shape_cast %swap3A_1686 : vector<1x16xf32> to vector<16xf32>
        %swap3A_1688 = vector.shape_cast %add3A_1683 : vector<16xf32> to vector<1x16xf32>
        tpu.vector_store %arg10[%swap3A_1684, %swap3A_1685], %swap3A_1688 {strides = array<i32>} : memref<128x128xf32, #tpu.memory_space<vmem>>, vector<1x16xf32>,
        %get3A_1689 = arith.index_cast %add3A_1614 : i32 to index
        %get3A_1690 = arith.constant 96 : index
        %get3A_1691 = tpu.vector_load %arg10[%get3A_1689, %get3A_1690] {strides = array<i32>} : memref<128x128xf32, #tpu.memory_space<vmem>>, vector<1x16xf32>,
        %get3A_1692 = vector.shape_cast %get3A_1691 : vector<1x16xf32> to vector<16xf32>
        %mul3A_1693 = vector.broadcast %squeeze3A_1616 : f32 to vector<16xf32>
        %mul3A_1694 = arith.mulf %get3A_1692, %mul3A_1693 : vector<16xf32>
        %add3A_1695 = arith.addf %mul3A_1694, %mul3A_48 : vector<16xf32>
        %swap3A_1696 = arith.index_cast %add3A_1614 : i32 to index
        %swap3A_1697 = arith.constant 96 : index
        %swap3A_1698 = tpu.vector_load %arg10[%swap3A_1696, %swap3A_1697] {strides = array<i32>} : memref<128x128xf32, #tpu.memory_space<vmem>>, vector<1x16xf32>,
        %swap3A_1699 = vector.shape_cast %swap3A_1698 : vector<1x16xf32> to vector<16xf32>
        %swap3A_1700 = vector.shape_cast %add3A_1695 : vector<16xf32> to vector<1x16xf32>
        tpu.vector_store %arg10[%swap3A_1696, %swap3A_1697], %swap3A_1700 {strides = array<i32>} : memref<128x128xf32, #tpu.memory_space<vmem>>, vector<1x16xf32>,
        %get3A_1701 = arith.index_cast %add3A_1614 : i32 to index
        %get3A_1702 = arith.constant 112 : index
        %get3A_1703 = tpu.vector_load %arg10[%get3A_1701, %get3A_1702] {strides = array<i32>} : memref<128x128xf32, #tpu.memory_space<vmem>>, vector<1x16xf32>,
        %get3A_1704 = vector.shape_cast %get3A_1703 : vector<1x16xf32> to vector<16xf32>
        %mul3A_1705 = vector.broadcast %squeeze3A_1616 : f32 to vector<16xf32>
        %mul3A_1706 = arith.mulf %get3A_1704, %mul3A_1705 : vector<16xf32>
        %add3A_1707 = arith.addf %mul3A_1706, %mul3A_53 : vector<16xf32>
        %swap3A_1708 = arith.index_cast %add3A_1614 : i32 to index
        %swap3A_1709 = arith.constant 112 : index
        %swap3A_1710 = tpu.vector_load %arg10[%swap3A_1708, %swap3A_1709] {strides = array<i32>} : memref<128x128xf32, #tpu.memory_space<vmem>>, vector<1x16xf32>,
        %swap3A_1711 = vector.shape_cast %swap3A_1710 : vector<1x16xf32> to vector<16xf32>
        %swap3A_1712 = vector.shape_cast %add3A_1707 : vector<16xf32> to vector<1x16xf32>
        tpu.vector_store %arg10[%swap3A_1708, %swap3A_1709], %swap3A_1712 {strides = array<i32>} : memref<128x128xf32, #tpu.memory_space<vmem>>, vector<1x16xf32>,
        %scan3A_1713 = arith.constant 0 : i32
        scf.yield %scan3A_1713 : i32
      }
      %scan3A_72 = arith.constant 8 : i32
      %mul3A_73 = arith.constant 10240 : i32
      %mul3A_74 = arith.muli %arg0, %mul3A_73 : i32
      %add3A_75 = arith.addi %mul3A_74, %add3A_65 : i32
      "tpu.region"() ({
        %run_scoped3A = tpu.sem_alloc : memref<!tpu.dma_semaphore, #tpu.memory_space<semaphore_mem>>
        %dma_start3A = arith.constant 0 : i32
        %dma_start3A_77 = tpu.memref_slice %arg7[%add3A_75, %dma_start3A] : memref<20480x128xf32, #tpu.memory_space<hbm>> -> memref<128x128xf32, #tpu.memory_space<hbm>>
        %dma_start3A_78 = arith.constant 0 : i32
        %dma_start3A_79 = tpu.memref_slice %arg7[%add3A_75, %dma_start3A_78] : memref<20480x128xf32, #tpu.memory_space<hbm>> -> memref<128x128xf32, #tpu.memory_space<hbm>>
        tpu.enqueue_dma source(%arg10 : memref<128x128xf32, #tpu.memory_space<vmem>>) target(%dma_start3A_79 : memref<128x128xf32, #tpu.memory_space<hbm>>) target_semaphore(%run_scoped3A : memref<!tpu.dma_semaphore, #tpu.memory_space<semaphore_mem>>)
        %dma_wait3A = arith.constant 0 : i32
        %dma_wait3A_80 = tpu.memref_slice %arg7[%add3A_75, %dma_wait3A] : memref<20480x128xf32, #tpu.memory_space<hbm>> -> memref<128x128xf32, #tpu.memory_space<hbm>>
        %dma_wait3A_81 = arith.constant 0 : i32
        %dma_wait3A_82 = tpu.memref_slice %arg7[%add3A_75, %dma_wait3A_81] : memref<20480x128xf32, #tpu.memory_space<hbm>> -> memref<128x128xf32, #tpu.memory_space<hbm>>
        tpu.wait_dma2 semaphore(%run_scoped3A : memref<!tpu.dma_semaphore, #tpu.memory_space<semaphore_mem>>) src(%arg10 : memref<128x128xf32, #tpu.memory_space<vmem>>) dst(%dma_wait3A_82 : memref<128x128xf32, #tpu.memory_space<hbm>>)
        tpu.yield
      }) : () -> ()
      %scan3A_76 = arith.constant 0 : i32
      scf.yield %scan3A_76 : i32
    }
    %scan3A_60 = arith.constant 5 : i32
    return
  }
}

module attributes {stable_mosaic.version = 14 : i64} {
  func.func @_tc_body(%arg0: i32, %arg1: memref<1024x128xf32, #tpu.memory_space<vmem>>, %arg2: memref<128x128xf32, #tpu.memory_space<vmem>>, %arg3: memref<2x1024x1xf32, #tpu.memory_space<vmem>>, %arg4: memref<1024x128xf32, #tpu.memory_space<vmem>>, %arg5: memref<1024x1xf32, #tpu.memory_space<vmem>>) attributes {dimension_semantics = [#tpu.dimension_semantics<arbitrary>], iteration_bounds = array<i64: 20>, scalar_prefetch = 0 : i64, scratch_operands = 0 : i64, tpu.core_type = #tpu.core_type<tc>, window_params = [{transform_indices = @transform_0, window_bounds = array<i64: 1024, 128>}, {pipeline_mode = #tpu.pipeline_mode<synchronous>, transform_indices = @transform_1, window_bounds = array<i64: 128, 128>}, {transform_indices = @transform_2, window_bounds = array<i64: 2, 1024, 1>}, {transform_indices = @transform_3, window_bounds = array<i64: 1024, 128>}, {transform_indices = @transform_4, window_bounds = array<i64: 1024, 1>}]} {
    %get3A = arith.constant 0 : index
    %get3A_0 = arith.constant 0 : index
    %get3A_1 = arith.constant 0 : index
    %get3A_2 = vector.load %arg3[%get3A, %get3A_0, %get3A_1] : memref<2x1024x1xf32, #tpu.memory_space<vmem>>, vector<1x1024x1xf32>
    %get3A_3 = vector.shape_cast %get3A_2 : vector<1x1024x1xf32> to vector<1024x1xf32>
    %add3A = arith.constant 1.000000e+00 : f32
    %add3A_4 = vector.broadcast %add3A : f32 to vector<1024x1xf32>
    %add3A_5 = arith.addf %add3A_4, %get3A_3 : vector<1024x1xf32>
    %get3A_6 = arith.constant 1 : index
    %get3A_7 = arith.constant 0 : index
    %get3A_8 = arith.constant 0 : index
    %get3A_9 = vector.load %arg3[%get3A_6, %get3A_7, %get3A_8] : memref<2x1024x1xf32, #tpu.memory_space<vmem>>, vector<1x1024x1xf32>
    %get3A_10 = vector.shape_cast %get3A_9 : vector<1x1024x1xf32> to vector<1024x1xf32>
    %add3A_11 = arith.addf %add3A_5, %get3A_10 : vector<1024x1xf32>
    %rsqrt3A = math.rsqrt %add3A_11 : vector<1024x1xf32>
    %swap3A = arith.constant 0 : index
    %swap3A_12 = arith.constant 0 : index
    %swap3A_13 = vector.load %arg5[%swap3A, %swap3A_12] : memref<1024x1xf32, #tpu.memory_space<vmem>>, vector<1024x1xf32>
    tpu.vector_store %arg5[%swap3A, %swap3A_12], %rsqrt3A {strides = array<i32>} : memref<1024x1xf32, #tpu.memory_space<vmem>>, vector<1024x1xf32>,
    %lt3A = arith.constant 10 : i32
    %lt3A_14 = arith.cmpi slt, %arg0, %lt3A : i32
    %convert_element_type3A = arith.extui %lt3A_14 : i1 to i32
    %cond3A = arith.constant 0 : i32
    %cond3A_15 = arith.cmpi ne, %convert_element_type3A, %cond3A : i32
    scf.if %cond3A_15 {
      %get3A_20 = arith.constant 0 : index
      %get3A_21 = arith.constant 0 : index
      %get3A_22 = vector.load %arg1[%get3A_20, %get3A_21] : memref<1024x128xf32, #tpu.memory_space<vmem>>, vector<1024x128xf32>
      %get3A_23 = arith.constant 0 : index
      %get3A_24 = arith.constant 0 : index
      %get3A_25 = vector.load %arg2[%get3A_23, %get3A_24] : memref<128x128xf32, #tpu.memory_space<vmem>>, vector<128x128xf32>
      %dot_general3A = arith.constant dense<0.000000e+00> : vector<1024x128xf32>
      %dot_general3A_26 = tpu.matmul %get3A_22, %get3A_25, %dot_general3A {dimension_numbers = #tpu.dot_dimension_numbers<[1], [0], [0], [1], [0, 0, 1, 1], [], []>, transpose_lhs_hint = false} : vector<1024x128xf32>, vector<128x128xf32>, vector<1024x128xf32> -> vector<1024x128xf32>
      %mul3A = vector.broadcast %rsqrt3A : vector<1024x1xf32> to vector<1024x128xf32>
      %mul3A_27 = arith.mulf %dot_general3A_26, %mul3A : vector<1024x128xf32>
      %swap3A_28 = arith.constant 0 : index
      %swap3A_29 = arith.constant 0 : index
      %swap3A_30 = vector.load %arg4[%swap3A_28, %swap3A_29] : memref<1024x128xf32, #tpu.memory_space<vmem>>, vector<1024x128xf32>
      tpu.vector_store %arg4[%swap3A_28, %swap3A_29], %mul3A_27 {strides = array<i32>} : memref<1024x128xf32, #tpu.memory_space<vmem>>, vector<1024x128xf32>,
    } else {
    }
    %ge3A = arith.constant 10 : i32
    %ge3A_16 = arith.cmpi sge, %arg0, %ge3A : i32
    %convert_element_type3A_17 = arith.extui %ge3A_16 : i1 to i32
    %cond3A_18 = arith.constant 0 : i32
    %cond3A_19 = arith.cmpi ne, %convert_element_type3A_17, %cond3A_18 : i32
    scf.if %cond3A_19 {
      %broadcast_in_dim3A = arith.constant 0.000000e+00 : f32
      %broadcast_in_dim3A_20 = vector.broadcast %broadcast_in_dim3A : f32 to vector<1024x128xf32>
      %swap3A_21 = arith.constant 0 : index
      %swap3A_22 = arith.constant 0 : index
      %swap3A_23 = vector.load %arg4[%swap3A_21, %swap3A_22] : memref<1024x128xf32, #tpu.memory_space<vmem>>, vector<1024x128xf32>
      tpu.vector_store %arg4[%swap3A_21, %swap3A_22], %broadcast_in_dim3A_20 {strides = array<i32>} : memref<1024x128xf32, #tpu.memory_space<vmem>>, vector<1024x128xf32>,
    } else {
    }
    return
  }
  func.func @transform_0(%arg0: i32) -> (i32, i32) {
    %jit3A = arith.constant 10 : i32
    %eq3A = arith.constant 0 : i32
    %eq3A_0 = arith.cmpi eq, %jit3A, %eq3A : i32
    %jit3A_1 = arith.constant 1 : i32
    %select_n3A = arith.select %eq3A_0, %jit3A_1, %jit3A : i32
    %rem3A = arith.remsi %arg0, %select_n3A : i32
    %ne3A = arith.constant 0 : i32
    %ne3A_2 = arith.cmpi ne, %rem3A, %ne3A : i32
    %lt3A = arith.constant 0 : i32
    %lt3A_3 = arith.cmpi slt, %rem3A, %lt3A : i32
    %lt3A_4 = arith.constant 0 : i32
    %lt3A_5 = arith.cmpi slt, %select_n3A, %lt3A_4 : i32
    %ne3A_6 = arith.xori %lt3A_3, %lt3A_5 : i1
    %and3A = arith.andi %ne3A_6, %ne3A_2 : i1
    %add3A = arith.addi %rem3A, %select_n3A : i32
    %select_n3A_7 = arith.select %and3A, %add3A, %rem3A : i32
    %c0_i32 = arith.constant 0 : i32
    %c0_i32_8 = arith.constant 0 : i32
    return %select_n3A_7, %c0_i32 : i32, i32
  }
  func.func @transform_1(%arg0: i32) -> (i32, i32) {
    %c0_i32 = arith.constant 0 : i32
    %c0_i32_0 = arith.constant 0 : i32
    %c0_i32_1 = arith.constant 0 : i32
    return %c0_i32, %c0_i32_0 : i32, i32
  }
  func.func @transform_2(%arg0: i32) -> (i32, i32, i32) {
    %jit3A = arith.constant 10 : i32
    %eq3A = arith.constant 0 : i32
    %eq3A_0 = arith.cmpi eq, %jit3A, %eq3A : i32
    %jit3A_1 = arith.constant 1 : i32
    %select_n3A = arith.select %eq3A_0, %jit3A_1, %jit3A : i32
    %rem3A = arith.remsi %arg0, %select_n3A : i32
    %ne3A = arith.constant 0 : i32
    %ne3A_2 = arith.cmpi ne, %rem3A, %ne3A : i32
    %lt3A = arith.constant 0 : i32
    %lt3A_3 = arith.cmpi slt, %rem3A, %lt3A : i32
    %lt3A_4 = arith.constant 0 : i32
    %lt3A_5 = arith.cmpi slt, %select_n3A, %lt3A_4 : i32
    %ne3A_6 = arith.xori %lt3A_3, %lt3A_5 : i1
    %and3A = arith.andi %ne3A_6, %ne3A_2 : i1
    %add3A = arith.addi %rem3A, %select_n3A : i32
    %select_n3A_7 = arith.select %and3A, %add3A, %rem3A : i32
    %c0_i32 = arith.constant 0 : i32
    %c0_i32_8 = arith.constant 0 : i32
    %c0_i32_9 = arith.constant 0 : i32
    return %c0_i32, %select_n3A_7, %c0_i32_8 : i32, i32, i32
  }
  func.func @transform_3(%arg0: i32) -> (i32, i32) {
    %c0_i32 = arith.constant 0 : i32
    %c0_i32_0 = arith.constant 0 : i32
    return %arg0, %c0_i32 : i32, i32
  }
  func.func @transform_4(%arg0: i32) -> (i32, i32) {
    %jit3A = arith.constant 10 : i32
    %eq3A = arith.constant 0 : i32
    %eq3A_0 = arith.cmpi eq, %jit3A, %eq3A : i32
    %jit3A_1 = arith.constant 1 : i32
    %select_n3A = arith.select %eq3A_0, %jit3A_1, %jit3A : i32
    %rem3A = arith.remsi %arg0, %select_n3A : i32
    %ne3A = arith.constant 0 : i32
    %ne3A_2 = arith.cmpi ne, %rem3A, %ne3A : i32
    %lt3A = arith.constant 0 : i32
    %lt3A_3 = arith.cmpi slt, %rem3A, %lt3A : i32
    %lt3A_4 = arith.constant 0 : i32
    %lt3A_5 = arith.cmpi slt, %select_n3A, %lt3A_4 : i32
    %ne3A_6 = arith.xori %lt3A_3, %lt3A_5 : i1
    %and3A = arith.andi %ne3A_6, %ne3A_2 : i1
    %add3A = arith.addi %rem3A, %select_n3A : i32
    %select_n3A_7 = arith.select %and3A, %add3A, %rem3A : i32
    %c0_i32 = arith.constant 0 : i32
    %c0_i32_8 = arith.constant 0 : i32
    return %select_n3A_7, %c0_i32 : i32, i32
  }
}

</mosaic_0001>

<sc_bundles>
// kernel: kernel.12.cloned.1.call-start
scs
__scs_entry_jumppad:
0x0: {  	(pc) =	sbr.rel $0x88, $3  }
0x1: {  	(tag) =	ssettag $0x0;
	lr =	simm.s32 $0x1  }
0x2: {  	[smem:$0x3F9C] =	sst lr;
	_ =	strace $0xD0000000  }
0x3: {  	_ = 	snop  }
0x4: {  	_ = 	snop  }
0x5: {  	_ = 	snop  }
0x6: {  	_ = 	snop  }
0x7: {  	_ = 	snop  }
__scs_overlays_trampoline_lowered:
0x8: {  	[smem:$0x3FAB] =	sst s0  }
0x9: {  	[smem:$0x3FAC] =	sst s1  }
0xa: {  	[smem:$0x3FAD] =	sst s2  }
0xb: {  	[smem:$0x3FAE] =	sst s3  }
0xc: {  	[smem:$0x3FAF] =	sst s4  }
0xd: {  	[smem:$0x3FB0] =	sst s5  }
0xe: {  	[smem:$0x3FB1] =	sst s6  }
0xf: {  	[smem:$0x3FB2] =	sst s7  }
0x10: {  	[smem:$0x3FB3] =	sst s8  }
0x11: {  	[smem:$0x3FB4] =	sst s9;
	s0 =	simm.s32 @!p0 $0x0  }
0x12: {  	s1 =	sld [smem:$0x3F9A];
	s0 =	simm.s32 @p0 $0x1  }
0x13: {  	[smem:$0x3FB5] =	sst s0;
	s0 =	simm.s32 @!p1 $0x0  }
0x14: {  	s2 =	sld [smem:$0x3F99];
	s0 =	simm.s32 @p1 $0x1  }
0x15: {  	[smem:$0x3FB6] =	sst s0;
	s0 =	simm.s32 @!p2 $0x0  }
0x16: {  	s3 =	sld [smem:$0x3FDB];
	s0 =	simm.s32 @p2 $0x1  }
0x17: {  	s4 =	simm.s32 $0x1BF5;
	[smem:$0x3FB8] =	sst s0  }
0x18: {  	s0 =	sld [smem:$0x3F9B];
	_ =	swait.ge [sflag:s4], $0x0  }
0x19: {  	s7 =	sld [smem:$0x3F9C]  }
0x1a: {  	s8 =	sadd.s32 $0xFFFFE003, lr  }
0x1b: {  	s9 =	sadd.s32 $0xFFFFFEF7, lr;
	s5 =	simm.s32 $0xFFFFFFFF;
	p2 =	slt.u32 s8, $0xFFFFF086  }
0x1c: {  	p1 =	slt.u32 s9, $0xF7A;
	s5 =	simm.s32 @!p2 $0x0  }
0x1d: {  	s5 =	simm.s32 @p1 $0x1;
	p0 =	seq.s32 s7, s2  }
0x1e: {  	s7 =	smul.u32 @!p0 $0xF7A, s2;
	p2 =	seq.s32 @!p0 s5, $0x0  }
0x1f: {  	s9 =	smul.u32 $0xF7A, s1;
	s8 =	simm.s32 @!p0 $0x1BF5;
	p2 =	por !p2, p0  }
0x20: {  	[sflag:s8] =	ssyncset.s32 @!p0 $0xFFFFF086;
	s6 =	sadd.s32 @!p0 s3, s7;
	s7 =	simm.s32 @!p0 $0x108  }
0x21: {  	s3 =	sadd.s32 s3, s9;
	s6 =	sadd.s32 @!p0 $0x88, s6;
	s7 =	simm.s32 @p2 $0x1082  }
0x22: {  	[simem:s7], [sflag:s8] =	dma.local @!p0 [hbm:s6], $0xF7A  }
0x23: {  	s9 =	sor.u32 $0xD0000000, s2;
	s6 =	simm.s32 $0x108;
	_ =	swait.ge @!p0 [sflag:s8], $0x0  }
0x24: {  	s3 =	sadd.s32 $0x88, s3;
	s6 =	simm.s32 @!p1 $0x1082;
	[sflag:s4] =	ssyncset.s32 $0xFFFFF086  }
0x25: {  	[simem:s6], [sflag:s4] =	dma.local [hbm:s3], $0xF7A  }
0x26: {  	[smem:$0x3F9C] =	sst s1;
	(tag) =	ssettag s2;
	_ =	strace s9  }
0x27: {  	s1 =	sld [smem:$0x3FAC]  }
0x28: {  	s2 =	sld [smem:$0x3FAD]  }
0x29: {  	s4 =	sld [smem:$0x3FAF]  }
0x2a: {  	p0 =	seq.s32 s5, $0x0;
	s5 =	sld [smem:$0x3FB0]  }
0x2b: {  	s6 =	sld [smem:$0x3FB1]  }
0x2c: {  	s7 =	sld [smem:$0x3FB2]  }
0x2d: {  	s3 =	simm.s32 $0x108;
	s8 =	sld [smem:$0x3FB3]  }
0x2e: {  	s3 =	simm.s32 @!p0 $0x1082;
	s9 =	sld [smem:$0x3FB4]  }
0x2f: {  	lr =	sadd.s32 s0, s3;
	s0 =	sld [smem:$0x3FAB]  }
0x30: {  	s3 =	sld [smem:$0x3FAE]  }
0x31: {  	[smem:$0x3FB7] =	sst s10  }
0x32: {  	s10 =	sld [smem:$0x3FB5];
	_ =	sdelay $0x3  }
0x33: {  	p0 =	seq.s32 s10, $0x1;
	s10 =	sld [smem:$0x3FB7];
	_ =	sdelay $0x3  }
0x34: {  	[smem:$0x3FB7] =	sst s10  }
0x35: {  	s10 =	sld [smem:$0x3FB6];
	_ =	sdelay $0x3  }
0x36: {  	p1 =	seq.s32 s10, $0x1;
	s10 =	sld [smem:$0x3FB7];
	_ =	sdelay $0x3  }
0x37: {  	[smem:$0x3FB7] =	sst s10  }
0x38: {  	s10 =	sld [smem:$0x3FB8]  }
0x39: {  	_ = 	snop;
	(pc) =	sbr.ind lr, $3  }
0x3a: {  	_ = 	snop  }
0x3b: {  	_ = 	snop  }
0x3c: {  	p2 =	seq.s32 s10, $0x1;
	s10 =	sld [smem:$0x3FB7]  }
0x3d: {  	_ =	shalt  }
0x3e: {  	_ =	shalt  }
0x3f: {  	_ =	shalt  }
0x40: {  	_ =	shalt  }
0x41: {  	_ =	shalt  }
0x42: {  	_ =	shalt  }
0x43: {  	_ =	shalt  }
0x44: {  	_ =	shalt  }
0x45: {  	_ =	shalt  }
0x46: {  	_ =	shalt  }
0x47: {  	_ =	shalt  }
0x48: {  	_ =	shalt  }
0x49: {  	_ =	shalt  }
0x4a: {  	_ =	shalt  }
0x4b: {  	_ =	shalt  }
0x4c: {  	_ =	shalt  }
0x4d: {  	_ =	shalt  }
0x4e: {  	_ =	shalt  }
0x4f: {  	_ =	shalt  }
0x50: {  	_ =	shalt  }
0x51: {  	_ =	shalt  }
0x52: {  	_ =	shalt  }
0x53: {  	_ =	shalt  }
0x54: {  	_ =	shalt  }
0x55: {  	_ =	shalt  }
0x56: {  	_ =	shalt  }
0x57: {  	_ =	shalt  }
0x58: {  	_ =	shalt  }
0x59: {  	_ =	shalt  }
0x5a: {  	_ =	shalt  }
0x5b: {  	_ =	shalt  }
0x5c: {  	_ =	shalt  }
0x5d: {  	_ =	shalt  }
0x5e: {  	_ =	shalt  }
0x5f: {  	_ =	shalt  }
0x60: {  	_ =	shalt  }
0x61: {  	_ =	shalt  }
0x62: {  	_ =	shalt  }
0x63: {  	_ =	shalt  }
0x64: {  	_ =	shalt  }
0x65: {  	_ =	shalt  }
0x66: {  	_ =	shalt  }
0x67: {  	_ =	shalt  }
0x68: {  	_ =	shalt  }
0x69: {  	_ =	shalt  }
0x6a: {  	_ =	shalt  }
0x6b: {  	_ =	shalt  }
0x6c: {  	_ =	shalt  }
0x6d: {  	_ =	shalt  }
0x6e: {  	_ =	shalt  }
0x6f: {  	_ =	shalt  }
0x70: {  	_ =	shalt  }
0x71: {  	_ =	shalt  }
0x72: {  	_ =	shalt  }
0x73: {  	_ =	shalt  }
0x74: {  	_ =	shalt  }
0x75: {  	_ =	shalt  }
0x76: {  	_ =	shalt  }
0x77: {  	_ =	shalt  }
0x78: {  	_ =	shalt  }
0x79: {  	_ =	shalt  }
0x7a: {  	_ =	shalt  }
0x7b: {  	_ =	shalt  }
0x7c: {  	_ =	shalt  }
0x7d: {  	_ =	shalt  }
0x7e: {  	_ =	shalt  }
0x7f: {  	_ =	shalt  }
0x80: {  	_ =	shalt  }
0x81: {  	_ =	shalt  }
0x82: {  	_ =	shalt  }
0x83: {  	_ =	shalt  }
0x84: {  	_ =	shalt  }
0x85: {  	_ =	shalt  }
0x86: {  	_ =	shalt  }
0x87: {  	_ =	shalt  }
.Lfunc_end0:
.L_simem_size_0:
called_computation.2_lowered:
.L_overlay_start_0:
0x88: {  	s2 =	sld [smem:$0x3FD9]  }
0x89: {  	s3 =	sld [smem:$0x3FFE];
	_ =	sdelay $0x1  }
0x8a: {  	s1 =	srdreg.scid  }
0x8b: {  	s0 =	sand.u32 $0x1, s1  }
0x8c: {  	s17 =	sshll.u32 s0, $0xA;
	s2 =	sadd.s32 s3, s2  }
0x8d: {  	s2 =	sadd.s32 s2, s17  }
0x8e: {  	[smem:$0x3FC3] =	sst s2  }
0x8f: {  	_ = 	snop  }
0x90: {  	s2 =	sld [smem:$0x3FD0];
	(tm) =	ssettm $0x1  }
0x91: {  	s18 =	sld [smem:$0x3FFB];
	_ =	sdelay $0x3  }
0x92: {  	_ =	strace s18  }
0x93: {  	s3 =	sld [smem:$0x3FFC];
	_ =	sdelay $0x3  }
0x94: {  	_ =	strace s3  }
0x95: {  	s3 =	sld [smem:$0x3FFD];
	_ =	sdelay $0x3  }
0x96: {  	_ =	strace s3  }
0x97: {  	_ =	strace $0x8FFFFFFF  }
0x98: {  	s19 =	sld [smem:$0x3FDB];
	_ =	sdelay $0x1  }
0x99: {  	s4 =	simm.s32 $_scs_section_size  }
0x9a: {  	s5 =	simm.s32 $_size__tile_overlayer_lowered;
	s6 =	simm.s32 $_tile_overlayer_lowered  }
0x9b: {  	s22 =	simm.s32 $0x1BFF;
	s21 =	sshll.u32 s6, $0x1;
	s3 =	sadd.s32 s4, s19  }
0x9c: {  	s7 =	simm.s32 $0x0;
	s20 =	sshll.u32 s5, $0x1;
	s5 =	sadd.s32 s21, s3  }
0x9d: {  	[timem:s7], [sflag:s22] =	dma.local [hbm:s5], s20  }
0x9e: {  	_ =	swait.ge [sflag:s22], s20  }
0x9f: {  	s4 =	ssub.s32 $0x0, s20;
	[sflag:s22] =	ssyncset.done $0x0  }
0xa0: {  	[sflag:s22] =	ssyncadd.s32 s4;
	_ =	sdelay $0x1  }
0xa1: {  	s23 =	simm.s32 $0x1B8B  }
0xa2: {  	_ =	swait.ge [sflag:s23], $0x1  }
0xa3: {  	[sflag:s23] =	ssyncset.done $0x0  }
0xa4: {  	s25 =	simm.s32 $0x1B8E;
	s24 =	sld [smem:$0x3FFE];
	[sflag:s23] =	ssyncadd.s32 $0xFFFFFFFF  }
0xa5: {  	s26 =	simm.s32 $execute0_lowered;
	[smem:$0x3FD2] =	sst s25  }
0xa6: {  	s5 =	sshll.u32 s26, $0x1;
	_ =	strace $0x8000004C;
	[dreg:$0x1] =	wrdreg $0xFFFFFFFF  }
0xa7: {  	s28 =	simm.s32 $_size_execute0_lowered;
	s3 =	sadd.s32 s3, s5;
	[dreg:$0x0] =	wrdreg $0x0  }
0xa8: {  	s5 =	sshll.u32 s28, $0x1;
	[dreg:$0x2] =	wrdreg s3  }
0xa9: {  	[dreg:$0x3] =	wrdreg s5  }
0xaa: {  	[dreg:$0x4] =	wrdreg $0xC0  }
0xab: {  	_ =	task [dreg:s7], $0x5FFFF  }
0xac: {  	[dreg:$0x1] =	wrdreg $0xFFFFFFFF  }
0xad: {  	[dreg:$0x0] =	wrdreg $0x60  }
0xae: {  	[dreg:$0x2] =	wrdreg s24  }
0xaf: {  	[dreg:$0x3] =	wrdreg s2  }
0xb0: {  	[dreg:$0x4] =	wrdreg $0x9  }
0xb1: {  	_ =	task.clear_ibuf [dreg:s7], $0x5FFFF;
	_ =	strace $0x9000004C  }
0xb2: {  	s29 =	simm.s32 $0x9;
	_ =	strace $0x8000004E  }
0xb3: {  	_ =	swait.ge [sflag:s29], $0x1  }
0xb4: {  	[sflag:s29] =	ssyncadd.s32 $0xFFFFFFFF  }
0xb5: {  	_ =	strace $0x9000004E  }
0xb6: {  	_ =	sfence  }
0xb7: {  	s30 =	sld [smem:$0x0];
	_ =	sdelay $0x2  }
0xb8: {  	s31 =	sshll.u32 s1, $0xD;
	s1 =	sshrl.u32 s1, $0x2  }
0xb9: {  	s3 =	sand.u32 $0x4000, s31;
	s1 =	sadd.s32 s1, s30  }
0xba: {  	s0 =	sor.u32 s3, s0;
	s1 =	sshll.u32 s1, $0x11  }
0xbb: {  	s0 =	sor.u32 s1, s0  }
0xbc: {  	s0 =	sadd.s32 $0x8F2B, s0  }
0xbd: {  	[sflag:s0] =	ssyncadd.remote.s32 $0x1  }
0xbe: {  	_ =	sfence.sel $0xFFFF  }
0xbf: {  	[dreg:$0x0] =	wrdreg $0xFFFFFFFF;
	(pc) =	sbr.abs _section_cstart, $3  }
0xc0: {  	[dreg:$0x1] =	wrdreg $0xFFFFFFFF  }
0xc1: {  	_ =	task.clear_ibuf [dreg:s7], $0x2FFFF;
	_ =	strace $0x9FFFFFFF  }
0xc2: {  	(tm) =	ssettm $0x7FFFFFFF  }
0xc3: {  	_ =	shalt  }
tec
execute0_lowered:
.L_overlay_start_1:
0x0: {  	(tag) =	ssettag $0x1  }
0x1: {  	s0 =	srdreg.scid;
	s8 =	rddreg [dreg:$0x0]  }
0x2: {  	s3 =	rddreg [dreg:$0x1];
	s1 =	stileid.u32;
	s4 =	simm.s32 $0x0  }
0x3: {  	s13 =	simm.s32 $0x3;
	s14 =	simm.s32 $0x6800;
	s15 =	simm.s32 $0x80  }
0x4: {  	s16 =	simm.s32 $0xD000;
	s17 =	simm.s32 $0x11000;
	s2 =	sand.u32 $0x1, s0  }
0x5: {  	s18 =	simm.s32 $0x1;
	s19 =	simm.s32 $0x2;
	s5 =	sshll.u32 s2, $0x4  }
0x6: {  	s20 =	simm.s32 $0x15000;
	s0 =	rddreg [dreg:$0x2];
	s6 =	sor.u32 s1, s5  }
0x7: {  	s21 =	simm.s32 $0x0;
	[smem:$0x7FF] =	sst s4;
	s7 =	smul.u32 $0x6, s6  }
0x8: {  	_ =	strace $0x8000004D;
	s10 =	ssub.s32 $0x2, s2;
	s9 =	smul.u32 $0x7, s6  }
0x9: {  	p0 =	seq.s32 s2, $0x0;
	s11 =	sshrl.u32 s10, $0x1;
	s6 =	sadd.s32 $0x10, s7  }
0xa: {  	s5 =	sadd.s32 $0x15A00, s8;
	s12 =	ssub.s32 s10, s11;
	s6 =	smov.u32 @p0 s9  }
0xb: {  	s11 =	ssub.s32 $0x6, s2;
	s12 =	smax.u32 s12, $0x1;
	s9 =	sshll.u32 s6, $0x7  }
0xc: {  	s7 =	sadd.s32 $0x65A00, s8;
	s8 =	sadd.s32 $0x66800, s8;
	s10 =	sadd.s32 $0x6800, s9  }
.LBB2_1:
0xd: {  	[tilespmem:s4], [sflag:$0x3] =	stream.linear.gather [hbm4b:s7+s4], $0x6800, $0x38;
	[tilespmem:$0x19000] =	vst v63  }
0xe: {  	_ =	swait.ge [sflag:s13], $0x6800  }
0xf: {  	[sflag:s13] =	ssyncset.done $0x0  }
0x10: {  	[sflag:s13] =	ssyncadd.s32 $0xFFFF9800  }
0x11: {  	[tilespmem:s14], [sflag:$0x3] =	stream.linear.gather [hbm4b:s8+s4], $0x6800, $0x38;
	[tilespmem:$0x19000] =	vst v63  }
0x12: {  	_ =	swait.ge [sflag:s13], $0x6800  }
0x13: {  	[sflag:s13] =	ssyncset.done $0x0  }
0x14: {  	[sflag:s13] =	ssyncadd.s32 $0xFFFF9800  }
0x15: {  	[tilespmem:s16], [sflag:$0x1] =	stream.indirect.gather [hbm4b:s5+s15], $0x80, s9, s15, $0xb8;
	[tilespmem:$0x19000] =	vst v63  }
0x16: {  	s22 =	simm.s32 $0x0  }
0x17: {  	[tilespmem:s17], [sflag:$0x2] =	stream.indirect.gather [hbm4b:s5+s15], $0x80, s10, s15, $0xb8;
	[tilespmem:$0x19000] =	vst v63  }
.LBB2_2:
0x18: {  	_ =	swait.ge [sflag:s18], $0x4000  }
0x19: {  	[sflag:s18] =	ssyncset.done $0x0  }
0x1a: {  	[sflag:s18] =	ssyncadd.s32 $0xFFFFC000  }
0x1b: {  	_ =	swait.ge [sflag:s19], $0x4000  }
0x1c: {  	[sflag:s19] =	ssyncset.done $0x0  }
0x1d: {  	s23 =	simm.s32 $0x0;
	[sflag:s19] =	ssyncadd.s32 $0xFFFFC000  }
0x1e: {  	v0 =	vld [tilespmem:s23+$0xD070]  }
0x1f: {  	v1 =	vld [tilespmem:s23+$0x11070]  }
0x20: {  	v2 =	vld [tilespmem:s23+$0xD000]  }
0x21: {  	v3 =	vld [tilespmem:s23+$0x11000]  }
0x22: {  	v4 =	vld [tilespmem:s23+$0xD010]  }
0x23: {  	v5 =	vld [tilespmem:s23+$0x11010]  }
0x24: {  	v6 =	vld [tilespmem:s23+$0xD020]  }
0x25: {  	v7 =	vld [tilespmem:s23+$0xD030]  }
0x26: {  	v0 =	vadd.f32 v1, v0;
	v1 =	vld [tilespmem:s23+$0x11020]  }
0x27: {  	v8 =	vld [tilespmem:s23+$0x11030]  }
0x28: {  	v9 =	vld [tilespmem:s23+$0x11040];
	v2 =	vadd.f32 v3, v2  }
0x29: {  	[tilespmem:s23+$0x15070] =	vst v0;
	v0 =	vadd.f32 v5, v4;
	v5 =	vld [tilespmem:s23+$0xD040]  }
0x2a: {  	v3 =	vld [tilespmem:s23+$0x11050];
	[tilespmem:s23+$0x15000] =	vst v2  }
0x2b: {  	v2 =	vld [tilespmem:s23+$0xD050];
	[tilespmem:s23+$0x15010] =	vst v0;
	v0 =	vadd.f32 v1, v6  }
0x2c: {  	v4 =	vld [tilespmem:s23+$0x11060];
	v6 =	vadd.f32 v8, v7  }
0x2d: {  	s24 =	simm.s32 $0x80;
	[tilespmem:s23+$0x15020] =	vst v0;
	v0 =	vld [tilespmem:s23+$0xD060]  }
0x2e: {  	s25 =	simm.s32 $0x400;
	v5 =	vadd.f32 v9, v5;
	v1 =	vld [tilespmem:s24+$0xD070];
	[tilespmem:s23+$0x15030] =	vst v6  }
.LBB2_3:
0x2f: {  	p0 =	sne.s32 s25, $0xFE00;
	v6 =	vld [tilespmem:s24+$0x11070]  }
0x30: {  	v7 =	vld [tilespmem:s24+$0xD000];
	[tilespmem:s23+$0x15040] =	vst v5;
	v2 =	vadd.f32 v3, v2  }
0x31: {  	v3 =	vld [tilespmem:s24+$0x11000]  }
0x32: {  	v5 =	vld [tilespmem:s24+$0xD010];
	[tilespmem:s23+$0x15050] =	vst v2;
	v0 =	vadd.f32 v4, v0  }
0x33: {  	v2 =	vld [tilespmem:s24+$0x11010]  }
0x34: {  	v4 =	vld [tilespmem:s24+$0xD020];
	v1 =	vadd.f32 v6, v1;
	[tilespmem:s23+$0x15060] =	vst v0;
	s23 =	smov.u32 s24  }
0x35: {  	v0 =	vld [tilespmem:s23+$0x11020]  }
0x36: {  	v3 =	vadd.f32 v3, v7;
	v6 =	vld [tilespmem:s23+$0xD030];
	[tilespmem:s23+$0x15070] =	vst v1  }
0x37: {  	v1 =	vld [tilespmem:s23+$0x11030]  }
0x38: {  	[tilespmem:s23+$0x15000] =	vst v3;
	v2 =	vadd.f32 v2, v5;
	v5 =	vld [tilespmem:s23+$0xD040]  }
0x39: {  	v7 =	vld [tilespmem:s23+$0x11040]  }
.Ltmp0:
0x3a: {  	[tilespmem:s23+$0x15010] =	vst v2;
	v0 =	vadd.f32 v0, v4;
	v2 =	vld [tilespmem:s23+$0xD050];
	(pc) =	sbr.rel @p0 .LBB2_3-.Ltmp0, $4  }
0x3b: {  	v3 =	vld [tilespmem:s23+$0x11050]  }
0x3c: {  	[tilespmem:s23+$0x15020] =	vst v0;
	v6 =	vadd.f32 v1, v6;
	v0 =	vld [tilespmem:s23+$0xD060]  }
0x3d: {  	s24 =	sshra.s32 s25, $0x2;
	v4 =	vld [tilespmem:s23+$0x11060]  }
0x3e: {  	s25 =	sadd.s32 $0x200, s25;
	v1 =	vld [tilespmem:s24+$0xD070];
	[tilespmem:s23+$0x15030] =	vst v6;
	v5 =	vadd.f32 v7, v5  }
0x3f: {  	v6 =	vld [tilespmem:s24+$0x11070]  }
0x40: {  	v7 =	vld [tilespmem:s24+$0xD000];
	[tilespmem:s23+$0x15040] =	vst v5;
	v2 =	vadd.f32 v3, v2  }
0x41: {  	v51 =	vld [tilespmem:s24+$0x11000]  }
0x42: {  	v5 =	vld [tilespmem:s24+$0xD010];
	[tilespmem:s23+$0x15050] =	vst v2;
	v0 =	vadd.f32 v4, v0  }
0x43: {  	v2 =	vld [tilespmem:s24+$0x11010]  }
0x44: {  	v52 =	vld [tilespmem:s24+$0xD020];
	[tilespmem:s23+$0x15060] =	vst v0  }
0x45: {  	v54 =	vld [tilespmem:s24+$0x11020]  }
0x46: {  	v55 =	vld [tilespmem:s24+$0xD030]  }
0x47: {  	v56 =	vld [tilespmem:s24+$0x11030]  }
0x48: {  	v57 =	vld [tilespmem:s24+$0xD040]  }
0x49: {  	v58 =	vld [tilespmem:s24+$0x11040]  }
0x4a: {  	v59 =	vld [tilespmem:s24+$0xD050]  }
0x4b: {  	v53 =	vadd.f32 v6, v1;
	v60 =	vld [tilespmem:s24+$0x11050]  }
0x4c: {  	v61 =	vld [tilespmem:s24+$0xD060];
	v3 =	vadd.f32 v51, v7  }
0x4d: {  	v62 =	vld [tilespmem:s24+$0x11060];
	[tilespmem:s24+$0x15070] =	vst v53;
	v2 =	vadd.f32 v2, v5  }
0x4e: {  	[tilespmem:s24+$0x15000] =	vst v3;
	v1 =	vadd.f32 v54, v52  }
0x4f: {  	[tilespmem:s24+$0x15010] =	vst v2;
	v0 =	vadd.f32 v56, v55  }
0x50: {  	s23 =	sadd.s32 $0x1, s22;
	v3 =	vadd.f32 v58, v57;
	[tilespmem:s24+$0x15020] =	vst v1  }
0x51: {  	s25 =	smov.u32 s11;
	p0 =	slt.s32 s23, s11;
	v63 =	vadd.f32 v60, v59;
	[tilespmem:s24+$0x15030] =	vst v0  }
0x52: {  	s25 =	smov.u32 @p0 s23;
	[tilespmem:s24+$0x15040] =	vst v3;
	v1 =	vadd.f32 v62, v61  }
0x53: {  	s25 =	sadd.s32 s6, s25;
	[tilespmem:s24+$0x15050] =	vst v63  }
0x54: {  	s30 =	sadd.s32 s6, s22;
	s31 =	sxor.u32 s23, s2;
	s29 =	sshll.u32 s25, $0x7;
	[tilespmem:s24+$0x15060] =	vst v1  }
0x55: {  	[tilespmem:s16], [sflag:$0x1] =	stream.indirect.gather [hbm4b:s5+s15], $0x80, s29, s15, $0xb8;
	[tilespmem:$0x19000] =	vst v63  }
0x56: {  	s22 =	sshll.u32 s30, $0xB;
	p0 =	sne.s32 s31, $0x7;
	s24 =	sadd.s32 $0x6800, s29  }
0x57: {  	[tilespmem:s17], [sflag:$0x2] =	stream.indirect.gather [hbm4b:s5+s15], $0x80, s24, s15, $0xb8;
	[tilespmem:$0x19000] =	vst v63  }
.Ltmp1:
0x58: {  	s22 =	sadd.s32 s3, s22;
	(pc) =	sbr.rel @p0 .LBB2_2-.Ltmp1, $4  }
0x59: {  	[hbm4b:s22+s4] =	stream.linear.scatter [tilespmem:s20], [sflag:$0x3], $0x4000, $0x38;
	[tilespmem:$0x19000] =	vst v63  }
0x5a: {  	_ =	swait.ge [sflag:s13], $0x4000  }
0x5b: {  	[sflag:s13] =	ssyncset.done $0x0  }
0x5c: {  	s22 =	smov.u32 s23;
	[sflag:s13] =	ssyncadd.s32 $0xFFFFC000  }
0x5d: {  	s21 =	sadd.s32 $0x1, s21  }
0x5e: {  	_ =	swait.ge [sflag:s18], $0x4000;
	p0 =	sne.s32 s21, s12  }
.Ltmp2:
0x5f: {  	[sflag:s18] =	ssyncset.done $0x0;
	(pc) =	sbr.rel @p0 .LBB2_1-.Ltmp2, $4  }
0x60: {  	[sflag:s18] =	ssyncadd.s32 $0xFFFFC000  }
0x61: {  	_ =	swait.ge [sflag:s19], $0x4000  }
0x62: {  	[sflag:s19] =	ssyncset.done $0x0  }
0x63: {  	[sflag:s19] =	ssyncadd.s32 $0xFFFFC000  }
0x64: {  	_ =	sfence.sel $0x180000  }
0x65: {  	[bflag:$0x0] =	sbarrier.arrive $0xFFFF  }
0x66: {  	p0 =	sne.s32 s1, $0x0;
	_ =	strace $0x9000004D  }
0x67: {  	s0 =	sadd.s32 @!p0 $0x100000, s0;
	[bflag:$0x2] =	sbarrier.arrive $0xFFFF  }
0x68: {  	[sflag:s0] =	ssyncadd.tile.s32 @!p0 $0x1;
	_ =	shalt  }
.Lfunc_end2:
_tile_overlayer_lowered:
.L_overlay_start_2:
0x69: {  	(tag) =	ssettag $0x2  }
0x6a: {  	s0 =	rddreg [dreg:$0x0];
	s2 =	stileid.u32  }
0x6b: {  	s1 =	rddreg [dreg:$0x1];
	p0 =	sne.s32 s2, $0x0  }
0x6c: {  	s3 =	rddreg [dreg:$0x2];
	[bflag:$0x3] =	sbarrier.arrive $0xFFFF;
	s2 =	simm.s32 @!p0 $0x1C03  }
0x6d: {  	[timem:s3], [sflag:s2] =	dma.local @!p0 [hbm:s0], s1  }
0x6e: {  	s0 =	simm.s32 @!p0 $0x3  }
0x6f: {  	_ =	swait.ge @!p0 [sflag:s0], s1  }
0x70: {  	s1 =	ssub.s32 @!p0 $0x0, s1;
	[sflag:s0] =	ssyncset.done @!p0 $0x0  }
0x71: {  	[sflag:s0] =	ssyncadd.s32 @!p0 s1  }
0x72: {  	[bflag:$0x3] =	sbarrier.arrive $0xFFFF  }
0x73: {  	_ =	shalt  }

// kernel: kernel.6.cloned.1.call-start
scs
__scs_entry_jumppad:
0x0: {  	(pc) =	sbr.rel $0x88, $3  }
0x1: {  	(tag) =	ssettag $0x0;
	lr =	simm.s32 $0x1  }
0x2: {  	[smem:$0x3F9C] =	sst lr;
	_ =	strace $0xD0000000  }
0x3: {  	_ = 	snop  }
0x4: {  	_ = 	snop  }
0x5: {  	_ = 	snop  }
0x6: {  	_ = 	snop  }
0x7: {  	_ = 	snop  }
__scs_overlays_trampoline_lowered:
0x8: {  	[smem:$0x3FAB] =	sst s0  }
0x9: {  	[smem:$0x3FAC] =	sst s1  }
0xa: {  	[smem:$0x3FAD] =	sst s2  }
0xb: {  	[smem:$0x3FAE] =	sst s3  }
0xc: {  	[smem:$0x3FAF] =	sst s4  }
0xd: {  	[smem:$0x3FB0] =	sst s5  }
0xe: {  	[smem:$0x3FB1] =	sst s6  }
0xf: {  	[smem:$0x3FB2] =	sst s7  }
0x10: {  	[smem:$0x3FB3] =	sst s8  }
0x11: {  	[smem:$0x3FB4] =	sst s9;
	s0 =	simm.s32 @!p0 $0x0  }
0x12: {  	s1 =	sld [smem:$0x3F9A];
	s0 =	simm.s32 @p0 $0x1  }
0x13: {  	[smem:$0x3FB5] =	sst s0;
	s0 =	simm.s32 @!p1 $0x0  }
0x14: {  	s2 =	sld [smem:$0x3F99];
	s0 =	simm.s32 @p1 $0x1  }
0x15: {  	[smem:$0x3FB6] =	sst s0;
	s0 =	simm.s32 @!p2 $0x0  }
0x16: {  	s3 =	sld [smem:$0x3FDB];
	s0 =	simm.s32 @p2 $0x1  }
0x17: {  	s4 =	simm.s32 $0x1BF5;
	[smem:$0x3FB8] =	sst s0  }
0x18: {  	s0 =	sld [smem:$0x3F9B];
	_ =	swait.ge [sflag:s4], $0x0  }
0x19: {  	s7 =	sld [smem:$0x3F9C]  }
0x1a: {  	s8 =	sadd.s32 $0xFFFFE003, lr  }
0x1b: {  	s9 =	sadd.s32 $0xFFFFFEF7, lr;
	s5 =	simm.s32 $0xFFFFFFFF;
	p2 =	slt.u32 s8, $0xFFFFF086  }
0x1c: {  	p1 =	slt.u32 s9, $0xF7A;
	s5 =	simm.s32 @!p2 $0x0  }
0x1d: {  	s5 =	simm.s32 @p1 $0x1;
	p0 =	seq.s32 s7, s2  }
0x1e: {  	s7 =	smul.u32 @!p0 $0xF7A, s2;
	p2 =	seq.s32 @!p0 s5, $0x0  }
0x1f: {  	s9 =	smul.u32 $0xF7A, s1;
	s8 =	simm.s32 @!p0 $0x1BF5;
	p2 =	por !p2, p0  }
0x20: {  	[sflag:s8] =	ssyncset.s32 @!p0 $0xFFFFF086;
	s6 =	sadd.s32 @!p0 s3, s7;
	s7 =	simm.s32 @!p0 $0x108  }
0x21: {  	s3 =	sadd.s32 s3, s9;
	s6 =	sadd.s32 @!p0 $0x88, s6;
	s7 =	simm.s32 @p2 $0x1082  }
0x22: {  	[simem:s7], [sflag:s8] =	dma.local @!p0 [hbm:s6], $0xF7A  }
0x23: {  	s9 =	sor.u32 $0xD0000000, s2;
	s6 =	simm.s32 $0x108;
	_ =	swait.ge @!p0 [sflag:s8], $0x0  }
0x24: {  	s3 =	sadd.s32 $0x88, s3;
	s6 =	simm.s32 @!p1 $0x1082;
	[sflag:s4] =	ssyncset.s32 $0xFFFFF086  }
0x25: {  	[simem:s6], [sflag:s4] =	dma.local [hbm:s3], $0xF7A  }
0x26: {  	[smem:$0x3F9C] =	sst s1;
	(tag) =	ssettag s2;
	_ =	strace s9  }
0x27: {  	s1 =	sld [smem:$0x3FAC]  }
0x28: {  	s2 =	sld [smem:$0x3FAD]  }
0x29: {  	s4 =	sld [smem:$0x3FAF]  }
0x2a: {  	p0 =	seq.s32 s5, $0x0;
	s5 =	sld [smem:$0x3FB0]  }
0x2b: {  	s6 =	sld [smem:$0x3FB1]  }
0x2c: {  	s7 =	sld [smem:$0x3FB2]  }
0x2d: {  	s3 =	simm.s32 $0x108;
	s8 =	sld [smem:$0x3FB3]  }
0x2e: {  	s3 =	simm.s32 @!p0 $0x1082;
	s9 =	sld [smem:$0x3FB4]  }
0x2f: {  	lr =	sadd.s32 s0, s3;
	s0 =	sld [smem:$0x3FAB]  }
0x30: {  	s3 =	sld [smem:$0x3FAE]  }
0x31: {  	[smem:$0x3FB7] =	sst s10  }
0x32: {  	s10 =	sld [smem:$0x3FB5];
	_ =	sdelay $0x3  }
0x33: {  	p0 =	seq.s32 s10, $0x1;
	s10 =	sld [smem:$0x3FB7];
	_ =	sdelay $0x3  }
0x34: {  	[smem:$0x3FB7] =	sst s10  }
0x35: {  	s10 =	sld [smem:$0x3FB6];
	_ =	sdelay $0x3  }
0x36: {  	p1 =	seq.s32 s10, $0x1;
	s10 =	sld [smem:$0x3FB7];
	_ =	sdelay $0x3  }
0x37: {  	[smem:$0x3FB7] =	sst s10  }
0x38: {  	s10 =	sld [smem:$0x3FB8]  }
0x39: {  	_ = 	snop;
	(pc) =	sbr.ind lr, $3  }
0x3a: {  	_ = 	snop  }
0x3b: {  	_ = 	snop  }
0x3c: {  	p2 =	seq.s32 s10, $0x1;
	s10 =	sld [smem:$0x3FB7]  }
0x3d: {  	_ =	shalt  }
0x3e: {  	_ =	shalt  }
0x3f: {  	_ =	shalt  }
0x40: {  	_ =	shalt  }
0x41: {  	_ =	shalt  }
0x42: {  	_ =	shalt  }
0x43: {  	_ =	shalt  }
0x44: {  	_ =	shalt  }
0x45: {  	_ =	shalt  }
0x46: {  	_ =	shalt  }
0x47: {  	_ =	shalt  }
0x48: {  	_ =	shalt  }
0x49: {  	_ =	shalt  }
0x4a: {  	_ =	shalt  }
0x4b: {  	_ =	shalt  }
0x4c: {  	_ =	shalt  }
0x4d: {  	_ =	shalt  }
0x4e: {  	_ =	shalt  }
0x4f: {  	_ =	shalt  }
0x50: {  	_ =	shalt  }
0x51: {  	_ =	shalt  }
0x52: {  	_ =	shalt  }
0x53: {  	_ =	shalt  }
0x54: {  	_ =	shalt  }
0x55: {  	_ =	shalt  }
0x56: {  	_ =	shalt  }
0x57: {  	_ =	shalt  }
0x58: {  	_ =	shalt  }
0x59: {  	_ =	shalt  }
0x5a: {  	_ =	shalt  }
0x5b: {  	_ =	shalt  }
0x5c: {  	_ =	shalt  }
0x5d: {  	_ =	shalt  }
0x5e: {  	_ =	shalt  }
0x5f: {  	_ =	shalt  }
0x60: {  	_ =	shalt  }
0x61: {  	_ =	shalt  }
0x62: {  	_ =	shalt  }
0x63: {  	_ =	shalt  }
0x64: {  	_ =	shalt  }
0x65: {  	_ =	shalt  }
0x66: {  	_ =	shalt  }
0x67: {  	_ =	shalt  }
0x68: {  	_ =	shalt  }
0x69: {  	_ =	shalt  }
0x6a: {  	_ =	shalt  }
0x6b: {  	_ =	shalt  }
0x6c: {  	_ =	shalt  }
0x6d: {  	_ =	shalt  }
0x6e: {  	_ =	shalt  }
0x6f: {  	_ =	shalt  }
0x70: {  	_ =	shalt  }
0x71: {  	_ =	shalt  }
0x72: {  	_ =	shalt  }
0x73: {  	_ =	shalt  }
0x74: {  	_ =	shalt  }
0x75: {  	_ =	shalt  }
0x76: {  	_ =	shalt  }
0x77: {  	_ =	shalt  }
0x78: {  	_ =	shalt  }
0x79: {  	_ =	shalt  }
0x7a: {  	_ =	shalt  }
0x7b: {  	_ =	shalt  }
0x7c: {  	_ =	shalt  }
0x7d: {  	_ =	shalt  }
0x7e: {  	_ =	shalt  }
0x7f: {  	_ =	shalt  }
0x80: {  	_ =	shalt  }
0x81: {  	_ =	shalt  }
0x82: {  	_ =	shalt  }
0x83: {  	_ =	shalt  }
0x84: {  	_ =	shalt  }
0x85: {  	_ =	shalt  }
0x86: {  	_ =	shalt  }
0x87: {  	_ =	shalt  }
.Lfunc_end0:
.L_simem_size_0:
called_computation_lowered:
.L_overlay_start_0:
0x88: {  	s2 =	sld [smem:$0x3FD9]  }
0x89: {  	s3 =	sld [smem:$0x3FFE];
	_ =	sdelay $0x1  }
0x8a: {  	s1 =	srdreg.scid  }
0x8b: {  	s0 =	sand.u32 $0x1, s1  }
0x8c: {  	s16 =	sshll.u32 s0, $0xA;
	s2 =	sadd.s32 s3, s2  }
0x8d: {  	s2 =	sadd.s32 s2, s16  }
0x8e: {  	[smem:$0x3FC3] =	sst s2  }
0x8f: {  	_ = 	snop  }
0x90: {  	(tm) =	ssettm $0x1  }
0x91: {  	s17 =	sld [smem:$0x3FFB];
	_ =	sdelay $0x3  }
0x92: {  	_ =	strace s17  }
0x93: {  	s2 =	sld [smem:$0x3FFC];
	_ =	sdelay $0x3  }
0x94: {  	_ =	strace s2  }
0x95: {  	s2 =	sld [smem:$0x3FFD];
	_ =	sdelay $0x3  }
0x96: {  	_ =	strace s2  }
0x97: {  	_ =	strace $0x8FFFFFFF  }
0x98: {  	s18 =	sld [smem:$0x3FDB];
	_ =	sdelay $0x1  }
0x99: {  	s19 =	simm.s32 $_scs_section_size  }
0x9a: {  	s4 =	simm.s32 $_size__tile_overlayer_lowered;
	s5 =	simm.s32 $_tile_overlayer_lowered  }
0x9b: {  	s22 =	simm.s32 $0x1BFF;
	s21 =	sshll.u32 s5, $0x1;
	s2 =	sadd.s32 s19, s18  }
0x9c: {  	s6 =	simm.s32 $0x0;
	s20 =	sshll.u32 s4, $0x1;
	s4 =	sadd.s32 s21, s2  }
0x9d: {  	[timem:s6], [sflag:s22] =	dma.local [hbm:s4], s20  }
0x9e: {  	_ =	swait.ge [sflag:s22], s20  }
0x9f: {  	s3 =	ssub.s32 $0x0, s20;
	[sflag:s22] =	ssyncset.done $0x0  }
0xa0: {  	[sflag:s22] =	ssyncadd.s32 s3;
	_ =	sdelay $0x1  }
0xa1: {  	s23 =	simm.s32 $0x1B8B  }
0xa2: {  	_ =	swait.ge [sflag:s23], $0x1  }
0xa3: {  	[sflag:s23] =	ssyncset.done $0x0  }
0xa4: {  	s25 =	simm.s32 $0x1B8E;
	s24 =	sld [smem:$0x3FFE];
	[sflag:s23] =	ssyncadd.s32 $0xFFFFFFFF  }
0xa5: {  	s26 =	simm.s32 $execute0_lowered;
	[smem:$0x3FD2] =	sst s25  }
0xa6: {  	s4 =	sshll.u32 s26, $0x1;
	_ =	strace $0x80000046;
	[dreg:$0x1] =	wrdreg $0xFFFFFFFF  }
0xa7: {  	s28 =	simm.s32 $_size_execute0_lowered;
	s2 =	sadd.s32 s2, s4;
	[dreg:$0x0] =	wrdreg $0x0  }
0xa8: {  	s4 =	sshll.u32 s28, $0x1;
	[dreg:$0x2] =	wrdreg s2  }
0xa9: {  	[dreg:$0x3] =	wrdreg s4  }
0xaa: {  	[dreg:$0x4] =	wrdreg $0xC0  }
0xab: {  	_ =	task [dreg:s6], $0x5FFFF  }
0xac: {  	[dreg:$0x1] =	wrdreg $0xFFFFFFFF  }
0xad: {  	[dreg:$0x0] =	wrdreg $0x60  }
0xae: {  	[dreg:$0x2] =	wrdreg s24  }
0xaf: {  	[dreg:$0x3] =	wrdreg $0x2B000  }
0xb0: {  	[dreg:$0x4] =	wrdreg $0x9  }
0xb1: {  	_ =	task.clear_ibuf [dreg:s6], $0x5FFFF;
	_ =	strace $0x90000046  }
0xb2: {  	s29 =	simm.s32 $0x9;
	_ =	strace $0x80000048  }
0xb3: {  	_ =	swait.ge [sflag:s29], $0x1  }
0xb4: {  	[sflag:s29] =	ssyncadd.s32 $0xFFFFFFFF  }
0xb5: {  	_ =	strace $0x90000048  }
0xb6: {  	_ =	sfence  }
0xb7: {  	s30 =	sld [smem:$0x0];
	_ =	sdelay $0x2  }
0xb8: {  	s31 =	sshll.u32 s1, $0xD;
	s1 =	sshrl.u32 s1, $0x2  }
0xb9: {  	s3 =	sand.u32 $0x4000, s31;
	s1 =	sadd.s32 s1, s30  }
0xba: {  	s0 =	sor.u32 s3, s0;
	s1 =	sshll.u32 s1, $0x11  }
0xbb: {  	s0 =	sor.u32 s1, s0  }
0xbc: {  	s0 =	sadd.s32 $0x8F2B, s0  }
0xbd: {  	[sflag:s0] =	ssyncadd.remote.s32 $0x1  }
0xbe: {  	_ =	sfence.sel $0xFFFF  }
0xbf: {  	[dreg:$0x0] =	wrdreg $0xFFFFFFFF;
	(pc) =	sbr.abs _section_cstart, $3  }
0xc0: {  	[dreg:$0x1] =	wrdreg $0xFFFFFFFF  }
0xc1: {  	_ =	task.clear_ibuf [dreg:s6], $0x2FFFF;
	_ =	strace $0x9FFFFFFF  }
0xc2: {  	(tm) =	ssettm $0x7FFFFFFF  }
0xc3: {  	_ =	shalt  }
tec
execute0_lowered:
.L_overlay_start_1:
0x0: {  	(tag) =	ssettag $0x1  }
0x1: {  	s4 =	rddreg [dreg:$0x0]  }
0x2: {  	s2 =	rddreg [dreg:$0x1];
	s3 =	srdreg.scid  }
0x3: {  	s1 =	stileid.u32;
	s0 =	rddreg [dreg:$0x2];
	s10 =	simm.s32 $0x80  }
0x4: {  	s11 =	simm.s32 $0x2800;
	s14 =	simm.s32 $0x0;
	s5 =	sand.u32 $0x1, s3  }
0x5: {  	s6 =	smul.u32 $0x280, s1;
	s3 =	simm.s32 $0x0;
	s12 =	sshll.u32 s1, $0x6  }
0x6: {  	s7 =	sshll.u32 s5, $0x4;
	s8 =	smul.u32 $0x2800, s5;
	[smem:$0x7FF] =	sst s3  }
0x7: {  	s5 =	ssub.s32 $0x2, s5;
	s12 =	sor.u32 $0x1C01, s12;
	s7 =	sor.u32 s1, s7  }
0x8: {  	s9 =	sshrl.u32 s5, $0x1;
	s7 =	smul.u32 $0x500, s7;
	s8 =	sadd.s32 s6, s8  }
0x9: {  	_ =	strace $0x80000047;
	s9 =	ssub.s32 s5, s9;
	s8 =	sshrl.u32 s8, $0x3  }
0xa: {  	s7 =	sadd.s32 s7, s4;
	s8 =	sadd.s32 s8, s4;
	s4 =	sadd.s32 s6, s2  }
0xb: {  	s5 =	sadd.s32 $0x1400, s7;
	s6 =	sadd.s32 $0x15400, s8;
	s7 =	smax.u32 s9, $0x1  }
0xc: {  	v0 =	vimm.f32 $0.0e+00;
	v1 =	vimm.f32 $1.000000000e+00;
	s8 =	simm.s32 $0x2880;
	s9 =	simm.s32 $0x1;
	s13 =	sshrl.u32 s4, $0x3  }
.LBB2_1:
0xd: {  	[tilespmem:$0x2880] =	vst v0  }
0xe: {  	[tilespmem:$0x2890] =	vst v0  }
0xf: {  	[tilespmem:$0x28A0] =	vst v0  }
0x10: {  	[tilespmem:$0x28B0] =	vst v0  }
0x11: {  	[tilespmem:$0x28C0] =	vst v0  }
0x12: {  	[tilespmem:$0x28D0] =	vst v0  }
0x13: {  	[tilespmem:$0x28E0] =	vst v0  }
0x14: {  	[tilespmem:$0x28F0] =	vst v0  }
0x15: {  	[tilespmem:$0x2900] =	vst v0  }
0x16: {  	[tilespmem:$0x2910] =	vst v0  }
0x17: {  	[tilespmem:$0x2920] =	vst v0  }
0x18: {  	[tilespmem:$0x2930] =	vst v0  }
0x19: {  	[tilespmem:$0x2940] =	vst v0  }
0x1a: {  	[tilespmem:$0x2950] =	vst v0  }
0x1b: {  	[tilespmem:$0x2960] =	vst v0  }
0x1c: {  	[tilespmem:$0x2970] =	vst v0  }
0x1d: {  	[tilespmem:$0x2980] =	vst v0  }
0x1e: {  	[tilespmem:$0x2990] =	vst v0  }
0x1f: {  	[tilespmem:$0x29A0] =	vst v0  }
0x20: {  	[tilespmem:$0x29B0] =	vst v0  }
0x21: {  	[tilespmem:$0x29C0] =	vst v0  }
0x22: {  	[tilespmem:$0x29D0] =	vst v0  }
0x23: {  	[tilespmem:$0x29E0] =	vst v0  }
0x24: {  	[tilespmem:$0x29F0] =	vst v0  }
0x25: {  	[tilespmem:$0x2A00] =	vst v0  }
0x26: {  	[tilespmem:$0x2A10] =	vst v0  }
0x27: {  	[tilespmem:$0x2A20] =	vst v0  }
0x28: {  	[tilespmem:$0x2A30] =	vst v0  }
0x29: {  	[tilespmem:$0x2A40] =	vst v0  }
0x2a: {  	[tilespmem:$0x2A50] =	vst v0  }
0x2b: {  	[tilespmem:$0x2A60] =	vst v0  }
0x2c: {  	[tilespmem:$0x2A70] =	vst v0  }
0x2d: {  	[tilespmem:$0x2A80] =	vst v0  }
0x2e: {  	[tilespmem:$0x2A90] =	vst v0  }
0x2f: {  	[tilespmem:$0x2AA0] =	vst v0  }
0x30: {  	[tilespmem:$0x2AB0] =	vst v0  }
0x31: {  	[tilespmem:$0x2AC0] =	vst v0  }
0x32: {  	[tilespmem:$0x2AD0] =	vst v0  }
0x33: {  	[tilespmem:$0x2AE0] =	vst v0  }
0x34: {  	[tilespmem:$0x2AF0] =	vst v0  }
0x35: {  	[tilespmem:$0x2800] =	vst v1  }
0x36: {  	[tilespmem:$0x2810] =	vst v1  }
0x37: {  	[tilespmem:$0x2820] =	vst v1  }
0x38: {  	[tilespmem:$0x2830] =	vst v1  }
0x39: {  	[tilespmem:$0x2840] =	vst v1  }
0x3a: {  	[tilespmem:$0x2850] =	vst v1  }
0x3b: {  	[tilespmem:$0x2860] =	vst v1  }
0x3c: {  	[tilespmem:$0x2870] =	vst v1  }
0x3d: {  	[spmem:s4] =	stream.linear.scatter [tilespmem:s8], [sflag:$0x1], $0x280, $0x38;
	[tilespmem:$0x2D80] =	vst v63  }
0x3e: {  	_ =	swait.ge [sflag:s9], $0x280  }
0x3f: {  	[sflag:s9] =	ssyncset.done $0x0  }
0x40: {  	[sflag:s9] =	ssyncadd.s32 $0xFFFFFD80  }
0x41: {  	[tilespmem:s3], [sflag:$0x1] =	stream.linear.gather [hbm4b:s5+s3], $0x2800, $0x38;
	[tilespmem:$0x2D80] =	vst v63  }
0x42: {  	_ =	swait.ge [sflag:s9], $0x2800  }
0x43: {  	[sflag:s9] =	ssyncset.done $0x0  }
0x44: {  	[sflag:s9] =	ssyncadd.s32 $0xFFFFD800  }
0x45: {  	s15 =	simm.s32 $0x0;
	[bflag:$0x0] =	sbarrier.arrive $0xFFFF  }
0x46: {  	[spmem:s2] =	stream.indirect.scatter.add.f32 [tilespmem:s11], [sflag:$0x1], $0x1, s15, s10, $0xb8;
	[tilespmem:$0x2D80] =	vst v63  }
0x47: {  	_ =	swait.ge [sflag:s9], $0x80  }
0x48: {  	s15 =	simm.s32 $0x200;
	[sflag:s9] =	ssyncset.done $0x0  }
.LBB2_2:
0x49: {  	s16 =	sshra.s32 s15, $0x2;
	[sflag:s9] =	ssyncadd.s32 $0xFFFFFF80;
	p0 =	sne.s32 s15, $0x9E00  }
0x4a: {  	[spmem:s2] =	stream.indirect.scatter.add.f32 [tilespmem:s11], [sflag:$0x1], $0x1, s16, s10, $0xb8;
	[tilespmem:$0x2D80] =	vst v63  }
.Ltmp0:
0x4b: {  	_ = 	snop;
	(pc) =	sbr.rel @p0 .LBB2_2-.Ltmp0, $4  }
0x4c: {  	_ = 	snop  }
0x4d: {  	s15 =	sadd.s32 $0x200, s15  }
0x4e: {  	_ =	swait.ge [sflag:s9], $0x80  }
0x4f: {  	[sflag:s9] =	ssyncset.done $0x0  }
0x50: {  	s14 =	sadd.s32 $0x1, s14  }
0x51: {  	[sflag:s9] =	ssyncadd.s32 $0xFFFFFF80;
	p0 =	sne.s32 s14, s7  }
.Ltmp1:
0x52: {  	[bflag:$0x0] =	sbarrier.arrive $0xFFFF;
	(pc) =	sbr.rel @p0 .LBB2_1-.Ltmp1, $4  }
0x53: {  	[hbm:s6], [sflag:s12] =	dma.local [spmem:s13], $0x50  }
0x54: {  	_ =	swait.ge [sflag:s9], $0x50  }
0x55: {  	[sflag:s9] =	ssyncset.done $0x0  }
0x56: {  	[sflag:s9] =	ssyncadd.s32 $0xFFFFFFB0  }
0x57: {  	_ =	sfence.sel $0x180000  }
0x58: {  	[bflag:$0x0] =	sbarrier.arrive $0xFFFF  }
0x59: {  	p0 =	sne.s32 s1, $0x0;
	_ =	strace $0x90000047  }
0x5a: {  	s0 =	sadd.s32 @!p0 $0x100000, s0;
	[bflag:$0x2] =	sbarrier.arrive $0xFFFF  }
0x5b: {  	[sflag:s0] =	ssyncadd.tile.s32 @!p0 $0x1;
	_ =	shalt  }
.Lfunc_end2:
_tile_overlayer_lowered:
.L_overlay_start_2:
0x5c: {  	(tag) =	ssettag $0x2  }
0x5d: {  	s0 =	rddreg [dreg:$0x0];
	s2 =	stileid.u32  }
0x5e: {  	s1 =	rddreg [dreg:$0x1];
	p0 =	sne.s32 s2, $0x0  }
0x5f: {  	s3 =	rddreg [dreg:$0x2];
	[bflag:$0x3] =	sbarrier.arrive $0xFFFF;
	s2 =	simm.s32 @!p0 $0x1C01  }
0x60: {  	[timem:s3], [sflag:s2] =	dma.local @!p0 [hbm:s0], s1  }
0x61: {  	s0 =	simm.s32 @!p0 $0x1  }
0x62: {  	_ =	swait.ge @!p0 [sflag:s0], s1  }
0x63: {  	s1 =	ssub.s32 @!p0 $0x0, s1;
	[sflag:s0] =	ssyncset.done @!p0 $0x0  }
0x64: {  	[sflag:s0] =	ssyncadd.s32 @!p0 s1  }
0x65: {  	[bflag:$0x3] =	sbarrier.arrive $0xFFFF  }
0x66: {  	_ =	shalt  }

// kernel: kernel.9.cloned.1.call-start
scs
__scs_entry_jumppad:
0x0: {  	(pc) =	sbr.rel $0x88, $3  }
0x1: {  	(tag) =	ssettag $0x0;
	lr =	simm.s32 $0x1  }
0x2: {  	[smem:$0x3F9C] =	sst lr;
	_ =	strace $0xD0000000  }
0x3: {  	_ = 	snop  }
0x4: {  	_ = 	snop  }
0x5: {  	_ = 	snop  }
0x6: {  	_ = 	snop  }
0x7: {  	_ = 	snop  }
__scs_overlays_trampoline_lowered:
0x8: {  	[smem:$0x3FAB] =	sst s0  }
0x9: {  	[smem:$0x3FAC] =	sst s1  }
0xa: {  	[smem:$0x3FAD] =	sst s2  }
0xb: {  	[smem:$0x3FAE] =	sst s3  }
0xc: {  	[smem:$0x3FAF] =	sst s4  }
0xd: {  	[smem:$0x3FB0] =	sst s5  }
0xe: {  	[smem:$0x3FB1] =	sst s6  }
0xf: {  	[smem:$0x3FB2] =	sst s7  }
0x10: {  	[smem:$0x3FB3] =	sst s8  }
0x11: {  	[smem:$0x3FB4] =	sst s9;
	s0 =	simm.s32 @!p0 $0x0  }
0x12: {  	s1 =	sld [smem:$0x3F9A];
	s0 =	simm.s32 @p0 $0x1  }
0x13: {  	[smem:$0x3FB5] =	sst s0;
	s0 =	simm.s32 @!p1 $0x0  }
0x14: {  	s2 =	sld [smem:$0x3F99];
	s0 =	simm.s32 @p1 $0x1  }
0x15: {  	[smem:$0x3FB6] =	sst s0;
	s0 =	simm.s32 @!p2 $0x0  }
0x16: {  	s3 =	sld [smem:$0x3FDB];
	s0 =	simm.s32 @p2 $0x1  }
0x17: {  	s4 =	simm.s32 $0x1BF5;
	[smem:$0x3FB8] =	sst s0  }
0x18: {  	s0 =	sld [smem:$0x3F9B];
	_ =	swait.ge [sflag:s4], $0x0  }
0x19: {  	s7 =	sld [smem:$0x3F9C]  }
0x1a: {  	s8 =	sadd.s32 $0xFFFFE003, lr  }
0x1b: {  	s9 =	sadd.s32 $0xFFFFFEF7, lr;
	s5 =	simm.s32 $0xFFFFFFFF;
	p2 =	slt.u32 s8, $0xFFFFF086  }
0x1c: {  	p1 =	slt.u32 s9, $0xF7A;
	s5 =	simm.s32 @!p2 $0x0  }
0x1d: {  	s5 =	simm.s32 @p1 $0x1;
	p0 =	seq.s32 s7, s2  }
0x1e: {  	s7 =	smul.u32 @!p0 $0xF7A, s2;
	p2 =	seq.s32 @!p0 s5, $0x0  }
0x1f: {  	s9 =	smul.u32 $0xF7A, s1;
	s8 =	simm.s32 @!p0 $0x1BF5;
	p2 =	por !p2, p0  }
0x20: {  	[sflag:s8] =	ssyncset.s32 @!p0 $0xFFFFF086;
	s6 =	sadd.s32 @!p0 s3, s7;
	s7 =	simm.s32 @!p0 $0x108  }
0x21: {  	s3 =	sadd.s32 s3, s9;
	s6 =	sadd.s32 @!p0 $0x88, s6;
	s7 =	simm.s32 @p2 $0x1082  }
0x22: {  	[simem:s7], [sflag:s8] =	dma.local @!p0 [hbm:s6], $0xF7A  }
0x23: {  	s9 =	sor.u32 $0xD0000000, s2;
	s6 =	simm.s32 $0x108;
	_ =	swait.ge @!p0 [sflag:s8], $0x0  }
0x24: {  	s3 =	sadd.s32 $0x88, s3;
	s6 =	simm.s32 @!p1 $0x1082;
	[sflag:s4] =	ssyncset.s32 $0xFFFFF086  }
0x25: {  	[simem:s6], [sflag:s4] =	dma.local [hbm:s3], $0xF7A  }
0x26: {  	[smem:$0x3F9C] =	sst s1;
	(tag) =	ssettag s2;
	_ =	strace s9  }
0x27: {  	s1 =	sld [smem:$0x3FAC]  }
0x28: {  	s2 =	sld [smem:$0x3FAD]  }
0x29: {  	s4 =	sld [smem:$0x3FAF]  }
0x2a: {  	p0 =	seq.s32 s5, $0x0;
	s5 =	sld [smem:$0x3FB0]  }
0x2b: {  	s6 =	sld [smem:$0x3FB1]  }
0x2c: {  	s7 =	sld [smem:$0x3FB2]  }
0x2d: {  	s3 =	simm.s32 $0x108;
	s8 =	sld [smem:$0x3FB3]  }
0x2e: {  	s3 =	simm.s32 @!p0 $0x1082;
	s9 =	sld [smem:$0x3FB4]  }
0x2f: {  	lr =	sadd.s32 s0, s3;
	s0 =	sld [smem:$0x3FAB]  }
0x30: {  	s3 =	sld [smem:$0x3FAE]  }
0x31: {  	[smem:$0x3FB7] =	sst s10  }
0x32: {  	s10 =	sld [smem:$0x3FB5];
	_ =	sdelay $0x3  }
0x33: {  	p0 =	seq.s32 s10, $0x1;
	s10 =	sld [smem:$0x3FB7];
	_ =	sdelay $0x3  }
0x34: {  	[smem:$0x3FB7] =	sst s10  }
0x35: {  	s10 =	sld [smem:$0x3FB6];
	_ =	sdelay $0x3  }
0x36: {  	p1 =	seq.s32 s10, $0x1;
	s10 =	sld [smem:$0x3FB7];
	_ =	sdelay $0x3  }
0x37: {  	[smem:$0x3FB7] =	sst s10  }
0x38: {  	s10 =	sld [smem:$0x3FB8]  }
0x39: {  	_ = 	snop;
	(pc) =	sbr.ind lr, $3  }
0x3a: {  	_ = 	snop  }
0x3b: {  	_ = 	snop  }
0x3c: {  	p2 =	seq.s32 s10, $0x1;
	s10 =	sld [smem:$0x3FB7]  }
0x3d: {  	_ =	shalt  }
0x3e: {  	_ =	shalt  }
0x3f: {  	_ =	shalt  }
0x40: {  	_ =	shalt  }
0x41: {  	_ =	shalt  }
0x42: {  	_ =	shalt  }
0x43: {  	_ =	shalt  }
0x44: {  	_ =	shalt  }
0x45: {  	_ =	shalt  }
0x46: {  	_ =	shalt  }
0x47: {  	_ =	shalt  }
0x48: {  	_ =	shalt  }
0x49: {  	_ =	shalt  }
0x4a: {  	_ =	shalt  }
0x4b: {  	_ =	shalt  }
0x4c: {  	_ =	shalt  }
0x4d: {  	_ =	shalt  }
0x4e: {  	_ =	shalt  }
0x4f: {  	_ =	shalt  }
0x50: {  	_ =	shalt  }
0x51: {  	_ =	shalt  }
0x52: {  	_ =	shalt  }
0x53: {  	_ =	shalt  }
0x54: {  	_ =	shalt  }
0x55: {  	_ =	shalt  }
0x56: {  	_ =	shalt  }
0x57: {  	_ =	shalt  }
0x58: {  	_ =	shalt  }
0x59: {  	_ =	shalt  }
0x5a: {  	_ =	shalt  }
0x5b: {  	_ =	shalt  }
0x5c: {  	_ =	shalt  }
0x5d: {  	_ =	shalt  }
0x5e: {  	_ =	shalt  }
0x5f: {  	_ =	shalt  }
0x60: {  	_ =	shalt  }
0x61: {  	_ =	shalt  }
0x62: {  	_ =	shalt  }
0x63: {  	_ =	shalt  }
0x64: {  	_ =	shalt  }
0x65: {  	_ =	shalt  }
0x66: {  	_ =	shalt  }
0x67: {  	_ =	shalt  }
0x68: {  	_ =	shalt  }
0x69: {  	_ =	shalt  }
0x6a: {  	_ =	shalt  }
0x6b: {  	_ =	shalt  }
0x6c: {  	_ =	shalt  }
0x6d: {  	_ =	shalt  }
0x6e: {  	_ =	shalt  }
0x6f: {  	_ =	shalt  }
0x70: {  	_ =	shalt  }
0x71: {  	_ =	shalt  }
0x72: {  	_ =	shalt  }
0x73: {  	_ =	shalt  }
0x74: {  	_ =	shalt  }
0x75: {  	_ =	shalt  }
0x76: {  	_ =	shalt  }
0x77: {  	_ =	shalt  }
0x78: {  	_ =	shalt  }
0x79: {  	_ =	shalt  }
0x7a: {  	_ =	shalt  }
0x7b: {  	_ =	shalt  }
0x7c: {  	_ =	shalt  }
0x7d: {  	_ =	shalt  }
0x7e: {  	_ =	shalt  }
0x7f: {  	_ =	shalt  }
0x80: {  	_ =	shalt  }
0x81: {  	_ =	shalt  }
0x82: {  	_ =	shalt  }
0x83: {  	_ =	shalt  }
0x84: {  	_ =	shalt  }
0x85: {  	_ =	shalt  }
0x86: {  	_ =	shalt  }
0x87: {  	_ =	shalt  }
.Lfunc_end0:
.L_simem_size_0:
called_computation.1_lowered:
.L_overlay_start_0:
0x88: {  	s2 =	sld [smem:$0x3FD9]  }
0x89: {  	s3 =	sld [smem:$0x3FFE];
	_ =	sdelay $0x1  }
0x8a: {  	s1 =	srdreg.scid  }
0x8b: {  	s0 =	sand.u32 $0x1, s1  }
0x8c: {  	s17 =	sshll.u32 s0, $0xA;
	s2 =	sadd.s32 s3, s2  }
0x8d: {  	s2 =	sadd.s32 s2, s17  }
0x8e: {  	[smem:$0x3FC3] =	sst s2  }
0x8f: {  	_ = 	snop  }
0x90: {  	s2 =	sld [smem:$0x3FC5]  }
0x91: {  	s18 =	sld [smem:$0x3FD0];
	(tm) =	ssettm $0x1  }
0x92: {  	s4 =	sld [smem:$0x3FFB];
	_ =	sdelay $0x3  }
0x93: {  	_ =	strace s4  }
0x94: {  	s4 =	sld [smem:$0x3FFC];
	_ =	sdelay $0x3  }
0x95: {  	_ =	strace s4  }
0x96: {  	s4 =	sld [smem:$0x3FFD];
	_ =	sdelay $0x3  }
0x97: {  	_ =	strace s4  }
0x98: {  	_ =	strace $0x8FFFFFFF  }
0x99: {  	s19 =	sld [smem:$0x3FDB];
	_ =	sdelay $0x1  }
0x9a: {  	s5 =	simm.s32 $_scs_section_size  }
0x9b: {  	s6 =	simm.s32 $_size__tile_overlayer_lowered;
	s7 =	simm.s32 $_tile_overlayer_lowered  }
0x9c: {  	s22 =	simm.s32 $0x1BFF;
	s21 =	sshll.u32 s7, $0x1;
	s4 =	sadd.s32 s5, s19  }
0x9d: {  	s8 =	simm.s32 $0x0;
	s20 =	sshll.u32 s6, $0x1;
	s6 =	sadd.s32 s21, s4  }
0x9e: {  	[timem:s8], [sflag:s22] =	dma.local [hbm:s6], s20  }
0x9f: {  	_ =	swait.ge [sflag:s22], s20  }
0xa0: {  	s5 =	ssub.s32 $0x0, s20;
	[sflag:s22] =	ssyncset.done $0x0  }
0xa1: {  	[sflag:s22] =	ssyncadd.s32 s5;
	_ =	sdelay $0x1  }
0xa2: {  	s23 =	simm.s32 $0x1B8B  }
0xa3: {  	_ =	swait.ge [sflag:s23], $0x1  }
0xa4: {  	[sflag:s23] =	ssyncset.done $0x0  }
0xa5: {  	s25 =	simm.s32 $0x1B8E;
	s24 =	sld [smem:$0x3FFE];
	[sflag:s23] =	ssyncadd.s32 $0xFFFFFFFF  }
0xa6: {  	s26 =	simm.s32 $execute0_lowered;
	[smem:$0x3FD2] =	sst s25  }
0xa7: {  	s6 =	sshll.u32 s26, $0x1;
	_ =	strace $0x80000049;
	[dreg:$0x1] =	wrdreg $0xFFFFFFFF  }
0xa8: {  	s28 =	simm.s32 $_size_execute0_lowered;
	s4 =	sadd.s32 s4, s6;
	[dreg:$0x0] =	wrdreg $0x0  }
0xa9: {  	s6 =	sshll.u32 s28, $0x1;
	[dreg:$0x2] =	wrdreg s4  }
0xaa: {  	[dreg:$0x3] =	wrdreg s6  }
0xab: {  	[dreg:$0x4] =	wrdreg $0xC0  }
0xac: {  	_ =	task [dreg:s8], $0x5FFFF  }
0xad: {  	[dreg:$0x1] =	wrdreg $0xFFFFFFFF  }
0xae: {  	[dreg:$0x0] =	wrdreg $0x60  }
0xaf: {  	[dreg:$0x2] =	wrdreg s24  }
0xb0: {  	[dreg:$0x3] =	wrdreg s18  }
0xb1: {  	[dreg:$0x4] =	wrdreg s2  }
0xb2: {  	[dreg:$0x5] =	wrdreg $0xA9000  }
0xb3: {  	[dreg:$0x6] =	wrdreg $0x9  }
0xb4: {  	_ =	task.clear_ibuf [dreg:s8], $0x7FFFF;
	_ =	strace $0x90000049  }
0xb5: {  	s29 =	simm.s32 $0x9;
	_ =	strace $0x8000004B  }
0xb6: {  	_ =	swait.ge [sflag:s29], $0x1  }
0xb7: {  	[sflag:s29] =	ssyncadd.s32 $0xFFFFFFFF  }
0xb8: {  	_ =	strace $0x9000004B  }
0xb9: {  	_ =	sfence  }
0xba: {  	s30 =	sld [smem:$0x0];
	_ =	sdelay $0x2  }
0xbb: {  	s31 =	sshll.u32 s1, $0xD;
	s1 =	sshrl.u32 s1, $0x2  }
0xbc: {  	s3 =	sand.u32 $0x4000, s31;
	s1 =	sadd.s32 s1, s30  }
0xbd: {  	s0 =	sor.u32 s3, s0;
	s1 =	sshll.u32 s1, $0x11  }
0xbe: {  	s0 =	sor.u32 s1, s0  }
0xbf: {  	s0 =	sadd.s32 $0x8F2B, s0  }
0xc0: {  	[sflag:s0] =	ssyncadd.remote.s32 $0x1  }
0xc1: {  	_ =	sfence.sel $0xFFFF  }
0xc2: {  	[dreg:$0x0] =	wrdreg $0xFFFFFFFF;
	(pc) =	sbr.abs _section_cstart, $3  }
0xc3: {  	[dreg:$0x1] =	wrdreg $0xFFFFFFFF  }
0xc4: {  	_ =	task.clear_ibuf [dreg:s8], $0x2FFFF;
	_ =	strace $0x9FFFFFFF  }
0xc5: {  	(tm) =	ssettm $0x7FFFFFFF  }
tec
execute0_lowered:
.L_overlay_start_1:
0x0: {  	(tag) =	ssettag $0x1  }
0x1: {  	s0 =	rddreg [dreg:$0x0]  }
0x2: {  	s1 =	rddreg [dreg:$0x1]  }
0x3: {  	s3 =	rddreg [dreg:$0x3];
	s5 =	simm.s32 $0x0  }
0x4: {  	s2 =	srdreg.scid;
	s13 =	stileid.u32;
	s18 =	simm.s32 $0x3  }
0x5: {  	s19 =	simm.s32 $0x1400;
	s20 =	simm.s32 $0x80;
	s28 =	simm.s32 $0x2780  }
0x6: {  	s30 =	simm.s32 $0xA800;
	s31 =	simm.s32 $0x0;
	[smem:$0x7FF] =	sst s5  }
0x7: {  	s2 =	sand.u32 $0x1, s2;
	s6 =	smul.u32 $0x280, s13;
	s4 =	sadd.s32 $0xB400, s0  }
0x8: {  	s16 =	sadd.s32 $0x1400, s0;
	s12 =	smul.u32 $0x50000, s13;
	s8 =	sadd.s32 $0x15400, s0  }
0x9: {  	s9 =	sadd.s32 $0x15A00, s0;
	s26 =	sshll.u32 s13, $0x6;
	_ =	strace $0x8000004A  }
0xa: {  	s10 =	ssub.s32 $0x2, s2;
	s7 =	smul.u32 $0x2800, s2;
	s22 =	sshll.u32 s2, $0x4  }
0xb: {  	p0 =	seq.s32 s2, $0x0;
	s2 =	simm.f32 $1.000000000e+00;
	s11 =	sshrl.u32 s10, $0x1  }
0xc: {  	s23 =	sshrl.u32 s12, $0x2;
	s2 =	simm.s32 @!p0 $0x0;
	s21 =	ssub.s32 s10, s11  }
0xd: {  	s24 =	sadd.s32 s6, s7;
	s10 =	sor.u32 s13, s22;
	s17 =	sadd.s32 s23, s3  }
0xe: {  	s22 =	simm.s32 $0x6800;
	s23 =	simm.s32 $0x1;
	s25 =	sshll.u32 s24, $0x4  }
0xf: {  	s10 =	smul.u32 $0x500, s10;
	s12 =	smax.u32 s21, $0x1;
	s17 =	sshrl.u32 s17, $0x3  }
0x10: {  	s21 =	simm.s32 $0x2800;
	s24 =	simm.s32 $0x2;
	s11 =	sadd.s32 s1, s25  }
0x11: {  	s25 =	simm.s32 $0x1380;
	[dreg:$0x5] =	wrdreg s11;
	s11 =	sor.u32 $0x1C03, s26  }
0x12: {  	s29 =	sadd.s32 $0x280, s10;
	s13 =	sadd.s32 s4, s10;
	s14 =	sadd.s32 s16, s10  }
0x13: {  	v0 =	vmov s2;
	s26 =	simm.s32 $0x2700;
	s15 =	sadd.s32 s4, s29;
	s16 =	sadd.s32 s16, s29  }
.LBB2_1:
0x14: {  	s0 =	rddreg [dreg:$0x5]  }
0x15: {  	[spmem:s17], [sflag:s11] =	dma.local [hbm:s0], $0x2800  }
0x16: {  	_ =	swait.ge [sflag:s18], $0x2800  }
0x17: {  	[sflag:s18] =	ssyncset.done $0x0  }
0x18: {  	[sflag:s18] =	ssyncadd.s32 $0xFFFFD800  }
0x19: {  	[bflag:$0x0] =	sbarrier.arrive $0xFFFF  }
0x1a: {  	[tilespmem:s5], [sflag:$0x3] =	stream.linear.gather [hbm4b:s13+s5], $0x1400, $0x38;
	[tilespmem:$0x1E900] =	vst v63  }
0x1b: {  	_ =	swait.ge [sflag:s18], $0x1400  }
0x1c: {  	[sflag:s18] =	ssyncset.done $0x0  }
0x1d: {  	[sflag:s18] =	ssyncadd.s32 $0xFFFFEC00  }
0x1e: {  	[tilespmem:s19], [sflag:$0x3] =	stream.linear.gather [hbm4b:s14+s5], $0x1400, $0x38;
	[tilespmem:$0x1E900] =	vst v63  }
0x1f: {  	_ =	swait.ge [sflag:s18], $0x1400  }
0x20: {  	[sflag:s18] =	ssyncset.done $0x0  }
0x21: {  	[sflag:s18] =	ssyncadd.s32 $0xFFFFEC00  }
0x22: {  	[tilespmem:s21], [sflag:$0x1] =	stream.indirect.gather [hbm4b:s1+s20], $0x80, s5, s20, $0xb8;
	[tilespmem:$0x1E900] =	vst v63  }
0x23: {  	s2 =	simm.s32 $0x80  }
0x24: {  	[tilespmem:s22], [sflag:$0x2] =	stream.indirect.gather [hbm4b:s1+s20], $0x80, s2, s20, $0xb8;
	[tilespmem:$0x1E900] =	vst v63  }
0x25: {  	_ =	swait.ge [sflag:s23], $0x4000  }
0x26: {  	[sflag:s23] =	ssyncset.done $0x0  }
0x27: {  	s4 =	simm.s32 $0x1400;
	[sflag:s23] =	ssyncadd.s32 $0xFFFFC000  }
0x28: {  	[spmem:s3] =	stream.indirect.scatter.add.f32 [tilespmem:s21], [sflag:$0x3], $0x80, s4, s20, $0xb8;
	[tilespmem:$0x1E900] =	vst v63  }
0x29: {  	_ =	swait.ge [sflag:s18], $0x4000  }
0x2a: {  	[sflag:s18] =	ssyncset.done $0x0  }
0x2b: {  	s10 =	simm.s32 $0x100;
	[sflag:s18] =	ssyncadd.s32 $0xFFFFC000  }
0x2c: {  	[tilespmem:s21], [sflag:$0x1] =	stream.indirect.gather [hbm4b:s1+s20], $0x80, s10, s20, $0xb8;
	[tilespmem:$0x1E900] =	vst v63  }
0x2d: {  	_ =	swait.ge [sflag:s24], $0x4000  }
0x2e: {  	[sflag:s24] =	ssyncset.done $0x0  }
0x2f: {  	s29 =	simm.s32 $0x1480;
	[sflag:s24] =	ssyncadd.s32 $0xFFFFC000  }
0x30: {  	[spmem:s3] =	stream.indirect.scatter.add.f32 [tilespmem:s22], [sflag:$0x3], $0x80, s29, s20, $0xb8;
	[tilespmem:$0x1E900] =	vst v63  }
0x31: {  	_ =	swait.ge [sflag:s18], $0x4000  }
0x32: {  	s0 =	simm.s32 $0x100;
	s2 =	simm.s32 $0x800;
	[sflag:s18] =	ssyncset.done $0x0  }
.LBB2_2:
0x33: {  	s4 =	sadd.s32 $0x80, s0  }
0x34: {  	[sflag:s18] =	ssyncadd.s32 $0xFFFFC000;
	s10 =	smov.u32 s2;
	s29 =	sadd.s32 $0x400, s2  }
0x35: {  	[tilespmem:s22], [sflag:$0x2] =	stream.indirect.gather [hbm4b:s1+s20], $0x80, s4, s20, $0xb8;
	[tilespmem:$0x1E900] =	vst v63  }
0x36: {  	p0 =	sne.s32 s2, $0x4800;
	_ =	swait.ge [sflag:s23], $0x4000  }
0x37: {  	[sflag:s23] =	ssyncset.done $0x0  }
0x38: {  	s2 =	sadd.s32 $0x1400, s0;
	[sflag:s23] =	ssyncadd.s32 $0xFFFFC000  }
0x39: {  	[spmem:s3] =	stream.indirect.scatter.add.f32 [tilespmem:s21], [sflag:$0x3], $0x80, s2, s20, $0xb8;
	[tilespmem:$0x1E900] =	vst v63  }
0x3a: {  	_ =	swait.ge [sflag:s18], $0x4000  }
0x3b: {  	[sflag:s18] =	ssyncset.done $0x0  }
0x3c: {  	s2 =	sadd.s32 $0x100, s0;
	[sflag:s18] =	ssyncadd.s32 $0xFFFFC000  }
0x3d: {  	[tilespmem:s21], [sflag:$0x1] =	stream.indirect.gather [hbm4b:s1+s20], $0x80, s2, s20, $0xb8;
	[tilespmem:$0x1E900] =	vst v63  }
0x3e: {  	_ =	swait.ge [sflag:s24], $0x4000  }
.Ltmp0:
0x3f: {  	[sflag:s24] =	ssyncset.done $0x0;
	(pc) =	sbr.rel @p0 .LBB2_2-.Ltmp0, $4  }
0x40: {  	s0 =	sadd.s32 $0x1480, s0;
	[sflag:s24] =	ssyncadd.s32 $0xFFFFC000  }
0x41: {  	[spmem:s3] =	stream.indirect.scatter.add.f32 [tilespmem:s22], [sflag:$0x3], $0x80, s0, s20, $0xb8;
	[tilespmem:$0x1E900] =	vst v63  }
0x42: {  	_ =	swait.ge [sflag:s18], $0x4000  }
0x43: {  	s2 =	smov.u32 s29;
	s0 =	sshra.s32 s10, $0x2;
	[sflag:s18] =	ssyncset.done $0x0  }
0x44: {  	s2 =	sadd.s32 $0x80, s0;
	[sflag:s18] =	ssyncadd.s32 $0xFFFFC000  }
0x45: {  	[tilespmem:s22], [sflag:$0x2] =	stream.indirect.gather [hbm4b:s1+s20], $0x80, s2, s20, $0xb8;
	[tilespmem:$0x1E900] =	vst v63  }
0x46: {  	_ =	swait.ge [sflag:s23], $0x4000  }
0x47: {  	[sflag:s23] =	ssyncset.done $0x0  }
0x48: {  	s29 =	sadd.s32 $0x1400, s0;
	[sflag:s23] =	ssyncadd.s32 $0xFFFFC000  }
0x49: {  	[spmem:s3] =	stream.indirect.scatter.add.f32 [tilespmem:s21], [sflag:$0x3], $0x80, s29, s20, $0xb8;
	[tilespmem:$0x1E900] =	vst v63  }
0x4a: {  	_ =	swait.ge [sflag:s18], $0x4000  }
0x4b: {  	[sflag:s18] =	ssyncset.done $0x0  }
0x4c: {  	s4 =	sadd.s32 $0x100, s0;
	[sflag:s18] =	ssyncadd.s32 $0xFFFFC000  }
0x4d: {  	[tilespmem:s21], [sflag:$0x1] =	stream.indirect.gather [hbm4b:s1+s20], $0x80, s4, s20, $0xb8;
	[tilespmem:$0x1E900] =	vst v63  }
0x4e: {  	_ =	swait.ge [sflag:s24], $0x4000  }
0x4f: {  	[sflag:s24] =	ssyncset.done $0x0  }
0x50: {  	s10 =	sadd.s32 $0x1480, s0;
	[sflag:s24] =	ssyncadd.s32 $0xFFFFC000  }
0x51: {  	[spmem:s3] =	stream.indirect.scatter.add.f32 [tilespmem:s22], [sflag:$0x3], $0x80, s10, s20, $0xb8;
	[tilespmem:$0x1E900] =	vst v63  }
0x52: {  	_ =	swait.ge [sflag:s18], $0x4000  }
0x53: {  	[sflag:s18] =	ssyncset.done $0x0  }
0x54: {  	[sflag:s18] =	ssyncadd.s32 $0xFFFFC000  }
0x55: {  	[tilespmem:s22], [sflag:$0x2] =	stream.indirect.gather [hbm4b:s1+s20], $0x80, s25, s20, $0xb8;
	[tilespmem:$0x1E900] =	vst v63  }
0x56: {  	_ =	swait.ge [sflag:s23], $0x4000  }
0x57: {  	[sflag:s23] =	ssyncset.done $0x0  }
0x58: {  	[sflag:s23] =	ssyncadd.s32 $0xFFFFC000  }
0x59: {  	[spmem:s3] =	stream.indirect.scatter.add.f32 [tilespmem:s21], [sflag:$0x3], $0x80, s26, s20, $0xb8;
	[tilespmem:$0x1E900] =	vst v63  }
0x5a: {  	_ =	swait.ge [sflag:s18], $0x4000  }
0x5b: {  	[sflag:s18] =	ssyncset.done $0x0  }
0x5c: {  	[sflag:s18] =	ssyncadd.s32 $0xFFFFC000  }
0x5d: {  	_ =	swait.ge [sflag:s24], $0x4000  }
0x5e: {  	[sflag:s24] =	ssyncset.done $0x0  }
0x5f: {  	[sflag:s24] =	ssyncadd.s32 $0xFFFFC000  }
0x60: {  	[spmem:s3] =	stream.indirect.scatter.add.f32 [tilespmem:s22], [sflag:$0x3], $0x80, s28, s20, $0xb8;
	[tilespmem:$0x1E900] =	vst v63  }
0x61: {  	_ =	swait.ge [sflag:s18], $0x4000  }
0x62: {  	[sflag:s18] =	ssyncset.done $0x0  }
0x63: {  	s29 =	simm.s32 $0x0;
	[sflag:s18] =	ssyncadd.s32 $0xFFFFC000  }
0x64: {  	[tilespmem:s29], [sflag:$0x3] =	stream.linear.gather [hbm4b:s15+s29], $0x1400, $0x38;
	[tilespmem:$0x1E900] =	vst v63  }
0x65: {  	_ =	swait.ge [sflag:s18], $0x1400  }
0x66: {  	[sflag:s18] =	ssyncset.done $0x0  }
0x67: {  	[sflag:s18] =	ssyncadd.s32 $0xFFFFEC00  }
0x68: {  	[tilespmem:s19], [sflag:$0x3] =	stream.linear.gather [hbm4b:s16+s29], $0x1400, $0x38;
	[tilespmem:$0x1E900] =	vst v63  }
0x69: {  	_ =	swait.ge [sflag:s18], $0x1400  }
0x6a: {  	[sflag:s18] =	ssyncset.done $0x0  }
0x6b: {  	[sflag:s18] =	ssyncadd.s32 $0xFFFFEC00  }
0x6c: {  	[tilespmem:s21], [sflag:$0x1] =	stream.indirect.gather [hbm4b:s1+s20], $0x80, s29, s20, $0xb8;
	[tilespmem:$0x1E900] =	vst v63  }
0x6d: {  	s2 =	simm.s32 $0x80  }
0x6e: {  	[tilespmem:s22], [sflag:$0x2] =	stream.indirect.gather [hbm4b:s1+s20], $0x80, s2, s20, $0xb8;
	[tilespmem:$0x1E900] =	vst v63  }
0x6f: {  	_ =	swait.ge [sflag:s23], $0x4000  }
0x70: {  	[sflag:s23] =	ssyncset.done $0x0  }
0x71: {  	s4 =	simm.s32 $0x1400;
	[sflag:s23] =	ssyncadd.s32 $0xFFFFC000  }
0x72: {  	[spmem:s3] =	stream.indirect.scatter.add.f32 [tilespmem:s21], [sflag:$0x3], $0x80, s4, s20, $0xb8;
	[tilespmem:$0x1E900] =	vst v63  }
0x73: {  	_ =	swait.ge [sflag:s18], $0x4000  }
0x74: {  	[sflag:s18] =	ssyncset.done $0x0  }
0x75: {  	s10 =	simm.s32 $0x100;
	[sflag:s18] =	ssyncadd.s32 $0xFFFFC000  }
0x76: {  	[tilespmem:s21], [sflag:$0x1] =	stream.indirect.gather [hbm4b:s1+s20], $0x80, s10, s20, $0xb8;
	[tilespmem:$0x1E900] =	vst v63  }
0x77: {  	_ =	swait.ge [sflag:s24], $0x4000  }
0x78: {  	[sflag:s24] =	ssyncset.done $0x0  }
0x79: {  	s29 =	simm.s32 $0x1480;
	[sflag:s24] =	ssyncadd.s32 $0xFFFFC000  }
0x7a: {  	[spmem:s3] =	stream.indirect.scatter.add.f32 [tilespmem:s22], [sflag:$0x3], $0x80, s29, s20, $0xb8;
	[tilespmem:$0x1E900] =	vst v63  }
0x7b: {  	_ =	swait.ge [sflag:s18], $0x4000  }
0x7c: {  	s0 =	simm.s32 $0x100;
	s2 =	simm.s32 $0x800;
	[sflag:s18] =	ssyncset.done $0x0  }
.LBB2_4:
0x7d: {  	s4 =	sadd.s32 $0x80, s0  }
0x7e: {  	[sflag:s18] =	ssyncadd.s32 $0xFFFFC000;
	s10 =	smov.u32 s2;
	s29 =	sadd.s32 $0x400, s2  }
0x7f: {  	[tilespmem:s22], [sflag:$0x2] =	stream.indirect.gather [hbm4b:s1+s20], $0x80, s4, s20, $0xb8;
	[tilespmem:$0x1E900] =	vst v63  }
0x80: {  	p0 =	sne.s32 s2, $0x4800;
	_ =	swait.ge [sflag:s23], $0x4000  }
0x81: {  	[sflag:s23] =	ssyncset.done $0x0  }
0x82: {  	s2 =	sadd.s32 $0x1400, s0;
	[sflag:s23] =	ssyncadd.s32 $0xFFFFC000  }
0x83: {  	[spmem:s3] =	stream.indirect.scatter.add.f32 [tilespmem:s21], [sflag:$0x3], $0x80, s2, s20, $0xb8;
	[tilespmem:$0x1E900] =	vst v63  }
0x84: {  	_ =	swait.ge [sflag:s18], $0x4000  }
0x85: {  	[sflag:s18] =	ssyncset.done $0x0  }
0x86: {  	s2 =	sadd.s32 $0x100, s0;
	[sflag:s18] =	ssyncadd.s32 $0xFFFFC000  }
0x87: {  	[tilespmem:s21], [sflag:$0x1] =	stream.indirect.gather [hbm4b:s1+s20], $0x80, s2, s20, $0xb8;
	[tilespmem:$0x1E900] =	vst v63  }
0x88: {  	_ =	swait.ge [sflag:s24], $0x4000  }
.Ltmp1:
0x89: {  	[sflag:s24] =	ssyncset.done $0x0;
	(pc) =	sbr.rel @p0 .LBB2_4-.Ltmp1, $4  }
0x8a: {  	s0 =	sadd.s32 $0x1480, s0;
	[sflag:s24] =	ssyncadd.s32 $0xFFFFC000  }
0x8b: {  	[spmem:s3] =	stream.indirect.scatter.add.f32 [tilespmem:s22], [sflag:$0x3], $0x80, s0, s20, $0xb8;
	[tilespmem:$0x1E900] =	vst v63  }
0x8c: {  	_ =	swait.ge [sflag:s18], $0x4000  }
0x8d: {  	s2 =	smov.u32 s29;
	s0 =	sshra.s32 s10, $0x2;
	[sflag:s18] =	ssyncset.done $0x0  }
0x8e: {  	s2 =	sadd.s32 $0x80, s0;
	[sflag:s18] =	ssyncadd.s32 $0xFFFFC000  }
0x8f: {  	[tilespmem:s22], [sflag:$0x2] =	stream.indirect.gather [hbm4b:s1+s20], $0x80, s2, s20, $0xb8;
	[tilespmem:$0x1E900] =	vst v63  }
0x90: {  	_ =	swait.ge [sflag:s23], $0x4000  }
0x91: {  	[sflag:s23] =	ssyncset.done $0x0  }
0x92: {  	s29 =	sadd.s32 $0x1400, s0;
	[sflag:s23] =	ssyncadd.s32 $0xFFFFC000  }
0x93: {  	[spmem:s3] =	stream.indirect.scatter.add.f32 [tilespmem:s21], [sflag:$0x3], $0x80, s29, s20, $0xb8;
	[tilespmem:$0x1E900] =	vst v63  }
0x94: {  	_ =	swait.ge [sflag:s18], $0x4000  }
0x95: {  	[sflag:s18] =	ssyncset.done $0x0  }
0x96: {  	s4 =	sadd.s32 $0x100, s0;
	[sflag:s18] =	ssyncadd.s32 $0xFFFFC000  }
0x97: {  	[tilespmem:s21], [sflag:$0x1] =	stream.indirect.gather [hbm4b:s1+s20], $0x80, s4, s20, $0xb8;
	[tilespmem:$0x1E900] =	vst v63  }
0x98: {  	_ =	swait.ge [sflag:s24], $0x4000  }
0x99: {  	[sflag:s24] =	ssyncset.done $0x0  }
0x9a: {  	s10 =	sadd.s32 $0x1480, s0;
	[sflag:s24] =	ssyncadd.s32 $0xFFFFC000  }
0x9b: {  	[spmem:s3] =	stream.indirect.scatter.add.f32 [tilespmem:s22], [sflag:$0x3], $0x80, s10, s20, $0xb8;
	[tilespmem:$0x1E900] =	vst v63  }
0x9c: {  	_ =	swait.ge [sflag:s18], $0x4000  }
0x9d: {  	[sflag:s18] =	ssyncset.done $0x0  }
0x9e: {  	[sflag:s18] =	ssyncadd.s32 $0xFFFFC000  }
0x9f: {  	[tilespmem:s22], [sflag:$0x2] =	stream.indirect.gather [hbm4b:s1+s20], $0x80, s25, s20, $0xb8;
	[tilespmem:$0x1E900] =	vst v63  }
0xa0: {  	_ =	swait.ge [sflag:s23], $0x4000  }
0xa1: {  	[sflag:s23] =	ssyncset.done $0x0  }
0xa2: {  	[sflag:s23] =	ssyncadd.s32 $0xFFFFC000  }
0xa3: {  	[spmem:s3] =	stream.indirect.scatter.add.f32 [tilespmem:s21], [sflag:$0x3], $0x80, s26, s20, $0xb8;
	[tilespmem:$0x1E900] =	vst v63  }
0xa4: {  	_ =	swait.ge [sflag:s18], $0x4000  }
0xa5: {  	[sflag:s18] =	ssyncset.done $0x0  }
0xa6: {  	[sflag:s18] =	ssyncadd.s32 $0xFFFFC000  }
0xa7: {  	_ =	swait.ge [sflag:s24], $0x4000  }
0xa8: {  	[sflag:s24] =	ssyncset.done $0x0  }
0xa9: {  	[sflag:s24] =	ssyncadd.s32 $0xFFFFC000  }
0xaa: {  	[spmem:s3] =	stream.indirect.scatter.add.f32 [tilespmem:s22], [sflag:$0x3], $0x80, s28, s20, $0xb8;
	[tilespmem:$0x1E900] =	vst v63  }
0xab: {  	_ =	swait.ge [sflag:s18], $0x4000  }
0xac: {  	[sflag:s18] =	ssyncset.done $0x0  }
0xad: {  	[sflag:s18] =	ssyncadd.s32 $0xFFFFC000  }
0xae: {  	[bflag:$0x0] =	sbarrier.arrive $0xFFFF  }
0xaf: {  	s0 =	simm.s32 $0x0;
	s4 =	simm.s32 $0xA880;
	s29 =	rddreg [dreg:$0x2]  }
0xb0: {  	[tilespmem:s4], [sflag:$0x3] =	stream.linear.gather [hbm4b:s29+s0], $0x80, $0x38;
	[tilespmem:$0x1E900] =	vst v63  }
0xb1: {  	_ =	swait.ge [sflag:s18], $0x80  }
0xb2: {  	[sflag:s18] =	ssyncset.done $0x0  }
0xb3: {  	[sflag:s18] =	ssyncadd.s32 $0xFFFFFF80  }
0xb4: {  	v1 =	vld [tilespmem:$0xA880]  }
0xb5: {  	v2 =	vld [tilespmem:$0xA890]  }
0xb6: {  	v3 =	vld [tilespmem:$0xA8A0]  }
0xb7: {  	v4 =	vld [tilespmem:$0xA8B0]  }
0xb8: {  	v5 =	vld [tilespmem:$0xA8C0]  }
0xb9: {  	v6 =	vld [tilespmem:$0xA8D0]  }
0xba: {  	v7 =	vld [tilespmem:$0xA8E0]  }
0xbb: {  	v8 =	vld [tilespmem:$0xA8F0];
	_ =	sdelay $0x1  }
0xbc: {  	v1 =	vmul.f32 v1, v0;
	v2 =	vmul.f32 v2, v0  }
0xbd: {  	v3 =	vmul.f32 v3, v0;
	v4 =	vmul.f32 v4, v0  }
0xbe: {  	v5 =	vmul.f32 v5, v0;
	v6 =	vmul.f32 v6, v0  }
0xbf: {  	s4 =	simm.s32 $0x0;
	v7 =	vmul.f32 v7, v0;
	v8 =	vmul.f32 v8, v0  }
.LBB2_6:
0xc0: {  	s2 =	sshll.u32 s4, $0x7  }
0xc1: {  	s2 =	sadd.s32 s6, s2  }
0xc2: {  	s10 =	sshll.u32 s2, $0x7  }
0xc3: {  	s10 =	sand.u32 $0x3FFFFF80, s10  }
0xc4: {  	s10 =	sadd.s32 s10, s3  }
0xc5: {  	[tilespmem:s21], [sflag:$0x3] =	stream.linear.gather [spmem:s10], $0x4000, $0x38;
	[tilespmem:$0x1E900] =	vst v63  }
0xc6: {  	_ =	swait.ge [sflag:s18], $0x4000  }
0xc7: {  	s10 =	sshrl.u32 s2, $0x3;
	[sflag:s18] =	ssyncset.done $0x0  }
0xc8: {  	s10 =	sadd.s32 s8, s10;
	[sflag:s18] =	ssyncadd.s32 $0xFFFFC000  }
0xc9: {  	[tilespmem:s30], [sflag:$0x3] =	stream.linear.gather [hbm4b:s10+s0], $0x80, $0x38;
	[tilespmem:$0x1E900] =	vst v63  }
0xca: {  	_ =	swait.ge [sflag:s18], $0x80  }
0xcb: {  	[sflag:s18] =	ssyncset.done $0x0  }
0xcc: {  	s29 =	simm.s32 $0x0;
	[sflag:s18] =	ssyncadd.s32 $0xFFFFFF80  }
.LBB2_7:
0xcd: {  	s10 =	sshll.u32 s29, $0x4  }
0xce: {  	s10 =	sand.u32 $0x3FFFFFF0, s10  }
0xcf: {  	v9 =	vld [tilespmem:s10+$0xA800];
	s10 =	sshll.u32 s29, $0xB  }
0xd0: {  	s10 =	sand.u32 $0x3FFFF800, s10  }
0xd1: {  	v10 =	vld [tilespmem:s10+$0x2800]  }
0xd2: {  	v11 =	vld [tilespmem:s10+$0x2810]  }
0xd3: {  	v12 =	vld [tilespmem:s10+$0x2820]  }
0xd4: {  	v14 =	vld [tilespmem:s10+$0x2830]  }
0xd5: {  	v15 =	vld [tilespmem:s10+$0x2840]  }
0xd6: {  	v16 =	vld [tilespmem:s10+$0x2850]  }
0xd7: {  	v17 =	vld [tilespmem:s10+$0x2860]  }
0xd8: {  	v18 =	vld [tilespmem:s10+$0x2870]  }
0xd9: {  	v19 =	vld [tilespmem:s10+$0x2880]  }
0xda: {  	v59 =	vld [tilespmem:s10+$0x2890]  }
0xdb: {  	v61 =	vld [tilespmem:s10+$0x28A0]  }
0xdc: {  	v20 =	vld [tilespmem:s10+$0x28B0]  }
0xdd: {  	v23 =	vld [tilespmem:s10+$0x28C0];
	v13 =	vbroadcast v9, $0x0  }
0xde: {  	v25 =	vld [tilespmem:s10+$0x28D0]  }
0xdf: {  	v27 =	vld [tilespmem:s10+$0x28E0];
	v10 =	vmul.f32 v13, v10  }
0xe0: {  	v29 =	vld [tilespmem:s10+$0x28F0];
	v11 =	vmul.f32 v11, v13  }
0xe1: {  	v31 =	vld [tilespmem:s10+$0x2900];
	v12 =	vmul.f32 v12, v13;
	v10 =	vadd.f32 v10, v1  }
0xe2: {  	v33 =	vld [tilespmem:s10+$0x2910];
	v14 =	vmul.f32 v14, v13;
	v11 =	vadd.f32 v11, v2  }
0xe3: {  	v35 =	vld [tilespmem:s10+$0x2920];
	v58 =	vmul.f32 v15, v13;
	[tilespmem:s10+$0x2800] =	vst v10;
	v10 =	vadd.f32 v12, v3  }
0xe4: {  	v38 =	vld [tilespmem:s10+$0x2930];
	v60 =	vmul.f32 v16, v13;
	[tilespmem:s10+$0x2810] =	vst v11;
	v11 =	vadd.f32 v14, v4  }
0xe5: {  	v40 =	vld [tilespmem:s10+$0x2940];
	v63 =	vbroadcast v9, $0x1;
	v62 =	vmul.f32 v17, v13;
	[tilespmem:s10+$0x2820] =	vst v10;
	v10 =	vadd.f32 v58, v5  }
0xe6: {  	v42 =	vld [tilespmem:s10+$0x2950];
	v13 =	vmul.f32 v18, v13;
	[tilespmem:s10+$0x2830] =	vst v11;
	v11 =	vadd.f32 v60, v6  }
0xe7: {  	v44 =	vld [tilespmem:s10+$0x2960];
	v24 =	vmul.f32 v19, v63;
	[tilespmem:s10+$0x2840] =	vst v10;
	v10 =	vadd.f32 v62, v7  }
0xe8: {  	v46 =	vld [tilespmem:s10+$0x2970];
	v26 =	vmul.f32 v59, v63;
	[tilespmem:s10+$0x2850] =	vst v11;
	v11 =	vadd.f32 v13, v8  }
0xe9: {  	v48 =	vld [tilespmem:s10+$0x2980];
	v28 =	vmul.f32 v61, v63;
	[tilespmem:s10+$0x2860] =	vst v10;
	v10 =	vadd.f32 v24, v1  }
0xea: {  	v50 =	vld [tilespmem:s10+$0x2990];
	v30 =	vmul.f32 v20, v63;
	[tilespmem:s10+$0x2870] =	vst v11;
	v11 =	vadd.f32 v26, v2  }
0xeb: {  	v52 =	vld [tilespmem:s10+$0x29A0];
	v32 =	vmul.f32 v23, v63;
	[tilespmem:s10+$0x2880] =	vst v10;
	v10 =	vadd.f32 v28, v3  }
0xec: {  	v55 =	vld [tilespmem:s10+$0x29B0];
	v34 =	vmul.f32 v25, v63;
	[tilespmem:s10+$0x2890] =	vst v11;
	v11 =	vadd.f32 v30, v4  }
0xed: {  	v57 =	vld [tilespmem:s10+$0x29C0];
	v37 =	vbroadcast v9, $0x2;
	v36 =	vmul.f32 v27, v63;
	[tilespmem:s10+$0x28A0] =	vst v10;
	v10 =	vadd.f32 v32, v5  }
0xee: {  	v22 =	vld [tilespmem:s10+$0x2C60];
	v39 =	vmul.f32 v29, v63;
	[tilespmem:s10+$0x28B0] =	vst v11;
	v11 =	vadd.f32 v34, v6  }
0xef: {  	v41 =	vmul.f32 v31, v37;
	v59 =	vld [tilespmem:s10+$0x29D0];
	[tilespmem:s10+$0x28C0] =	vst v10;
	v10 =	vadd.f32 v36, v7  }
0xf0: {  	v43 =	vmul.f32 v33, v37;
	v61 =	vld [tilespmem:s10+$0x29E0];
	[tilespmem:s10+$0x28D0] =	vst v11;
	v11 =	vadd.f32 v39, v8  }
0xf1: {  	v45 =	vmul.f32 v35, v37;
	v63 =	vld [tilespmem:s10+$0x29F0];
	[tilespmem:s10+$0x28E0] =	vst v10;
	v10 =	vadd.f32 v41, v1  }
0xf2: {  	v47 =	vmul.f32 v38, v37;
	v31 =	vld [tilespmem:s10+$0x2A30];
	[tilespmem:s10+$0x28F0] =	vst v11;
	v11 =	vadd.f32 v43, v2  }
0xf3: {  	v49 =	vmul.f32 v40, v37;
	v33 =	vld [tilespmem:s10+$0x2A40];
	[tilespmem:s10+$0x2900] =	vst v10;
	v10 =	vadd.f32 v45, v3  }
0xf4: {  	v54 =	vbroadcast v9, $0x3;
	v51 =	vmul.f32 v42, v37;
	v35 =	vld [tilespmem:s10+$0x2A50];
	[tilespmem:s10+$0x2910] =	vst v11;
	v11 =	vadd.f32 v47, v4  }
0xf5: {  	v53 =	vmul.f32 v44, v37;
	v56 =	vmul.f32 v46, v37;
	v37 =	vld [tilespmem:s10+$0x2A60];
	[tilespmem:s10+$0x2920] =	vst v10;
	v10 =	vadd.f32 v49, v5  }
0xf6: {  	v58 =	vmul.f32 v48, v54;
	v48 =	vld [tilespmem:s10+$0x2AB0];
	[tilespmem:s10+$0x2930] =	vst v11;
	v11 =	vadd.f32 v51, v6  }
0xf7: {  	v60 =	vmul.f32 v50, v54;
	v50 =	vld [tilespmem:s10+$0x2AC0];
	[tilespmem:s10+$0x2940] =	vst v10;
	v10 =	vadd.f32 v53, v7  }
0xf8: {  	v62 =	vmul.f32 v52, v54;
	v52 =	vld [tilespmem:s10+$0x2AD0];
	[tilespmem:s10+$0x2950] =	vst v11;
	v11 =	vadd.f32 v56, v8  }
0xf9: {  	v24 =	vld [tilespmem:s10+$0x2A00];
	[tilespmem:s10+$0x2960] =	vst v10;
	v10 =	vadd.f32 v58, v1  }
0xfa: {  	v23 =	vmul.f32 v55, v54;
	v25 =	vmul.f32 v57, v54;
	v26 =	vld [tilespmem:s10+$0x2A10];
	[tilespmem:s10+$0x2970] =	vst v11;
	v11 =	vadd.f32 v60, v2  }
0xfb: {  	v27 =	vmul.f32 v59, v54;
	v28 =	vld [tilespmem:s10+$0x2A20];
	v30 =	vbroadcast v9, $0x4;
	[tilespmem:s10+$0x2980] =	vst v10;
	v10 =	vadd.f32 v62, v3  }
0xfc: {  	v29 =	vmul.f32 v61, v54;
	v32 =	vmul.f32 v63, v54;
	v54 =	vld [tilespmem:s10+$0x2AE0];
	[tilespmem:s10+$0x2990] =	vst v11;
	v11 =	vadd.f32 v23, v4  }
0xfd: {  	v40 =	vmul.f32 v31, v30;
	v31 =	vld [tilespmem:s10+$0x2B60];
	[tilespmem:s10+$0x29A0] =	vst v10;
	v10 =	vadd.f32 v25, v5  }
0xfe: {  	v42 =	vmul.f32 v33, v30;
	v33 =	vld [tilespmem:s10+$0x2B70];
	[tilespmem:s10+$0x29B0] =	vst v11;
	v11 =	vadd.f32 v27, v6  }
0xff: {  	v44 =	vmul.f32 v35, v30;
	v35 =	vld [tilespmem:s10+$0x2B80];
	v34 =	vmul.f32 v24, v30;
	[tilespmem:s10+$0x29C0] =	vst v10;
	v10 =	vadd.f32 v29, v7  }
0x100: {  	v36 =	vmul.f32 v26, v30;
	v39 =	vld [tilespmem:s10+$0x2A70];
	[tilespmem:s10+$0x29D0] =	vst v11;
	v11 =	vadd.f32 v32, v8  }
0x101: {  	v46 =	vmul.f32 v37, v30;
	v37 =	vld [tilespmem:s10+$0x2B90];
	v38 =	vmul.f32 v28, v30;
	[tilespmem:s10+$0x29E0] =	vst v10;
	v10 =	vadd.f32 v34, v1  }
0x102: {  	v41 =	vld [tilespmem:s10+$0x2A80];
	[tilespmem:s10+$0x29F0] =	vst v11;
	v11 =	vadd.f32 v36, v2  }
0x103: {  	v43 =	vld [tilespmem:s10+$0x2A90];
	[tilespmem:s10+$0x2A00] =	vst v10;
	v10 =	vadd.f32 v38, v3  }
0x104: {  	v45 =	vld [tilespmem:s10+$0x2AA0];
	v47 =	vbroadcast v9, $0x5;
	[tilespmem:s10+$0x2A10] =	vst v11;
	v11 =	vadd.f32 v40, v4  }
0x105: {  	v49 =	vmul.f32 v39, v30;
	v39 =	vld [tilespmem:s10+$0x2BA0];
	[tilespmem:s10+$0x2A20] =	vst v10;
	v10 =	vadd.f32 v42, v5  }
0x106: {  	v57 =	vmul.f32 v48, v47;
	v48 =	vld [tilespmem:s10+$0x2BE0];
	[tilespmem:s10+$0x2A30] =	vst v11;
	v11 =	vadd.f32 v44, v6  }
0x107: {  	v59 =	vmul.f32 v50, v47;
	v50 =	vld [tilespmem:s10+$0x2BF0];
	v51 =	vmul.f32 v41, v47;
	[tilespmem:s10+$0x2A40] =	vst v10;
	v10 =	vadd.f32 v46, v7  }
0x108: {  	v61 =	vmul.f32 v52, v47;
	v52 =	vld [tilespmem:s10+$0x2C00];
	v53 =	vmul.f32 v43, v47;
	[tilespmem:s10+$0x2A50] =	vst v11;
	v11 =	vadd.f32 v49, v8  }
0x109: {  	v56 =	vld [tilespmem:s10+$0x2AF0];
	v55 =	vmul.f32 v45, v47;
	[tilespmem:s10+$0x2A60] =	vst v10;
	v10 =	vadd.f32 v51, v1  }
0x10a: {  	v58 =	vld [tilespmem:s10+$0x2B00];
	[tilespmem:s10+$0x2A70] =	vst v11;
	v11 =	vadd.f32 v53, v2  }
0x10b: {  	v60 =	vld [tilespmem:s10+$0x2B10];
	[tilespmem:s10+$0x2A80] =	vst v10;
	v10 =	vadd.f32 v55, v3  }
0x10c: {  	v62 =	vld [tilespmem:s10+$0x2B20];
	[tilespmem:s10+$0x2A90] =	vst v11;
	v11 =	vadd.f32 v57, v4  }
0x10d: {  	v24 =	vbroadcast v9, $0x6;
	v63 =	vmul.f32 v54, v47;
	v25 =	vld [tilespmem:s10+$0x2B30];
	[tilespmem:s10+$0x2AA0] =	vst v10;
	v10 =	vadd.f32 v59, v5  }
0x10e: {  	v26 =	vmul.f32 v56, v47;
	v27 =	vld [tilespmem:s10+$0x2B40];
	[tilespmem:s10+$0x2AB0] =	vst v11;
	v11 =	vadd.f32 v61, v6  }
0x10f: {  	v28 =	vmul.f32 v58, v24;
	v29 =	vld [tilespmem:s10+$0x2B50];
	[tilespmem:s10+$0x2AC0] =	vst v10;
	v10 =	vadd.f32 v63, v7  }
0x110: {  	v54 =	vld [tilespmem:s10+$0x2C10];
	v41 =	vbroadcast v9, $0x7;
	v30 =	vmul.f32 v60, v24;
	[tilespmem:s10+$0x2AD0] =	vst v11;
	v11 =	vadd.f32 v26, v8  }
0x111: {  	v43 =	vmul.f32 v33, v24;
	v33 =	vld [tilespmem:s10+$0x2CB0];
	v32 =	vmul.f32 v62, v24;
	[tilespmem:s10+$0x2AE0] =	vst v10;
	v10 =	vadd.f32 v28, v1  }
0x112: {  	v45 =	vmul.f32 v35, v41;
	v35 =	vld [tilespmem:s10+$0x2CC0];
	v34 =	vmul.f32 v25, v24;
	[tilespmem:s10+$0x2AF0] =	vst v11;
	v11 =	vadd.f32 v30, v2  }
0x113: {  	v56 =	vld [tilespmem:s10+$0x2C20];
	v36 =	vmul.f32 v27, v24;
	[tilespmem:s10+$0x2B00] =	vst v10;
	v10 =	vadd.f32 v32, v3  }
0x114: {  	v47 =	vmul.f32 v37, v41;
	v37 =	vld [tilespmem:s10+$0x2CD0];
	v38 =	vmul.f32 v29, v24;
	[tilespmem:s10+$0x2B10] =	vst v11;
	v11 =	vadd.f32 v34, v4  }
0x115: {  	v40 =	vmul.f32 v31, v24;
	v42 =	vld [tilespmem:s10+$0x2BB0];
	[tilespmem:s10+$0x2B20] =	vst v10;
	v10 =	vadd.f32 v36, v5  }
0x116: {  	v44 =	vld [tilespmem:s10+$0x2BC0];
	[tilespmem:s10+$0x2B30] =	vst v11;
	v11 =	vadd.f32 v38, v6  }
0x117: {  	v58 =	vbroadcast v9, $0x8;
	v46 =	vld [tilespmem:s10+$0x2BD0];
	[tilespmem:s10+$0x2B40] =	vst v10;
	v10 =	vadd.f32 v40, v7  }
0x118: {  	v60 =	vmul.f32 v50, v41;
	v50 =	vld [tilespmem:s10+$0x2D30];
	[tilespmem:s10+$0x2B50] =	vst v11;
	v11 =	vadd.f32 v43, v8  }
0x119: {  	v62 =	vmul.f32 v52, v58;
	v52 =	vld [tilespmem:s10+$0x2D40];
	v49 =	vmul.f32 v39, v41;
	[tilespmem:s10+$0x2B60] =	vst v10;
	v10 =	vadd.f32 v45, v1  }
0x11a: {  	v21 =	vmul.f32 v54, v58;
	v54 =	vld [tilespmem:s10+$0x2D50];
	v51 =	vmul.f32 v42, v41;
	[tilespmem:s10+$0x2B70] =	vst v11;
	v11 =	vadd.f32 v47, v2  }
0x11b: {  	v23 =	vmul.f32 v56, v58;
	v56 =	vld [tilespmem:s10+$0x2D60];
	v53 =	vmul.f32 v44, v41;
	[tilespmem:s10+$0x2B80] =	vst v10;
	v10 =	vadd.f32 v49, v3  }
0x11c: {  	v24 =	vld [tilespmem:s10+$0x2C70];
	v55 =	vmul.f32 v46, v41;
	[tilespmem:s10+$0x2B90] =	vst v11;
	v11 =	vadd.f32 v51, v4  }
0x11d: {  	v57 =	vmul.f32 v48, v41;
	v59 =	vld [tilespmem:s10+$0x2C30];
	[tilespmem:s10+$0x2BA0] =	vst v10;
	v10 =	vadd.f32 v53, v5  }
0x11e: {  	v61 =	vld [tilespmem:s10+$0x2C40];
	[tilespmem:s10+$0x2BB0] =	vst v11;
	v11 =	vadd.f32 v55, v6  }
0x11f: {  	v63 =	vld [tilespmem:s10+$0x2C50];
	[tilespmem:s10+$0x2BC0] =	vst v10;
	v10 =	vadd.f32 v57, v7  }
0x120: {  	v39 =	vld [tilespmem:s10+$0x2CE0];
	[tilespmem:s10+$0x2BD0] =	vst v11;
	v11 =	vadd.f32 v60, v8  }
0x121: {  	v31 =	vmul.f32 v22, v58;
	v22 =	vld [tilespmem:s10+$0x2ED0];
	[tilespmem:s10+$0x2BE0] =	vst v10;
	v10 =	vadd.f32 v62, v1  }
0x122: {  	v26 =	vld [tilespmem:s10+$0x2C80];
	v25 =	vmul.f32 v59, v58;
	[tilespmem:s10+$0x2BF0] =	vst v11;
	v11 =	vadd.f32 v21, v2  }
0x123: {  	v28 =	vld [tilespmem:s10+$0x2C90];
	v27 =	vmul.f32 v61, v58;
	[tilespmem:s10+$0x2C00] =	vst v10;
	v10 =	vadd.f32 v23, v3  }
0x124: {  	v30 =	vld [tilespmem:s10+$0x2CA0];
	v29 =	vmul.f32 v63, v58;
	[tilespmem:s10+$0x2C10] =	vst v11;
	v11 =	vadd.f32 v25, v4  }
0x125: {  	v41 =	vld [tilespmem:s10+$0x2CF0];
	v32 =	vbroadcast v9, $0x9;
	[tilespmem:s10+$0x2C20] =	vst v10;
	v10 =	vadd.f32 v27, v5  }
0x126: {  	v34 =	vmul.f32 v24, v58;
	v24 =	vld [tilespmem:s10+$0x2DA0];
	[tilespmem:s10+$0x2C30] =	vst v11;
	v11 =	vadd.f32 v29, v6  }
0x127: {  	v58 =	vld [tilespmem:s10+$0x2D70];
	v36 =	vmul.f32 v26, v32;
	[tilespmem:s10+$0x2C40] =	vst v10;
	v10 =	vadd.f32 v31, v7  }
0x128: {  	v42 =	vmul.f32 v33, v32;
	v33 =	vld [tilespmem:s10+$0x2DE0];
	v38 =	vmul.f32 v28, v32;
	[tilespmem:s10+$0x2C50] =	vst v11;
	v11 =	vadd.f32 v34, v8  }
0x129: {  	v44 =	vmul.f32 v35, v32;
	v35 =	vld [tilespmem:s10+$0x2DF0];
	v40 =	vmul.f32 v30, v32;
	[tilespmem:s10+$0x2C60] =	vst v10;
	v10 =	vadd.f32 v36, v1  }
0x12a: {  	v43 =	vld [tilespmem:s10+$0x2D00];
	[tilespmem:s10+$0x2C70] =	vst v11;
	v11 =	vadd.f32 v38, v2  }
0x12b: {  	v45 =	vld [tilespmem:s10+$0x2D10];
	[tilespmem:s10+$0x2C80] =	vst v10;
	v10 =	vadd.f32 v40, v3  }
0x12c: {  	v46 =	vmul.f32 v37, v32;
	v47 =	vld [tilespmem:s10+$0x2D20];
	[tilespmem:s10+$0x2C90] =	vst v11;
	v11 =	vadd.f32 v42, v4  }
0x12d: {  	v48 =	vmul.f32 v39, v32;
	v37 =	vld [tilespmem:s10+$0x2E00];
	v49 =	vbroadcast v9, $0xA;
	[tilespmem:s10+$0x2CA0] =	vst v10;
	v10 =	vadd.f32 v44, v5  }
0x12e: {  	v39 =	vld [tilespmem:s10+$0x2E10];
	v51 =	vmul.f32 v41, v32;
	[tilespmem:s10+$0x2CB0] =	vst v11;
	v11 =	vadd.f32 v46, v6  }
0x12f: {  	v41 =	vld [tilespmem:s10+$0x2E20];
	v53 =	vmul.f32 v43, v49;
	[tilespmem:s10+$0x2CC0] =	vst v10;
	v10 =	vadd.f32 v48, v7  }
0x130: {  	v59 =	vmul.f32 v50, v49;
	v50 =	vld [tilespmem:s10+$0x2E60];
	v55 =	vmul.f32 v45, v49;
	[tilespmem:s10+$0x2CD0] =	vst v11;
	v11 =	vadd.f32 v51, v8  }
0x131: {  	v61 =	vmul.f32 v52, v49;
	v52 =	vld [tilespmem:s10+$0x2E70];
	v57 =	vmul.f32 v47, v49;
	[tilespmem:s10+$0x2CE0] =	vst v10;
	v10 =	vadd.f32 v53, v1  }
0x132: {  	v60 =	vld [tilespmem:s10+$0x2D80];
	[tilespmem:s10+$0x2CF0] =	vst v11;
	v11 =	vadd.f32 v55, v2  }
0x133: {  	v62 =	vld [tilespmem:s10+$0x2D90];
	[tilespmem:s10+$0x2D00] =	vst v10;
	v10 =	vadd.f32 v57, v3  }
0x134: {  	v63 =	vmul.f32 v54, v49;
	v27 =	vld [tilespmem:s10+$0x2DB0];
	[tilespmem:s10+$0x2D10] =	vst v11;
	v11 =	vadd.f32 v59, v4  }
0x135: {  	v26 =	vbroadcast v9, $0xB;
	v25 =	vmul.f32 v56, v49;
	v29 =	vld [tilespmem:s10+$0x2DC0];
	[tilespmem:s10+$0x2D20] =	vst v10;
	v10 =	vadd.f32 v61, v5  }
0x136: {  	v28 =	vmul.f32 v58, v49;
	v31 =	vld [tilespmem:s10+$0x2DD0];
	[tilespmem:s10+$0x2D30] =	vst v11;
	v11 =	vadd.f32 v63, v6  }
0x137: {  	v54 =	vld [tilespmem:s10+$0x2E80];
	v30 =	vmul.f32 v60, v26;
	[tilespmem:s10+$0x2D40] =	vst v10;
	v10 =	vadd.f32 v25, v7  }
0x138: {  	v58 =	vld [tilespmem:s10+$0x2EA0];
	v32 =	vmul.f32 v62, v26;
	[tilespmem:s10+$0x2D50] =	vst v11;
	v11 =	vadd.f32 v28, v8  }
0x139: {  	v45 =	vmul.f32 v35, v26;
	v56 =	vld [tilespmem:s10+$0x2E90];
	v34 =	vmul.f32 v24, v26;
	[tilespmem:s10+$0x2D60] =	vst v10;
	v10 =	vadd.f32 v30, v1  }
0x13a: {  	v24 =	vld [tilespmem:s10+$0x2EE0];
	v36 =	vmul.f32 v27, v26;
	v38 =	vmul.f32 v29, v26;
	[tilespmem:s10+$0x2D70] =	vst v11;
	v11 =	vadd.f32 v32, v2  }
0x13b: {  	v42 =	vmul.f32 v33, v26;
	v40 =	vmul.f32 v31, v26;
	v26 =	vld [tilespmem:s10+$0x2EF0];
	[tilespmem:s10+$0x2D80] =	vst v10;
	v10 =	vadd.f32 v34, v3  }
0x13c: {  	v44 =	vld [tilespmem:s10+$0x2E30];
	[tilespmem:s10+$0x2D90] =	vst v11;
	v11 =	vadd.f32 v36, v4  }
0x13d: {  	v43 =	vbroadcast v9, $0xC;
	v46 =	vld [tilespmem:s10+$0x2E40];
	[tilespmem:s10+$0x2DA0] =	vst v10;
	v10 =	vadd.f32 v38, v5  }
0x13e: {  	v48 =	vld [tilespmem:s10+$0x2E50];
	[tilespmem:s10+$0x2DB0] =	vst v11;
	v11 =	vadd.f32 v40, v6  }
0x13f: {  	v47 =	vmul.f32 v37, v43;
	v61 =	vld [tilespmem:s10+$0x2EB0];
	[tilespmem:s10+$0x2DC0] =	vst v10;
	v10 =	vadd.f32 v42, v7  }
0x140: {  	v49 =	vmul.f32 v39, v43;
	v63 =	vld [tilespmem:s10+$0x2EC0];
	[tilespmem:s10+$0x2DD0] =	vst v11;
	v11 =	vadd.f32 v45, v8  }
0x141: {  	v51 =	vmul.f32 v41, v43;
	v45 =	vld [tilespmem:s10+$0x2F80];
	[tilespmem:s10+$0x2DE0] =	vst v10;
	v10 =	vadd.f32 v47, v1  }
0x142: {  	v60 =	vbroadcast v9, $0xD;
	v53 =	vmul.f32 v44, v43;
	[tilespmem:s10+$0x2DF0] =	vst v11;
	v11 =	vadd.f32 v49, v2;
	v47 =	vld [tilespmem:s10+$0x2F90]  }
0x143: {  	v62 =	vmul.f32 v52, v43;
	v55 =	vmul.f32 v46, v43;
	v49 =	vld [tilespmem:s10+$0x2FA0];
	[tilespmem:s10+$0x2E00] =	vst v10;
	v10 =	vadd.f32 v51, v3  }
0x144: {  	v21 =	vmul.f32 v54, v60;
	v57 =	vmul.f32 v48, v43;
	[tilespmem:s10+$0x2E10] =	vst v11;
	v11 =	vadd.f32 v53, v4;
	v51 =	vld [tilespmem:s10+$0x2FB0]  }
0x145: {  	v23 =	vmul.f32 v56, v60;
	v59 =	vmul.f32 v50, v43;
	v53 =	vld [tilespmem:s10+$0x2FC0];
	[tilespmem:s10+$0x2E20] =	vst v10;
	v10 =	vadd.f32 v55, v5  }
0x146: {  	v31 =	vmul.f32 v22, v60;
	v33 =	vmul.f32 v24, v60;
	[tilespmem:s10+$0x2E30] =	vst v11;
	v11 =	vadd.f32 v57, v6;
	v55 =	vld [tilespmem:s10+$0x2FD0]  }
0x147: {  	v25 =	vmul.f32 v58, v60;
	v27 =	vmul.f32 v61, v60;
	v57 =	vld [tilespmem:s10+$0x2FE0];
	[tilespmem:s10+$0x2E40] =	vst v10;
	v10 =	vadd.f32 v59, v7  }
0x148: {  	v34 =	vbroadcast v9, $0xE;
	v9 =	vbroadcast v9, $0xF;
	[tilespmem:s10+$0x2E50] =	vst v11;
	v11 =	vadd.f32 v62, v8;
	v59 =	vld [tilespmem:s10+$0x2FF0]  }
0x149: {  	v29 =	vmul.f32 v63, v60;
	v36 =	vmul.f32 v26, v60;
	[tilespmem:s10+$0x2E60] =	vst v10;
	v10 =	vadd.f32 v21, v1  }
0x14a: {  	v54 =	vmul.f32 v45, v9;
	v56 =	vmul.f32 v47, v9;
	[tilespmem:s10+$0x2E70] =	vst v11;
	v11 =	vadd.f32 v23, v2  }
0x14b: {  	v28 =	vld [tilespmem:s10+$0x2F00];
	v58 =	vmul.f32 v49, v9;
	v60 =	vmul.f32 v51, v9;
	[tilespmem:s10+$0x2E80] =	vst v10;
	v10 =	vadd.f32 v25, v3  }
0x14c: {  	v30 =	vld [tilespmem:s10+$0x2F10];
	v61 =	vmul.f32 v53, v9;
	v62 =	vmul.f32 v55, v9;
	[tilespmem:s10+$0x2E90] =	vst v11;
	v11 =	vadd.f32 v27, v4  }
0x14d: {  	v32 =	vld [tilespmem:s10+$0x2F20];
	v63 =	vmul.f32 v57, v9;
	v9 =	vmul.f32 v59, v9;
	[tilespmem:s10+$0x2EA0] =	vst v10;
	v10 =	vadd.f32 v29, v5  }
0x14e: {  	v35 =	vld [tilespmem:s10+$0x2F30];
	[tilespmem:s10+$0x2EB0] =	vst v11;
	v11 =	vadd.f32 v31, v6  }
0x14f: {  	v37 =	vld [tilespmem:s10+$0x2F40];
	v9 =	vadd.f32 v9, v8;
	[tilespmem:s10+$0x2EC0] =	vst v10  }
0x150: {  	v39 =	vld [tilespmem:s10+$0x2F50];
	v38 =	vmul.f32 v28, v34;
	v10 =	vadd.f32 v33, v7;
	[tilespmem:s10+$0x2ED0] =	vst v11  }
0x151: {  	v41 =	vld [tilespmem:s10+$0x2F60];
	v40 =	vmul.f32 v30, v34;
	v11 =	vadd.f32 v36, v8;
	[tilespmem:s10+$0x2FF0] =	vst v9  }
0x152: {  	v43 =	vld [tilespmem:s10+$0x2F70];
	v42 =	vmul.f32 v32, v34;
	[tilespmem:s10+$0x2EE0] =	vst v10;
	v10 =	vadd.f32 v38, v1  }
0x153: {  	v44 =	vmul.f32 v35, v34;
	[tilespmem:s10+$0x2EF0] =	vst v11;
	v11 =	vadd.f32 v40, v2  }
0x154: {  	v46 =	vmul.f32 v37, v34;
	[tilespmem:s10+$0x2F00] =	vst v10;
	v10 =	vadd.f32 v42, v3  }
0x155: {  	v48 =	vmul.f32 v39, v34;
	[tilespmem:s10+$0x2F10] =	vst v11;
	v11 =	vadd.f32 v44, v4  }
0x156: {  	v50 =	vmul.f32 v41, v34;
	[tilespmem:s10+$0x2F20] =	vst v10;
	v10 =	vadd.f32 v46, v5  }
0x157: {  	v52 =	vmul.f32 v43, v34;
	[tilespmem:s10+$0x2F30] =	vst v11;
	v11 =	vadd.f32 v48, v6  }
0x158: {  	[tilespmem:s10+$0x2F40] =	vst v10;
	v10 =	vadd.f32 v50, v7  }
0x159: {  	[tilespmem:s10+$0x2F50] =	vst v11;
	v11 =	vadd.f32 v52, v8  }
0x15a: {  	[tilespmem:s10+$0x2F60] =	vst v10;
	v10 =	vadd.f32 v54, v1  }
0x15b: {  	[tilespmem:s10+$0x2F70] =	vst v11;
	v11 =	vadd.f32 v56, v2  }
0x15c: {  	[tilespmem:s10+$0x2F80] =	vst v10;
	v10 =	vadd.f32 v58, v3  }
0x15d: {  	p0 =	sne.s32 s29, $0x7;
	[tilespmem:s10+$0x2F90] =	vst v11;
	v11 =	vadd.f32 v60, v4  }
.Ltmp2:
0x15e: {  	[tilespmem:s10+$0x2FA0] =	vst v10;
	v10 =	vadd.f32 v61, v5;
	(pc) =	sbr.rel @p0 .LBB2_7-.Ltmp2, $4  }
0x15f: {  	[tilespmem:s10+$0x2FB0] =	vst v11;
	v11 =	vadd.f32 v62, v6  }
0x160: {  	[tilespmem:s10+$0x2FC0] =	vst v10;
	v10 =	vadd.f32 v63, v7  }
0x161: {  	[tilespmem:s10+$0x2FD0] =	vst v11  }
0x162: {  	s29 =	sadd.s32 $0x1, s29;
	[tilespmem:s10+$0x2FE0] =	vst v10  }
0x163: {  	s2 =	sadd.s32 s7, s2;
	s4 =	sadd.s32 $0x1, s4  }
0x164: {  	s2 =	sshll.u32 s2, $0x4;
	p0 =	sne.s32 s4, $0x5  }
.Ltmp3:
0x165: {  	s2 =	sadd.s32 s9, s2;
	(pc) =	sbr.rel @p0 .LBB2_6-.Ltmp3, $4  }
0x166: {  	[hbm4b:s2+s5] =	stream.linear.scatter [tilespmem:s21], [sflag:$0x3], $0x4000, $0x38;
	[tilespmem:$0x1E900] =	vst v63  }
0x167: {  	_ =	swait.ge [sflag:s18], $0x4000  }
0x168: {  	[sflag:s18] =	ssyncset.done $0x0  }
0x169: {  	[sflag:s18] =	ssyncadd.s32 $0xFFFFC000  }
0x16a: {  	s31 =	sadd.s32 $0x1, s31  }
0x16b: {  	p0 =	sne.s32 s31, s12  }
.Ltmp4:
0x16c: {  	_ = 	snop;
	(pc) =	sbr.rel @p0 .LBB2_1-.Ltmp4, $1  }
0x16d: {  	_ =	sdelay $0x3  }
0x16e: {  	_ =	sfence.sel $0x180000  }
0x16f: {  	[bflag:$0x0] =	sbarrier.arrive $0xFFFF  }
0x170: {  	_ =	strace $0x9000004A  }
0x171: {  	s0 =	stileid.u32;
	[bflag:$0x2] =	sbarrier.arrive $0xFFFF  }
0x172: {  	p0 =	sne.s32 s0, $0x0;
	s0 =	rddreg [dreg:$0x4]  }
0x173: {  	s0 =	sadd.s32 @!p0 $0x100000, s0  }
0x174: {  	[sflag:s0] =	ssyncadd.tile.s32 @!p0 $0x1;
	_ =	shalt  }
.Lfunc_end2:
_tile_overlayer_lowered:
.L_overlay_start_2:
0x175: {  	(tag) =	ssettag $0x2  }
0x176: {  	s0 =	rddreg [dreg:$0x0];
	s2 =	stileid.u32  }
0x177: {  	s1 =	rddreg [dreg:$0x1];
	p0 =	sne.s32 s2, $0x0  }
0x178: {  	s3 =	rddreg [dreg:$0x2];
	[bflag:$0x3] =	sbarrier.arrive $0xFFFF;
	s2 =	simm.s32 @!p0 $0x1C03  }
0x179: {  	[timem:s3], [sflag:s2] =	dma.local @!p0 [hbm:s0], s1  }
0x17a: {  	s0 =	simm.s32 @!p0 $0x3  }
0x17b: {  	_ =	swait.ge @!p0 [sflag:s0], s1  }
0x17c: {  	s1 =	ssub.s32 @!p0 $0x0, s1;
	[sflag:s0] =	ssyncset.done @!p0 $0x0  }
0x17d: {  	[sflag:s0] =	ssyncadd.s32 @!p0 s1  }
0x17e: {  	[bflag:$0x3] =	sbarrier.arrive $0xFFFF  }
0x17f: {  	_ =	shalt  }

</sc_bundles>
